<compile_context>
chip_gen: v7x
topology: tpu7x:2x2x1
jax: 0.10.2.dev20260603
libtpu: 0.0.44.dev20260713+nightly
codegen_flags: <defaults>
</compile_context>

<pallas_src>
import functools

import jax
import jax.numpy as jnp
from jax import lax
from jax.experimental import pallas as pl
from jax.experimental.pallas import tpu as pltpu
from jax.experimental.pallas import tpu_sc as plsc

N = 10000
E = 320000
D = 128
NR = 3
HALF = 5000
AROWS = 15008
ADUMMY = 15000
ASLAB = 944
CH = 80
CHA = 40
NT = 16

_mesh = plsc.VectorSubcoreMesh(core_axis_name="c", subcore_axis_name="s")



@functools.partial(
    pl.kernel,
    out_type=(jax.ShapeDtypeStruct((2 * E,), jnp.int32),
              jax.ShapeDtypeStruct((2, AROWS, D), jnp.float32)),
    mesh=_mesh,
    scratch_types=[
        pltpu.VMEM((CH,), jnp.int32),
        pltpu.VMEM((CH,), jnp.int32),
        pltpu.VMEM((CH,), jnp.int32),
        pltpu.VMEM((CH,), jnp.int32),
        pltpu.VMEM((CH, D), jnp.float32),
        pltpu.VMEM_SHARED((AROWS, D), jnp.float32),
        pltpu.SemaphoreType.DMA,
        pltpu.SemaphoreType.DMA,
    ],
)
def _sc_prep(dsts, et, ones_h, zrows, keys, cnt, dstb, etb, kb1, kb2, onesb,
             acc, as1, as2):
    h = lax.axis_index("c")
    s = lax.axis_index("s")

    @pl.when(s < NT - 1)
    def _():
        pltpu.sync_copy(zrows, acc.at[pl.ds(s * ASLAB, ASLAB)])

    @pl.when(s == NT - 1)
    def _():
        pltpu.sync_copy(zrows.at[pl.ds(0, AROWS - (NT - 1) * ASLAB)],
                        acc.at[pl.ds(s * ASLAB, AROWS - (NT - 1) * ASLAB)])

    pltpu.sync_copy(ones_h, onesb)
    plsc.subcore_barrier()
    per_tile = E // NT
    base = s * per_tile
    nch = per_tile // CH
    lo = h * HALF

    def compute(c, kb):
        off = base + c * CH
        pltpu.sync_copy(dsts.at[pl.ds(off, CH)], dstb)
        pltpu.sync_copy(et.at[pl.ds(off, CH)], etb)
        for j in range(CH // 16):
            sl = pl.ds(j * 16, 16)
            d = dstb[sl]
            t = etb[sl]
            mine = (d >= lo) & (d < lo + HALF)
            kb[sl] = jnp.where(mine, t * HALF + d - lo, ADUMMY)
        pltpu.sync_copy(kb, keys.at[pl.ds(h * E + off, CH)])

    def swait(sem):
        pltpu.make_async_copy(onesb, acc.at[pl.ds(0, CH)], sem).wait()

    compute(0, kb1)
    pltpu.async_copy(onesb, acc.at[kb1], as1, add=True)

    def body(k, carry):
        compute(2 * k + 1, kb2)
        pltpu.async_copy(onesb, acc.at[kb2], as2, add=True)
        swait(as1)
        compute(2 * k + 2, kb1)
        pltpu.async_copy(onesb, acc.at[kb1], as1, add=True)
        swait(as2)
        return carry

    lax.fori_loop(0, (nch - 2) // 2, body, 0)
    compute(nch - 1, kb2)
    pltpu.async_copy(onesb, acc.at[kb2], as2, add=True)
    swait(as1)
    swait(as2)
    plsc.subcore_barrier()

    @pl.when(s < NT - 1)
    def _():
        pltpu.sync_copy(acc.at[pl.ds(s * ASLAB, ASLAB)],
                        cnt.at[h, pl.ds(s * ASLAB, ASLAB)])

    @pl.when(s == NT - 1)
    def _():
        tail = AROWS - (NT - 1) * ASLAB
        pltpu.sync_copy(acc.at[pl.ds(s * ASLAB, tail)],
                        cnt.at[h, pl.ds(s * ASLAB, tail)])


@functools.partial(
    pl.kernel,
    out_type=jax.ShapeDtypeStruct((2, AROWS, D), jnp.float32),
    mesh=_mesh,
    scratch_types=[
        pltpu.VMEM((CHA,), jnp.int32),
        pltpu.VMEM((CHA,), jnp.int32),
        pltpu.VMEM((CHA,), jnp.int32),
        pltpu.VMEM((CHA,), jnp.int32),
        pltpu.VMEM((CHA, D), jnp.float32),
        pltpu.VMEM((CHA, D), jnp.float32),
        pltpu.VMEM_SHARED((AROWS, D), jnp.float32),
        pltpu.SemaphoreType.DMA,
        pltpu.SemaphoreType.DMA,
    ],
)
def _sc_agg(x, srcs, keys, zrows, a_out, srcb1, srcb2, keyb1, keyb2, rows1,
            rows2, acc, sem1, sem2):
    h = lax.axis_index("c")
    s = lax.axis_index("s")

    @pl.when(s < NT - 1)
    def _():
        pltpu.sync_copy(zrows, acc.at[pl.ds(s * ASLAB, ASLAB)])

    @pl.when(s == NT - 1)
    def _():
        pltpu.sync_copy(zrows.at[pl.ds(0, AROWS - (NT - 1) * ASLAB)],
                        acc.at[pl.ds(s * ASLAB, AROWS - (NT - 1) * ASLAB)])

    plsc.subcore_barrier()
    base = s * (E // NT)
    nch = (E // NT) // CHA

    def load(off, srcb, keyb, rows, sem):
        pltpu.sync_copy(srcs.at[pl.ds(off, CHA)], srcb)
        pltpu.sync_copy(keys.at[pl.ds(h * E + off, CHA)], keyb)
        return pltpu.async_copy(x.at[srcb], rows, sem)

    load(base, srcb1, keyb1, rows1, sem1)

    def body(k, carry):
        offb = base + (2 * k + 1) * CHA
        offa = base + (2 * k + 2) * CHA
        load(offb, srcb2, keyb2, rows2, sem2)
        pltpu.make_async_copy(x.at[srcb1], rows1, sem1).wait()
        pltpu.sync_copy(rows1, acc.at[keyb1], add=True)
        load(offa, srcb1, keyb1, rows1, sem1)
        pltpu.make_async_copy(x.at[srcb2], rows2, sem2).wait()
        pltpu.sync_copy(rows2, acc.at[keyb2], add=True)
        return carry

    lax.fori_loop(0, (nch - 2) // 2, body, 0)
    load(base + (nch - 1) * CHA, srcb2, keyb2, rows2, sem2)
    pltpu.make_async_copy(x.at[srcb1], rows1, sem1).wait()
    pltpu.sync_copy(rows1, acc.at[keyb1], add=True)
    pltpu.make_async_copy(x.at[srcb2], rows2, sem2).wait()
    pltpu.sync_copy(rows2, acc.at[keyb2], add=True)
    plsc.subcore_barrier()

    @pl.when(s < NT - 1)
    def _():
        pltpu.sync_copy(acc.at[pl.ds(s * ASLAB, ASLAB)],
                        a_out.at[h, pl.ds(s * ASLAB, ASLAB)])

    @pl.when(s == NT - 1)
    def _():
        tail = AROWS - (NT - 1) * ASLAB
        pltpu.sync_copy(acc.at[pl.ds(s * ASLAB, tail)],
                        a_out.at[h, pl.ds(s * ASLAB, tail)])


@functools.partial(
    pl.kernel,
    out_type=jax.ShapeDtypeStruct((E, D), jnp.float32),
    mesh=_mesh,
    scratch_types=[
        pltpu.VMEM((CH,), jnp.int32),
        pltpu.VMEM((CH,), jnp.int32),
        pltpu.VMEM((CH,), jnp.int32),
        pltpu.VMEM((CH,), jnp.int32),
        pltpu.VMEM((CH, D), jnp.float32),
        pltpu.VMEM((CH, D), jnp.float32),
        pltpu.VMEM((CH, D), jnp.float32),
        pltpu.VMEM((CH, D), jnp.float32),
        pltpu.SemaphoreType.DMA,
        pltpu.SemaphoreType.DMA,
        pltpu.SemaphoreType.DMA,
        pltpu.SemaphoreType.DMA,
    ],
)
def _sc_edge_gather(p, q, srcs, dsts, g, srcb1, dstb1, srcb2, dstb2,
                    rp1, rq1, rp2, rq2, sp1, sq1, sp2, sq2):
    h = lax.axis_index("c")
    s = lax.axis_index("s")
    wid = h * NT + s
    per_w = E // (2 * NT)
    base = wid * per_w
    nch = per_w // CH

    def load(c, srcb, dstb, rp, rq, sp, sq):
        off = base + c * CH
        pltpu.sync_copy(srcs.at[pl.ds(off, CH)], srcb)
        pltpu.sync_copy(dsts.at[pl.ds(off, CH)], dstb)
        pltpu.async_copy(p.at[srcb], rp, sp)
        pltpu.async_copy(q.at[dstb], rq, sq)

    def drain_write(c, srcb, dstb, rp, rq, sp, sq):
        off = base + c * CH
        pltpu.make_async_copy(p.at[srcb], rp, sp).wait()
        pltpu.make_async_copy(q.at[dstb], rq, sq).wait()

        def addrow(i, carry):
            for jj in range(D // 16):
                sl = pl.ds(jj * 16, 16)
                rp[i, sl] = rp[i, sl] + rq[i, sl]
            return carry

        lax.fori_loop(0, CH, addrow, 0)
        pltpu.sync_copy(rp, g.at[pl.ds(off, CH)])

    load(0, srcb1, dstb1, rp1, rq1, sp1, sq1)

    def body(k, carry):
        load(2 * k + 1, srcb2, dstb2, rp2, rq2, sp2, sq2)
        drain_write(2 * k, srcb1, dstb1, rp1, rq1, sp1, sq1)
        load(2 * k + 2, srcb1, dstb1, rp1, rq1, sp1, sq1)
        drain_write(2 * k + 1, srcb2, dstb2, rp2, rq2, sp2, sq2)
        return carry

    lax.fori_loop(0, (nch - 1) // 2, body, 0)
    drain_write(nch - 1, srcb1, dstb1, rp1, rq1, sp1, sq1)



_BR = 200


def _tc_combine_body(relu, x_ref, a0_ref, a1_ref, a2_ref, c0_ref, c1_ref,
                     c2_ref, w_ref, rw_ref, b_ref, o_ref):
    acc = jnp.dot(x_ref[...], rw_ref[...], preferred_element_type=jnp.float32)
    acc = acc + b_ref[...]
    for r, (ar, cr) in enumerate(zip((a0_ref, a1_ref, a2_ref),
                                     (c0_ref, c1_ref, c2_ref))):
        c = cr[0][:, 0:1]
        a = ar[0] / jnp.maximum(c, 1.0)
        acc = acc + jnp.dot(a, w_ref[r], preferred_element_type=jnp.float32)
    o_ref[...] = jnp.maximum(acc, 0.0) if relu else acc


def _tc_combine(x, a, cnt, w, rw, b, relu):
    nb = HALF // _BR
    a_spec = lambda r: pl.BlockSpec(
        (1, _BR, D), lambda g, r=r: (g // nb, r * nb + (g % nb), 0))
    return pl.pallas_call(
        functools.partial(_tc_combine_body, relu),
        grid=(2 * nb,),
        in_specs=[
            pl.BlockSpec((_BR, D), lambda g: (g, 0)),
            a_spec(0), a_spec(1), a_spec(2),
            a_spec(0), a_spec(1), a_spec(2),
            pl.BlockSpec((NR, D, D), lambda g: (0, 0, 0)),
            pl.BlockSpec((D, D), lambda g: (0, 0)),
            pl.BlockSpec((1, D), lambda g: (0, 0)),
        ],
        out_specs=pl.BlockSpec((_BR, D), lambda g: (g, 0)),
        out_shape=jax.ShapeDtypeStruct((N, D), jnp.float32),
    )(x, a, a, a, cnt, cnt, cnt, w, rw, b)


def _tc_combine3_body(x_ref, a0_ref, a1_ref, a2_ref, c0_ref, c1_ref, c2_ref,
                      w_ref, rw_ref, b_ref, wa_ref, wb_ref, b1_ref,
                      o_ref, p_ref, q_ref):
    acc = jnp.dot(x_ref[...], rw_ref[...], preferred_element_type=jnp.float32)
    acc = acc + b_ref[...]
    for r, (ar, cr) in enumerate(zip((a0_ref, a1_ref, a2_ref),
                                     (c0_ref, c1_ref, c2_ref))):
        c = cr[0][:, 0:1]
        a = ar[0] / jnp.maximum(c, 1.0)
        acc = acc + jnp.dot(a, w_ref[r], preferred_element_type=jnp.float32)
    o_ref[...] = acc
    p_ref[...] = jnp.dot(acc, wa_ref[...], preferred_element_type=jnp.float32) + b1_ref[...]
    q_ref[...] = jnp.dot(acc, wb_ref[...], preferred_element_type=jnp.float32)


def _tc_combine3(x, a, cnt, w, rw, b, wa, wb, b1):
    nb = HALF // _BR
    a_spec = lambda r: pl.BlockSpec(
        (1, _BR, D), lambda g, r=r: (g // nb, r * nb + (g % nb), 0))
    row_spec = pl.BlockSpec((_BR, D), lambda g: (g, 0))
    full_spec = pl.BlockSpec((D, D), lambda g: (0, 0))
    return pl.pallas_call(
        _tc_combine3_body,
        grid=(2 * nb,),
        in_specs=[
            row_spec,
            a_spec(0), a_spec(1), a_spec(2),
            a_spec(0), a_spec(1), a_spec(2),
            pl.BlockSpec((NR, D, D), lambda g: (0, 0, 0)),
            full_spec,
            pl.BlockSpec((1, D), lambda g: (0, 0)),
            full_spec,
            full_spec,
            pl.BlockSpec((1, D), lambda g: (0, 0)),
        ],
        out_specs=[row_spec, row_spec, row_spec],
        out_shape=[jax.ShapeDtypeStruct((N, D), jnp.float32),
                   jax.ShapeDtypeStruct((N, D), jnp.float32),
                   jax.ShapeDtypeStruct((N, D), jnp.float32)],
    )(x, a, a, a, cnt, cnt, cnt, w, rw, b, wa, wb, b1)


_BE = 512


def _tc_edge_body(g_ref, w_ref, b_ref, o_ref):
    eh = jnp.maximum(g_ref[...], 0.0)
    o_ref[...] = jnp.dot(eh, w_ref[...], preferred_element_type=jnp.float32) + b_ref[...]


def _tc_edge(g, w, b):
    return pl.pallas_call(
        _tc_edge_body,
        grid=(E // _BE,),
        in_specs=[
            pl.BlockSpec((_BE, D), lambda i: (i, 0)),
            pl.BlockSpec((D, 8), lambda i: (0, 0)),
            pl.BlockSpec((1, 8), lambda i: (0, 0)),
        ],
        out_specs=pl.BlockSpec((_BE, 8), lambda i: (i, 0)),
        out_shape=jax.ShapeDtypeStruct((E, 8), jnp.float32),
    )(g, w, b)


def _tc_node_body(x_ref, w1_ref, b1_ref, w2_ref, b2_ref, o_ref):
    hdd = jnp.dot(x_ref[...], w1_ref[...], preferred_element_type=jnp.float32)
    hdd = jnp.maximum(hdd + b1_ref[...], 0.0)
    o_ref[...] = jnp.dot(hdd, w2_ref[...], preferred_element_type=jnp.float32) + b2_ref[...]


def _tc_node(x, w1, b1, w2, b2):
    return pl.pallas_call(
        _tc_node_body,
        grid=(N // _BR,),
        in_specs=[
            pl.BlockSpec((_BR, D), lambda g: (g, 0)),
            pl.BlockSpec((D, 64), lambda g: (0, 0)),
            pl.BlockSpec((1, 64), lambda g: (0, 0)),
            pl.BlockSpec((64, 8), lambda g: (0, 0)),
            pl.BlockSpec((1, 8), lambda g: (0, 0)),
        ],
        out_specs=pl.BlockSpec((_BR, 8), lambda g: (g, 0)),
        out_shape=jax.ShapeDtypeStruct((N, 8), jnp.float32),
    )(x, w1, b1, w2, b2)



def kernel(x, edge_index, edge_type, W1, R1, b1, W2, R2, b2, W3, R3, b3,
           We1, be1, We2, be2, Wn1, bn1, Wn2, bn2):
    src = edge_index[0]
    dst = edge_index[1]
    zrows = jnp.zeros((ASLAB, D), jnp.float32)
    ones_h = jnp.ones((CH, D), jnp.float32)

    keys, cnt = _sc_prep(dst, edge_type, ones_h, zrows)

    xcur = x
    for (W, Rw, b) in ((W1, R1, b1), (W2, R2, b2)):
        a = _sc_agg(xcur, src, keys, zrows)
        xcur = _tc_combine(xcur, a, cnt, W, Rw, b.reshape(1, D), True)

    a = _sc_agg(xcur, src, keys, zrows)
    xcur, p, q = _tc_combine3(xcur, a, cnt, W3, R3, b3.reshape(1, D),
                              We1[:D], We1[D:], be1.reshape(1, D))
    g = _sc_edge_gather(p, q, src, dst)

    we2p = jnp.zeros((D, 8), jnp.float32).at[:, :3].set(We2)
    be2p = jnp.zeros((1, 8), jnp.float32).at[0, :3].set(be2)
    edge_out = _tc_edge(g, we2p, be2p)[:, :3]

    wn2p = jnp.zeros((64, 8), jnp.float32).at[:, :2].set(Wn2)
    bn2p = jnp.zeros((1, 8), jnp.float32).at[0, :2].set(bn2)
    node_out = _tc_node(xcur, Wn1, bn1.reshape(1, 64), wn2p, bn2p)[:, :2]

    return edge_out, node_out

# --- scband reference (transcript-rebuilt; emitter-appended) ---
"""Pipeline reference for scband-enhanced-legal-rgcn-33148557590803 (READ-ONLY COPY).

The authoritative reference and input builder live on the scoring server;
editing this copy changes nothing except your own understanding.
"""

import jax, jax.numpy as jnp
import numpy as np

N_NODES = 10000
N_EDGES = 320000
IN_CH = 128
HID = 128
NUM_REL = 3


def _param(key, i, shape):
    return jax.random.normal(jax.random.fold_in(key, i), shape, dtype=jnp.float32) * 0.05


def setup_inputs(seed: int = 0) -> dict:
    key = jax.random.key(seed)
    x = jax.random.normal(jax.random.fold_in(key, 0), (N_NODES, IN_CH), dtype=jnp.float32)
    edge_index = jax.random.randint(jax.random.fold_in(key, 1), (2, N_EDGES), 0, N_NODES, dtype=jnp.int32)
    edge_type = jax.random.randint(jax.random.fold_in(key, 2), (N_EDGES,), 0, NUM_REL, dtype=jnp.int32)
    inp = {"x": x, "edge_index": edge_index, "edge_type": edge_type}
    # RGCN conv params: W[r] relation weights, R root weight, b bias
    inp["W1"] = _param(key, 10, (NUM_REL, IN_CH, HID)); inp["R1"] = _param(key, 11, (IN_CH, HID)); inp["b1"] = _param(key, 12, (HID,))
    inp["W2"] = _param(key, 13, (NUM_REL, HID, HID)); inp["R2"] = _param(key, 14, (HID, HID)); inp["b2"] = _param(key, 15, (HID,))
    inp["W3"] = _param(key, 16, (NUM_REL, HID, HID)); inp["R3"] = _param(key, 17, (HID, HID)); inp["b3"] = _param(key, 18, (HID,))
    # edge classifier: Linear(2*HID, HID) -> ReLU -> Linear(HID, 3)
    inp["We1"] = _param(key, 20, (2 * HID, HID)); inp["be1"] = _param(key, 21, (HID,))
    inp["We2"] = _param(key, 22, (HID, 3)); inp["be2"] = _param(key, 23, (3,))
    # node classifier: Linear(HID, HID//2) -> ReLU -> Linear(HID//2, 2)
    inp["Wn1"] = _param(key, 24, (HID, HID // 2)); inp["bn1"] = _param(key, 25, (HID // 2,))
    inp["Wn2"] = _param(key, 26, (HID // 2, 2)); inp["bn2"] = _param(key, 27, (2,))
    return inp


def _rgcn_conv(x, src, dst, etype, W, root, bias):
    # PyG RGCNConv semantics: out = x @ root + bias + sum_r mean_{edges of rel r}(x[src] @ W[r]) at dst
    n = x.shape[0]
    out = x @ root + bias
    for r in range(NUM_REL):
        mask = (etype == r)
        msg = x[src] @ W[r]
        msg = jnp.where(mask[:, None], msg, 0.0)
        s = jax.ops.segment_sum(msg, dst, num_segments=n)
        cnt = jax.ops.segment_sum(mask.astype(x.dtype), dst, num_segments=n)
        out = out + s / jnp.maximum(cnt, 1.0)[:, None]
    return out


def reference(x, edge_index, edge_type, W1, R1, b1, W2, R2, b2, W3, R3, b3, We1, be1, We2, be2, Wn1, bn1, Wn2, bn2):
    src, dst = edge_index[0], edge_index[1]
    x1 = jax.nn.relu(_rgcn_conv(x, src, dst, edge_type, W1, R1, b1))
    x2 = jax.nn.relu(_rgcn_conv(x1, src, dst, edge_type, W2, R2, b2))
    x3 = _rgcn_conv(x2, src, dst, edge_type, W3, R3, b3)
    edge_features = jnp.concatenate([x3[src], x3[dst]], axis=-1)
    e_h = jax.nn.relu(edge_features @ We1 + be1)
    edge_out = e_h @ We2 + be2
    n_h = jax.nn.relu(x3 @ Wn1 + bn1)
    node_out = n_h @ Wn2 + bn2
    return (edge_out, node_out)

if __name__ == "__main__":
    import jax
    _d = setup_inputs()
    print(jax.jit(kernel)(*tuple(_d.values())))

</pallas_src>

<mosaic_0001>
#map = affine_map<(d0, d1) -> (0)>
#map1 = affine_map<(d0, d1) -> (0, 0)>
#map2 = affine_map<(d0, d1) -> (0, 0, 0)>
module attributes {stable_mosaic.version = 14 : i64} {
  func.func @_sc_prep(%arg0: i32, %arg1: i32, %arg2: memref<320000xi32, #tpu.memory_space<hbm>>, %arg3: memref<320000xi32, #tpu.memory_space<hbm>>, %arg4: memref<80x128xf32, #tpu.memory_space<hbm>>, %arg5: memref<944x128xf32, #tpu.memory_space<hbm>>, %arg6: memref<640000xi32, #tpu.memory_space<hbm>>, %arg7: memref<2x15008x128xf32, #tpu.memory_space<hbm>>, %arg8: memref<80xi32, #tpu.memory_space<vmem>>, %arg9: memref<80xi32, #tpu.memory_space<vmem>>, %arg10: memref<80xi32, #tpu.memory_space<vmem>>, %arg11: memref<80xi32, #tpu.memory_space<vmem>>, %arg12: memref<80x128xf32, #tpu.memory_space<vmem>>, %arg13: memref<15008x128xf32, #tpu.memory_space<vmem_shared>>, %arg14: memref<!tpu.dma_semaphore, #tpu.memory_space<semaphore_mem>>, %arg15: memref<!tpu.dma_semaphore, #tpu.memory_space<semaphore_mem>>) attributes {dimension_semantics = [#tpu.dimension_semantics<core_parallel>, #tpu.dimension_semantics<subcore_parallel>], iteration_bounds = array<i64: 2, 16>, scalar_prefetch = 0 : i64, scratch_operands = 8 : i64, tpu.core_type = #tpu.core_type<sc_vector_subcore>, window_params = [{transform_indices = #map}, {transform_indices = #map}, {transform_indices = #map1}, {transform_indices = #map1}, {transform_indices = #map}, {transform_indices = #map2}]} {
    %lt3A = arith.constant 15 : i32
    %lt3A_0 = arith.cmpi slt, %arg1, %lt3A : i32
    %convert_element_type3A = arith.extui %lt3A_0 : i1 to i32
    %cond3A = arith.constant 0 : i32
    %cond3A_1 = arith.cmpi ne, %convert_element_type3A, %cond3A : i32
    scf.if %cond3A_1 {
      %mul3A_302 = arith.constant 944 : i32
      %mul3A_303 = arith.muli %arg1, %mul3A_302 : i32
      "tpu.region"() ({
        %run_scoped3A = tpu.sem_alloc : memref<!tpu.dma_semaphore, #tpu.memory_space<semaphore_mem>>
        %dma_start3A_304 = arith.constant 0 : i32
        %dma_start3A_305 = tpu.memref_slice %arg13[%mul3A_303, %dma_start3A_304] : memref<15008x128xf32, #tpu.memory_space<vmem_shared>> -> memref<944x128xf32, #tpu.memory_space<vmem_shared>>
        tpu.enqueue_dma source(%arg5 : memref<944x128xf32, #tpu.memory_space<hbm>>) target(%dma_start3A_305 : memref<944x128xf32, #tpu.memory_space<vmem_shared>>) target_semaphore(%run_scoped3A : memref<!tpu.dma_semaphore, #tpu.memory_space<semaphore_mem>>)
        %dma_wait3A_306 = arith.constant 0 : i32
        %dma_wait3A_307 = tpu.memref_slice %arg13[%mul3A_303, %dma_wait3A_306] : memref<15008x128xf32, #tpu.memory_space<vmem_shared>> -> memref<944x128xf32, #tpu.memory_space<vmem_shared>>
        tpu.wait_dma2 semaphore(%run_scoped3A : memref<!tpu.dma_semaphore, #tpu.memory_space<semaphore_mem>>) src(%arg5 : memref<944x128xf32, #tpu.memory_space<hbm>>) dst(%dma_wait3A_307 : memref<944x128xf32, #tpu.memory_space<vmem_shared>>)
        tpu.yield
      }) : () -> ()
    } else {
    }
    %eq3A = arith.constant 15 : i32
    %eq3A_2 = arith.cmpi eq, %arg1, %eq3A : i32
    %convert_element_type3A_3 = arith.extui %eq3A_2 : i1 to i32
    %cond3A_4 = arith.constant 0 : i32
    %cond3A_5 = arith.cmpi ne, %convert_element_type3A_3, %cond3A_4 : i32
    scf.if %cond3A_5 {
      %mul3A_302 = arith.constant 944 : i32
      %mul3A_303 = arith.muli %arg1, %mul3A_302 : i32
      "tpu.region"() ({
        %run_scoped3A = tpu.sem_alloc : memref<!tpu.dma_semaphore, #tpu.memory_space<semaphore_mem>>
        %dma_start3A_304 = arith.constant 0 : i32
        %dma_start3A_305 = tpu.memref_slice %arg13[%mul3A_303, %dma_start3A_304] : memref<15008x128xf32, #tpu.memory_space<vmem_shared>> -> memref<848x128xf32, #tpu.memory_space<vmem_shared>>
        %dma_start3A_306 = arith.constant 0 : i32
        %dma_start3A_307 = arith.constant 0 : i32
        %dma_start3A_308 = tpu.memref_slice %arg5[%dma_start3A_306, %dma_start3A_307] : memref<944x128xf32, #tpu.memory_space<hbm>> -> memref<848x128xf32, #tpu.memory_space<hbm>>
        tpu.enqueue_dma source(%dma_start3A_308 : memref<848x128xf32, #tpu.memory_space<hbm>>) target(%dma_start3A_305 : memref<848x128xf32, #tpu.memory_space<vmem_shared>>) target_semaphore(%run_scoped3A : memref<!tpu.dma_semaphore, #tpu.memory_space<semaphore_mem>>)
        %dma_wait3A_309 = arith.constant 0 : i32
        %dma_wait3A_310 = tpu.memref_slice %arg13[%mul3A_303, %dma_wait3A_309] : memref<15008x128xf32, #tpu.memory_space<vmem_shared>> -> memref<848x128xf32, #tpu.memory_space<vmem_shared>>
        %dma_wait3A_311 = arith.constant 0 : i32
        %dma_wait3A_312 = arith.constant 0 : i32
        %dma_wait3A_313 = tpu.memref_slice %arg5[%dma_wait3A_311, %dma_wait3A_312] : memref<944x128xf32, #tpu.memory_space<hbm>> -> memref<848x128xf32, #tpu.memory_space<hbm>>
        tpu.wait_dma2 semaphore(%run_scoped3A : memref<!tpu.dma_semaphore, #tpu.memory_space<semaphore_mem>>) src(%dma_wait3A_313 : memref<848x128xf32, #tpu.memory_space<hbm>>) dst(%dma_wait3A_310 : memref<848x128xf32, #tpu.memory_space<vmem_shared>>)
        tpu.yield
      }) : () -> ()
    } else {
    }
    "tpu.region"() ({
      %run_scoped3A = tpu.sem_alloc : memref<!tpu.dma_semaphore, #tpu.memory_space<semaphore_mem>>
      tpu.enqueue_dma source(%arg4 : memref<80x128xf32, #tpu.memory_space<hbm>>) target(%arg12 : memref<80x128xf32, #tpu.memory_space<vmem>>) target_semaphore(%run_scoped3A : memref<!tpu.dma_semaphore, #tpu.memory_space<semaphore_mem>>)
      tpu.wait_dma2 semaphore(%run_scoped3A : memref<!tpu.dma_semaphore, #tpu.memory_space<semaphore_mem>>) src(%arg4 : memref<80x128xf32, #tpu.memory_space<hbm>>) dst(%arg12 : memref<80x128xf32, #tpu.memory_space<vmem>>)
      tpu.yield
    }) : () -> ()
    %barrier3A = arith.constant 0 : index
    tpu.barrier barrier_id(%barrier3A)
    %mul3A = arith.constant 20000 : i32
    %mul3A_6 = arith.muli %arg1, %mul3A : i32
    %mul3A_7 = arith.constant 5000 : i32
    %mul3A_8 = arith.muli %arg0, %mul3A_7 : i32
    %add3A = arith.constant 0 : i32
    %add3A_9 = arith.addi %mul3A_6, %add3A : i32
    "tpu.region"() ({
      %run_scoped3A = tpu.sem_alloc : memref<!tpu.dma_semaphore, #tpu.memory_space<semaphore_mem>>
      %dma_start3A_302 = tpu.memref_slice %arg2[%add3A_9] : memref<320000xi32, #tpu.memory_space<hbm>> -> memref<80xi32, #tpu.memory_space<hbm>>
      %dma_start3A_303 = tpu.memref_slice %arg2[%add3A_9] : memref<320000xi32, #tpu.memory_space<hbm>> -> memref<80xi32, #tpu.memory_space<hbm>>
      tpu.enqueue_dma source(%dma_start3A_303 : memref<80xi32, #tpu.memory_space<hbm>>) target(%arg8 : memref<80xi32, #tpu.memory_space<vmem>>) target_semaphore(%run_scoped3A : memref<!tpu.dma_semaphore, #tpu.memory_space<semaphore_mem>>)
      %dma_wait3A_304 = tpu.memref_slice %arg2[%add3A_9] : memref<320000xi32, #tpu.memory_space<hbm>> -> memref<80xi32, #tpu.memory_space<hbm>>
      %dma_wait3A_305 = tpu.memref_slice %arg2[%add3A_9] : memref<320000xi32, #tpu.memory_space<hbm>> -> memref<80xi32, #tpu.memory_space<hbm>>
      tpu.wait_dma2 semaphore(%run_scoped3A : memref<!tpu.dma_semaphore, #tpu.memory_space<semaphore_mem>>) src(%dma_wait3A_305 : memref<80xi32, #tpu.memory_space<hbm>>) dst(%arg8 : memref<80xi32, #tpu.memory_space<vmem>>)
      tpu.yield
    }) : () -> ()
    "tpu.region"() ({
      %run_scoped3A = tpu.sem_alloc : memref<!tpu.dma_semaphore, #tpu.memory_space<semaphore_mem>>
      %dma_start3A_302 = tpu.memref_slice %arg3[%add3A_9] : memref<320000xi32, #tpu.memory_space<hbm>> -> memref<80xi32, #tpu.memory_space<hbm>>
      %dma_start3A_303 = tpu.memref_slice %arg3[%add3A_9] : memref<320000xi32, #tpu.memory_space<hbm>> -> memref<80xi32, #tpu.memory_space<hbm>>
      tpu.enqueue_dma source(%dma_start3A_303 : memref<80xi32, #tpu.memory_space<hbm>>) target(%arg9 : memref<80xi32, #tpu.memory_space<vmem>>) target_semaphore(%run_scoped3A : memref<!tpu.dma_semaphore, #tpu.memory_space<semaphore_mem>>)
      %dma_wait3A_304 = tpu.memref_slice %arg3[%add3A_9] : memref<320000xi32, #tpu.memory_space<hbm>> -> memref<80xi32, #tpu.memory_space<hbm>>
      %dma_wait3A_305 = tpu.memref_slice %arg3[%add3A_9] : memref<320000xi32, #tpu.memory_space<hbm>> -> memref<80xi32, #tpu.memory_space<hbm>>
      tpu.wait_dma2 semaphore(%run_scoped3A : memref<!tpu.dma_semaphore, #tpu.memory_space<semaphore_mem>>) src(%dma_wait3A_305 : memref<80xi32, #tpu.memory_space<hbm>>) dst(%arg9 : memref<80xi32, #tpu.memory_space<vmem>>)
      tpu.yield
    }) : () -> ()
    %get3A = arith.constant 0 : index
    %get3A_10 = tpu.vector_load %arg8[%get3A] {strides = array<i32>} : memref<80xi32, #tpu.memory_space<vmem>>, vector<16xi32>,
    %get3A_11 = vector.shape_cast %get3A_10 : vector<16xi32> to vector<16xi32>
    %get3A_12 = arith.constant 0 : index
    %get3A_13 = tpu.vector_load %arg9[%get3A_12] {strides = array<i32>} : memref<80xi32, #tpu.memory_space<vmem>>, vector<16xi32>,
    %get3A_14 = vector.shape_cast %get3A_13 : vector<16xi32> to vector<16xi32>
    %ge3A = vector.broadcast %mul3A_8 : i32 to vector<16xi32>
    %ge3A_15 = arith.cmpi sge, %get3A_11, %ge3A : vector<16xi32>
    %add3A_16 = arith.constant 5000 : i32
    %add3A_17 = arith.addi %mul3A_8, %add3A_16 : i32
    %lt3A_18 = vector.broadcast %add3A_17 : i32 to vector<16xi32>
    %lt3A_19 = arith.cmpi slt, %get3A_11, %lt3A_18 : vector<16xi32>
    %and3A = arith.andi %ge3A_15, %lt3A_19 : vector<16xi1>
    %mul3A_20 = arith.constant 5000 : i32
    %mul3A_21 = vector.broadcast %mul3A_20 : i32 to vector<16xi32>
    %mul3A_22 = arith.muli %get3A_14, %mul3A_21 : vector<16xi32>
    %add3A_23 = arith.addi %mul3A_22, %get3A_11 : vector<16xi32>
    %sub3A = vector.broadcast %mul3A_8 : i32 to vector<16xi32>
    %sub3A_24 = arith.subi %add3A_23, %sub3A : vector<16xi32>
    %jit3A = arith.constant 15000 : i32
    %broadcast_in_dim3A = vector.broadcast %jit3A : i32 to vector<16xi32>
    %select_n3A = arith.select %and3A, %sub3A_24, %broadcast_in_dim3A : vector<16xi1>, vector<16xi32>
    %swap3A = arith.constant 0 : index
    %swap3A_25 = tpu.vector_load %arg10[%swap3A] {strides = array<i32>} : memref<80xi32, #tpu.memory_space<vmem>>, vector<16xi32>,
    %swap3A_26 = vector.shape_cast %swap3A_25 : vector<16xi32> to vector<16xi32>
    %swap3A_27 = vector.shape_cast %select_n3A : vector<16xi32> to vector<16xi32>
    tpu.vector_store %arg10[%swap3A], %swap3A_27 {strides = array<i32>} : memref<80xi32, #tpu.memory_space<vmem>>, vector<16xi32>,
    %get3A_28 = arith.constant 16 : index
    %get3A_29 = tpu.vector_load %arg8[%get3A_28] {strides = array<i32>} : memref<80xi32, #tpu.memory_space<vmem>>, vector<16xi32>,
    %get3A_30 = vector.shape_cast %get3A_29 : vector<16xi32> to vector<16xi32>
    %get3A_31 = arith.constant 16 : index
    %get3A_32 = tpu.vector_load %arg9[%get3A_31] {strides = array<i32>} : memref<80xi32, #tpu.memory_space<vmem>>, vector<16xi32>,
    %get3A_33 = vector.shape_cast %get3A_32 : vector<16xi32> to vector<16xi32>
    %ge3A_34 = vector.broadcast %mul3A_8 : i32 to vector<16xi32>
    %ge3A_35 = arith.cmpi sge, %get3A_30, %ge3A_34 : vector<16xi32>
    %add3A_36 = arith.constant 5000 : i32
    %add3A_37 = arith.addi %mul3A_8, %add3A_36 : i32
    %lt3A_38 = vector.broadcast %add3A_37 : i32 to vector<16xi32>
    %lt3A_39 = arith.cmpi slt, %get3A_30, %lt3A_38 : vector<16xi32>
    %and3A_40 = arith.andi %ge3A_35, %lt3A_39 : vector<16xi1>
    %mul3A_41 = arith.constant 5000 : i32
    %mul3A_42 = vector.broadcast %mul3A_41 : i32 to vector<16xi32>
    %mul3A_43 = arith.muli %get3A_33, %mul3A_42 : vector<16xi32>
    %add3A_44 = arith.addi %mul3A_43, %get3A_30 : vector<16xi32>
    %sub3A_45 = vector.broadcast %mul3A_8 : i32 to vector<16xi32>
    %sub3A_46 = arith.subi %add3A_44, %sub3A_45 : vector<16xi32>
    %jit3A_47 = arith.constant 15000 : i32
    %broadcast_in_dim3A_48 = vector.broadcast %jit3A_47 : i32 to vector<16xi32>
    %select_n3A_49 = arith.select %and3A_40, %sub3A_46, %broadcast_in_dim3A_48 : vector<16xi1>, vector<16xi32>
    %swap3A_50 = arith.constant 16 : index
    %swap3A_51 = tpu.vector_load %arg10[%swap3A_50] {strides = array<i32>} : memref<80xi32, #tpu.memory_space<vmem>>, vector<16xi32>,
    %swap3A_52 = vector.shape_cast %swap3A_51 : vector<16xi32> to vector<16xi32>
    %swap3A_53 = vector.shape_cast %select_n3A_49 : vector<16xi32> to vector<16xi32>
    tpu.vector_store %arg10[%swap3A_50], %swap3A_53 {strides = array<i32>} : memref<80xi32, #tpu.memory_space<vmem>>, vector<16xi32>,
    %get3A_54 = arith.constant 32 : index
    %get3A_55 = tpu.vector_load %arg8[%get3A_54] {strides = array<i32>} : memref<80xi32, #tpu.memory_space<vmem>>, vector<16xi32>,
    %get3A_56 = vector.shape_cast %get3A_55 : vector<16xi32> to vector<16xi32>
    %get3A_57 = arith.constant 32 : index
    %get3A_58 = tpu.vector_load %arg9[%get3A_57] {strides = array<i32>} : memref<80xi32, #tpu.memory_space<vmem>>, vector<16xi32>,
    %get3A_59 = vector.shape_cast %get3A_58 : vector<16xi32> to vector<16xi32>
    %ge3A_60 = vector.broadcast %mul3A_8 : i32 to vector<16xi32>
    %ge3A_61 = arith.cmpi sge, %get3A_56, %ge3A_60 : vector<16xi32>
    %add3A_62 = arith.constant 5000 : i32
    %add3A_63 = arith.addi %mul3A_8, %add3A_62 : i32
    %lt3A_64 = vector.broadcast %add3A_63 : i32 to vector<16xi32>
    %lt3A_65 = arith.cmpi slt, %get3A_56, %lt3A_64 : vector<16xi32>
    %and3A_66 = arith.andi %ge3A_61, %lt3A_65 : vector<16xi1>
    %mul3A_67 = arith.constant 5000 : i32
    %mul3A_68 = vector.broadcast %mul3A_67 : i32 to vector<16xi32>
    %mul3A_69 = arith.muli %get3A_59, %mul3A_68 : vector<16xi32>
    %add3A_70 = arith.addi %mul3A_69, %get3A_56 : vector<16xi32>
    %sub3A_71 = vector.broadcast %mul3A_8 : i32 to vector<16xi32>
    %sub3A_72 = arith.subi %add3A_70, %sub3A_71 : vector<16xi32>
    %jit3A_73 = arith.constant 15000 : i32
    %broadcast_in_dim3A_74 = vector.broadcast %jit3A_73 : i32 to vector<16xi32>
    %select_n3A_75 = arith.select %and3A_66, %sub3A_72, %broadcast_in_dim3A_74 : vector<16xi1>, vector<16xi32>
    %swap3A_76 = arith.constant 32 : index
    %swap3A_77 = tpu.vector_load %arg10[%swap3A_76] {strides = array<i32>} : memref<80xi32, #tpu.memory_space<vmem>>, vector<16xi32>,
    %swap3A_78 = vector.shape_cast %swap3A_77 : vector<16xi32> to vector<16xi32>
    %swap3A_79 = vector.shape_cast %select_n3A_75 : vector<16xi32> to vector<16xi32>
    tpu.vector_store %arg10[%swap3A_76], %swap3A_79 {strides = array<i32>} : memref<80xi32, #tpu.memory_space<vmem>>, vector<16xi32>,
    %get3A_80 = arith.constant 48 : index
    %get3A_81 = tpu.vector_load %arg8[%get3A_80] {strides = array<i32>} : memref<80xi32, #tpu.memory_space<vmem>>, vector<16xi32>,
    %get3A_82 = vector.shape_cast %get3A_81 : vector<16xi32> to vector<16xi32>
    %get3A_83 = arith.constant 48 : index
    %get3A_84 = tpu.vector_load %arg9[%get3A_83] {strides = array<i32>} : memref<80xi32, #tpu.memory_space<vmem>>, vector<16xi32>,
    %get3A_85 = vector.shape_cast %get3A_84 : vector<16xi32> to vector<16xi32>
    %ge3A_86 = vector.broadcast %mul3A_8 : i32 to vector<16xi32>
    %ge3A_87 = arith.cmpi sge, %get3A_82, %ge3A_86 : vector<16xi32>
    %add3A_88 = arith.constant 5000 : i32
    %add3A_89 = arith.addi %mul3A_8, %add3A_88 : i32
    %lt3A_90 = vector.broadcast %add3A_89 : i32 to vector<16xi32>
    %lt3A_91 = arith.cmpi slt, %get3A_82, %lt3A_90 : vector<16xi32>
    %and3A_92 = arith.andi %ge3A_87, %lt3A_91 : vector<16xi1>
    %mul3A_93 = arith.constant 5000 : i32
    %mul3A_94 = vector.broadcast %mul3A_93 : i32 to vector<16xi32>
    %mul3A_95 = arith.muli %get3A_85, %mul3A_94 : vector<16xi32>
    %add3A_96 = arith.addi %mul3A_95, %get3A_82 : vector<16xi32>
    %sub3A_97 = vector.broadcast %mul3A_8 : i32 to vector<16xi32>
    %sub3A_98 = arith.subi %add3A_96, %sub3A_97 : vector<16xi32>
    %jit3A_99 = arith.constant 15000 : i32
    %broadcast_in_dim3A_100 = vector.broadcast %jit3A_99 : i32 to vector<16xi32>
    %select_n3A_101 = arith.select %and3A_92, %sub3A_98, %broadcast_in_dim3A_100 : vector<16xi1>, vector<16xi32>
    %swap3A_102 = arith.constant 48 : index
    %swap3A_103 = tpu.vector_load %arg10[%swap3A_102] {strides = array<i32>} : memref<80xi32, #tpu.memory_space<vmem>>, vector<16xi32>,
    %swap3A_104 = vector.shape_cast %swap3A_103 : vector<16xi32> to vector<16xi32>
    %swap3A_105 = vector.shape_cast %select_n3A_101 : vector<16xi32> to vector<16xi32>
    tpu.vector_store %arg10[%swap3A_102], %swap3A_105 {strides = array<i32>} : memref<80xi32, #tpu.memory_space<vmem>>, vector<16xi32>,
    %get3A_106 = arith.constant 64 : index
    %get3A_107 = tpu.vector_load %arg8[%get3A_106] {strides = array<i32>} : memref<80xi32, #tpu.memory_space<vmem>>, vector<16xi32>,
    %get3A_108 = vector.shape_cast %get3A_107 : vector<16xi32> to vector<16xi32>
    %get3A_109 = arith.constant 64 : index
    %get3A_110 = tpu.vector_load %arg9[%get3A_109] {strides = array<i32>} : memref<80xi32, #tpu.memory_space<vmem>>, vector<16xi32>,
    %get3A_111 = vector.shape_cast %get3A_110 : vector<16xi32> to vector<16xi32>
    %ge3A_112 = vector.broadcast %mul3A_8 : i32 to vector<16xi32>
    %ge3A_113 = arith.cmpi sge, %get3A_108, %ge3A_112 : vector<16xi32>
    %add3A_114 = arith.constant 5000 : i32
    %add3A_115 = arith.addi %mul3A_8, %add3A_114 : i32
    %lt3A_116 = vector.broadcast %add3A_115 : i32 to vector<16xi32>
    %lt3A_117 = arith.cmpi slt, %get3A_108, %lt3A_116 : vector<16xi32>
    %and3A_118 = arith.andi %ge3A_113, %lt3A_117 : vector<16xi1>
    %mul3A_119 = arith.constant 5000 : i32
    %mul3A_120 = vector.broadcast %mul3A_119 : i32 to vector<16xi32>
    %mul3A_121 = arith.muli %get3A_111, %mul3A_120 : vector<16xi32>
    %add3A_122 = arith.addi %mul3A_121, %get3A_108 : vector<16xi32>
    %sub3A_123 = vector.broadcast %mul3A_8 : i32 to vector<16xi32>
    %sub3A_124 = arith.subi %add3A_122, %sub3A_123 : vector<16xi32>
    %jit3A_125 = arith.constant 15000 : i32
    %broadcast_in_dim3A_126 = vector.broadcast %jit3A_125 : i32 to vector<16xi32>
    %select_n3A_127 = arith.select %and3A_118, %sub3A_124, %broadcast_in_dim3A_126 : vector<16xi1>, vector<16xi32>
    %swap3A_128 = arith.constant 64 : index
    %swap3A_129 = tpu.vector_load %arg10[%swap3A_128] {strides = array<i32>} : memref<80xi32, #tpu.memory_space<vmem>>, vector<16xi32>,
    %swap3A_130 = vector.shape_cast %swap3A_129 : vector<16xi32> to vector<16xi32>
    %swap3A_131 = vector.shape_cast %select_n3A_127 : vector<16xi32> to vector<16xi32>
    tpu.vector_store %arg10[%swap3A_128], %swap3A_131 {strides = array<i32>} : memref<80xi32, #tpu.memory_space<vmem>>, vector<16xi32>,
    %mul3A_132 = arith.constant 320000 : i32
    %mul3A_133 = arith.muli %arg0, %mul3A_132 : i32
    %add3A_134 = arith.addi %mul3A_133, %add3A_9 : i32
    "tpu.region"() ({
      %run_scoped3A = tpu.sem_alloc : memref<!tpu.dma_semaphore, #tpu.memory_space<semaphore_mem>>
      %dma_start3A_302 = tpu.memref_slice %arg6[%add3A_134] : memref<640000xi32, #tpu.memory_space<hbm>> -> memref<80xi32, #tpu.memory_space<hbm>>
      %dma_start3A_303 = tpu.memref_slice %arg6[%add3A_134] : memref<640000xi32, #tpu.memory_space<hbm>> -> memref<80xi32, #tpu.memory_space<hbm>>
      tpu.enqueue_dma source(%arg10 : memref<80xi32, #tpu.memory_space<vmem>>) target(%dma_start3A_303 : memref<80xi32, #tpu.memory_space<hbm>>) target_semaphore(%run_scoped3A : memref<!tpu.dma_semaphore, #tpu.memory_space<semaphore_mem>>)
      %dma_wait3A_304 = tpu.memref_slice %arg6[%add3A_134] : memref<640000xi32, #tpu.memory_space<hbm>> -> memref<80xi32, #tpu.memory_space<hbm>>
      %dma_wait3A_305 = tpu.memref_slice %arg6[%add3A_134] : memref<640000xi32, #tpu.memory_space<hbm>> -> memref<80xi32, #tpu.memory_space<hbm>>
      tpu.wait_dma2 semaphore(%run_scoped3A : memref<!tpu.dma_semaphore, #tpu.memory_space<semaphore_mem>>) src(%arg10 : memref<80xi32, #tpu.memory_space<vmem>>) dst(%dma_wait3A_305 : memref<80xi32, #tpu.memory_space<hbm>>)
      tpu.yield
    }) : () -> ()
    %dma_start3A = arith.constant 0 : i32
    %dma_start3A_135 = arith.constant 0 : i32
    %dma_start3A_136 = tpu.memref_slice %arg13[%dma_start3A, %dma_start3A_135] : memref<15008x128xf32, #tpu.memory_space<vmem_shared>> -> memref<15008x128xf32, #tpu.memory_space<vmem_shared>>
    tpu.enqueue_indirect_dma source(%arg12 : memref<80x128xf32, #tpu.memory_space<vmem>>) target(%dma_start3A_136 : memref<15008x128xf32, #tpu.memory_space<vmem_shared>>) offsets(%arg10 : memref<80xi32, #tpu.memory_space<vmem>>) semaphore(%arg14 : memref<!tpu.dma_semaphore, #tpu.memory_space<semaphore_mem>>) {add = true}
    %scan3A = arith.constant 0 : i32
    %scan3A_137 = arith.constant 0 : i32
    %scan3A_138 = arith.constant 124 : i32
    %scan3A_139 = arith.addi %scan3A_137, %scan3A_138 : i32
    %scan3A_140 = arith.constant 1 : i32
    scf.for %scan3A_302 = %scan3A_137 to %scan3A_139 step %scan3A_140  : i32 {
      %mul3A_303 = arith.constant 2 : i32
      %mul3A_304 = arith.muli %mul3A_303, %scan3A_302 : i32
      %add3A_305 = arith.constant 1 : i32
      %add3A_306 = arith.addi %mul3A_304, %add3A_305 : i32
      %mul3A_307 = arith.constant 80 : i32
      %mul3A_308 = arith.muli %add3A_306, %mul3A_307 : i32
      %add3A_309 = arith.addi %mul3A_6, %mul3A_308 : i32
      "tpu.region"() ({
        %run_scoped3A = tpu.sem_alloc : memref<!tpu.dma_semaphore, #tpu.memory_space<semaphore_mem>>
        %dma_start3A_601 = tpu.memref_slice %arg2[%add3A_309] : memref<320000xi32, #tpu.memory_space<hbm>> -> memref<80xi32, #tpu.memory_space<hbm>>
        %dma_start3A_602 = tpu.memref_slice %arg2[%add3A_309] : memref<320000xi32, #tpu.memory_space<hbm>> -> memref<80xi32, #tpu.memory_space<hbm>>
        tpu.enqueue_dma source(%dma_start3A_602 : memref<80xi32, #tpu.memory_space<hbm>>) target(%arg8 : memref<80xi32, #tpu.memory_space<vmem>>) target_semaphore(%run_scoped3A : memref<!tpu.dma_semaphore, #tpu.memory_space<semaphore_mem>>)
        %dma_wait3A_603 = tpu.memref_slice %arg2[%add3A_309] : memref<320000xi32, #tpu.memory_space<hbm>> -> memref<80xi32, #tpu.memory_space<hbm>>
        %dma_wait3A_604 = tpu.memref_slice %arg2[%add3A_309] : memref<320000xi32, #tpu.memory_space<hbm>> -> memref<80xi32, #tpu.memory_space<hbm>>
        tpu.wait_dma2 semaphore(%run_scoped3A : memref<!tpu.dma_semaphore, #tpu.memory_space<semaphore_mem>>) src(%dma_wait3A_604 : memref<80xi32, #tpu.memory_space<hbm>>) dst(%arg8 : memref<80xi32, #tpu.memory_space<vmem>>)
        tpu.yield
      }) : () -> ()
      "tpu.region"() ({
        %run_scoped3A = tpu.sem_alloc : memref<!tpu.dma_semaphore, #tpu.memory_space<semaphore_mem>>
        %dma_start3A_601 = tpu.memref_slice %arg3[%add3A_309] : memref<320000xi32, #tpu.memory_space<hbm>> -> memref<80xi32, #tpu.memory_space<hbm>>
        %dma_start3A_602 = tpu.memref_slice %arg3[%add3A_309] : memref<320000xi32, #tpu.memory_space<hbm>> -> memref<80xi32, #tpu.memory_space<hbm>>
        tpu.enqueue_dma source(%dma_start3A_602 : memref<80xi32, #tpu.memory_space<hbm>>) target(%arg9 : memref<80xi32, #tpu.memory_space<vmem>>) target_semaphore(%run_scoped3A : memref<!tpu.dma_semaphore, #tpu.memory_space<semaphore_mem>>)
        %dma_wait3A_603 = tpu.memref_slice %arg3[%add3A_309] : memref<320000xi32, #tpu.memory_space<hbm>> -> memref<80xi32, #tpu.memory_space<hbm>>
        %dma_wait3A_604 = tpu.memref_slice %arg3[%add3A_309] : memref<320000xi32, #tpu.memory_space<hbm>> -> memref<80xi32, #tpu.memory_space<hbm>>
        tpu.wait_dma2 semaphore(%run_scoped3A : memref<!tpu.dma_semaphore, #tpu.memory_space<semaphore_mem>>) src(%dma_wait3A_604 : memref<80xi32, #tpu.memory_space<hbm>>) dst(%arg9 : memref<80xi32, #tpu.memory_space<vmem>>)
        tpu.yield
      }) : () -> ()
      %get3A_310 = arith.constant 0 : index
      %get3A_311 = tpu.vector_load %arg8[%get3A_310] {strides = array<i32>} : memref<80xi32, #tpu.memory_space<vmem>>, vector<16xi32>,
      %get3A_312 = vector.shape_cast %get3A_311 : vector<16xi32> to vector<16xi32>
      %get3A_313 = arith.constant 0 : index
      %get3A_314 = tpu.vector_load %arg9[%get3A_313] {strides = array<i32>} : memref<80xi32, #tpu.memory_space<vmem>>, vector<16xi32>,
      %get3A_315 = vector.shape_cast %get3A_314 : vector<16xi32> to vector<16xi32>
      %ge3A_316 = vector.broadcast %mul3A_8 : i32 to vector<16xi32>
      %ge3A_317 = arith.cmpi sge, %get3A_312, %ge3A_316 : vector<16xi32>
      %add3A_318 = arith.constant 5000 : i32
      %add3A_319 = arith.addi %mul3A_8, %add3A_318 : i32
      %lt3A_320 = vector.broadcast %add3A_319 : i32 to vector<16xi32>
      %lt3A_321 = arith.cmpi slt, %get3A_312, %lt3A_320 : vector<16xi32>
      %and3A_322 = arith.andi %ge3A_317, %lt3A_321 : vector<16xi1>
      %mul3A_323 = arith.constant 5000 : i32
      %mul3A_324 = vector.broadcast %mul3A_323 : i32 to vector<16xi32>
      %mul3A_325 = arith.muli %get3A_315, %mul3A_324 : vector<16xi32>
      %add3A_326 = arith.addi %mul3A_325, %get3A_312 : vector<16xi32>
      %sub3A_327 = vector.broadcast %mul3A_8 : i32 to vector<16xi32>
      %sub3A_328 = arith.subi %add3A_326, %sub3A_327 : vector<16xi32>
      %jit3A_329 = arith.constant 15000 : i32
      %broadcast_in_dim3A_330 = vector.broadcast %jit3A_329 : i32 to vector<16xi32>
      %select_n3A_331 = arith.select %and3A_322, %sub3A_328, %broadcast_in_dim3A_330 : vector<16xi1>, vector<16xi32>
      %swap3A_332 = arith.constant 0 : index
      %swap3A_333 = tpu.vector_load %arg11[%swap3A_332] {strides = array<i32>} : memref<80xi32, #tpu.memory_space<vmem>>, vector<16xi32>,
      %swap3A_334 = vector.shape_cast %swap3A_333 : vector<16xi32> to vector<16xi32>
      %swap3A_335 = vector.shape_cast %select_n3A_331 : vector<16xi32> to vector<16xi32>
      tpu.vector_store %arg11[%swap3A_332], %swap3A_335 {strides = array<i32>} : memref<80xi32, #tpu.memory_space<vmem>>, vector<16xi32>,
      %get3A_336 = arith.constant 16 : index
      %get3A_337 = tpu.vector_load %arg8[%get3A_336] {strides = array<i32>} : memref<80xi32, #tpu.memory_space<vmem>>, vector<16xi32>,
      %get3A_338 = vector.shape_cast %get3A_337 : vector<16xi32> to vector<16xi32>
      %get3A_339 = arith.constant 16 : index
      %get3A_340 = tpu.vector_load %arg9[%get3A_339] {strides = array<i32>} : memref<80xi32, #tpu.memory_space<vmem>>, vector<16xi32>,
      %get3A_341 = vector.shape_cast %get3A_340 : vector<16xi32> to vector<16xi32>
      %ge3A_342 = vector.broadcast %mul3A_8 : i32 to vector<16xi32>
      %ge3A_343 = arith.cmpi sge, %get3A_338, %ge3A_342 : vector<16xi32>
      %add3A_344 = arith.constant 5000 : i32
      %add3A_345 = arith.addi %mul3A_8, %add3A_344 : i32
      %lt3A_346 = vector.broadcast %add3A_345 : i32 to vector<16xi32>
      %lt3A_347 = arith.cmpi slt, %get3A_338, %lt3A_346 : vector<16xi32>
      %and3A_348 = arith.andi %ge3A_343, %lt3A_347 : vector<16xi1>
      %mul3A_349 = arith.constant 5000 : i32
      %mul3A_350 = vector.broadcast %mul3A_349 : i32 to vector<16xi32>
      %mul3A_351 = arith.muli %get3A_341, %mul3A_350 : vector<16xi32>
      %add3A_352 = arith.addi %mul3A_351, %get3A_338 : vector<16xi32>
      %sub3A_353 = vector.broadcast %mul3A_8 : i32 to vector<16xi32>
      %sub3A_354 = arith.subi %add3A_352, %sub3A_353 : vector<16xi32>
      %jit3A_355 = arith.constant 15000 : i32
      %broadcast_in_dim3A_356 = vector.broadcast %jit3A_355 : i32 to vector<16xi32>
      %select_n3A_357 = arith.select %and3A_348, %sub3A_354, %broadcast_in_dim3A_356 : vector<16xi1>, vector<16xi32>
      %swap3A_358 = arith.constant 16 : index
      %swap3A_359 = tpu.vector_load %arg11[%swap3A_358] {strides = array<i32>} : memref<80xi32, #tpu.memory_space<vmem>>, vector<16xi32>,
      %swap3A_360 = vector.shape_cast %swap3A_359 : vector<16xi32> to vector<16xi32>
      %swap3A_361 = vector.shape_cast %select_n3A_357 : vector<16xi32> to vector<16xi32>
      tpu.vector_store %arg11[%swap3A_358], %swap3A_361 {strides = array<i32>} : memref<80xi32, #tpu.memory_space<vmem>>, vector<16xi32>,
      %get3A_362 = arith.constant 32 : index
      %get3A_363 = tpu.vector_load %arg8[%get3A_362] {strides = array<i32>} : memref<80xi32, #tpu.memory_space<vmem>>, vector<16xi32>,
      %get3A_364 = vector.shape_cast %get3A_363 : vector<16xi32> to vector<16xi32>
      %get3A_365 = arith.constant 32 : index
      %get3A_366 = tpu.vector_load %arg9[%get3A_365] {strides = array<i32>} : memref<80xi32, #tpu.memory_space<vmem>>, vector<16xi32>,
      %get3A_367 = vector.shape_cast %get3A_366 : vector<16xi32> to vector<16xi32>
      %ge3A_368 = vector.broadcast %mul3A_8 : i32 to vector<16xi32>
      %ge3A_369 = arith.cmpi sge, %get3A_364, %ge3A_368 : vector<16xi32>
      %add3A_370 = arith.constant 5000 : i32
      %add3A_371 = arith.addi %mul3A_8, %add3A_370 : i32
      %lt3A_372 = vector.broadcast %add3A_371 : i32 to vector<16xi32>
      %lt3A_373 = arith.cmpi slt, %get3A_364, %lt3A_372 : vector<16xi32>
      %and3A_374 = arith.andi %ge3A_369, %lt3A_373 : vector<16xi1>
      %mul3A_375 = arith.constant 5000 : i32
      %mul3A_376 = vector.broadcast %mul3A_375 : i32 to vector<16xi32>
      %mul3A_377 = arith.muli %get3A_367, %mul3A_376 : vector<16xi32>
      %add3A_378 = arith.addi %mul3A_377, %get3A_364 : vector<16xi32>
      %sub3A_379 = vector.broadcast %mul3A_8 : i32 to vector<16xi32>
      %sub3A_380 = arith.subi %add3A_378, %sub3A_379 : vector<16xi32>
      %jit3A_381 = arith.constant 15000 : i32
      %broadcast_in_dim3A_382 = vector.broadcast %jit3A_381 : i32 to vector<16xi32>
      %select_n3A_383 = arith.select %and3A_374, %sub3A_380, %broadcast_in_dim3A_382 : vector<16xi1>, vector<16xi32>
      %swap3A_384 = arith.constant 32 : index
      %swap3A_385 = tpu.vector_load %arg11[%swap3A_384] {strides = array<i32>} : memref<80xi32, #tpu.memory_space<vmem>>, vector<16xi32>,
      %swap3A_386 = vector.shape_cast %swap3A_385 : vector<16xi32> to vector<16xi32>
      %swap3A_387 = vector.shape_cast %select_n3A_383 : vector<16xi32> to vector<16xi32>
      tpu.vector_store %arg11[%swap3A_384], %swap3A_387 {strides = array<i32>} : memref<80xi32, #tpu.memory_space<vmem>>, vector<16xi32>,
      %get3A_388 = arith.constant 48 : index
      %get3A_389 = tpu.vector_load %arg8[%get3A_388] {strides = array<i32>} : memref<80xi32, #tpu.memory_space<vmem>>, vector<16xi32>,
      %get3A_390 = vector.shape_cast %get3A_389 : vector<16xi32> to vector<16xi32>
      %get3A_391 = arith.constant 48 : index
      %get3A_392 = tpu.vector_load %arg9[%get3A_391] {strides = array<i32>} : memref<80xi32, #tpu.memory_space<vmem>>, vector<16xi32>,
      %get3A_393 = vector.shape_cast %get3A_392 : vector<16xi32> to vector<16xi32>
      %ge3A_394 = vector.broadcast %mul3A_8 : i32 to vector<16xi32>
      %ge3A_395 = arith.cmpi sge, %get3A_390, %ge3A_394 : vector<16xi32>
      %add3A_396 = arith.constant 5000 : i32
      %add3A_397 = arith.addi %mul3A_8, %add3A_396 : i32
      %lt3A_398 = vector.broadcast %add3A_397 : i32 to vector<16xi32>
      %lt3A_399 = arith.cmpi slt, %get3A_390, %lt3A_398 : vector<16xi32>
      %and3A_400 = arith.andi %ge3A_395, %lt3A_399 : vector<16xi1>
      %mul3A_401 = arith.constant 5000 : i32
      %mul3A_402 = vector.broadcast %mul3A_401 : i32 to vector<16xi32>
      %mul3A_403 = arith.muli %get3A_393, %mul3A_402 : vector<16xi32>
      %add3A_404 = arith.addi %mul3A_403, %get3A_390 : vector<16xi32>
      %sub3A_405 = vector.broadcast %mul3A_8 : i32 to vector<16xi32>
      %sub3A_406 = arith.subi %add3A_404, %sub3A_405 : vector<16xi32>
      %jit3A_407 = arith.constant 15000 : i32
      %broadcast_in_dim3A_408 = vector.broadcast %jit3A_407 : i32 to vector<16xi32>
      %select_n3A_409 = arith.select %and3A_400, %sub3A_406, %broadcast_in_dim3A_408 : vector<16xi1>, vector<16xi32>
      %swap3A_410 = arith.constant 48 : index
      %swap3A_411 = tpu.vector_load %arg11[%swap3A_410] {strides = array<i32>} : memref<80xi32, #tpu.memory_space<vmem>>, vector<16xi32>,
      %swap3A_412 = vector.shape_cast %swap3A_411 : vector<16xi32> to vector<16xi32>
      %swap3A_413 = vector.shape_cast %select_n3A_409 : vector<16xi32> to vector<16xi32>
      tpu.vector_store %arg11[%swap3A_410], %swap3A_413 {strides = array<i32>} : memref<80xi32, #tpu.memory_space<vmem>>, vector<16xi32>,
      %get3A_414 = arith.constant 64 : index
      %get3A_415 = tpu.vector_load %arg8[%get3A_414] {strides = array<i32>} : memref<80xi32, #tpu.memory_space<vmem>>, vector<16xi32>,
      %get3A_416 = vector.shape_cast %get3A_415 : vector<16xi32> to vector<16xi32>
      %get3A_417 = arith.constant 64 : index
      %get3A_418 = tpu.vector_load %arg9[%get3A_417] {strides = array<i32>} : memref<80xi32, #tpu.memory_space<vmem>>, vector<16xi32>,
      %get3A_419 = vector.shape_cast %get3A_418 : vector<16xi32> to vector<16xi32>
      %ge3A_420 = vector.broadcast %mul3A_8 : i32 to vector<16xi32>
      %ge3A_421 = arith.cmpi sge, %get3A_416, %ge3A_420 : vector<16xi32>
      %add3A_422 = arith.constant 5000 : i32
      %add3A_423 = arith.addi %mul3A_8, %add3A_422 : i32
      %lt3A_424 = vector.broadcast %add3A_423 : i32 to vector<16xi32>
      %lt3A_425 = arith.cmpi slt, %get3A_416, %lt3A_424 : vector<16xi32>
      %and3A_426 = arith.andi %ge3A_421, %lt3A_425 : vector<16xi1>
      %mul3A_427 = arith.constant 5000 : i32
      %mul3A_428 = vector.broadcast %mul3A_427 : i32 to vector<16xi32>
      %mul3A_429 = arith.muli %get3A_419, %mul3A_428 : vector<16xi32>
      %add3A_430 = arith.addi %mul3A_429, %get3A_416 : vector<16xi32>
      %sub3A_431 = vector.broadcast %mul3A_8 : i32 to vector<16xi32>
      %sub3A_432 = arith.subi %add3A_430, %sub3A_431 : vector<16xi32>
      %jit3A_433 = arith.constant 15000 : i32
      %broadcast_in_dim3A_434 = vector.broadcast %jit3A_433 : i32 to vector<16xi32>
      %select_n3A_435 = arith.select %and3A_426, %sub3A_432, %broadcast_in_dim3A_434 : vector<16xi1>, vector<16xi32>
      %swap3A_436 = arith.constant 64 : index
      %swap3A_437 = tpu.vector_load %arg11[%swap3A_436] {strides = array<i32>} : memref<80xi32, #tpu.memory_space<vmem>>, vector<16xi32>,
      %swap3A_438 = vector.shape_cast %swap3A_437 : vector<16xi32> to vector<16xi32>
      %swap3A_439 = vector.shape_cast %select_n3A_435 : vector<16xi32> to vector<16xi32>
      tpu.vector_store %arg11[%swap3A_436], %swap3A_439 {strides = array<i32>} : memref<80xi32, #tpu.memory_space<vmem>>, vector<16xi32>,
      %mul3A_440 = arith.constant 320000 : i32
      %mul3A_441 = arith.muli %arg0, %mul3A_440 : i32
      %add3A_442 = arith.addi %mul3A_441, %add3A_309 : i32
      "tpu.region"() ({
        %run_scoped3A = tpu.sem_alloc : memref<!tpu.dma_semaphore, #tpu.memory_space<semaphore_mem>>
        %dma_start3A_601 = tpu.memref_slice %arg6[%add3A_442] : memref<640000xi32, #tpu.memory_space<hbm>> -> memref<80xi32, #tpu.memory_space<hbm>>
        %dma_start3A_602 = tpu.memref_slice %arg6[%add3A_442] : memref<640000xi32, #tpu.memory_space<hbm>> -> memref<80xi32, #tpu.memory_space<hbm>>
        tpu.enqueue_dma source(%arg11 : memref<80xi32, #tpu.memory_space<vmem>>) target(%dma_start3A_602 : memref<80xi32, #tpu.memory_space<hbm>>) target_semaphore(%run_scoped3A : memref<!tpu.dma_semaphore, #tpu.memory_space<semaphore_mem>>)
        %dma_wait3A_603 = tpu.memref_slice %arg6[%add3A_442] : memref<640000xi32, #tpu.memory_space<hbm>> -> memref<80xi32, #tpu.memory_space<hbm>>
        %dma_wait3A_604 = tpu.memref_slice %arg6[%add3A_442] : memref<640000xi32, #tpu.memory_space<hbm>> -> memref<80xi32, #tpu.memory_space<hbm>>
        tpu.wait_dma2 semaphore(%run_scoped3A : memref<!tpu.dma_semaphore, #tpu.memory_space<semaphore_mem>>) src(%arg11 : memref<80xi32, #tpu.memory_space<vmem>>) dst(%dma_wait3A_604 : memref<80xi32, #tpu.memory_space<hbm>>)
        tpu.yield
      }) : () -> ()
      %dma_start3A_443 = arith.constant 0 : i32
      %dma_start3A_444 = arith.constant 0 : i32
      %dma_start3A_445 = tpu.memref_slice %arg13[%dma_start3A_443, %dma_start3A_444] : memref<15008x128xf32, #tpu.memory_space<vmem_shared>> -> memref<15008x128xf32, #tpu.memory_space<vmem_shared>>
      tpu.enqueue_indirect_dma source(%arg12 : memref<80x128xf32, #tpu.memory_space<vmem>>) target(%dma_start3A_445 : memref<15008x128xf32, #tpu.memory_space<vmem_shared>>) offsets(%arg11 : memref<80xi32, #tpu.memory_space<vmem>>) semaphore(%arg15 : memref<!tpu.dma_semaphore, #tpu.memory_space<semaphore_mem>>) {add = true}
      %dma_wait3A_446 = arith.constant 0 : i32
      %dma_wait3A_447 = arith.constant 0 : i32
      %dma_wait3A_448 = tpu.memref_slice %arg13[%dma_wait3A_446, %dma_wait3A_447] : memref<15008x128xf32, #tpu.memory_space<vmem_shared>> -> memref<80x128xf32, #tpu.memory_space<vmem_shared>>
      %dma_wait3A_449 = arith.constant 0 : i32
      %dma_wait3A_450 = arith.constant 0 : i32
      %dma_wait3A_451 = tpu.memref_slice %arg13[%dma_wait3A_449, %dma_wait3A_450] : memref<15008x128xf32, #tpu.memory_space<vmem_shared>> -> memref<80x128xf32, #tpu.memory_space<vmem_shared>>
      tpu.wait_dma2 semaphore(%arg14 : memref<!tpu.dma_semaphore, #tpu.memory_space<semaphore_mem>>) src(%arg12 : memref<80x128xf32, #tpu.memory_space<vmem>>) dst(%dma_wait3A_451 : memref<80x128xf32, #tpu.memory_space<vmem_shared>>)
      %mul3A_452 = arith.constant 2 : i32
      %mul3A_453 = arith.muli %mul3A_452, %scan3A_302 : i32
      %add3A_454 = arith.constant 2 : i32
      %add3A_455 = arith.addi %mul3A_453, %add3A_454 : i32
      %mul3A_456 = arith.constant 80 : i32
      %mul3A_457 = arith.muli %add3A_455, %mul3A_456 : i32
      %add3A_458 = arith.addi %mul3A_6, %mul3A_457 : i32
      "tpu.region"() ({
        %run_scoped3A = tpu.sem_alloc : memref<!tpu.dma_semaphore, #tpu.memory_space<semaphore_mem>>
        %dma_start3A_601 = tpu.memref_slice %arg2[%add3A_458] : memref<320000xi32, #tpu.memory_space<hbm>> -> memref<80xi32, #tpu.memory_space<hbm>>
        %dma_start3A_602 = tpu.memref_slice %arg2[%add3A_458] : memref<320000xi32, #tpu.memory_space<hbm>> -> memref<80xi32, #tpu.memory_space<hbm>>
        tpu.enqueue_dma source(%dma_start3A_602 : memref<80xi32, #tpu.memory_space<hbm>>) target(%arg8 : memref<80xi32, #tpu.memory_space<vmem>>) target_semaphore(%run_scoped3A : memref<!tpu.dma_semaphore, #tpu.memory_space<semaphore_mem>>)
        %dma_wait3A_603 = tpu.memref_slice %arg2[%add3A_458] : memref<320000xi32, #tpu.memory_space<hbm>> -> memref<80xi32, #tpu.memory_space<hbm>>
        %dma_wait3A_604 = tpu.memref_slice %arg2[%add3A_458] : memref<320000xi32, #tpu.memory_space<hbm>> -> memref<80xi32, #tpu.memory_space<hbm>>
        tpu.wait_dma2 semaphore(%run_scoped3A : memref<!tpu.dma_semaphore, #tpu.memory_space<semaphore_mem>>) src(%dma_wait3A_604 : memref<80xi32, #tpu.memory_space<hbm>>) dst(%arg8 : memref<80xi32, #tpu.memory_space<vmem>>)
        tpu.yield
      }) : () -> ()
      "tpu.region"() ({
        %run_scoped3A = tpu.sem_alloc : memref<!tpu.dma_semaphore, #tpu.memory_space<semaphore_mem>>
        %dma_start3A_601 = tpu.memref_slice %arg3[%add3A_458] : memref<320000xi32, #tpu.memory_space<hbm>> -> memref<80xi32, #tpu.memory_space<hbm>>
        %dma_start3A_602 = tpu.memref_slice %arg3[%add3A_458] : memref<320000xi32, #tpu.memory_space<hbm>> -> memref<80xi32, #tpu.memory_space<hbm>>
        tpu.enqueue_dma source(%dma_start3A_602 : memref<80xi32, #tpu.memory_space<hbm>>) target(%arg9 : memref<80xi32, #tpu.memory_space<vmem>>) target_semaphore(%run_scoped3A : memref<!tpu.dma_semaphore, #tpu.memory_space<semaphore_mem>>)
        %dma_wait3A_603 = tpu.memref_slice %arg3[%add3A_458] : memref<320000xi32, #tpu.memory_space<hbm>> -> memref<80xi32, #tpu.memory_space<hbm>>
        %dma_wait3A_604 = tpu.memref_slice %arg3[%add3A_458] : memref<320000xi32, #tpu.memory_space<hbm>> -> memref<80xi32, #tpu.memory_space<hbm>>
        tpu.wait_dma2 semaphore(%run_scoped3A : memref<!tpu.dma_semaphore, #tpu.memory_space<semaphore_mem>>) src(%dma_wait3A_604 : memref<80xi32, #tpu.memory_space<hbm>>) dst(%arg9 : memref<80xi32, #tpu.memory_space<vmem>>)
        tpu.yield
      }) : () -> ()
      %get3A_459 = arith.constant 0 : index
      %get3A_460 = tpu.vector_load %arg8[%get3A_459] {strides = array<i32>} : memref<80xi32, #tpu.memory_space<vmem>>, vector<16xi32>,
      %get3A_461 = vector.shape_cast %get3A_460 : vector<16xi32> to vector<16xi32>
      %get3A_462 = arith.constant 0 : index
      %get3A_463 = tpu.vector_load %arg9[%get3A_462] {strides = array<i32>} : memref<80xi32, #tpu.memory_space<vmem>>, vector<16xi32>,
      %get3A_464 = vector.shape_cast %get3A_463 : vector<16xi32> to vector<16xi32>
      %ge3A_465 = vector.broadcast %mul3A_8 : i32 to vector<16xi32>
      %ge3A_466 = arith.cmpi sge, %get3A_461, %ge3A_465 : vector<16xi32>
      %add3A_467 = arith.constant 5000 : i32
      %add3A_468 = arith.addi %mul3A_8, %add3A_467 : i32
      %lt3A_469 = vector.broadcast %add3A_468 : i32 to vector<16xi32>
      %lt3A_470 = arith.cmpi slt, %get3A_461, %lt3A_469 : vector<16xi32>
      %and3A_471 = arith.andi %ge3A_466, %lt3A_470 : vector<16xi1>
      %mul3A_472 = arith.constant 5000 : i32
      %mul3A_473 = vector.broadcast %mul3A_472 : i32 to vector<16xi32>
      %mul3A_474 = arith.muli %get3A_464, %mul3A_473 : vector<16xi32>
      %add3A_475 = arith.addi %mul3A_474, %get3A_461 : vector<16xi32>
      %sub3A_476 = vector.broadcast %mul3A_8 : i32 to vector<16xi32>
      %sub3A_477 = arith.subi %add3A_475, %sub3A_476 : vector<16xi32>
      %jit3A_478 = arith.constant 15000 : i32
      %broadcast_in_dim3A_479 = vector.broadcast %jit3A_478 : i32 to vector<16xi32>
      %select_n3A_480 = arith.select %and3A_471, %sub3A_477, %broadcast_in_dim3A_479 : vector<16xi1>, vector<16xi32>
      %swap3A_481 = arith.constant 0 : index
      %swap3A_482 = tpu.vector_load %arg10[%swap3A_481] {strides = array<i32>} : memref<80xi32, #tpu.memory_space<vmem>>, vector<16xi32>,
      %swap3A_483 = vector.shape_cast %swap3A_482 : vector<16xi32> to vector<16xi32>
      %swap3A_484 = vector.shape_cast %select_n3A_480 : vector<16xi32> to vector<16xi32>
      tpu.vector_store %arg10[%swap3A_481], %swap3A_484 {strides = array<i32>} : memref<80xi32, #tpu.memory_space<vmem>>, vector<16xi32>,
      %get3A_485 = arith.constant 16 : index
      %get3A_486 = tpu.vector_load %arg8[%get3A_485] {strides = array<i32>} : memref<80xi32, #tpu.memory_space<vmem>>, vector<16xi32>,
      %get3A_487 = vector.shape_cast %get3A_486 : vector<16xi32> to vector<16xi32>
      %get3A_488 = arith.constant 16 : index
      %get3A_489 = tpu.vector_load %arg9[%get3A_488] {strides = array<i32>} : memref<80xi32, #tpu.memory_space<vmem>>, vector<16xi32>,
      %get3A_490 = vector.shape_cast %get3A_489 : vector<16xi32> to vector<16xi32>
      %ge3A_491 = vector.broadcast %mul3A_8 : i32 to vector<16xi32>
      %ge3A_492 = arith.cmpi sge, %get3A_487, %ge3A_491 : vector<16xi32>
      %add3A_493 = arith.constant 5000 : i32
      %add3A_494 = arith.addi %mul3A_8, %add3A_493 : i32
      %lt3A_495 = vector.broadcast %add3A_494 : i32 to vector<16xi32>
      %lt3A_496 = arith.cmpi slt, %get3A_487, %lt3A_495 : vector<16xi32>
      %and3A_497 = arith.andi %ge3A_492, %lt3A_496 : vector<16xi1>
      %mul3A_498 = arith.constant 5000 : i32
      %mul3A_499 = vector.broadcast %mul3A_498 : i32 to vector<16xi32>
      %mul3A_500 = arith.muli %get3A_490, %mul3A_499 : vector<16xi32>
      %add3A_501 = arith.addi %mul3A_500, %get3A_487 : vector<16xi32>
      %sub3A_502 = vector.broadcast %mul3A_8 : i32 to vector<16xi32>
      %sub3A_503 = arith.subi %add3A_501, %sub3A_502 : vector<16xi32>
      %jit3A_504 = arith.constant 15000 : i32
      %broadcast_in_dim3A_505 = vector.broadcast %jit3A_504 : i32 to vector<16xi32>
      %select_n3A_506 = arith.select %and3A_497, %sub3A_503, %broadcast_in_dim3A_505 : vector<16xi1>, vector<16xi32>
      %swap3A_507 = arith.constant 16 : index
      %swap3A_508 = tpu.vector_load %arg10[%swap3A_507] {strides = array<i32>} : memref<80xi32, #tpu.memory_space<vmem>>, vector<16xi32>,
      %swap3A_509 = vector.shape_cast %swap3A_508 : vector<16xi32> to vector<16xi32>
      %swap3A_510 = vector.shape_cast %select_n3A_506 : vector<16xi32> to vector<16xi32>
      tpu.vector_store %arg10[%swap3A_507], %swap3A_510 {strides = array<i32>} : memref<80xi32, #tpu.memory_space<vmem>>, vector<16xi32>,
      %get3A_511 = arith.constant 32 : index
      %get3A_512 = tpu.vector_load %arg8[%get3A_511] {strides = array<i32>} : memref<80xi32, #tpu.memory_space<vmem>>, vector<16xi32>,
      %get3A_513 = vector.shape_cast %get3A_512 : vector<16xi32> to vector<16xi32>
      %get3A_514 = arith.constant 32 : index
      %get3A_515 = tpu.vector_load %arg9[%get3A_514] {strides = array<i32>} : memref<80xi32, #tpu.memory_space<vmem>>, vector<16xi32>,
      %get3A_516 = vector.shape_cast %get3A_515 : vector<16xi32> to vector<16xi32>
      %ge3A_517 = vector.broadcast %mul3A_8 : i32 to vector<16xi32>
      %ge3A_518 = arith.cmpi sge, %get3A_513, %ge3A_517 : vector<16xi32>
      %add3A_519 = arith.constant 5000 : i32
      %add3A_520 = arith.addi %mul3A_8, %add3A_519 : i32
      %lt3A_521 = vector.broadcast %add3A_520 : i32 to vector<16xi32>
      %lt3A_522 = arith.cmpi slt, %get3A_513, %lt3A_521 : vector<16xi32>
      %and3A_523 = arith.andi %ge3A_518, %lt3A_522 : vector<16xi1>
      %mul3A_524 = arith.constant 5000 : i32
      %mul3A_525 = vector.broadcast %mul3A_524 : i32 to vector<16xi32>
      %mul3A_526 = arith.muli %get3A_516, %mul3A_525 : vector<16xi32>
      %add3A_527 = arith.addi %mul3A_526, %get3A_513 : vector<16xi32>
      %sub3A_528 = vector.broadcast %mul3A_8 : i32 to vector<16xi32>
      %sub3A_529 = arith.subi %add3A_527, %sub3A_528 : vector<16xi32>
      %jit3A_530 = arith.constant 15000 : i32
      %broadcast_in_dim3A_531 = vector.broadcast %jit3A_530 : i32 to vector<16xi32>
      %select_n3A_532 = arith.select %and3A_523, %sub3A_529, %broadcast_in_dim3A_531 : vector<16xi1>, vector<16xi32>
      %swap3A_533 = arith.constant 32 : index
      %swap3A_534 = tpu.vector_load %arg10[%swap3A_533] {strides = array<i32>} : memref<80xi32, #tpu.memory_space<vmem>>, vector<16xi32>,
      %swap3A_535 = vector.shape_cast %swap3A_534 : vector<16xi32> to vector<16xi32>
      %swap3A_536 = vector.shape_cast %select_n3A_532 : vector<16xi32> to vector<16xi32>
      tpu.vector_store %arg10[%swap3A_533], %swap3A_536 {strides = array<i32>} : memref<80xi32, #tpu.memory_space<vmem>>, vector<16xi32>,
      %get3A_537 = arith.constant 48 : index
      %get3A_538 = tpu.vector_load %arg8[%get3A_537] {strides = array<i32>} : memref<80xi32, #tpu.memory_space<vmem>>, vector<16xi32>,
      %get3A_539 = vector.shape_cast %get3A_538 : vector<16xi32> to vector<16xi32>
      %get3A_540 = arith.constant 48 : index
      %get3A_541 = tpu.vector_load %arg9[%get3A_540] {strides = array<i32>} : memref<80xi32, #tpu.memory_space<vmem>>, vector<16xi32>,
      %get3A_542 = vector.shape_cast %get3A_541 : vector<16xi32> to vector<16xi32>
      %ge3A_543 = vector.broadcast %mul3A_8 : i32 to vector<16xi32>
      %ge3A_544 = arith.cmpi sge, %get3A_539, %ge3A_543 : vector<16xi32>
      %add3A_545 = arith.constant 5000 : i32
      %add3A_546 = arith.addi %mul3A_8, %add3A_545 : i32
      %lt3A_547 = vector.broadcast %add3A_546 : i32 to vector<16xi32>
      %lt3A_548 = arith.cmpi slt, %get3A_539, %lt3A_547 : vector<16xi32>
      %and3A_549 = arith.andi %ge3A_544, %lt3A_548 : vector<16xi1>
      %mul3A_550 = arith.constant 5000 : i32
      %mul3A_551 = vector.broadcast %mul3A_550 : i32 to vector<16xi32>
      %mul3A_552 = arith.muli %get3A_542, %mul3A_551 : vector<16xi32>
      %add3A_553 = arith.addi %mul3A_552, %get3A_539 : vector<16xi32>
      %sub3A_554 = vector.broadcast %mul3A_8 : i32 to vector<16xi32>
      %sub3A_555 = arith.subi %add3A_553, %sub3A_554 : vector<16xi32>
      %jit3A_556 = arith.constant 15000 : i32
      %broadcast_in_dim3A_557 = vector.broadcast %jit3A_556 : i32 to vector<16xi32>
      %select_n3A_558 = arith.select %and3A_549, %sub3A_555, %broadcast_in_dim3A_557 : vector<16xi1>, vector<16xi32>
      %swap3A_559 = arith.constant 48 : index
      %swap3A_560 = tpu.vector_load %arg10[%swap3A_559] {strides = array<i32>} : memref<80xi32, #tpu.memory_space<vmem>>, vector<16xi32>,
      %swap3A_561 = vector.shape_cast %swap3A_560 : vector<16xi32> to vector<16xi32>
      %swap3A_562 = vector.shape_cast %select_n3A_558 : vector<16xi32> to vector<16xi32>
      tpu.vector_store %arg10[%swap3A_559], %swap3A_562 {strides = array<i32>} : memref<80xi32, #tpu.memory_space<vmem>>, vector<16xi32>,
      %get3A_563 = arith.constant 64 : index
      %get3A_564 = tpu.vector_load %arg8[%get3A_563] {strides = array<i32>} : memref<80xi32, #tpu.memory_space<vmem>>, vector<16xi32>,
      %get3A_565 = vector.shape_cast %get3A_564 : vector<16xi32> to vector<16xi32>
      %get3A_566 = arith.constant 64 : index
      %get3A_567 = tpu.vector_load %arg9[%get3A_566] {strides = array<i32>} : memref<80xi32, #tpu.memory_space<vmem>>, vector<16xi32>,
      %get3A_568 = vector.shape_cast %get3A_567 : vector<16xi32> to vector<16xi32>
      %ge3A_569 = vector.broadcast %mul3A_8 : i32 to vector<16xi32>
      %ge3A_570 = arith.cmpi sge, %get3A_565, %ge3A_569 : vector<16xi32>
      %add3A_571 = arith.constant 5000 : i32
      %add3A_572 = arith.addi %mul3A_8, %add3A_571 : i32
      %lt3A_573 = vector.broadcast %add3A_572 : i32 to vector<16xi32>
      %lt3A_574 = arith.cmpi slt, %get3A_565, %lt3A_573 : vector<16xi32>
      %and3A_575 = arith.andi %ge3A_570, %lt3A_574 : vector<16xi1>
      %mul3A_576 = arith.constant 5000 : i32
      %mul3A_577 = vector.broadcast %mul3A_576 : i32 to vector<16xi32>
      %mul3A_578 = arith.muli %get3A_568, %mul3A_577 : vector<16xi32>
      %add3A_579 = arith.addi %mul3A_578, %get3A_565 : vector<16xi32>
      %sub3A_580 = vector.broadcast %mul3A_8 : i32 to vector<16xi32>
      %sub3A_581 = arith.subi %add3A_579, %sub3A_580 : vector<16xi32>
      %jit3A_582 = arith.constant 15000 : i32
      %broadcast_in_dim3A_583 = vector.broadcast %jit3A_582 : i32 to vector<16xi32>
      %select_n3A_584 = arith.select %and3A_575, %sub3A_581, %broadcast_in_dim3A_583 : vector<16xi1>, vector<16xi32>
      %swap3A_585 = arith.constant 64 : index
      %swap3A_586 = tpu.vector_load %arg10[%swap3A_585] {strides = array<i32>} : memref<80xi32, #tpu.memory_space<vmem>>, vector<16xi32>,
      %swap3A_587 = vector.shape_cast %swap3A_586 : vector<16xi32> to vector<16xi32>
      %swap3A_588 = vector.shape_cast %select_n3A_584 : vector<16xi32> to vector<16xi32>
      tpu.vector_store %arg10[%swap3A_585], %swap3A_588 {strides = array<i32>} : memref<80xi32, #tpu.memory_space<vmem>>, vector<16xi32>,
      %mul3A_589 = arith.constant 320000 : i32
      %mul3A_590 = arith.muli %arg0, %mul3A_589 : i32
      %add3A_591 = arith.addi %mul3A_590, %add3A_458 : i32
      "tpu.region"() ({
        %run_scoped3A = tpu.sem_alloc : memref<!tpu.dma_semaphore, #tpu.memory_space<semaphore_mem>>
        %dma_start3A_601 = tpu.memref_slice %arg6[%add3A_591] : memref<640000xi32, #tpu.memory_space<hbm>> -> memref<80xi32, #tpu.memory_space<hbm>>
        %dma_start3A_602 = tpu.memref_slice %arg6[%add3A_591] : memref<640000xi32, #tpu.memory_space<hbm>> -> memref<80xi32, #tpu.memory_space<hbm>>
        tpu.enqueue_dma source(%arg10 : memref<80xi32, #tpu.memory_space<vmem>>) target(%dma_start3A_602 : memref<80xi32, #tpu.memory_space<hbm>>) target_semaphore(%run_scoped3A : memref<!tpu.dma_semaphore, #tpu.memory_space<semaphore_mem>>)
        %dma_wait3A_603 = tpu.memref_slice %arg6[%add3A_591] : memref<640000xi32, #tpu.memory_space<hbm>> -> memref<80xi32, #tpu.memory_space<hbm>>
        %dma_wait3A_604 = tpu.memref_slice %arg6[%add3A_591] : memref<640000xi32, #tpu.memory_space<hbm>> -> memref<80xi32, #tpu.memory_space<hbm>>
        tpu.wait_dma2 semaphore(%run_scoped3A : memref<!tpu.dma_semaphore, #tpu.memory_space<semaphore_mem>>) src(%arg10 : memref<80xi32, #tpu.memory_space<vmem>>) dst(%dma_wait3A_604 : memref<80xi32, #tpu.memory_space<hbm>>)
        tpu.yield
      }) : () -> ()
      %dma_start3A_592 = arith.constant 0 : i32
      %dma_start3A_593 = arith.constant 0 : i32
      %dma_start3A_594 = tpu.memref_slice %arg13[%dma_start3A_592, %dma_start3A_593] : memref<15008x128xf32, #tpu.memory_space<vmem_shared>> -> memref<15008x128xf32, #tpu.memory_space<vmem_shared>>
      tpu.enqueue_indirect_dma source(%arg12 : memref<80x128xf32, #tpu.memory_space<vmem>>) target(%dma_start3A_594 : memref<15008x128xf32, #tpu.memory_space<vmem_shared>>) offsets(%arg10 : memref<80xi32, #tpu.memory_space<vmem>>) semaphore(%arg14 : memref<!tpu.dma_semaphore, #tpu.memory_space<semaphore_mem>>) {add = true}
      %dma_wait3A_595 = arith.constant 0 : i32
      %dma_wait3A_596 = arith.constant 0 : i32
      %dma_wait3A_597 = tpu.memref_slice %arg13[%dma_wait3A_595, %dma_wait3A_596] : memref<15008x128xf32, #tpu.memory_space<vmem_shared>> -> memref<80x128xf32, #tpu.memory_space<vmem_shared>>
      %dma_wait3A_598 = arith.constant 0 : i32
      %dma_wait3A_599 = arith.constant 0 : i32
      %dma_wait3A_600 = tpu.memref_slice %arg13[%dma_wait3A_598, %dma_wait3A_599] : memref<15008x128xf32, #tpu.memory_space<vmem_shared>> -> memref<80x128xf32, #tpu.memory_space<vmem_shared>>
      tpu.wait_dma2 semaphore(%arg15 : memref<!tpu.dma_semaphore, #tpu.memory_space<semaphore_mem>>) src(%arg12 : memref<80x128xf32, #tpu.memory_space<vmem>>) dst(%dma_wait3A_600 : memref<80x128xf32, #tpu.memory_space<vmem_shared>>)
    }
    %scan3A_141 = arith.constant 124 : i32
    %add3A_142 = arith.constant 19920 : i32
    %add3A_143 = arith.addi %mul3A_6, %add3A_142 : i32
    "tpu.region"() ({
      %run_scoped3A = tpu.sem_alloc : memref<!tpu.dma_semaphore, #tpu.memory_space<semaphore_mem>>
      %dma_start3A_302 = tpu.memref_slice %arg2[%add3A_143] : memref<320000xi32, #tpu.memory_space<hbm>> -> memref<80xi32, #tpu.memory_space<hbm>>
      %dma_start3A_303 = tpu.memref_slice %arg2[%add3A_143] : memref<320000xi32, #tpu.memory_space<hbm>> -> memref<80xi32, #tpu.memory_space<hbm>>
      tpu.enqueue_dma source(%dma_start3A_303 : memref<80xi32, #tpu.memory_space<hbm>>) target(%arg8 : memref<80xi32, #tpu.memory_space<vmem>>) target_semaphore(%run_scoped3A : memref<!tpu.dma_semaphore, #tpu.memory_space<semaphore_mem>>)
      %dma_wait3A_304 = tpu.memref_slice %arg2[%add3A_143] : memref<320000xi32, #tpu.memory_space<hbm>> -> memref<80xi32, #tpu.memory_space<hbm>>
      %dma_wait3A_305 = tpu.memref_slice %arg2[%add3A_143] : memref<320000xi32, #tpu.memory_space<hbm>> -> memref<80xi32, #tpu.memory_space<hbm>>
      tpu.wait_dma2 semaphore(%run_scoped3A : memref<!tpu.dma_semaphore, #tpu.memory_space<semaphore_mem>>) src(%dma_wait3A_305 : memref<80xi32, #tpu.memory_space<hbm>>) dst(%arg8 : memref<80xi32, #tpu.memory_space<vmem>>)
      tpu.yield
    }) : () -> ()
    "tpu.region"() ({
      %run_scoped3A = tpu.sem_alloc : memref<!tpu.dma_semaphore, #tpu.memory_space<semaphore_mem>>
      %dma_start3A_302 = tpu.memref_slice %arg3[%add3A_143] : memref<320000xi32, #tpu.memory_space<hbm>> -> memref<80xi32, #tpu.memory_space<hbm>>
      %dma_start3A_303 = tpu.memref_slice %arg3[%add3A_143] : memref<320000xi32, #tpu.memory_space<hbm>> -> memref<80xi32, #tpu.memory_space<hbm>>
      tpu.enqueue_dma source(%dma_start3A_303 : memref<80xi32, #tpu.memory_space<hbm>>) target(%arg9 : memref<80xi32, #tpu.memory_space<vmem>>) target_semaphore(%run_scoped3A : memref<!tpu.dma_semaphore, #tpu.memory_space<semaphore_mem>>)
      %dma_wait3A_304 = tpu.memref_slice %arg3[%add3A_143] : memref<320000xi32, #tpu.memory_space<hbm>> -> memref<80xi32, #tpu.memory_space<hbm>>
      %dma_wait3A_305 = tpu.memref_slice %arg3[%add3A_143] : memref<320000xi32, #tpu.memory_space<hbm>> -> memref<80xi32, #tpu.memory_space<hbm>>
      tpu.wait_dma2 semaphore(%run_scoped3A : memref<!tpu.dma_semaphore, #tpu.memory_space<semaphore_mem>>) src(%dma_wait3A_305 : memref<80xi32, #tpu.memory_space<hbm>>) dst(%arg9 : memref<80xi32, #tpu.memory_space<vmem>>)
      tpu.yield
    }) : () -> ()
    %get3A_144 = arith.constant 0 : index
    %get3A_145 = tpu.vector_load %arg8[%get3A_144] {strides = array<i32>} : memref<80xi32, #tpu.memory_space<vmem>>, vector<16xi32>,
    %get3A_146 = vector.shape_cast %get3A_145 : vector<16xi32> to vector<16xi32>
    %get3A_147 = arith.constant 0 : index
    %get3A_148 = tpu.vector_load %arg9[%get3A_147] {strides = array<i32>} : memref<80xi32, #tpu.memory_space<vmem>>, vector<16xi32>,
    %get3A_149 = vector.shape_cast %get3A_148 : vector<16xi32> to vector<16xi32>
    %ge3A_150 = vector.broadcast %mul3A_8 : i32 to vector<16xi32>
    %ge3A_151 = arith.cmpi sge, %get3A_146, %ge3A_150 : vector<16xi32>
    %add3A_152 = arith.constant 5000 : i32
    %add3A_153 = arith.addi %mul3A_8, %add3A_152 : i32
    %lt3A_154 = vector.broadcast %add3A_153 : i32 to vector<16xi32>
    %lt3A_155 = arith.cmpi slt, %get3A_146, %lt3A_154 : vector<16xi32>
    %and3A_156 = arith.andi %ge3A_151, %lt3A_155 : vector<16xi1>
    %mul3A_157 = arith.constant 5000 : i32
    %mul3A_158 = vector.broadcast %mul3A_157 : i32 to vector<16xi32>
    %mul3A_159 = arith.muli %get3A_149, %mul3A_158 : vector<16xi32>
    %add3A_160 = arith.addi %mul3A_159, %get3A_146 : vector<16xi32>
    %sub3A_161 = vector.broadcast %mul3A_8 : i32 to vector<16xi32>
    %sub3A_162 = arith.subi %add3A_160, %sub3A_161 : vector<16xi32>
    %jit3A_163 = arith.constant 15000 : i32
    %broadcast_in_dim3A_164 = vector.broadcast %jit3A_163 : i32 to vector<16xi32>
    %select_n3A_165 = arith.select %and3A_156, %sub3A_162, %broadcast_in_dim3A_164 : vector<16xi1>, vector<16xi32>
    %swap3A_166 = arith.constant 0 : index
    %swap3A_167 = tpu.vector_load %arg11[%swap3A_166] {strides = array<i32>} : memref<80xi32, #tpu.memory_space<vmem>>, vector<16xi32>,
    %swap3A_168 = vector.shape_cast %swap3A_167 : vector<16xi32> to vector<16xi32>
    %swap3A_169 = vector.shape_cast %select_n3A_165 : vector<16xi32> to vector<16xi32>
    tpu.vector_store %arg11[%swap3A_166], %swap3A_169 {strides = array<i32>} : memref<80xi32, #tpu.memory_space<vmem>>, vector<16xi32>,
    %get3A_170 = arith.constant 16 : index
    %get3A_171 = tpu.vector_load %arg8[%get3A_170] {strides = array<i32>} : memref<80xi32, #tpu.memory_space<vmem>>, vector<16xi32>,
    %get3A_172 = vector.shape_cast %get3A_171 : vector<16xi32> to vector<16xi32>
    %get3A_173 = arith.constant 16 : index
    %get3A_174 = tpu.vector_load %arg9[%get3A_173] {strides = array<i32>} : memref<80xi32, #tpu.memory_space<vmem>>, vector<16xi32>,
    %get3A_175 = vector.shape_cast %get3A_174 : vector<16xi32> to vector<16xi32>
    %ge3A_176 = vector.broadcast %mul3A_8 : i32 to vector<16xi32>
    %ge3A_177 = arith.cmpi sge, %get3A_172, %ge3A_176 : vector<16xi32>
    %add3A_178 = arith.constant 5000 : i32
    %add3A_179 = arith.addi %mul3A_8, %add3A_178 : i32
    %lt3A_180 = vector.broadcast %add3A_179 : i32 to vector<16xi32>
    %lt3A_181 = arith.cmpi slt, %get3A_172, %lt3A_180 : vector<16xi32>
    %and3A_182 = arith.andi %ge3A_177, %lt3A_181 : vector<16xi1>
    %mul3A_183 = arith.constant 5000 : i32
    %mul3A_184 = vector.broadcast %mul3A_183 : i32 to vector<16xi32>
    %mul3A_185 = arith.muli %get3A_175, %mul3A_184 : vector<16xi32>
    %add3A_186 = arith.addi %mul3A_185, %get3A_172 : vector<16xi32>
    %sub3A_187 = vector.broadcast %mul3A_8 : i32 to vector<16xi32>
    %sub3A_188 = arith.subi %add3A_186, %sub3A_187 : vector<16xi32>
    %jit3A_189 = arith.constant 15000 : i32
    %broadcast_in_dim3A_190 = vector.broadcast %jit3A_189 : i32 to vector<16xi32>
    %select_n3A_191 = arith.select %and3A_182, %sub3A_188, %broadcast_in_dim3A_190 : vector<16xi1>, vector<16xi32>
    %swap3A_192 = arith.constant 16 : index
    %swap3A_193 = tpu.vector_load %arg11[%swap3A_192] {strides = array<i32>} : memref<80xi32, #tpu.memory_space<vmem>>, vector<16xi32>,
    %swap3A_194 = vector.shape_cast %swap3A_193 : vector<16xi32> to vector<16xi32>
    %swap3A_195 = vector.shape_cast %select_n3A_191 : vector<16xi32> to vector<16xi32>
    tpu.vector_store %arg11[%swap3A_192], %swap3A_195 {strides = array<i32>} : memref<80xi32, #tpu.memory_space<vmem>>, vector<16xi32>,
    %get3A_196 = arith.constant 32 : index
    %get3A_197 = tpu.vector_load %arg8[%get3A_196] {strides = array<i32>} : memref<80xi32, #tpu.memory_space<vmem>>, vector<16xi32>,
    %get3A_198 = vector.shape_cast %get3A_197 : vector<16xi32> to vector<16xi32>
    %get3A_199 = arith.constant 32 : index
    %get3A_200 = tpu.vector_load %arg9[%get3A_199] {strides = array<i32>} : memref<80xi32, #tpu.memory_space<vmem>>, vector<16xi32>,
    %get3A_201 = vector.shape_cast %get3A_200 : vector<16xi32> to vector<16xi32>
    %ge3A_202 = vector.broadcast %mul3A_8 : i32 to vector<16xi32>
    %ge3A_203 = arith.cmpi sge, %get3A_198, %ge3A_202 : vector<16xi32>
    %add3A_204 = arith.constant 5000 : i32
    %add3A_205 = arith.addi %mul3A_8, %add3A_204 : i32
    %lt3A_206 = vector.broadcast %add3A_205 : i32 to vector<16xi32>
    %lt3A_207 = arith.cmpi slt, %get3A_198, %lt3A_206 : vector<16xi32>
    %and3A_208 = arith.andi %ge3A_203, %lt3A_207 : vector<16xi1>
    %mul3A_209 = arith.constant 5000 : i32
    %mul3A_210 = vector.broadcast %mul3A_209 : i32 to vector<16xi32>
    %mul3A_211 = arith.muli %get3A_201, %mul3A_210 : vector<16xi32>
    %add3A_212 = arith.addi %mul3A_211, %get3A_198 : vector<16xi32>
    %sub3A_213 = vector.broadcast %mul3A_8 : i32 to vector<16xi32>
    %sub3A_214 = arith.subi %add3A_212, %sub3A_213 : vector<16xi32>
    %jit3A_215 = arith.constant 15000 : i32
    %broadcast_in_dim3A_216 = vector.broadcast %jit3A_215 : i32 to vector<16xi32>
    %select_n3A_217 = arith.select %and3A_208, %sub3A_214, %broadcast_in_dim3A_216 : vector<16xi1>, vector<16xi32>
    %swap3A_218 = arith.constant 32 : index
    %swap3A_219 = tpu.vector_load %arg11[%swap3A_218] {strides = array<i32>} : memref<80xi32, #tpu.memory_space<vmem>>, vector<16xi32>,
    %swap3A_220 = vector.shape_cast %swap3A_219 : vector<16xi32> to vector<16xi32>
    %swap3A_221 = vector.shape_cast %select_n3A_217 : vector<16xi32> to vector<16xi32>
    tpu.vector_store %arg11[%swap3A_218], %swap3A_221 {strides = array<i32>} : memref<80xi32, #tpu.memory_space<vmem>>, vector<16xi32>,
    %get3A_222 = arith.constant 48 : index
    %get3A_223 = tpu.vector_load %arg8[%get3A_222] {strides = array<i32>} : memref<80xi32, #tpu.memory_space<vmem>>, vector<16xi32>,
    %get3A_224 = vector.shape_cast %get3A_223 : vector<16xi32> to vector<16xi32>
    %get3A_225 = arith.constant 48 : index
    %get3A_226 = tpu.vector_load %arg9[%get3A_225] {strides = array<i32>} : memref<80xi32, #tpu.memory_space<vmem>>, vector<16xi32>,
    %get3A_227 = vector.shape_cast %get3A_226 : vector<16xi32> to vector<16xi32>
    %ge3A_228 = vector.broadcast %mul3A_8 : i32 to vector<16xi32>
    %ge3A_229 = arith.cmpi sge, %get3A_224, %ge3A_228 : vector<16xi32>
    %add3A_230 = arith.constant 5000 : i32
    %add3A_231 = arith.addi %mul3A_8, %add3A_230 : i32
    %lt3A_232 = vector.broadcast %add3A_231 : i32 to vector<16xi32>
    %lt3A_233 = arith.cmpi slt, %get3A_224, %lt3A_232 : vector<16xi32>
    %and3A_234 = arith.andi %ge3A_229, %lt3A_233 : vector<16xi1>
    %mul3A_235 = arith.constant 5000 : i32
    %mul3A_236 = vector.broadcast %mul3A_235 : i32 to vector<16xi32>
    %mul3A_237 = arith.muli %get3A_227, %mul3A_236 : vector<16xi32>
    %add3A_238 = arith.addi %mul3A_237, %get3A_224 : vector<16xi32>
    %sub3A_239 = vector.broadcast %mul3A_8 : i32 to vector<16xi32>
    %sub3A_240 = arith.subi %add3A_238, %sub3A_239 : vector<16xi32>
    %jit3A_241 = arith.constant 15000 : i32
    %broadcast_in_dim3A_242 = vector.broadcast %jit3A_241 : i32 to vector<16xi32>
    %select_n3A_243 = arith.select %and3A_234, %sub3A_240, %broadcast_in_dim3A_242 : vector<16xi1>, vector<16xi32>
    %swap3A_244 = arith.constant 48 : index
    %swap3A_245 = tpu.vector_load %arg11[%swap3A_244] {strides = array<i32>} : memref<80xi32, #tpu.memory_space<vmem>>, vector<16xi32>,
    %swap3A_246 = vector.shape_cast %swap3A_245 : vector<16xi32> to vector<16xi32>
    %swap3A_247 = vector.shape_cast %select_n3A_243 : vector<16xi32> to vector<16xi32>
    tpu.vector_store %arg11[%swap3A_244], %swap3A_247 {strides = array<i32>} : memref<80xi32, #tpu.memory_space<vmem>>, vector<16xi32>,
    %get3A_248 = arith.constant 64 : index
    %get3A_249 = tpu.vector_load %arg8[%get3A_248] {strides = array<i32>} : memref<80xi32, #tpu.memory_space<vmem>>, vector<16xi32>,
    %get3A_250 = vector.shape_cast %get3A_249 : vector<16xi32> to vector<16xi32>
    %get3A_251 = arith.constant 64 : index
    %get3A_252 = tpu.vector_load %arg9[%get3A_251] {strides = array<i32>} : memref<80xi32, #tpu.memory_space<vmem>>, vector<16xi32>,
    %get3A_253 = vector.shape_cast %get3A_252 : vector<16xi32> to vector<16xi32>
    %ge3A_254 = vector.broadcast %mul3A_8 : i32 to vector<16xi32>
    %ge3A_255 = arith.cmpi sge, %get3A_250, %ge3A_254 : vector<16xi32>
    %add3A_256 = arith.constant 5000 : i32
    %add3A_257 = arith.addi %mul3A_8, %add3A_256 : i32
    %lt3A_258 = vector.broadcast %add3A_257 : i32 to vector<16xi32>
    %lt3A_259 = arith.cmpi slt, %get3A_250, %lt3A_258 : vector<16xi32>
    %and3A_260 = arith.andi %ge3A_255, %lt3A_259 : vector<16xi1>
    %mul3A_261 = arith.constant 5000 : i32
    %mul3A_262 = vector.broadcast %mul3A_261 : i32 to vector<16xi32>
    %mul3A_263 = arith.muli %get3A_253, %mul3A_262 : vector<16xi32>
    %add3A_264 = arith.addi %mul3A_263, %get3A_250 : vector<16xi32>
    %sub3A_265 = vector.broadcast %mul3A_8 : i32 to vector<16xi32>
    %sub3A_266 = arith.subi %add3A_264, %sub3A_265 : vector<16xi32>
    %jit3A_267 = arith.constant 15000 : i32
    %broadcast_in_dim3A_268 = vector.broadcast %jit3A_267 : i32 to vector<16xi32>
    %select_n3A_269 = arith.select %and3A_260, %sub3A_266, %broadcast_in_dim3A_268 : vector<16xi1>, vector<16xi32>
    %swap3A_270 = arith.constant 64 : index
    %swap3A_271 = tpu.vector_load %arg11[%swap3A_270] {strides = array<i32>} : memref<80xi32, #tpu.memory_space<vmem>>, vector<16xi32>,
    %swap3A_272 = vector.shape_cast %swap3A_271 : vector<16xi32> to vector<16xi32>
    %swap3A_273 = vector.shape_cast %select_n3A_269 : vector<16xi32> to vector<16xi32>
    tpu.vector_store %arg11[%swap3A_270], %swap3A_273 {strides = array<i32>} : memref<80xi32, #tpu.memory_space<vmem>>, vector<16xi32>,
    %mul3A_274 = arith.constant 320000 : i32
    %mul3A_275 = arith.muli %arg0, %mul3A_274 : i32
    %add3A_276 = arith.addi %mul3A_275, %add3A_143 : i32
    "tpu.region"() ({
      %run_scoped3A = tpu.sem_alloc : memref<!tpu.dma_semaphore, #tpu.memory_space<semaphore_mem>>
      %dma_start3A_302 = tpu.memref_slice %arg6[%add3A_276] : memref<640000xi32, #tpu.memory_space<hbm>> -> memref<80xi32, #tpu.memory_space<hbm>>
      %dma_start3A_303 = tpu.memref_slice %arg6[%add3A_276] : memref<640000xi32, #tpu.memory_space<hbm>> -> memref<80xi32, #tpu.memory_space<hbm>>
      tpu.enqueue_dma source(%arg11 : memref<80xi32, #tpu.memory_space<vmem>>) target(%dma_start3A_303 : memref<80xi32, #tpu.memory_space<hbm>>) target_semaphore(%run_scoped3A : memref<!tpu.dma_semaphore, #tpu.memory_space<semaphore_mem>>)
      %dma_wait3A_304 = tpu.memref_slice %arg6[%add3A_276] : memref<640000xi32, #tpu.memory_space<hbm>> -> memref<80xi32, #tpu.memory_space<hbm>>
      %dma_wait3A_305 = tpu.memref_slice %arg6[%add3A_276] : memref<640000xi32, #tpu.memory_space<hbm>> -> memref<80xi32, #tpu.memory_space<hbm>>
      tpu.wait_dma2 semaphore(%run_scoped3A : memref<!tpu.dma_semaphore, #tpu.memory_space<semaphore_mem>>) src(%arg11 : memref<80xi32, #tpu.memory_space<vmem>>) dst(%dma_wait3A_305 : memref<80xi32, #tpu.memory_space<hbm>>)
      tpu.yield
    }) : () -> ()
    %dma_start3A_277 = arith.constant 0 : i32
    %dma_start3A_278 = arith.constant 0 : i32
    %dma_start3A_279 = tpu.memref_slice %arg13[%dma_start3A_277, %dma_start3A_278] : memref<15008x128xf32, #tpu.memory_space<vmem_shared>> -> memref<15008x128xf32, #tpu.memory_space<vmem_shared>>
    tpu.enqueue_indirect_dma source(%arg12 : memref<80x128xf32, #tpu.memory_space<vmem>>) target(%dma_start3A_279 : memref<15008x128xf32, #tpu.memory_space<vmem_shared>>) offsets(%arg11 : memref<80xi32, #tpu.memory_space<vmem>>) semaphore(%arg15 : memref<!tpu.dma_semaphore, #tpu.memory_space<semaphore_mem>>) {add = true}
    %dma_wait3A = arith.constant 0 : i32
    %dma_wait3A_280 = arith.constant 0 : i32
    %dma_wait3A_281 = tpu.memref_slice %arg13[%dma_wait3A, %dma_wait3A_280] : memref<15008x128xf32, #tpu.memory_space<vmem_shared>> -> memref<80x128xf32, #tpu.memory_space<vmem_shared>>
    %dma_wait3A_282 = arith.constant 0 : i32
    %dma_wait3A_283 = arith.constant 0 : i32
    %dma_wait3A_284 = tpu.memref_slice %arg13[%dma_wait3A_282, %dma_wait3A_283] : memref<15008x128xf32, #tpu.memory_space<vmem_shared>> -> memref<80x128xf32, #tpu.memory_space<vmem_shared>>
    tpu.wait_dma2 semaphore(%arg14 : memref<!tpu.dma_semaphore, #tpu.memory_space<semaphore_mem>>) src(%arg12 : memref<80x128xf32, #tpu.memory_space<vmem>>) dst(%dma_wait3A_284 : memref<80x128xf32, #tpu.memory_space<vmem_shared>>)
    %dma_wait3A_285 = arith.constant 0 : i32
    %dma_wait3A_286 = arith.constant 0 : i32
    %dma_wait3A_287 = tpu.memref_slice %arg13[%dma_wait3A_285, %dma_wait3A_286] : memref<15008x128xf32, #tpu.memory_space<vmem_shared>> -> memref<80x128xf32, #tpu.memory_space<vmem_shared>>
    %dma_wait3A_288 = arith.constant 0 : i32
    %dma_wait3A_289 = arith.constant 0 : i32
    %dma_wait3A_290 = tpu.memref_slice %arg13[%dma_wait3A_288, %dma_wait3A_289] : memref<15008x128xf32, #tpu.memory_space<vmem_shared>> -> memref<80x128xf32, #tpu.memory_space<vmem_shared>>
    tpu.wait_dma2 semaphore(%arg15 : memref<!tpu.dma_semaphore, #tpu.memory_space<semaphore_mem>>) src(%arg12 : memref<80x128xf32, #tpu.memory_space<vmem>>) dst(%dma_wait3A_290 : memref<80x128xf32, #tpu.memory_space<vmem_shared>>)
    %barrier3A_291 = arith.constant 0 : index
    tpu.barrier barrier_id(%barrier3A_291)
    %lt3A_292 = arith.constant 15 : i32
    %lt3A_293 = arith.cmpi slt, %arg1, %lt3A_292 : i32
    %convert_element_type3A_294 = arith.extui %lt3A_293 : i1 to i32
    %cond3A_295 = arith.constant 0 : i32
    %cond3A_296 = arith.cmpi ne, %convert_element_type3A_294, %cond3A_295 : i32
    scf.if %cond3A_296 {
      %mul3A_302 = arith.constant 944 : i32
      %mul3A_303 = arith.muli %arg1, %mul3A_302 : i32
      %mul3A_304 = arith.constant 944 : i32
      %mul3A_305 = arith.muli %arg1, %mul3A_304 : i32
      "tpu.region"() ({
        %run_scoped3A = tpu.sem_alloc : memref<!tpu.dma_semaphore, #tpu.memory_space<semaphore_mem>>
        %dma_start3A_306 = arith.constant 0 : i32
        %dma_start3A_307 = tpu.memref_slice %arg7[%arg0, %mul3A_305, %dma_start3A_306] : memref<2x15008x128xf32, #tpu.memory_space<hbm>> -> memref<1x944x128xf32, #tpu.memory_space<hbm>>
        %dma_start3A_308 = tpu.memref_squeeze %dma_start3A_307 : memref<1x944x128xf32, #tpu.memory_space<hbm>> -> memref<944x128xf32, #tpu.memory_space<hbm>>
        %dma_start3A_309 = arith.constant 0 : i32
        %dma_start3A_310 = tpu.memref_slice %arg13[%mul3A_303, %dma_start3A_309] : memref<15008x128xf32, #tpu.memory_space<vmem_shared>> -> memref<944x128xf32, #tpu.memory_space<vmem_shared>>
        tpu.enqueue_dma source(%dma_start3A_310 : memref<944x128xf32, #tpu.memory_space<vmem_shared>>) target(%dma_start3A_308 : memref<944x128xf32, #tpu.memory_space<hbm>>) target_semaphore(%run_scoped3A : memref<!tpu.dma_semaphore, #tpu.memory_space<semaphore_mem>>)
        %dma_wait3A_311 = arith.constant 0 : i32
        %dma_wait3A_312 = tpu.memref_slice %arg7[%arg0, %mul3A_305, %dma_wait3A_311] : memref<2x15008x128xf32, #tpu.memory_space<hbm>> -> memref<1x944x128xf32, #tpu.memory_space<hbm>>
        %dma_wait3A_313 = tpu.memref_squeeze %dma_wait3A_312 : memref<1x944x128xf32, #tpu.memory_space<hbm>> -> memref<944x128xf32, #tpu.memory_space<hbm>>
        %dma_wait3A_314 = arith.constant 0 : i32
        %dma_wait3A_315 = tpu.memref_slice %arg13[%mul3A_303, %dma_wait3A_314] : memref<15008x128xf32, #tpu.memory_space<vmem_shared>> -> memref<944x128xf32, #tpu.memory_space<vmem_shared>>
        tpu.wait_dma2 semaphore(%run_scoped3A : memref<!tpu.dma_semaphore, #tpu.memory_space<semaphore_mem>>) src(%dma_wait3A_315 : memref<944x128xf32, #tpu.memory_space<vmem_shared>>) dst(%dma_wait3A_313 : memref<944x128xf32, #tpu.memory_space<hbm>>)
        tpu.yield
      }) : () -> ()
    } else {
    }
    %eq3A_297 = arith.constant 15 : i32
    %eq3A_298 = arith.cmpi eq, %arg1, %eq3A_297 : i32
    %convert_element_type3A_299 = arith.extui %eq3A_298 : i1 to i32
    %cond3A_300 = arith.constant 0 : i32
    %cond3A_301 = arith.cmpi ne, %convert_element_type3A_299, %cond3A_300 : i32
    scf.if %cond3A_301 {
      %mul3A_302 = arith.constant 944 : i32
      %mul3A_303 = arith.muli %arg1, %mul3A_302 : i32
      %mul3A_304 = arith.constant 944 : i32
      %mul3A_305 = arith.muli %arg1, %mul3A_304 : i32
      "tpu.region"() ({
        %run_scoped3A = tpu.sem_alloc : memref<!tpu.dma_semaphore, #tpu.memory_space<semaphore_mem>>
        %dma_start3A_306 = arith.constant 0 : i32
        %dma_start3A_307 = tpu.memref_slice %arg7[%arg0, %mul3A_305, %dma_start3A_306] : memref<2x15008x128xf32, #tpu.memory_space<hbm>> -> memref<1x848x128xf32, #tpu.memory_space<hbm>>
        %dma_start3A_308 = tpu.memref_squeeze %dma_start3A_307 : memref<1x848x128xf32, #tpu.memory_space<hbm>> -> memref<848x128xf32, #tpu.memory_space<hbm>>
        %dma_start3A_309 = arith.constant 0 : i32
        %dma_start3A_310 = tpu.memref_slice %arg13[%mul3A_303, %dma_start3A_309] : memref<15008x128xf32, #tpu.memory_space<vmem_shared>> -> memref<848x128xf32, #tpu.memory_space<vmem_shared>>
        tpu.enqueue_dma source(%dma_start3A_310 : memref<848x128xf32, #tpu.memory_space<vmem_shared>>) target(%dma_start3A_308 : memref<848x128xf32, #tpu.memory_space<hbm>>) target_semaphore(%run_scoped3A : memref<!tpu.dma_semaphore, #tpu.memory_space<semaphore_mem>>)
        %dma_wait3A_311 = arith.constant 0 : i32
        %dma_wait3A_312 = tpu.memref_slice %arg7[%arg0, %mul3A_305, %dma_wait3A_311] : memref<2x15008x128xf32, #tpu.memory_space<hbm>> -> memref<1x848x128xf32, #tpu.memory_space<hbm>>
        %dma_wait3A_313 = tpu.memref_squeeze %dma_wait3A_312 : memref<1x848x128xf32, #tpu.memory_space<hbm>> -> memref<848x128xf32, #tpu.memory_space<hbm>>
        %dma_wait3A_314 = arith.constant 0 : i32
        %dma_wait3A_315 = tpu.memref_slice %arg13[%mul3A_303, %dma_wait3A_314] : memref<15008x128xf32, #tpu.memory_space<vmem_shared>> -> memref<848x128xf32, #tpu.memory_space<vmem_shared>>
        tpu.wait_dma2 semaphore(%run_scoped3A : memref<!tpu.dma_semaphore, #tpu.memory_space<semaphore_mem>>) src(%dma_wait3A_315 : memref<848x128xf32, #tpu.memory_space<vmem_shared>>) dst(%dma_wait3A_313 : memref<848x128xf32, #tpu.memory_space<hbm>>)
        tpu.yield
      }) : () -> ()
    } else {
    }
    return
  }
}

#map = affine_map<(d0, d1) -> (0, 0)>
#map1 = affine_map<(d0, d1) -> (0)>
#map2 = affine_map<(d0, d1) -> (0, 0, 0)>
module attributes {stable_mosaic.version = 14 : i64} {
  func.func @_sc_agg(%arg0: i32, %arg1: i32, %arg2: memref<10000x128xf32, #tpu.memory_space<hbm>>, %arg3: memref<320000xi32, #tpu.memory_space<hbm>>, %arg4: memref<640000xi32, #tpu.memory_space<hbm>>, %arg5: memref<944x128xf32, #tpu.memory_space<hbm>>, %arg6: memref<2x15008x128xf32, #tpu.memory_space<hbm>>, %arg7: memref<40xi32, #tpu.memory_space<vmem>>, %arg8: memref<40xi32, #tpu.memory_space<vmem>>, %arg9: memref<40xi32, #tpu.memory_space<vmem>>, %arg10: memref<40xi32, #tpu.memory_space<vmem>>, %arg11: memref<40x128xf32, #tpu.memory_space<vmem>>, %arg12: memref<40x128xf32, #tpu.memory_space<vmem>>, %arg13: memref<15008x128xf32, #tpu.memory_space<vmem_shared>>, %arg14: memref<!tpu.dma_semaphore, #tpu.memory_space<semaphore_mem>>, %arg15: memref<!tpu.dma_semaphore, #tpu.memory_space<semaphore_mem>>) attributes {dimension_semantics = [#tpu.dimension_semantics<core_parallel>, #tpu.dimension_semantics<subcore_parallel>], iteration_bounds = array<i64: 2, 16>, scalar_prefetch = 0 : i64, scratch_operands = 9 : i64, tpu.core_type = #tpu.core_type<sc_vector_subcore>, window_params = [{transform_indices = #map}, {transform_indices = #map1}, {transform_indices = #map1}, {transform_indices = #map}, {transform_indices = #map2}]} {
    %lt3A = arith.constant 15 : i32
    %lt3A_0 = arith.cmpi slt, %arg1, %lt3A : i32
    %convert_element_type3A = arith.extui %lt3A_0 : i1 to i32
    %cond3A = arith.constant 0 : i32
    %cond3A_1 = arith.cmpi ne, %convert_element_type3A, %cond3A : i32
    scf.if %cond3A_1 {
      %mul3A_40 = arith.constant 944 : i32
      %mul3A_41 = arith.muli %arg1, %mul3A_40 : i32
      "tpu.region"() ({
        %run_scoped3A = tpu.sem_alloc : memref<!tpu.dma_semaphore, #tpu.memory_space<semaphore_mem>>
        %dma_start3A_42 = arith.constant 0 : i32
        %dma_start3A_43 = tpu.memref_slice %arg13[%mul3A_41, %dma_start3A_42] : memref<15008x128xf32, #tpu.memory_space<vmem_shared>> -> memref<944x128xf32, #tpu.memory_space<vmem_shared>>
        tpu.enqueue_dma source(%arg5 : memref<944x128xf32, #tpu.memory_space<hbm>>) target(%dma_start3A_43 : memref<944x128xf32, #tpu.memory_space<vmem_shared>>) target_semaphore(%run_scoped3A : memref<!tpu.dma_semaphore, #tpu.memory_space<semaphore_mem>>)
        %dma_wait3A_44 = arith.constant 0 : i32
        %dma_wait3A_45 = tpu.memref_slice %arg13[%mul3A_41, %dma_wait3A_44] : memref<15008x128xf32, #tpu.memory_space<vmem_shared>> -> memref<944x128xf32, #tpu.memory_space<vmem_shared>>
        tpu.wait_dma2 semaphore(%run_scoped3A : memref<!tpu.dma_semaphore, #tpu.memory_space<semaphore_mem>>) src(%arg5 : memref<944x128xf32, #tpu.memory_space<hbm>>) dst(%dma_wait3A_45 : memref<944x128xf32, #tpu.memory_space<vmem_shared>>)
        tpu.yield
      }) : () -> ()
    } else {
    }
    %eq3A = arith.constant 15 : i32
    %eq3A_2 = arith.cmpi eq, %arg1, %eq3A : i32
    %convert_element_type3A_3 = arith.extui %eq3A_2 : i1 to i32
    %cond3A_4 = arith.constant 0 : i32
    %cond3A_5 = arith.cmpi ne, %convert_element_type3A_3, %cond3A_4 : i32
    scf.if %cond3A_5 {
      %mul3A_40 = arith.constant 944 : i32
      %mul3A_41 = arith.muli %arg1, %mul3A_40 : i32
      "tpu.region"() ({
        %run_scoped3A = tpu.sem_alloc : memref<!tpu.dma_semaphore, #tpu.memory_space<semaphore_mem>>
        %dma_start3A_42 = arith.constant 0 : i32
        %dma_start3A_43 = tpu.memref_slice %arg13[%mul3A_41, %dma_start3A_42] : memref<15008x128xf32, #tpu.memory_space<vmem_shared>> -> memref<848x128xf32, #tpu.memory_space<vmem_shared>>
        %dma_start3A_44 = arith.constant 0 : i32
        %dma_start3A_45 = arith.constant 0 : i32
        %dma_start3A_46 = tpu.memref_slice %arg5[%dma_start3A_44, %dma_start3A_45] : memref<944x128xf32, #tpu.memory_space<hbm>> -> memref<848x128xf32, #tpu.memory_space<hbm>>
        tpu.enqueue_dma source(%dma_start3A_46 : memref<848x128xf32, #tpu.memory_space<hbm>>) target(%dma_start3A_43 : memref<848x128xf32, #tpu.memory_space<vmem_shared>>) target_semaphore(%run_scoped3A : memref<!tpu.dma_semaphore, #tpu.memory_space<semaphore_mem>>)
        %dma_wait3A_47 = arith.constant 0 : i32
        %dma_wait3A_48 = tpu.memref_slice %arg13[%mul3A_41, %dma_wait3A_47] : memref<15008x128xf32, #tpu.memory_space<vmem_shared>> -> memref<848x128xf32, #tpu.memory_space<vmem_shared>>
        %dma_wait3A_49 = arith.constant 0 : i32
        %dma_wait3A_50 = arith.constant 0 : i32
        %dma_wait3A_51 = tpu.memref_slice %arg5[%dma_wait3A_49, %dma_wait3A_50] : memref<944x128xf32, #tpu.memory_space<hbm>> -> memref<848x128xf32, #tpu.memory_space<hbm>>
        tpu.wait_dma2 semaphore(%run_scoped3A : memref<!tpu.dma_semaphore, #tpu.memory_space<semaphore_mem>>) src(%dma_wait3A_51 : memref<848x128xf32, #tpu.memory_space<hbm>>) dst(%dma_wait3A_48 : memref<848x128xf32, #tpu.memory_space<vmem_shared>>)
        tpu.yield
      }) : () -> ()
    } else {
    }
    %barrier3A = arith.constant 0 : index
    tpu.barrier barrier_id(%barrier3A)
    %mul3A = arith.constant 20000 : i32
    %mul3A_6 = arith.muli %arg1, %mul3A : i32
    "tpu.region"() ({
      %run_scoped3A = tpu.sem_alloc : memref<!tpu.dma_semaphore, #tpu.memory_space<semaphore_mem>>
      %dma_start3A_40 = tpu.memref_slice %arg3[%mul3A_6] : memref<320000xi32, #tpu.memory_space<hbm>> -> memref<40xi32, #tpu.memory_space<hbm>>
      %dma_start3A_41 = tpu.memref_slice %arg3[%mul3A_6] : memref<320000xi32, #tpu.memory_space<hbm>> -> memref<40xi32, #tpu.memory_space<hbm>>
      tpu.enqueue_dma source(%dma_start3A_41 : memref<40xi32, #tpu.memory_space<hbm>>) target(%arg7 : memref<40xi32, #tpu.memory_space<vmem>>) target_semaphore(%run_scoped3A : memref<!tpu.dma_semaphore, #tpu.memory_space<semaphore_mem>>)
      %dma_wait3A_42 = tpu.memref_slice %arg3[%mul3A_6] : memref<320000xi32, #tpu.memory_space<hbm>> -> memref<40xi32, #tpu.memory_space<hbm>>
      %dma_wait3A_43 = tpu.memref_slice %arg3[%mul3A_6] : memref<320000xi32, #tpu.memory_space<hbm>> -> memref<40xi32, #tpu.memory_space<hbm>>
      tpu.wait_dma2 semaphore(%run_scoped3A : memref<!tpu.dma_semaphore, #tpu.memory_space<semaphore_mem>>) src(%dma_wait3A_43 : memref<40xi32, #tpu.memory_space<hbm>>) dst(%arg7 : memref<40xi32, #tpu.memory_space<vmem>>)
      tpu.yield
    }) : () -> ()
    %mul3A_7 = arith.constant 320000 : i32
    %mul3A_8 = arith.muli %arg0, %mul3A_7 : i32
    %add3A = arith.addi %mul3A_8, %mul3A_6 : i32
    "tpu.region"() ({
      %run_scoped3A = tpu.sem_alloc : memref<!tpu.dma_semaphore, #tpu.memory_space<semaphore_mem>>
      %dma_start3A_40 = tpu.memref_slice %arg4[%add3A] : memref<640000xi32, #tpu.memory_space<hbm>> -> memref<40xi32, #tpu.memory_space<hbm>>
      %dma_start3A_41 = tpu.memref_slice %arg4[%add3A] : memref<640000xi32, #tpu.memory_space<hbm>> -> memref<40xi32, #tpu.memory_space<hbm>>
      tpu.enqueue_dma source(%dma_start3A_41 : memref<40xi32, #tpu.memory_space<hbm>>) target(%arg9 : memref<40xi32, #tpu.memory_space<vmem>>) target_semaphore(%run_scoped3A : memref<!tpu.dma_semaphore, #tpu.memory_space<semaphore_mem>>)
      %dma_wait3A_42 = tpu.memref_slice %arg4[%add3A] : memref<640000xi32, #tpu.memory_space<hbm>> -> memref<40xi32, #tpu.memory_space<hbm>>
      %dma_wait3A_43 = tpu.memref_slice %arg4[%add3A] : memref<640000xi32, #tpu.memory_space<hbm>> -> memref<40xi32, #tpu.memory_space<hbm>>
      tpu.wait_dma2 semaphore(%run_scoped3A : memref<!tpu.dma_semaphore, #tpu.memory_space<semaphore_mem>>) src(%dma_wait3A_43 : memref<40xi32, #tpu.memory_space<hbm>>) dst(%arg9 : memref<40xi32, #tpu.memory_space<vmem>>)
      tpu.yield
    }) : () -> ()
    %dma_start3A = arith.constant 0 : i32
    %dma_start3A_9 = arith.constant 0 : i32
    %dma_start3A_10 = tpu.memref_slice %arg2[%dma_start3A, %dma_start3A_9] : memref<10000x128xf32, #tpu.memory_space<hbm>> -> memref<10000x128xf32, #tpu.memory_space<hbm>>
    tpu.enqueue_indirect_dma source(%dma_start3A_10 : memref<10000x128xf32, #tpu.memory_space<hbm>>) target(%arg11 : memref<40x128xf32, #tpu.memory_space<vmem>>) offsets(%arg7 : memref<40xi32, #tpu.memory_space<vmem>>) semaphore(%arg14 : memref<!tpu.dma_semaphore, #tpu.memory_space<semaphore_mem>>)
    %scan3A = arith.constant 0 : i32
    %scan3A_11 = arith.constant 0 : i32
    %scan3A_12 = arith.constant 249 : i32
    %scan3A_13 = arith.addi %scan3A_11, %scan3A_12 : i32
    %scan3A_14 = arith.constant 1 : i32
    scf.for %scan3A_40 = %scan3A_11 to %scan3A_13 step %scan3A_14  : i32 {
      %mul3A_41 = arith.constant 2 : i32
      %mul3A_42 = arith.muli %mul3A_41, %scan3A_40 : i32
      %add3A_43 = arith.constant 1 : i32
      %add3A_44 = arith.addi %mul3A_42, %add3A_43 : i32
      %mul3A_45 = arith.constant 40 : i32
      %mul3A_46 = arith.muli %add3A_44, %mul3A_45 : i32
      %add3A_47 = arith.addi %mul3A_6, %mul3A_46 : i32
      %mul3A_48 = arith.constant 2 : i32
      %mul3A_49 = arith.muli %mul3A_48, %scan3A_40 : i32
      %add3A_50 = arith.constant 2 : i32
      %add3A_51 = arith.addi %mul3A_49, %add3A_50 : i32
      %mul3A_52 = arith.constant 40 : i32
      %mul3A_53 = arith.muli %add3A_51, %mul3A_52 : i32
      %add3A_54 = arith.addi %mul3A_6, %mul3A_53 : i32
      "tpu.region"() ({
        %run_scoped3A = tpu.sem_alloc : memref<!tpu.dma_semaphore, #tpu.memory_space<semaphore_mem>>
        %dma_start3A_73 = tpu.memref_slice %arg3[%add3A_47] : memref<320000xi32, #tpu.memory_space<hbm>> -> memref<40xi32, #tpu.memory_space<hbm>>
        %dma_start3A_74 = tpu.memref_slice %arg3[%add3A_47] : memref<320000xi32, #tpu.memory_space<hbm>> -> memref<40xi32, #tpu.memory_space<hbm>>
        tpu.enqueue_dma source(%dma_start3A_74 : memref<40xi32, #tpu.memory_space<hbm>>) target(%arg8 : memref<40xi32, #tpu.memory_space<vmem>>) target_semaphore(%run_scoped3A : memref<!tpu.dma_semaphore, #tpu.memory_space<semaphore_mem>>)
        %dma_wait3A_75 = tpu.memref_slice %arg3[%add3A_47] : memref<320000xi32, #tpu.memory_space<hbm>> -> memref<40xi32, #tpu.memory_space<hbm>>
        %dma_wait3A_76 = tpu.memref_slice %arg3[%add3A_47] : memref<320000xi32, #tpu.memory_space<hbm>> -> memref<40xi32, #tpu.memory_space<hbm>>
        tpu.wait_dma2 semaphore(%run_scoped3A : memref<!tpu.dma_semaphore, #tpu.memory_space<semaphore_mem>>) src(%dma_wait3A_76 : memref<40xi32, #tpu.memory_space<hbm>>) dst(%arg8 : memref<40xi32, #tpu.memory_space<vmem>>)
        tpu.yield
      }) : () -> ()
      %mul3A_55 = arith.constant 320000 : i32
      %mul3A_56 = arith.muli %arg0, %mul3A_55 : i32
      %add3A_57 = arith.addi %mul3A_56, %add3A_47 : i32
      "tpu.region"() ({
        %run_scoped3A = tpu.sem_alloc : memref<!tpu.dma_semaphore, #tpu.memory_space<semaphore_mem>>
        %dma_start3A_73 = tpu.memref_slice %arg4[%add3A_57] : memref<640000xi32, #tpu.memory_space<hbm>> -> memref<40xi32, #tpu.memory_space<hbm>>
        %dma_start3A_74 = tpu.memref_slice %arg4[%add3A_57] : memref<640000xi32, #tpu.memory_space<hbm>> -> memref<40xi32, #tpu.memory_space<hbm>>
        tpu.enqueue_dma source(%dma_start3A_74 : memref<40xi32, #tpu.memory_space<hbm>>) target(%arg10 : memref<40xi32, #tpu.memory_space<vmem>>) target_semaphore(%run_scoped3A : memref<!tpu.dma_semaphore, #tpu.memory_space<semaphore_mem>>)
        %dma_wait3A_75 = tpu.memref_slice %arg4[%add3A_57] : memref<640000xi32, #tpu.memory_space<hbm>> -> memref<40xi32, #tpu.memory_space<hbm>>
        %dma_wait3A_76 = tpu.memref_slice %arg4[%add3A_57] : memref<640000xi32, #tpu.memory_space<hbm>> -> memref<40xi32, #tpu.memory_space<hbm>>
        tpu.wait_dma2 semaphore(%run_scoped3A : memref<!tpu.dma_semaphore, #tpu.memory_space<semaphore_mem>>) src(%dma_wait3A_76 : memref<40xi32, #tpu.memory_space<hbm>>) dst(%arg10 : memref<40xi32, #tpu.memory_space<vmem>>)
        tpu.yield
      }) : () -> ()
      %dma_start3A_58 = arith.constant 0 : i32
      %dma_start3A_59 = arith.constant 0 : i32
      %dma_start3A_60 = tpu.memref_slice %arg2[%dma_start3A_58, %dma_start3A_59] : memref<10000x128xf32, #tpu.memory_space<hbm>> -> memref<10000x128xf32, #tpu.memory_space<hbm>>
      tpu.enqueue_indirect_dma source(%dma_start3A_60 : memref<10000x128xf32, #tpu.memory_space<hbm>>) target(%arg12 : memref<40x128xf32, #tpu.memory_space<vmem>>) offsets(%arg8 : memref<40xi32, #tpu.memory_space<vmem>>) semaphore(%arg15 : memref<!tpu.dma_semaphore, #tpu.memory_space<semaphore_mem>>)
      %dma_wait3A_61 = arith.constant 0 : i32
      %dma_wait3A_62 = arith.constant 0 : i32
      %dma_wait3A_63 = tpu.memref_slice %arg2[%dma_wait3A_61, %dma_wait3A_62] : memref<10000x128xf32, #tpu.memory_space<hbm>> -> memref<10000x128xf32, #tpu.memory_space<hbm>>
      tpu.wait_indirect_dma semaphore(%arg14 : memref<!tpu.dma_semaphore, #tpu.memory_space<semaphore_mem>>) src(%dma_wait3A_63 : memref<10000x128xf32, #tpu.memory_space<hbm>>) dst(%arg11 : memref<40x128xf32, #tpu.memory_space<vmem>>)
      "tpu.region"() ({
        %run_scoped3A = tpu.sem_alloc : memref<!tpu.dma_semaphore, #tpu.memory_space<semaphore_mem>>
        %dma_start3A_73 = arith.constant 0 : i32
        %dma_start3A_74 = arith.constant 0 : i32
        %dma_start3A_75 = tpu.memref_slice %arg13[%dma_start3A_73, %dma_start3A_74] : memref<15008x128xf32, #tpu.memory_space<vmem_shared>> -> memref<15008x128xf32, #tpu.memory_space<vmem_shared>>
        tpu.enqueue_indirect_dma source(%arg11 : memref<40x128xf32, #tpu.memory_space<vmem>>) target(%dma_start3A_75 : memref<15008x128xf32, #tpu.memory_space<vmem_shared>>) offsets(%arg9 : memref<40xi32, #tpu.memory_space<vmem>>) semaphore(%run_scoped3A : memref<!tpu.dma_semaphore, #tpu.memory_space<semaphore_mem>>) {add = true}
        %dma_wait3A_76 = arith.constant 0 : i32
        %dma_wait3A_77 = arith.constant 0 : i32
        %dma_wait3A_78 = tpu.memref_slice %arg13[%dma_wait3A_76, %dma_wait3A_77] : memref<15008x128xf32, #tpu.memory_space<vmem_shared>> -> memref<15008x128xf32, #tpu.memory_space<vmem_shared>>
        tpu.wait_indirect_dma semaphore(%run_scoped3A : memref<!tpu.dma_semaphore, #tpu.memory_space<semaphore_mem>>) src(%arg11 : memref<40x128xf32, #tpu.memory_space<vmem>>) dst(%dma_wait3A_78 : memref<15008x128xf32, #tpu.memory_space<vmem_shared>>)
        tpu.yield
      }) : () -> ()
      "tpu.region"() ({
        %run_scoped3A = tpu.sem_alloc : memref<!tpu.dma_semaphore, #tpu.memory_space<semaphore_mem>>
        %dma_start3A_73 = tpu.memref_slice %arg3[%add3A_54] : memref<320000xi32, #tpu.memory_space<hbm>> -> memref<40xi32, #tpu.memory_space<hbm>>
        %dma_start3A_74 = tpu.memref_slice %arg3[%add3A_54] : memref<320000xi32, #tpu.memory_space<hbm>> -> memref<40xi32, #tpu.memory_space<hbm>>
        tpu.enqueue_dma source(%dma_start3A_74 : memref<40xi32, #tpu.memory_space<hbm>>) target(%arg7 : memref<40xi32, #tpu.memory_space<vmem>>) target_semaphore(%run_scoped3A : memref<!tpu.dma_semaphore, #tpu.memory_space<semaphore_mem>>)
        %dma_wait3A_75 = tpu.memref_slice %arg3[%add3A_54] : memref<320000xi32, #tpu.memory_space<hbm>> -> memref<40xi32, #tpu.memory_space<hbm>>
        %dma_wait3A_76 = tpu.memref_slice %arg3[%add3A_54] : memref<320000xi32, #tpu.memory_space<hbm>> -> memref<40xi32, #tpu.memory_space<hbm>>
        tpu.wait_dma2 semaphore(%run_scoped3A : memref<!tpu.dma_semaphore, #tpu.memory_space<semaphore_mem>>) src(%dma_wait3A_76 : memref<40xi32, #tpu.memory_space<hbm>>) dst(%arg7 : memref<40xi32, #tpu.memory_space<vmem>>)
        tpu.yield
      }) : () -> ()
      %mul3A_64 = arith.constant 320000 : i32
      %mul3A_65 = arith.muli %arg0, %mul3A_64 : i32
      %add3A_66 = arith.addi %mul3A_65, %add3A_54 : i32
      "tpu.region"() ({
        %run_scoped3A = tpu.sem_alloc : memref<!tpu.dma_semaphore, #tpu.memory_space<semaphore_mem>>
        %dma_start3A_73 = tpu.memref_slice %arg4[%add3A_66] : memref<640000xi32, #tpu.memory_space<hbm>> -> memref<40xi32, #tpu.memory_space<hbm>>
        %dma_start3A_74 = tpu.memref_slice %arg4[%add3A_66] : memref<640000xi32, #tpu.memory_space<hbm>> -> memref<40xi32, #tpu.memory_space<hbm>>
        tpu.enqueue_dma source(%dma_start3A_74 : memref<40xi32, #tpu.memory_space<hbm>>) target(%arg9 : memref<40xi32, #tpu.memory_space<vmem>>) target_semaphore(%run_scoped3A : memref<!tpu.dma_semaphore, #tpu.memory_space<semaphore_mem>>)
        %dma_wait3A_75 = tpu.memref_slice %arg4[%add3A_66] : memref<640000xi32, #tpu.memory_space<hbm>> -> memref<40xi32, #tpu.memory_space<hbm>>
        %dma_wait3A_76 = tpu.memref_slice %arg4[%add3A_66] : memref<640000xi32, #tpu.memory_space<hbm>> -> memref<40xi32, #tpu.memory_space<hbm>>
        tpu.wait_dma2 semaphore(%run_scoped3A : memref<!tpu.dma_semaphore, #tpu.memory_space<semaphore_mem>>) src(%dma_wait3A_76 : memref<40xi32, #tpu.memory_space<hbm>>) dst(%arg9 : memref<40xi32, #tpu.memory_space<vmem>>)
        tpu.yield
      }) : () -> ()
      %dma_start3A_67 = arith.constant 0 : i32
      %dma_start3A_68 = arith.constant 0 : i32
      %dma_start3A_69 = tpu.memref_slice %arg2[%dma_start3A_67, %dma_start3A_68] : memref<10000x128xf32, #tpu.memory_space<hbm>> -> memref<10000x128xf32, #tpu.memory_space<hbm>>
      tpu.enqueue_indirect_dma source(%dma_start3A_69 : memref<10000x128xf32, #tpu.memory_space<hbm>>) target(%arg11 : memref<40x128xf32, #tpu.memory_space<vmem>>) offsets(%arg7 : memref<40xi32, #tpu.memory_space<vmem>>) semaphore(%arg14 : memref<!tpu.dma_semaphore, #tpu.memory_space<semaphore_mem>>)
      %dma_wait3A_70 = arith.constant 0 : i32
      %dma_wait3A_71 = arith.constant 0 : i32
      %dma_wait3A_72 = tpu.memref_slice %arg2[%dma_wait3A_70, %dma_wait3A_71] : memref<10000x128xf32, #tpu.memory_space<hbm>> -> memref<10000x128xf32, #tpu.memory_space<hbm>>
      tpu.wait_indirect_dma semaphore(%arg15 : memref<!tpu.dma_semaphore, #tpu.memory_space<semaphore_mem>>) src(%dma_wait3A_72 : memref<10000x128xf32, #tpu.memory_space<hbm>>) dst(%arg12 : memref<40x128xf32, #tpu.memory_space<vmem>>)
      "tpu.region"() ({
        %run_scoped3A = tpu.sem_alloc : memref<!tpu.dma_semaphore, #tpu.memory_space<semaphore_mem>>
        %dma_start3A_73 = arith.constant 0 : i32
        %dma_start3A_74 = arith.constant 0 : i32
        %dma_start3A_75 = tpu.memref_slice %arg13[%dma_start3A_73, %dma_start3A_74] : memref<15008x128xf32, #tpu.memory_space<vmem_shared>> -> memref<15008x128xf32, #tpu.memory_space<vmem_shared>>
        tpu.enqueue_indirect_dma source(%arg12 : memref<40x128xf32, #tpu.memory_space<vmem>>) target(%dma_start3A_75 : memref<15008x128xf32, #tpu.memory_space<vmem_shared>>) offsets(%arg10 : memref<40xi32, #tpu.memory_space<vmem>>) semaphore(%run_scoped3A : memref<!tpu.dma_semaphore, #tpu.memory_space<semaphore_mem>>) {add = true}
        %dma_wait3A_76 = arith.constant 0 : i32
        %dma_wait3A_77 = arith.constant 0 : i32
        %dma_wait3A_78 = tpu.memref_slice %arg13[%dma_wait3A_76, %dma_wait3A_77] : memref<15008x128xf32, #tpu.memory_space<vmem_shared>> -> memref<15008x128xf32, #tpu.memory_space<vmem_shared>>
        tpu.wait_indirect_dma semaphore(%run_scoped3A : memref<!tpu.dma_semaphore, #tpu.memory_space<semaphore_mem>>) src(%arg12 : memref<40x128xf32, #tpu.memory_space<vmem>>) dst(%dma_wait3A_78 : memref<15008x128xf32, #tpu.memory_space<vmem_shared>>)
        tpu.yield
      }) : () -> ()
    }
    %scan3A_15 = arith.constant 249 : i32
    %add3A_16 = arith.constant 19960 : i32
    %add3A_17 = arith.addi %mul3A_6, %add3A_16 : i32
    "tpu.region"() ({
      %run_scoped3A = tpu.sem_alloc : memref<!tpu.dma_semaphore, #tpu.memory_space<semaphore_mem>>
      %dma_start3A_40 = tpu.memref_slice %arg3[%add3A_17] : memref<320000xi32, #tpu.memory_space<hbm>> -> memref<40xi32, #tpu.memory_space<hbm>>
      %dma_start3A_41 = tpu.memref_slice %arg3[%add3A_17] : memref<320000xi32, #tpu.memory_space<hbm>> -> memref<40xi32, #tpu.memory_space<hbm>>
      tpu.enqueue_dma source(%dma_start3A_41 : memref<40xi32, #tpu.memory_space<hbm>>) target(%arg8 : memref<40xi32, #tpu.memory_space<vmem>>) target_semaphore(%run_scoped3A : memref<!tpu.dma_semaphore, #tpu.memory_space<semaphore_mem>>)
      %dma_wait3A_42 = tpu.memref_slice %arg3[%add3A_17] : memref<320000xi32, #tpu.memory_space<hbm>> -> memref<40xi32, #tpu.memory_space<hbm>>
      %dma_wait3A_43 = tpu.memref_slice %arg3[%add3A_17] : memref<320000xi32, #tpu.memory_space<hbm>> -> memref<40xi32, #tpu.memory_space<hbm>>
      tpu.wait_dma2 semaphore(%run_scoped3A : memref<!tpu.dma_semaphore, #tpu.memory_space<semaphore_mem>>) src(%dma_wait3A_43 : memref<40xi32, #tpu.memory_space<hbm>>) dst(%arg8 : memref<40xi32, #tpu.memory_space<vmem>>)
      tpu.yield
    }) : () -> ()
    %mul3A_18 = arith.constant 320000 : i32
    %mul3A_19 = arith.muli %arg0, %mul3A_18 : i32
    %add3A_20 = arith.addi %mul3A_19, %add3A_17 : i32
    "tpu.region"() ({
      %run_scoped3A = tpu.sem_alloc : memref<!tpu.dma_semaphore, #tpu.memory_space<semaphore_mem>>
      %dma_start3A_40 = tpu.memref_slice %arg4[%add3A_20] : memref<640000xi32, #tpu.memory_space<hbm>> -> memref<40xi32, #tpu.memory_space<hbm>>
      %dma_start3A_41 = tpu.memref_slice %arg4[%add3A_20] : memref<640000xi32, #tpu.memory_space<hbm>> -> memref<40xi32, #tpu.memory_space<hbm>>
      tpu.enqueue_dma source(%dma_start3A_41 : memref<40xi32, #tpu.memory_space<hbm>>) target(%arg10 : memref<40xi32, #tpu.memory_space<vmem>>) target_semaphore(%run_scoped3A : memref<!tpu.dma_semaphore, #tpu.memory_space<semaphore_mem>>)
      %dma_wait3A_42 = tpu.memref_slice %arg4[%add3A_20] : memref<640000xi32, #tpu.memory_space<hbm>> -> memref<40xi32, #tpu.memory_space<hbm>>
      %dma_wait3A_43 = tpu.memref_slice %arg4[%add3A_20] : memref<640000xi32, #tpu.memory_space<hbm>> -> memref<40xi32, #tpu.memory_space<hbm>>
      tpu.wait_dma2 semaphore(%run_scoped3A : memref<!tpu.dma_semaphore, #tpu.memory_space<semaphore_mem>>) src(%dma_wait3A_43 : memref<40xi32, #tpu.memory_space<hbm>>) dst(%arg10 : memref<40xi32, #tpu.memory_space<vmem>>)
      tpu.yield
    }) : () -> ()
    %dma_start3A_21 = arith.constant 0 : i32
    %dma_start3A_22 = arith.constant 0 : i32
    %dma_start3A_23 = tpu.memref_slice %arg2[%dma_start3A_21, %dma_start3A_22] : memref<10000x128xf32, #tpu.memory_space<hbm>> -> memref<10000x128xf32, #tpu.memory_space<hbm>>
    tpu.enqueue_indirect_dma source(%dma_start3A_23 : memref<10000x128xf32, #tpu.memory_space<hbm>>) target(%arg12 : memref<40x128xf32, #tpu.memory_space<vmem>>) offsets(%arg8 : memref<40xi32, #tpu.memory_space<vmem>>) semaphore(%arg15 : memref<!tpu.dma_semaphore, #tpu.memory_space<semaphore_mem>>)
    %dma_wait3A = arith.constant 0 : i32
    %dma_wait3A_24 = arith.constant 0 : i32
    %dma_wait3A_25 = tpu.memref_slice %arg2[%dma_wait3A, %dma_wait3A_24] : memref<10000x128xf32, #tpu.memory_space<hbm>> -> memref<10000x128xf32, #tpu.memory_space<hbm>>
    tpu.wait_indirect_dma semaphore(%arg14 : memref<!tpu.dma_semaphore, #tpu.memory_space<semaphore_mem>>) src(%dma_wait3A_25 : memref<10000x128xf32, #tpu.memory_space<hbm>>) dst(%arg11 : memref<40x128xf32, #tpu.memory_space<vmem>>)
    "tpu.region"() ({
      %run_scoped3A = tpu.sem_alloc : memref<!tpu.dma_semaphore, #tpu.memory_space<semaphore_mem>>
      %dma_start3A_40 = arith.constant 0 : i32
      %dma_start3A_41 = arith.constant 0 : i32
      %dma_start3A_42 = tpu.memref_slice %arg13[%dma_start3A_40, %dma_start3A_41] : memref<15008x128xf32, #tpu.memory_space<vmem_shared>> -> memref<15008x128xf32, #tpu.memory_space<vmem_shared>>
      tpu.enqueue_indirect_dma source(%arg11 : memref<40x128xf32, #tpu.memory_space<vmem>>) target(%dma_start3A_42 : memref<15008x128xf32, #tpu.memory_space<vmem_shared>>) offsets(%arg9 : memref<40xi32, #tpu.memory_space<vmem>>) semaphore(%run_scoped3A : memref<!tpu.dma_semaphore, #tpu.memory_space<semaphore_mem>>) {add = true}
      %dma_wait3A_43 = arith.constant 0 : i32
      %dma_wait3A_44 = arith.constant 0 : i32
      %dma_wait3A_45 = tpu.memref_slice %arg13[%dma_wait3A_43, %dma_wait3A_44] : memref<15008x128xf32, #tpu.memory_space<vmem_shared>> -> memref<15008x128xf32, #tpu.memory_space<vmem_shared>>
      tpu.wait_indirect_dma semaphore(%run_scoped3A : memref<!tpu.dma_semaphore, #tpu.memory_space<semaphore_mem>>) src(%arg11 : memref<40x128xf32, #tpu.memory_space<vmem>>) dst(%dma_wait3A_45 : memref<15008x128xf32, #tpu.memory_space<vmem_shared>>)
      tpu.yield
    }) : () -> ()
    %dma_wait3A_26 = arith.constant 0 : i32
    %dma_wait3A_27 = arith.constant 0 : i32
    %dma_wait3A_28 = tpu.memref_slice %arg2[%dma_wait3A_26, %dma_wait3A_27] : memref<10000x128xf32, #tpu.memory_space<hbm>> -> memref<10000x128xf32, #tpu.memory_space<hbm>>
    tpu.wait_indirect_dma semaphore(%arg15 : memref<!tpu.dma_semaphore, #tpu.memory_space<semaphore_mem>>) src(%dma_wait3A_28 : memref<10000x128xf32, #tpu.memory_space<hbm>>) dst(%arg12 : memref<40x128xf32, #tpu.memory_space<vmem>>)
    "tpu.region"() ({
      %run_scoped3A = tpu.sem_alloc : memref<!tpu.dma_semaphore, #tpu.memory_space<semaphore_mem>>
      %dma_start3A_40 = arith.constant 0 : i32
      %dma_start3A_41 = arith.constant 0 : i32
      %dma_start3A_42 = tpu.memref_slice %arg13[%dma_start3A_40, %dma_start3A_41] : memref<15008x128xf32, #tpu.memory_space<vmem_shared>> -> memref<15008x128xf32, #tpu.memory_space<vmem_shared>>
      tpu.enqueue_indirect_dma source(%arg12 : memref<40x128xf32, #tpu.memory_space<vmem>>) target(%dma_start3A_42 : memref<15008x128xf32, #tpu.memory_space<vmem_shared>>) offsets(%arg10 : memref<40xi32, #tpu.memory_space<vmem>>) semaphore(%run_scoped3A : memref<!tpu.dma_semaphore, #tpu.memory_space<semaphore_mem>>) {add = true}
      %dma_wait3A_43 = arith.constant 0 : i32
      %dma_wait3A_44 = arith.constant 0 : i32
      %dma_wait3A_45 = tpu.memref_slice %arg13[%dma_wait3A_43, %dma_wait3A_44] : memref<15008x128xf32, #tpu.memory_space<vmem_shared>> -> memref<15008x128xf32, #tpu.memory_space<vmem_shared>>
      tpu.wait_indirect_dma semaphore(%run_scoped3A : memref<!tpu.dma_semaphore, #tpu.memory_space<semaphore_mem>>) src(%arg12 : memref<40x128xf32, #tpu.memory_space<vmem>>) dst(%dma_wait3A_45 : memref<15008x128xf32, #tpu.memory_space<vmem_shared>>)
      tpu.yield
    }) : () -> ()
    %barrier3A_29 = arith.constant 0 : index
    tpu.barrier barrier_id(%barrier3A_29)
    %lt3A_30 = arith.constant 15 : i32
    %lt3A_31 = arith.cmpi slt, %arg1, %lt3A_30 : i32
    %convert_element_type3A_32 = arith.extui %lt3A_31 : i1 to i32
    %cond3A_33 = arith.constant 0 : i32
    %cond3A_34 = arith.cmpi ne, %convert_element_type3A_32, %cond3A_33 : i32
    scf.if %cond3A_34 {
      %mul3A_40 = arith.constant 944 : i32
      %mul3A_41 = arith.muli %arg1, %mul3A_40 : i32
      %mul3A_42 = arith.constant 944 : i32
      %mul3A_43 = arith.muli %arg1, %mul3A_42 : i32
      "tpu.region"() ({
        %run_scoped3A = tpu.sem_alloc : memref<!tpu.dma_semaphore, #tpu.memory_space<semaphore_mem>>
        %dma_start3A_44 = arith.constant 0 : i32
        %dma_start3A_45 = tpu.memref_slice %arg6[%arg0, %mul3A_43, %dma_start3A_44] : memref<2x15008x128xf32, #tpu.memory_space<hbm>> -> memref<1x944x128xf32, #tpu.memory_space<hbm>>
        %dma_start3A_46 = tpu.memref_squeeze %dma_start3A_45 : memref<1x944x128xf32, #tpu.memory_space<hbm>> -> memref<944x128xf32, #tpu.memory_space<hbm>>
        %dma_start3A_47 = arith.constant 0 : i32
        %dma_start3A_48 = tpu.memref_slice %arg13[%mul3A_41, %dma_start3A_47] : memref<15008x128xf32, #tpu.memory_space<vmem_shared>> -> memref<944x128xf32, #tpu.memory_space<vmem_shared>>
        tpu.enqueue_dma source(%dma_start3A_48 : memref<944x128xf32, #tpu.memory_space<vmem_shared>>) target(%dma_start3A_46 : memref<944x128xf32, #tpu.memory_space<hbm>>) target_semaphore(%run_scoped3A : memref<!tpu.dma_semaphore, #tpu.memory_space<semaphore_mem>>)
        %dma_wait3A_49 = arith.constant 0 : i32
        %dma_wait3A_50 = tpu.memref_slice %arg6[%arg0, %mul3A_43, %dma_wait3A_49] : memref<2x15008x128xf32, #tpu.memory_space<hbm>> -> memref<1x944x128xf32, #tpu.memory_space<hbm>>
        %dma_wait3A_51 = tpu.memref_squeeze %dma_wait3A_50 : memref<1x944x128xf32, #tpu.memory_space<hbm>> -> memref<944x128xf32, #tpu.memory_space<hbm>>
        %dma_wait3A_52 = arith.constant 0 : i32
        %dma_wait3A_53 = tpu.memref_slice %arg13[%mul3A_41, %dma_wait3A_52] : memref<15008x128xf32, #tpu.memory_space<vmem_shared>> -> memref<944x128xf32, #tpu.memory_space<vmem_shared>>
        tpu.wait_dma2 semaphore(%run_scoped3A : memref<!tpu.dma_semaphore, #tpu.memory_space<semaphore_mem>>) src(%dma_wait3A_53 : memref<944x128xf32, #tpu.memory_space<vmem_shared>>) dst(%dma_wait3A_51 : memref<944x128xf32, #tpu.memory_space<hbm>>)
        tpu.yield
      }) : () -> ()
    } else {
    }
    %eq3A_35 = arith.constant 15 : i32
    %eq3A_36 = arith.cmpi eq, %arg1, %eq3A_35 : i32
    %convert_element_type3A_37 = arith.extui %eq3A_36 : i1 to i32
    %cond3A_38 = arith.constant 0 : i32
    %cond3A_39 = arith.cmpi ne, %convert_element_type3A_37, %cond3A_38 : i32
    scf.if %cond3A_39 {
      %mul3A_40 = arith.constant 944 : i32
      %mul3A_41 = arith.muli %arg1, %mul3A_40 : i32
      %mul3A_42 = arith.constant 944 : i32
      %mul3A_43 = arith.muli %arg1, %mul3A_42 : i32
      "tpu.region"() ({
        %run_scoped3A = tpu.sem_alloc : memref<!tpu.dma_semaphore, #tpu.memory_space<semaphore_mem>>
        %dma_start3A_44 = arith.constant 0 : i32
        %dma_start3A_45 = tpu.memref_slice %arg6[%arg0, %mul3A_43, %dma_start3A_44] : memref<2x15008x128xf32, #tpu.memory_space<hbm>> -> memref<1x848x128xf32, #tpu.memory_space<hbm>>
        %dma_start3A_46 = tpu.memref_squeeze %dma_start3A_45 : memref<1x848x128xf32, #tpu.memory_space<hbm>> -> memref<848x128xf32, #tpu.memory_space<hbm>>
        %dma_start3A_47 = arith.constant 0 : i32
        %dma_start3A_48 = tpu.memref_slice %arg13[%mul3A_41, %dma_start3A_47] : memref<15008x128xf32, #tpu.memory_space<vmem_shared>> -> memref<848x128xf32, #tpu.memory_space<vmem_shared>>
        tpu.enqueue_dma source(%dma_start3A_48 : memref<848x128xf32, #tpu.memory_space<vmem_shared>>) target(%dma_start3A_46 : memref<848x128xf32, #tpu.memory_space<hbm>>) target_semaphore(%run_scoped3A : memref<!tpu.dma_semaphore, #tpu.memory_space<semaphore_mem>>)
        %dma_wait3A_49 = arith.constant 0 : i32
        %dma_wait3A_50 = tpu.memref_slice %arg6[%arg0, %mul3A_43, %dma_wait3A_49] : memref<2x15008x128xf32, #tpu.memory_space<hbm>> -> memref<1x848x128xf32, #tpu.memory_space<hbm>>
        %dma_wait3A_51 = tpu.memref_squeeze %dma_wait3A_50 : memref<1x848x128xf32, #tpu.memory_space<hbm>> -> memref<848x128xf32, #tpu.memory_space<hbm>>
        %dma_wait3A_52 = arith.constant 0 : i32
        %dma_wait3A_53 = tpu.memref_slice %arg13[%mul3A_41, %dma_wait3A_52] : memref<15008x128xf32, #tpu.memory_space<vmem_shared>> -> memref<848x128xf32, #tpu.memory_space<vmem_shared>>
        tpu.wait_dma2 semaphore(%run_scoped3A : memref<!tpu.dma_semaphore, #tpu.memory_space<semaphore_mem>>) src(%dma_wait3A_53 : memref<848x128xf32, #tpu.memory_space<vmem_shared>>) dst(%dma_wait3A_51 : memref<848x128xf32, #tpu.memory_space<hbm>>)
        tpu.yield
      }) : () -> ()
    } else {
    }
    return
  }
}

#map = affine_map<(d0, d1) -> (0, 0)>
#map1 = affine_map<(d0, d1) -> (0)>
#map2 = affine_map<(d0, d1) -> (0, 0, 0)>
module attributes {stable_mosaic.version = 14 : i64} {
  func.func @_sc_agg(%arg0: i32, %arg1: i32, %arg2: memref<10000x128xf32, #tpu.memory_space<hbm>>, %arg3: memref<320000xi32, #tpu.memory_space<hbm>>, %arg4: memref<640000xi32, #tpu.memory_space<hbm>>, %arg5: memref<944x128xf32, #tpu.memory_space<hbm>>, %arg6: memref<2x15008x128xf32, #tpu.memory_space<hbm>>, %arg7: memref<40xi32, #tpu.memory_space<vmem>>, %arg8: memref<40xi32, #tpu.memory_space<vmem>>, %arg9: memref<40xi32, #tpu.memory_space<vmem>>, %arg10: memref<40xi32, #tpu.memory_space<vmem>>, %arg11: memref<40x128xf32, #tpu.memory_space<vmem>>, %arg12: memref<40x128xf32, #tpu.memory_space<vmem>>, %arg13: memref<15008x128xf32, #tpu.memory_space<vmem_shared>>, %arg14: memref<!tpu.dma_semaphore, #tpu.memory_space<semaphore_mem>>, %arg15: memref<!tpu.dma_semaphore, #tpu.memory_space<semaphore_mem>>) attributes {dimension_semantics = [#tpu.dimension_semantics<core_parallel>, #tpu.dimension_semantics<subcore_parallel>], iteration_bounds = array<i64: 2, 16>, scalar_prefetch = 0 : i64, scratch_operands = 9 : i64, tpu.core_type = #tpu.core_type<sc_vector_subcore>, window_params = [{transform_indices = #map}, {transform_indices = #map1}, {transform_indices = #map1}, {transform_indices = #map}, {transform_indices = #map2}]} {
    %lt3A = arith.constant 15 : i32
    %lt3A_0 = arith.cmpi slt, %arg1, %lt3A : i32
    %convert_element_type3A = arith.extui %lt3A_0 : i1 to i32
    %cond3A = arith.constant 0 : i32
    %cond3A_1 = arith.cmpi ne, %convert_element_type3A, %cond3A : i32
    scf.if %cond3A_1 {
      %mul3A_40 = arith.constant 944 : i32
      %mul3A_41 = arith.muli %arg1, %mul3A_40 : i32
      "tpu.region"() ({
        %run_scoped3A = tpu.sem_alloc : memref<!tpu.dma_semaphore, #tpu.memory_space<semaphore_mem>>
        %dma_start3A_42 = arith.constant 0 : i32
        %dma_start3A_43 = tpu.memref_slice %arg13[%mul3A_41, %dma_start3A_42] : memref<15008x128xf32, #tpu.memory_space<vmem_shared>> -> memref<944x128xf32, #tpu.memory_space<vmem_shared>>
        tpu.enqueue_dma source(%arg5 : memref<944x128xf32, #tpu.memory_space<hbm>>) target(%dma_start3A_43 : memref<944x128xf32, #tpu.memory_space<vmem_shared>>) target_semaphore(%run_scoped3A : memref<!tpu.dma_semaphore, #tpu.memory_space<semaphore_mem>>)
        %dma_wait3A_44 = arith.constant 0 : i32
        %dma_wait3A_45 = tpu.memref_slice %arg13[%mul3A_41, %dma_wait3A_44] : memref<15008x128xf32, #tpu.memory_space<vmem_shared>> -> memref<944x128xf32, #tpu.memory_space<vmem_shared>>
        tpu.wait_dma2 semaphore(%run_scoped3A : memref<!tpu.dma_semaphore, #tpu.memory_space<semaphore_mem>>) src(%arg5 : memref<944x128xf32, #tpu.memory_space<hbm>>) dst(%dma_wait3A_45 : memref<944x128xf32, #tpu.memory_space<vmem_shared>>)
        tpu.yield
      }) : () -> ()
    } else {
    }
    %eq3A = arith.constant 15 : i32
    %eq3A_2 = arith.cmpi eq, %arg1, %eq3A : i32
    %convert_element_type3A_3 = arith.extui %eq3A_2 : i1 to i32
    %cond3A_4 = arith.constant 0 : i32
    %cond3A_5 = arith.cmpi ne, %convert_element_type3A_3, %cond3A_4 : i32
    scf.if %cond3A_5 {
      %mul3A_40 = arith.constant 944 : i32
      %mul3A_41 = arith.muli %arg1, %mul3A_40 : i32
      "tpu.region"() ({
        %run_scoped3A = tpu.sem_alloc : memref<!tpu.dma_semaphore, #tpu.memory_space<semaphore_mem>>
        %dma_start3A_42 = arith.constant 0 : i32
        %dma_start3A_43 = tpu.memref_slice %arg13[%mul3A_41, %dma_start3A_42] : memref<15008x128xf32, #tpu.memory_space<vmem_shared>> -> memref<848x128xf32, #tpu.memory_space<vmem_shared>>
        %dma_start3A_44 = arith.constant 0 : i32
        %dma_start3A_45 = arith.constant 0 : i32
        %dma_start3A_46 = tpu.memref_slice %arg5[%dma_start3A_44, %dma_start3A_45] : memref<944x128xf32, #tpu.memory_space<hbm>> -> memref<848x128xf32, #tpu.memory_space<hbm>>
        tpu.enqueue_dma source(%dma_start3A_46 : memref<848x128xf32, #tpu.memory_space<hbm>>) target(%dma_start3A_43 : memref<848x128xf32, #tpu.memory_space<vmem_shared>>) target_semaphore(%run_scoped3A : memref<!tpu.dma_semaphore, #tpu.memory_space<semaphore_mem>>)
        %dma_wait3A_47 = arith.constant 0 : i32
        %dma_wait3A_48 = tpu.memref_slice %arg13[%mul3A_41, %dma_wait3A_47] : memref<15008x128xf32, #tpu.memory_space<vmem_shared>> -> memref<848x128xf32, #tpu.memory_space<vmem_shared>>
        %dma_wait3A_49 = arith.constant 0 : i32
        %dma_wait3A_50 = arith.constant 0 : i32
        %dma_wait3A_51 = tpu.memref_slice %arg5[%dma_wait3A_49, %dma_wait3A_50] : memref<944x128xf32, #tpu.memory_space<hbm>> -> memref<848x128xf32, #tpu.memory_space<hbm>>
        tpu.wait_dma2 semaphore(%run_scoped3A : memref<!tpu.dma_semaphore, #tpu.memory_space<semaphore_mem>>) src(%dma_wait3A_51 : memref<848x128xf32, #tpu.memory_space<hbm>>) dst(%dma_wait3A_48 : memref<848x128xf32, #tpu.memory_space<vmem_shared>>)
        tpu.yield
      }) : () -> ()
    } else {
    }
    %barrier3A = arith.constant 0 : index
    tpu.barrier barrier_id(%barrier3A)
    %mul3A = arith.constant 20000 : i32
    %mul3A_6 = arith.muli %arg1, %mul3A : i32
    "tpu.region"() ({
      %run_scoped3A = tpu.sem_alloc : memref<!tpu.dma_semaphore, #tpu.memory_space<semaphore_mem>>
      %dma_start3A_40 = tpu.memref_slice %arg3[%mul3A_6] : memref<320000xi32, #tpu.memory_space<hbm>> -> memref<40xi32, #tpu.memory_space<hbm>>
      %dma_start3A_41 = tpu.memref_slice %arg3[%mul3A_6] : memref<320000xi32, #tpu.memory_space<hbm>> -> memref<40xi32, #tpu.memory_space<hbm>>
      tpu.enqueue_dma source(%dma_start3A_41 : memref<40xi32, #tpu.memory_space<hbm>>) target(%arg7 : memref<40xi32, #tpu.memory_space<vmem>>) target_semaphore(%run_scoped3A : memref<!tpu.dma_semaphore, #tpu.memory_space<semaphore_mem>>)
      %dma_wait3A_42 = tpu.memref_slice %arg3[%mul3A_6] : memref<320000xi32, #tpu.memory_space<hbm>> -> memref<40xi32, #tpu.memory_space<hbm>>
      %dma_wait3A_43 = tpu.memref_slice %arg3[%mul3A_6] : memref<320000xi32, #tpu.memory_space<hbm>> -> memref<40xi32, #tpu.memory_space<hbm>>
      tpu.wait_dma2 semaphore(%run_scoped3A : memref<!tpu.dma_semaphore, #tpu.memory_space<semaphore_mem>>) src(%dma_wait3A_43 : memref<40xi32, #tpu.memory_space<hbm>>) dst(%arg7 : memref<40xi32, #tpu.memory_space<vmem>>)
      tpu.yield
    }) : () -> ()
    %mul3A_7 = arith.constant 320000 : i32
    %mul3A_8 = arith.muli %arg0, %mul3A_7 : i32
    %add3A = arith.addi %mul3A_8, %mul3A_6 : i32
    "tpu.region"() ({
      %run_scoped3A = tpu.sem_alloc : memref<!tpu.dma_semaphore, #tpu.memory_space<semaphore_mem>>
      %dma_start3A_40 = tpu.memref_slice %arg4[%add3A] : memref<640000xi32, #tpu.memory_space<hbm>> -> memref<40xi32, #tpu.memory_space<hbm>>
      %dma_start3A_41 = tpu.memref_slice %arg4[%add3A] : memref<640000xi32, #tpu.memory_space<hbm>> -> memref<40xi32, #tpu.memory_space<hbm>>
      tpu.enqueue_dma source(%dma_start3A_41 : memref<40xi32, #tpu.memory_space<hbm>>) target(%arg9 : memref<40xi32, #tpu.memory_space<vmem>>) target_semaphore(%run_scoped3A : memref<!tpu.dma_semaphore, #tpu.memory_space<semaphore_mem>>)
      %dma_wait3A_42 = tpu.memref_slice %arg4[%add3A] : memref<640000xi32, #tpu.memory_space<hbm>> -> memref<40xi32, #tpu.memory_space<hbm>>
      %dma_wait3A_43 = tpu.memref_slice %arg4[%add3A] : memref<640000xi32, #tpu.memory_space<hbm>> -> memref<40xi32, #tpu.memory_space<hbm>>
      tpu.wait_dma2 semaphore(%run_scoped3A : memref<!tpu.dma_semaphore, #tpu.memory_space<semaphore_mem>>) src(%dma_wait3A_43 : memref<40xi32, #tpu.memory_space<hbm>>) dst(%arg9 : memref<40xi32, #tpu.memory_space<vmem>>)
      tpu.yield
    }) : () -> ()
    %dma_start3A = arith.constant 0 : i32
    %dma_start3A_9 = arith.constant 0 : i32
    %dma_start3A_10 = tpu.memref_slice %arg2[%dma_start3A, %dma_start3A_9] : memref<10000x128xf32, #tpu.memory_space<hbm>> -> memref<10000x128xf32, #tpu.memory_space<hbm>>
    tpu.enqueue_indirect_dma source(%dma_start3A_10 : memref<10000x128xf32, #tpu.memory_space<hbm>>) target(%arg11 : memref<40x128xf32, #tpu.memory_space<vmem>>) offsets(%arg7 : memref<40xi32, #tpu.memory_space<vmem>>) semaphore(%arg14 : memref<!tpu.dma_semaphore, #tpu.memory_space<semaphore_mem>>)
    %scan3A = arith.constant 0 : i32
    %scan3A_11 = arith.constant 0 : i32
    %scan3A_12 = arith.constant 249 : i32
    %scan3A_13 = arith.addi %scan3A_11, %scan3A_12 : i32
    %scan3A_14 = arith.constant 1 : i32
    scf.for %scan3A_40 = %scan3A_11 to %scan3A_13 step %scan3A_14  : i32 {
      %mul3A_41 = arith.constant 2 : i32
      %mul3A_42 = arith.muli %mul3A_41, %scan3A_40 : i32
      %add3A_43 = arith.constant 1 : i32
      %add3A_44 = arith.addi %mul3A_42, %add3A_43 : i32
      %mul3A_45 = arith.constant 40 : i32
      %mul3A_46 = arith.muli %add3A_44, %mul3A_45 : i32
      %add3A_47 = arith.addi %mul3A_6, %mul3A_46 : i32
      %mul3A_48 = arith.constant 2 : i32
      %mul3A_49 = arith.muli %mul3A_48, %scan3A_40 : i32
      %add3A_50 = arith.constant 2 : i32
      %add3A_51 = arith.addi %mul3A_49, %add3A_50 : i32
      %mul3A_52 = arith.constant 40 : i32
      %mul3A_53 = arith.muli %add3A_51, %mul3A_52 : i32
      %add3A_54 = arith.addi %mul3A_6, %mul3A_53 : i32
      "tpu.region"() ({
        %run_scoped3A = tpu.sem_alloc : memref<!tpu.dma_semaphore, #tpu.memory_space<semaphore_mem>>
        %dma_start3A_73 = tpu.memref_slice %arg3[%add3A_47] : memref<320000xi32, #tpu.memory_space<hbm>> -> memref<40xi32, #tpu.memory_space<hbm>>
        %dma_start3A_74 = tpu.memref_slice %arg3[%add3A_47] : memref<320000xi32, #tpu.memory_space<hbm>> -> memref<40xi32, #tpu.memory_space<hbm>>
        tpu.enqueue_dma source(%dma_start3A_74 : memref<40xi32, #tpu.memory_space<hbm>>) target(%arg8 : memref<40xi32, #tpu.memory_space<vmem>>) target_semaphore(%run_scoped3A : memref<!tpu.dma_semaphore, #tpu.memory_space<semaphore_mem>>)
        %dma_wait3A_75 = tpu.memref_slice %arg3[%add3A_47] : memref<320000xi32, #tpu.memory_space<hbm>> -> memref<40xi32, #tpu.memory_space<hbm>>
        %dma_wait3A_76 = tpu.memref_slice %arg3[%add3A_47] : memref<320000xi32, #tpu.memory_space<hbm>> -> memref<40xi32, #tpu.memory_space<hbm>>
        tpu.wait_dma2 semaphore(%run_scoped3A : memref<!tpu.dma_semaphore, #tpu.memory_space<semaphore_mem>>) src(%dma_wait3A_76 : memref<40xi32, #tpu.memory_space<hbm>>) dst(%arg8 : memref<40xi32, #tpu.memory_space<vmem>>)
        tpu.yield
      }) : () -> ()
      %mul3A_55 = arith.constant 320000 : i32
      %mul3A_56 = arith.muli %arg0, %mul3A_55 : i32
      %add3A_57 = arith.addi %mul3A_56, %add3A_47 : i32
      "tpu.region"() ({
        %run_scoped3A = tpu.sem_alloc : memref<!tpu.dma_semaphore, #tpu.memory_space<semaphore_mem>>
        %dma_start3A_73 = tpu.memref_slice %arg4[%add3A_57] : memref<640000xi32, #tpu.memory_space<hbm>> -> memref<40xi32, #tpu.memory_space<hbm>>
        %dma_start3A_74 = tpu.memref_slice %arg4[%add3A_57] : memref<640000xi32, #tpu.memory_space<hbm>> -> memref<40xi32, #tpu.memory_space<hbm>>
        tpu.enqueue_dma source(%dma_start3A_74 : memref<40xi32, #tpu.memory_space<hbm>>) target(%arg10 : memref<40xi32, #tpu.memory_space<vmem>>) target_semaphore(%run_scoped3A : memref<!tpu.dma_semaphore, #tpu.memory_space<semaphore_mem>>)
        %dma_wait3A_75 = tpu.memref_slice %arg4[%add3A_57] : memref<640000xi32, #tpu.memory_space<hbm>> -> memref<40xi32, #tpu.memory_space<hbm>>
        %dma_wait3A_76 = tpu.memref_slice %arg4[%add3A_57] : memref<640000xi32, #tpu.memory_space<hbm>> -> memref<40xi32, #tpu.memory_space<hbm>>
        tpu.wait_dma2 semaphore(%run_scoped3A : memref<!tpu.dma_semaphore, #tpu.memory_space<semaphore_mem>>) src(%dma_wait3A_76 : memref<40xi32, #tpu.memory_space<hbm>>) dst(%arg10 : memref<40xi32, #tpu.memory_space<vmem>>)
        tpu.yield
      }) : () -> ()
      %dma_start3A_58 = arith.constant 0 : i32
      %dma_start3A_59 = arith.constant 0 : i32
      %dma_start3A_60 = tpu.memref_slice %arg2[%dma_start3A_58, %dma_start3A_59] : memref<10000x128xf32, #tpu.memory_space<hbm>> -> memref<10000x128xf32, #tpu.memory_space<hbm>>
      tpu.enqueue_indirect_dma source(%dma_start3A_60 : memref<10000x128xf32, #tpu.memory_space<hbm>>) target(%arg12 : memref<40x128xf32, #tpu.memory_space<vmem>>) offsets(%arg8 : memref<40xi32, #tpu.memory_space<vmem>>) semaphore(%arg15 : memref<!tpu.dma_semaphore, #tpu.memory_space<semaphore_mem>>)
      %dma_wait3A_61 = arith.constant 0 : i32
      %dma_wait3A_62 = arith.constant 0 : i32
      %dma_wait3A_63 = tpu.memref_slice %arg2[%dma_wait3A_61, %dma_wait3A_62] : memref<10000x128xf32, #tpu.memory_space<hbm>> -> memref<10000x128xf32, #tpu.memory_space<hbm>>
      tpu.wait_indirect_dma semaphore(%arg14 : memref<!tpu.dma_semaphore, #tpu.memory_space<semaphore_mem>>) src(%dma_wait3A_63 : memref<10000x128xf32, #tpu.memory_space<hbm>>) dst(%arg11 : memref<40x128xf32, #tpu.memory_space<vmem>>)
      "tpu.region"() ({
        %run_scoped3A = tpu.sem_alloc : memref<!tpu.dma_semaphore, #tpu.memory_space<semaphore_mem>>
        %dma_start3A_73 = arith.constant 0 : i32
        %dma_start3A_74 = arith.constant 0 : i32
        %dma_start3A_75 = tpu.memref_slice %arg13[%dma_start3A_73, %dma_start3A_74] : memref<15008x128xf32, #tpu.memory_space<vmem_shared>> -> memref<15008x128xf32, #tpu.memory_space<vmem_shared>>
        tpu.enqueue_indirect_dma source(%arg11 : memref<40x128xf32, #tpu.memory_space<vmem>>) target(%dma_start3A_75 : memref<15008x128xf32, #tpu.memory_space<vmem_shared>>) offsets(%arg9 : memref<40xi32, #tpu.memory_space<vmem>>) semaphore(%run_scoped3A : memref<!tpu.dma_semaphore, #tpu.memory_space<semaphore_mem>>) {add = true}
        %dma_wait3A_76 = arith.constant 0 : i32
        %dma_wait3A_77 = arith.constant 0 : i32
        %dma_wait3A_78 = tpu.memref_slice %arg13[%dma_wait3A_76, %dma_wait3A_77] : memref<15008x128xf32, #tpu.memory_space<vmem_shared>> -> memref<15008x128xf32, #tpu.memory_space<vmem_shared>>
        tpu.wait_indirect_dma semaphore(%run_scoped3A : memref<!tpu.dma_semaphore, #tpu.memory_space<semaphore_mem>>) src(%arg11 : memref<40x128xf32, #tpu.memory_space<vmem>>) dst(%dma_wait3A_78 : memref<15008x128xf32, #tpu.memory_space<vmem_shared>>)
        tpu.yield
      }) : () -> ()
      "tpu.region"() ({
        %run_scoped3A = tpu.sem_alloc : memref<!tpu.dma_semaphore, #tpu.memory_space<semaphore_mem>>
        %dma_start3A_73 = tpu.memref_slice %arg3[%add3A_54] : memref<320000xi32, #tpu.memory_space<hbm>> -> memref<40xi32, #tpu.memory_space<hbm>>
        %dma_start3A_74 = tpu.memref_slice %arg3[%add3A_54] : memref<320000xi32, #tpu.memory_space<hbm>> -> memref<40xi32, #tpu.memory_space<hbm>>
        tpu.enqueue_dma source(%dma_start3A_74 : memref<40xi32, #tpu.memory_space<hbm>>) target(%arg7 : memref<40xi32, #tpu.memory_space<vmem>>) target_semaphore(%run_scoped3A : memref<!tpu.dma_semaphore, #tpu.memory_space<semaphore_mem>>)
        %dma_wait3A_75 = tpu.memref_slice %arg3[%add3A_54] : memref<320000xi32, #tpu.memory_space<hbm>> -> memref<40xi32, #tpu.memory_space<hbm>>
        %dma_wait3A_76 = tpu.memref_slice %arg3[%add3A_54] : memref<320000xi32, #tpu.memory_space<hbm>> -> memref<40xi32, #tpu.memory_space<hbm>>
        tpu.wait_dma2 semaphore(%run_scoped3A : memref<!tpu.dma_semaphore, #tpu.memory_space<semaphore_mem>>) src(%dma_wait3A_76 : memref<40xi32, #tpu.memory_space<hbm>>) dst(%arg7 : memref<40xi32, #tpu.memory_space<vmem>>)
        tpu.yield
      }) : () -> ()
      %mul3A_64 = arith.constant 320000 : i32
      %mul3A_65 = arith.muli %arg0, %mul3A_64 : i32
      %add3A_66 = arith.addi %mul3A_65, %add3A_54 : i32
      "tpu.region"() ({
        %run_scoped3A = tpu.sem_alloc : memref<!tpu.dma_semaphore, #tpu.memory_space<semaphore_mem>>
        %dma_start3A_73 = tpu.memref_slice %arg4[%add3A_66] : memref<640000xi32, #tpu.memory_space<hbm>> -> memref<40xi32, #tpu.memory_space<hbm>>
        %dma_start3A_74 = tpu.memref_slice %arg4[%add3A_66] : memref<640000xi32, #tpu.memory_space<hbm>> -> memref<40xi32, #tpu.memory_space<hbm>>
        tpu.enqueue_dma source(%dma_start3A_74 : memref<40xi32, #tpu.memory_space<hbm>>) target(%arg9 : memref<40xi32, #tpu.memory_space<vmem>>) target_semaphore(%run_scoped3A : memref<!tpu.dma_semaphore, #tpu.memory_space<semaphore_mem>>)
        %dma_wait3A_75 = tpu.memref_slice %arg4[%add3A_66] : memref<640000xi32, #tpu.memory_space<hbm>> -> memref<40xi32, #tpu.memory_space<hbm>>
        %dma_wait3A_76 = tpu.memref_slice %arg4[%add3A_66] : memref<640000xi32, #tpu.memory_space<hbm>> -> memref<40xi32, #tpu.memory_space<hbm>>
        tpu.wait_dma2 semaphore(%run_scoped3A : memref<!tpu.dma_semaphore, #tpu.memory_space<semaphore_mem>>) src(%dma_wait3A_76 : memref<40xi32, #tpu.memory_space<hbm>>) dst(%arg9 : memref<40xi32, #tpu.memory_space<vmem>>)
        tpu.yield
      }) : () -> ()
      %dma_start3A_67 = arith.constant 0 : i32
      %dma_start3A_68 = arith.constant 0 : i32
      %dma_start3A_69 = tpu.memref_slice %arg2[%dma_start3A_67, %dma_start3A_68] : memref<10000x128xf32, #tpu.memory_space<hbm>> -> memref<10000x128xf32, #tpu.memory_space<hbm>>
      tpu.enqueue_indirect_dma source(%dma_start3A_69 : memref<10000x128xf32, #tpu.memory_space<hbm>>) target(%arg11 : memref<40x128xf32, #tpu.memory_space<vmem>>) offsets(%arg7 : memref<40xi32, #tpu.memory_space<vmem>>) semaphore(%arg14 : memref<!tpu.dma_semaphore, #tpu.memory_space<semaphore_mem>>)
      %dma_wait3A_70 = arith.constant 0 : i32
      %dma_wait3A_71 = arith.constant 0 : i32
      %dma_wait3A_72 = tpu.memref_slice %arg2[%dma_wait3A_70, %dma_wait3A_71] : memref<10000x128xf32, #tpu.memory_space<hbm>> -> memref<10000x128xf32, #tpu.memory_space<hbm>>
      tpu.wait_indirect_dma semaphore(%arg15 : memref<!tpu.dma_semaphore, #tpu.memory_space<semaphore_mem>>) src(%dma_wait3A_72 : memref<10000x128xf32, #tpu.memory_space<hbm>>) dst(%arg12 : memref<40x128xf32, #tpu.memory_space<vmem>>)
      "tpu.region"() ({
        %run_scoped3A = tpu.sem_alloc : memref<!tpu.dma_semaphore, #tpu.memory_space<semaphore_mem>>
        %dma_start3A_73 = arith.constant 0 : i32
        %dma_start3A_74 = arith.constant 0 : i32
        %dma_start3A_75 = tpu.memref_slice %arg13[%dma_start3A_73, %dma_start3A_74] : memref<15008x128xf32, #tpu.memory_space<vmem_shared>> -> memref<15008x128xf32, #tpu.memory_space<vmem_shared>>
        tpu.enqueue_indirect_dma source(%arg12 : memref<40x128xf32, #tpu.memory_space<vmem>>) target(%dma_start3A_75 : memref<15008x128xf32, #tpu.memory_space<vmem_shared>>) offsets(%arg10 : memref<40xi32, #tpu.memory_space<vmem>>) semaphore(%run_scoped3A : memref<!tpu.dma_semaphore, #tpu.memory_space<semaphore_mem>>) {add = true}
        %dma_wait3A_76 = arith.constant 0 : i32
        %dma_wait3A_77 = arith.constant 0 : i32
        %dma_wait3A_78 = tpu.memref_slice %arg13[%dma_wait3A_76, %dma_wait3A_77] : memref<15008x128xf32, #tpu.memory_space<vmem_shared>> -> memref<15008x128xf32, #tpu.memory_space<vmem_shared>>
        tpu.wait_indirect_dma semaphore(%run_scoped3A : memref<!tpu.dma_semaphore, #tpu.memory_space<semaphore_mem>>) src(%arg12 : memref<40x128xf32, #tpu.memory_space<vmem>>) dst(%dma_wait3A_78 : memref<15008x128xf32, #tpu.memory_space<vmem_shared>>)
        tpu.yield
      }) : () -> ()
    }
    %scan3A_15 = arith.constant 249 : i32
    %add3A_16 = arith.constant 19960 : i32
    %add3A_17 = arith.addi %mul3A_6, %add3A_16 : i32
    "tpu.region"() ({
      %run_scoped3A = tpu.sem_alloc : memref<!tpu.dma_semaphore, #tpu.memory_space<semaphore_mem>>
      %dma_start3A_40 = tpu.memref_slice %arg3[%add3A_17] : memref<320000xi32, #tpu.memory_space<hbm>> -> memref<40xi32, #tpu.memory_space<hbm>>
      %dma_start3A_41 = tpu.memref_slice %arg3[%add3A_17] : memref<320000xi32, #tpu.memory_space<hbm>> -> memref<40xi32, #tpu.memory_space<hbm>>
      tpu.enqueue_dma source(%dma_start3A_41 : memref<40xi32, #tpu.memory_space<hbm>>) target(%arg8 : memref<40xi32, #tpu.memory_space<vmem>>) target_semaphore(%run_scoped3A : memref<!tpu.dma_semaphore, #tpu.memory_space<semaphore_mem>>)
      %dma_wait3A_42 = tpu.memref_slice %arg3[%add3A_17] : memref<320000xi32, #tpu.memory_space<hbm>> -> memref<40xi32, #tpu.memory_space<hbm>>
      %dma_wait3A_43 = tpu.memref_slice %arg3[%add3A_17] : memref<320000xi32, #tpu.memory_space<hbm>> -> memref<40xi32, #tpu.memory_space<hbm>>
      tpu.wait_dma2 semaphore(%run_scoped3A : memref<!tpu.dma_semaphore, #tpu.memory_space<semaphore_mem>>) src(%dma_wait3A_43 : memref<40xi32, #tpu.memory_space<hbm>>) dst(%arg8 : memref<40xi32, #tpu.memory_space<vmem>>)
      tpu.yield
    }) : () -> ()
    %mul3A_18 = arith.constant 320000 : i32
    %mul3A_19 = arith.muli %arg0, %mul3A_18 : i32
    %add3A_20 = arith.addi %mul3A_19, %add3A_17 : i32
    "tpu.region"() ({
      %run_scoped3A = tpu.sem_alloc : memref<!tpu.dma_semaphore, #tpu.memory_space<semaphore_mem>>
      %dma_start3A_40 = tpu.memref_slice %arg4[%add3A_20] : memref<640000xi32, #tpu.memory_space<hbm>> -> memref<40xi32, #tpu.memory_space<hbm>>
      %dma_start3A_41 = tpu.memref_slice %arg4[%add3A_20] : memref<640000xi32, #tpu.memory_space<hbm>> -> memref<40xi32, #tpu.memory_space<hbm>>
      tpu.enqueue_dma source(%dma_start3A_41 : memref<40xi32, #tpu.memory_space<hbm>>) target(%arg10 : memref<40xi32, #tpu.memory_space<vmem>>) target_semaphore(%run_scoped3A : memref<!tpu.dma_semaphore, #tpu.memory_space<semaphore_mem>>)
      %dma_wait3A_42 = tpu.memref_slice %arg4[%add3A_20] : memref<640000xi32, #tpu.memory_space<hbm>> -> memref<40xi32, #tpu.memory_space<hbm>>
      %dma_wait3A_43 = tpu.memref_slice %arg4[%add3A_20] : memref<640000xi32, #tpu.memory_space<hbm>> -> memref<40xi32, #tpu.memory_space<hbm>>
      tpu.wait_dma2 semaphore(%run_scoped3A : memref<!tpu.dma_semaphore, #tpu.memory_space<semaphore_mem>>) src(%dma_wait3A_43 : memref<40xi32, #tpu.memory_space<hbm>>) dst(%arg10 : memref<40xi32, #tpu.memory_space<vmem>>)
      tpu.yield
    }) : () -> ()
    %dma_start3A_21 = arith.constant 0 : i32
    %dma_start3A_22 = arith.constant 0 : i32
    %dma_start3A_23 = tpu.memref_slice %arg2[%dma_start3A_21, %dma_start3A_22] : memref<10000x128xf32, #tpu.memory_space<hbm>> -> memref<10000x128xf32, #tpu.memory_space<hbm>>
    tpu.enqueue_indirect_dma source(%dma_start3A_23 : memref<10000x128xf32, #tpu.memory_space<hbm>>) target(%arg12 : memref<40x128xf32, #tpu.memory_space<vmem>>) offsets(%arg8 : memref<40xi32, #tpu.memory_space<vmem>>) semaphore(%arg15 : memref<!tpu.dma_semaphore, #tpu.memory_space<semaphore_mem>>)
    %dma_wait3A = arith.constant 0 : i32
    %dma_wait3A_24 = arith.constant 0 : i32
    %dma_wait3A_25 = tpu.memref_slice %arg2[%dma_wait3A, %dma_wait3A_24] : memref<10000x128xf32, #tpu.memory_space<hbm>> -> memref<10000x128xf32, #tpu.memory_space<hbm>>
    tpu.wait_indirect_dma semaphore(%arg14 : memref<!tpu.dma_semaphore, #tpu.memory_space<semaphore_mem>>) src(%dma_wait3A_25 : memref<10000x128xf32, #tpu.memory_space<hbm>>) dst(%arg11 : memref<40x128xf32, #tpu.memory_space<vmem>>)
    "tpu.region"() ({
      %run_scoped3A = tpu.sem_alloc : memref<!tpu.dma_semaphore, #tpu.memory_space<semaphore_mem>>
      %dma_start3A_40 = arith.constant 0 : i32
      %dma_start3A_41 = arith.constant 0 : i32
      %dma_start3A_42 = tpu.memref_slice %arg13[%dma_start3A_40, %dma_start3A_41] : memref<15008x128xf32, #tpu.memory_space<vmem_shared>> -> memref<15008x128xf32, #tpu.memory_space<vmem_shared>>
      tpu.enqueue_indirect_dma source(%arg11 : memref<40x128xf32, #tpu.memory_space<vmem>>) target(%dma_start3A_42 : memref<15008x128xf32, #tpu.memory_space<vmem_shared>>) offsets(%arg9 : memref<40xi32, #tpu.memory_space<vmem>>) semaphore(%run_scoped3A : memref<!tpu.dma_semaphore, #tpu.memory_space<semaphore_mem>>) {add = true}
      %dma_wait3A_43 = arith.constant 0 : i32
      %dma_wait3A_44 = arith.constant 0 : i32
      %dma_wait3A_45 = tpu.memref_slice %arg13[%dma_wait3A_43, %dma_wait3A_44] : memref<15008x128xf32, #tpu.memory_space<vmem_shared>> -> memref<15008x128xf32, #tpu.memory_space<vmem_shared>>
      tpu.wait_indirect_dma semaphore(%run_scoped3A : memref<!tpu.dma_semaphore, #tpu.memory_space<semaphore_mem>>) src(%arg11 : memref<40x128xf32, #tpu.memory_space<vmem>>) dst(%dma_wait3A_45 : memref<15008x128xf32, #tpu.memory_space<vmem_shared>>)
      tpu.yield
    }) : () -> ()
    %dma_wait3A_26 = arith.constant 0 : i32
    %dma_wait3A_27 = arith.constant 0 : i32
    %dma_wait3A_28 = tpu.memref_slice %arg2[%dma_wait3A_26, %dma_wait3A_27] : memref<10000x128xf32, #tpu.memory_space<hbm>> -> memref<10000x128xf32, #tpu.memory_space<hbm>>
    tpu.wait_indirect_dma semaphore(%arg15 : memref<!tpu.dma_semaphore, #tpu.memory_space<semaphore_mem>>) src(%dma_wait3A_28 : memref<10000x128xf32, #tpu.memory_space<hbm>>) dst(%arg12 : memref<40x128xf32, #tpu.memory_space<vmem>>)
    "tpu.region"() ({
      %run_scoped3A = tpu.sem_alloc : memref<!tpu.dma_semaphore, #tpu.memory_space<semaphore_mem>>
      %dma_start3A_40 = arith.constant 0 : i32
      %dma_start3A_41 = arith.constant 0 : i32
      %dma_start3A_42 = tpu.memref_slice %arg13[%dma_start3A_40, %dma_start3A_41] : memref<15008x128xf32, #tpu.memory_space<vmem_shared>> -> memref<15008x128xf32, #tpu.memory_space<vmem_shared>>
      tpu.enqueue_indirect_dma source(%arg12 : memref<40x128xf32, #tpu.memory_space<vmem>>) target(%dma_start3A_42 : memref<15008x128xf32, #tpu.memory_space<vmem_shared>>) offsets(%arg10 : memref<40xi32, #tpu.memory_space<vmem>>) semaphore(%run_scoped3A : memref<!tpu.dma_semaphore, #tpu.memory_space<semaphore_mem>>) {add = true}
      %dma_wait3A_43 = arith.constant 0 : i32
      %dma_wait3A_44 = arith.constant 0 : i32
      %dma_wait3A_45 = tpu.memref_slice %arg13[%dma_wait3A_43, %dma_wait3A_44] : memref<15008x128xf32, #tpu.memory_space<vmem_shared>> -> memref<15008x128xf32, #tpu.memory_space<vmem_shared>>
      tpu.wait_indirect_dma semaphore(%run_scoped3A : memref<!tpu.dma_semaphore, #tpu.memory_space<semaphore_mem>>) src(%arg12 : memref<40x128xf32, #tpu.memory_space<vmem>>) dst(%dma_wait3A_45 : memref<15008x128xf32, #tpu.memory_space<vmem_shared>>)
      tpu.yield
    }) : () -> ()
    %barrier3A_29 = arith.constant 0 : index
    tpu.barrier barrier_id(%barrier3A_29)
    %lt3A_30 = arith.constant 15 : i32
    %lt3A_31 = arith.cmpi slt, %arg1, %lt3A_30 : i32
    %convert_element_type3A_32 = arith.extui %lt3A_31 : i1 to i32
    %cond3A_33 = arith.constant 0 : i32
    %cond3A_34 = arith.cmpi ne, %convert_element_type3A_32, %cond3A_33 : i32
    scf.if %cond3A_34 {
      %mul3A_40 = arith.constant 944 : i32
      %mul3A_41 = arith.muli %arg1, %mul3A_40 : i32
      %mul3A_42 = arith.constant 944 : i32
      %mul3A_43 = arith.muli %arg1, %mul3A_42 : i32
      "tpu.region"() ({
        %run_scoped3A = tpu.sem_alloc : memref<!tpu.dma_semaphore, #tpu.memory_space<semaphore_mem>>
        %dma_start3A_44 = arith.constant 0 : i32
        %dma_start3A_45 = tpu.memref_slice %arg6[%arg0, %mul3A_43, %dma_start3A_44] : memref<2x15008x128xf32, #tpu.memory_space<hbm>> -> memref<1x944x128xf32, #tpu.memory_space<hbm>>
        %dma_start3A_46 = tpu.memref_squeeze %dma_start3A_45 : memref<1x944x128xf32, #tpu.memory_space<hbm>> -> memref<944x128xf32, #tpu.memory_space<hbm>>
        %dma_start3A_47 = arith.constant 0 : i32
        %dma_start3A_48 = tpu.memref_slice %arg13[%mul3A_41, %dma_start3A_47] : memref<15008x128xf32, #tpu.memory_space<vmem_shared>> -> memref<944x128xf32, #tpu.memory_space<vmem_shared>>
        tpu.enqueue_dma source(%dma_start3A_48 : memref<944x128xf32, #tpu.memory_space<vmem_shared>>) target(%dma_start3A_46 : memref<944x128xf32, #tpu.memory_space<hbm>>) target_semaphore(%run_scoped3A : memref<!tpu.dma_semaphore, #tpu.memory_space<semaphore_mem>>)
        %dma_wait3A_49 = arith.constant 0 : i32
        %dma_wait3A_50 = tpu.memref_slice %arg6[%arg0, %mul3A_43, %dma_wait3A_49] : memref<2x15008x128xf32, #tpu.memory_space<hbm>> -> memref<1x944x128xf32, #tpu.memory_space<hbm>>
        %dma_wait3A_51 = tpu.memref_squeeze %dma_wait3A_50 : memref<1x944x128xf32, #tpu.memory_space<hbm>> -> memref<944x128xf32, #tpu.memory_space<hbm>>
        %dma_wait3A_52 = arith.constant 0 : i32
        %dma_wait3A_53 = tpu.memref_slice %arg13[%mul3A_41, %dma_wait3A_52] : memref<15008x128xf32, #tpu.memory_space<vmem_shared>> -> memref<944x128xf32, #tpu.memory_space<vmem_shared>>
        tpu.wait_dma2 semaphore(%run_scoped3A : memref<!tpu.dma_semaphore, #tpu.memory_space<semaphore_mem>>) src(%dma_wait3A_53 : memref<944x128xf32, #tpu.memory_space<vmem_shared>>) dst(%dma_wait3A_51 : memref<944x128xf32, #tpu.memory_space<hbm>>)
        tpu.yield
      }) : () -> ()
    } else {
    }
    %eq3A_35 = arith.constant 15 : i32
    %eq3A_36 = arith.cmpi eq, %arg1, %eq3A_35 : i32
    %convert_element_type3A_37 = arith.extui %eq3A_36 : i1 to i32
    %cond3A_38 = arith.constant 0 : i32
    %cond3A_39 = arith.cmpi ne, %convert_element_type3A_37, %cond3A_38 : i32
    scf.if %cond3A_39 {
      %mul3A_40 = arith.constant 944 : i32
      %mul3A_41 = arith.muli %arg1, %mul3A_40 : i32
      %mul3A_42 = arith.constant 944 : i32
      %mul3A_43 = arith.muli %arg1, %mul3A_42 : i32
      "tpu.region"() ({
        %run_scoped3A = tpu.sem_alloc : memref<!tpu.dma_semaphore, #tpu.memory_space<semaphore_mem>>
        %dma_start3A_44 = arith.constant 0 : i32
        %dma_start3A_45 = tpu.memref_slice %arg6[%arg0, %mul3A_43, %dma_start3A_44] : memref<2x15008x128xf32, #tpu.memory_space<hbm>> -> memref<1x848x128xf32, #tpu.memory_space<hbm>>
        %dma_start3A_46 = tpu.memref_squeeze %dma_start3A_45 : memref<1x848x128xf32, #tpu.memory_space<hbm>> -> memref<848x128xf32, #tpu.memory_space<hbm>>
        %dma_start3A_47 = arith.constant 0 : i32
        %dma_start3A_48 = tpu.memref_slice %arg13[%mul3A_41, %dma_start3A_47] : memref<15008x128xf32, #tpu.memory_space<vmem_shared>> -> memref<848x128xf32, #tpu.memory_space<vmem_shared>>
        tpu.enqueue_dma source(%dma_start3A_48 : memref<848x128xf32, #tpu.memory_space<vmem_shared>>) target(%dma_start3A_46 : memref<848x128xf32, #tpu.memory_space<hbm>>) target_semaphore(%run_scoped3A : memref<!tpu.dma_semaphore, #tpu.memory_space<semaphore_mem>>)
        %dma_wait3A_49 = arith.constant 0 : i32
        %dma_wait3A_50 = tpu.memref_slice %arg6[%arg0, %mul3A_43, %dma_wait3A_49] : memref<2x15008x128xf32, #tpu.memory_space<hbm>> -> memref<1x848x128xf32, #tpu.memory_space<hbm>>
        %dma_wait3A_51 = tpu.memref_squeeze %dma_wait3A_50 : memref<1x848x128xf32, #tpu.memory_space<hbm>> -> memref<848x128xf32, #tpu.memory_space<hbm>>
        %dma_wait3A_52 = arith.constant 0 : i32
        %dma_wait3A_53 = tpu.memref_slice %arg13[%mul3A_41, %dma_wait3A_52] : memref<15008x128xf32, #tpu.memory_space<vmem_shared>> -> memref<848x128xf32, #tpu.memory_space<vmem_shared>>
        tpu.wait_dma2 semaphore(%run_scoped3A : memref<!tpu.dma_semaphore, #tpu.memory_space<semaphore_mem>>) src(%dma_wait3A_53 : memref<848x128xf32, #tpu.memory_space<vmem_shared>>) dst(%dma_wait3A_51 : memref<848x128xf32, #tpu.memory_space<hbm>>)
        tpu.yield
      }) : () -> ()
    } else {
    }
    return
  }
}

#map = affine_map<(d0, d1) -> (0, 0)>
#map1 = affine_map<(d0, d1) -> (0)>
#map2 = affine_map<(d0, d1) -> (0, 0, 0)>
module attributes {stable_mosaic.version = 14 : i64} {
  func.func @_sc_agg(%arg0: i32, %arg1: i32, %arg2: memref<10000x128xf32, #tpu.memory_space<hbm>>, %arg3: memref<320000xi32, #tpu.memory_space<hbm>>, %arg4: memref<640000xi32, #tpu.memory_space<hbm>>, %arg5: memref<944x128xf32, #tpu.memory_space<hbm>>, %arg6: memref<2x15008x128xf32, #tpu.memory_space<hbm>>, %arg7: memref<40xi32, #tpu.memory_space<vmem>>, %arg8: memref<40xi32, #tpu.memory_space<vmem>>, %arg9: memref<40xi32, #tpu.memory_space<vmem>>, %arg10: memref<40xi32, #tpu.memory_space<vmem>>, %arg11: memref<40x128xf32, #tpu.memory_space<vmem>>, %arg12: memref<40x128xf32, #tpu.memory_space<vmem>>, %arg13: memref<15008x128xf32, #tpu.memory_space<vmem_shared>>, %arg14: memref<!tpu.dma_semaphore, #tpu.memory_space<semaphore_mem>>, %arg15: memref<!tpu.dma_semaphore, #tpu.memory_space<semaphore_mem>>) attributes {dimension_semantics = [#tpu.dimension_semantics<core_parallel>, #tpu.dimension_semantics<subcore_parallel>], iteration_bounds = array<i64: 2, 16>, scalar_prefetch = 0 : i64, scratch_operands = 9 : i64, tpu.core_type = #tpu.core_type<sc_vector_subcore>, window_params = [{transform_indices = #map}, {transform_indices = #map1}, {transform_indices = #map1}, {transform_indices = #map}, {transform_indices = #map2}]} {
    %lt3A = arith.constant 15 : i32
    %lt3A_0 = arith.cmpi slt, %arg1, %lt3A : i32
    %convert_element_type3A = arith.extui %lt3A_0 : i1 to i32
    %cond3A = arith.constant 0 : i32
    %cond3A_1 = arith.cmpi ne, %convert_element_type3A, %cond3A : i32
    scf.if %cond3A_1 {
      %mul3A_40 = arith.constant 944 : i32
      %mul3A_41 = arith.muli %arg1, %mul3A_40 : i32
      "tpu.region"() ({
        %run_scoped3A = tpu.sem_alloc : memref<!tpu.dma_semaphore, #tpu.memory_space<semaphore_mem>>
        %dma_start3A_42 = arith.constant 0 : i32
        %dma_start3A_43 = tpu.memref_slice %arg13[%mul3A_41, %dma_start3A_42] : memref<15008x128xf32, #tpu.memory_space<vmem_shared>> -> memref<944x128xf32, #tpu.memory_space<vmem_shared>>
        tpu.enqueue_dma source(%arg5 : memref<944x128xf32, #tpu.memory_space<hbm>>) target(%dma_start3A_43 : memref<944x128xf32, #tpu.memory_space<vmem_shared>>) target_semaphore(%run_scoped3A : memref<!tpu.dma_semaphore, #tpu.memory_space<semaphore_mem>>)
        %dma_wait3A_44 = arith.constant 0 : i32
        %dma_wait3A_45 = tpu.memref_slice %arg13[%mul3A_41, %dma_wait3A_44] : memref<15008x128xf32, #tpu.memory_space<vmem_shared>> -> memref<944x128xf32, #tpu.memory_space<vmem_shared>>
        tpu.wait_dma2 semaphore(%run_scoped3A : memref<!tpu.dma_semaphore, #tpu.memory_space<semaphore_mem>>) src(%arg5 : memref<944x128xf32, #tpu.memory_space<hbm>>) dst(%dma_wait3A_45 : memref<944x128xf32, #tpu.memory_space<vmem_shared>>)
        tpu.yield
      }) : () -> ()
    } else {
    }
    %eq3A = arith.constant 15 : i32
    %eq3A_2 = arith.cmpi eq, %arg1, %eq3A : i32
    %convert_element_type3A_3 = arith.extui %eq3A_2 : i1 to i32
    %cond3A_4 = arith.constant 0 : i32
    %cond3A_5 = arith.cmpi ne, %convert_element_type3A_3, %cond3A_4 : i32
    scf.if %cond3A_5 {
      %mul3A_40 = arith.constant 944 : i32
      %mul3A_41 = arith.muli %arg1, %mul3A_40 : i32
      "tpu.region"() ({
        %run_scoped3A = tpu.sem_alloc : memref<!tpu.dma_semaphore, #tpu.memory_space<semaphore_mem>>
        %dma_start3A_42 = arith.constant 0 : i32
        %dma_start3A_43 = tpu.memref_slice %arg13[%mul3A_41, %dma_start3A_42] : memref<15008x128xf32, #tpu.memory_space<vmem_shared>> -> memref<848x128xf32, #tpu.memory_space<vmem_shared>>
        %dma_start3A_44 = arith.constant 0 : i32
        %dma_start3A_45 = arith.constant 0 : i32
        %dma_start3A_46 = tpu.memref_slice %arg5[%dma_start3A_44, %dma_start3A_45] : memref<944x128xf32, #tpu.memory_space<hbm>> -> memref<848x128xf32, #tpu.memory_space<hbm>>
        tpu.enqueue_dma source(%dma_start3A_46 : memref<848x128xf32, #tpu.memory_space<hbm>>) target(%dma_start3A_43 : memref<848x128xf32, #tpu.memory_space<vmem_shared>>) target_semaphore(%run_scoped3A : memref<!tpu.dma_semaphore, #tpu.memory_space<semaphore_mem>>)
        %dma_wait3A_47 = arith.constant 0 : i32
        %dma_wait3A_48 = tpu.memref_slice %arg13[%mul3A_41, %dma_wait3A_47] : memref<15008x128xf32, #tpu.memory_space<vmem_shared>> -> memref<848x128xf32, #tpu.memory_space<vmem_shared>>
        %dma_wait3A_49 = arith.constant 0 : i32
        %dma_wait3A_50 = arith.constant 0 : i32
        %dma_wait3A_51 = tpu.memref_slice %arg5[%dma_wait3A_49, %dma_wait3A_50] : memref<944x128xf32, #tpu.memory_space<hbm>> -> memref<848x128xf32, #tpu.memory_space<hbm>>
        tpu.wait_dma2 semaphore(%run_scoped3A : memref<!tpu.dma_semaphore, #tpu.memory_space<semaphore_mem>>) src(%dma_wait3A_51 : memref<848x128xf32, #tpu.memory_space<hbm>>) dst(%dma_wait3A_48 : memref<848x128xf32, #tpu.memory_space<vmem_shared>>)
        tpu.yield
      }) : () -> ()
    } else {
    }
    %barrier3A = arith.constant 0 : index
    tpu.barrier barrier_id(%barrier3A)
    %mul3A = arith.constant 20000 : i32
    %mul3A_6 = arith.muli %arg1, %mul3A : i32
    "tpu.region"() ({
      %run_scoped3A = tpu.sem_alloc : memref<!tpu.dma_semaphore, #tpu.memory_space<semaphore_mem>>
      %dma_start3A_40 = tpu.memref_slice %arg3[%mul3A_6] : memref<320000xi32, #tpu.memory_space<hbm>> -> memref<40xi32, #tpu.memory_space<hbm>>
      %dma_start3A_41 = tpu.memref_slice %arg3[%mul3A_6] : memref<320000xi32, #tpu.memory_space<hbm>> -> memref<40xi32, #tpu.memory_space<hbm>>
      tpu.enqueue_dma source(%dma_start3A_41 : memref<40xi32, #tpu.memory_space<hbm>>) target(%arg7 : memref<40xi32, #tpu.memory_space<vmem>>) target_semaphore(%run_scoped3A : memref<!tpu.dma_semaphore, #tpu.memory_space<semaphore_mem>>)
      %dma_wait3A_42 = tpu.memref_slice %arg3[%mul3A_6] : memref<320000xi32, #tpu.memory_space<hbm>> -> memref<40xi32, #tpu.memory_space<hbm>>
      %dma_wait3A_43 = tpu.memref_slice %arg3[%mul3A_6] : memref<320000xi32, #tpu.memory_space<hbm>> -> memref<40xi32, #tpu.memory_space<hbm>>
      tpu.wait_dma2 semaphore(%run_scoped3A : memref<!tpu.dma_semaphore, #tpu.memory_space<semaphore_mem>>) src(%dma_wait3A_43 : memref<40xi32, #tpu.memory_space<hbm>>) dst(%arg7 : memref<40xi32, #tpu.memory_space<vmem>>)
      tpu.yield
    }) : () -> ()
    %mul3A_7 = arith.constant 320000 : i32
    %mul3A_8 = arith.muli %arg0, %mul3A_7 : i32
    %add3A = arith.addi %mul3A_8, %mul3A_6 : i32
    "tpu.region"() ({
      %run_scoped3A = tpu.sem_alloc : memref<!tpu.dma_semaphore, #tpu.memory_space<semaphore_mem>>
      %dma_start3A_40 = tpu.memref_slice %arg4[%add3A] : memref<640000xi32, #tpu.memory_space<hbm>> -> memref<40xi32, #tpu.memory_space<hbm>>
      %dma_start3A_41 = tpu.memref_slice %arg4[%add3A] : memref<640000xi32, #tpu.memory_space<hbm>> -> memref<40xi32, #tpu.memory_space<hbm>>
      tpu.enqueue_dma source(%dma_start3A_41 : memref<40xi32, #tpu.memory_space<hbm>>) target(%arg9 : memref<40xi32, #tpu.memory_space<vmem>>) target_semaphore(%run_scoped3A : memref<!tpu.dma_semaphore, #tpu.memory_space<semaphore_mem>>)
      %dma_wait3A_42 = tpu.memref_slice %arg4[%add3A] : memref<640000xi32, #tpu.memory_space<hbm>> -> memref<40xi32, #tpu.memory_space<hbm>>
      %dma_wait3A_43 = tpu.memref_slice %arg4[%add3A] : memref<640000xi32, #tpu.memory_space<hbm>> -> memref<40xi32, #tpu.memory_space<hbm>>
      tpu.wait_dma2 semaphore(%run_scoped3A : memref<!tpu.dma_semaphore, #tpu.memory_space<semaphore_mem>>) src(%dma_wait3A_43 : memref<40xi32, #tpu.memory_space<hbm>>) dst(%arg9 : memref<40xi32, #tpu.memory_space<vmem>>)
      tpu.yield
    }) : () -> ()
    %dma_start3A = arith.constant 0 : i32
    %dma_start3A_9 = arith.constant 0 : i32
    %dma_start3A_10 = tpu.memref_slice %arg2[%dma_start3A, %dma_start3A_9] : memref<10000x128xf32, #tpu.memory_space<hbm>> -> memref<10000x128xf32, #tpu.memory_space<hbm>>
    tpu.enqueue_indirect_dma source(%dma_start3A_10 : memref<10000x128xf32, #tpu.memory_space<hbm>>) target(%arg11 : memref<40x128xf32, #tpu.memory_space<vmem>>) offsets(%arg7 : memref<40xi32, #tpu.memory_space<vmem>>) semaphore(%arg14 : memref<!tpu.dma_semaphore, #tpu.memory_space<semaphore_mem>>)
    %scan3A = arith.constant 0 : i32
    %scan3A_11 = arith.constant 0 : i32
    %scan3A_12 = arith.constant 249 : i32
    %scan3A_13 = arith.addi %scan3A_11, %scan3A_12 : i32
    %scan3A_14 = arith.constant 1 : i32
    scf.for %scan3A_40 = %scan3A_11 to %scan3A_13 step %scan3A_14  : i32 {
      %mul3A_41 = arith.constant 2 : i32
      %mul3A_42 = arith.muli %mul3A_41, %scan3A_40 : i32
      %add3A_43 = arith.constant 1 : i32
      %add3A_44 = arith.addi %mul3A_42, %add3A_43 : i32
      %mul3A_45 = arith.constant 40 : i32
      %mul3A_46 = arith.muli %add3A_44, %mul3A_45 : i32
      %add3A_47 = arith.addi %mul3A_6, %mul3A_46 : i32
      %mul3A_48 = arith.constant 2 : i32
      %mul3A_49 = arith.muli %mul3A_48, %scan3A_40 : i32
      %add3A_50 = arith.constant 2 : i32
      %add3A_51 = arith.addi %mul3A_49, %add3A_50 : i32
      %mul3A_52 = arith.constant 40 : i32
      %mul3A_53 = arith.muli %add3A_51, %mul3A_52 : i32
      %add3A_54 = arith.addi %mul3A_6, %mul3A_53 : i32
      "tpu.region"() ({
        %run_scoped3A = tpu.sem_alloc : memref<!tpu.dma_semaphore, #tpu.memory_space<semaphore_mem>>
        %dma_start3A_73 = tpu.memref_slice %arg3[%add3A_47] : memref<320000xi32, #tpu.memory_space<hbm>> -> memref<40xi32, #tpu.memory_space<hbm>>
        %dma_start3A_74 = tpu.memref_slice %arg3[%add3A_47] : memref<320000xi32, #tpu.memory_space<hbm>> -> memref<40xi32, #tpu.memory_space<hbm>>
        tpu.enqueue_dma source(%dma_start3A_74 : memref<40xi32, #tpu.memory_space<hbm>>) target(%arg8 : memref<40xi32, #tpu.memory_space<vmem>>) target_semaphore(%run_scoped3A : memref<!tpu.dma_semaphore, #tpu.memory_space<semaphore_mem>>)
        %dma_wait3A_75 = tpu.memref_slice %arg3[%add3A_47] : memref<320000xi32, #tpu.memory_space<hbm>> -> memref<40xi32, #tpu.memory_space<hbm>>
        %dma_wait3A_76 = tpu.memref_slice %arg3[%add3A_47] : memref<320000xi32, #tpu.memory_space<hbm>> -> memref<40xi32, #tpu.memory_space<hbm>>
        tpu.wait_dma2 semaphore(%run_scoped3A : memref<!tpu.dma_semaphore, #tpu.memory_space<semaphore_mem>>) src(%dma_wait3A_76 : memref<40xi32, #tpu.memory_space<hbm>>) dst(%arg8 : memref<40xi32, #tpu.memory_space<vmem>>)
        tpu.yield
      }) : () -> ()
      %mul3A_55 = arith.constant 320000 : i32
      %mul3A_56 = arith.muli %arg0, %mul3A_55 : i32
      %add3A_57 = arith.addi %mul3A_56, %add3A_47 : i32
      "tpu.region"() ({
        %run_scoped3A = tpu.sem_alloc : memref<!tpu.dma_semaphore, #tpu.memory_space<semaphore_mem>>
        %dma_start3A_73 = tpu.memref_slice %arg4[%add3A_57] : memref<640000xi32, #tpu.memory_space<hbm>> -> memref<40xi32, #tpu.memory_space<hbm>>
        %dma_start3A_74 = tpu.memref_slice %arg4[%add3A_57] : memref<640000xi32, #tpu.memory_space<hbm>> -> memref<40xi32, #tpu.memory_space<hbm>>
        tpu.enqueue_dma source(%dma_start3A_74 : memref<40xi32, #tpu.memory_space<hbm>>) target(%arg10 : memref<40xi32, #tpu.memory_space<vmem>>) target_semaphore(%run_scoped3A : memref<!tpu.dma_semaphore, #tpu.memory_space<semaphore_mem>>)
        %dma_wait3A_75 = tpu.memref_slice %arg4[%add3A_57] : memref<640000xi32, #tpu.memory_space<hbm>> -> memref<40xi32, #tpu.memory_space<hbm>>
        %dma_wait3A_76 = tpu.memref_slice %arg4[%add3A_57] : memref<640000xi32, #tpu.memory_space<hbm>> -> memref<40xi32, #tpu.memory_space<hbm>>
        tpu.wait_dma2 semaphore(%run_scoped3A : memref<!tpu.dma_semaphore, #tpu.memory_space<semaphore_mem>>) src(%dma_wait3A_76 : memref<40xi32, #tpu.memory_space<hbm>>) dst(%arg10 : memref<40xi32, #tpu.memory_space<vmem>>)
        tpu.yield
      }) : () -> ()
      %dma_start3A_58 = arith.constant 0 : i32
      %dma_start3A_59 = arith.constant 0 : i32
      %dma_start3A_60 = tpu.memref_slice %arg2[%dma_start3A_58, %dma_start3A_59] : memref<10000x128xf32, #tpu.memory_space<hbm>> -> memref<10000x128xf32, #tpu.memory_space<hbm>>
      tpu.enqueue_indirect_dma source(%dma_start3A_60 : memref<10000x128xf32, #tpu.memory_space<hbm>>) target(%arg12 : memref<40x128xf32, #tpu.memory_space<vmem>>) offsets(%arg8 : memref<40xi32, #tpu.memory_space<vmem>>) semaphore(%arg15 : memref<!tpu.dma_semaphore, #tpu.memory_space<semaphore_mem>>)
      %dma_wait3A_61 = arith.constant 0 : i32
      %dma_wait3A_62 = arith.constant 0 : i32
      %dma_wait3A_63 = tpu.memref_slice %arg2[%dma_wait3A_61, %dma_wait3A_62] : memref<10000x128xf32, #tpu.memory_space<hbm>> -> memref<10000x128xf32, #tpu.memory_space<hbm>>
      tpu.wait_indirect_dma semaphore(%arg14 : memref<!tpu.dma_semaphore, #tpu.memory_space<semaphore_mem>>) src(%dma_wait3A_63 : memref<10000x128xf32, #tpu.memory_space<hbm>>) dst(%arg11 : memref<40x128xf32, #tpu.memory_space<vmem>>)
      "tpu.region"() ({
        %run_scoped3A = tpu.sem_alloc : memref<!tpu.dma_semaphore, #tpu.memory_space<semaphore_mem>>
        %dma_start3A_73 = arith.constant 0 : i32
        %dma_start3A_74 = arith.constant 0 : i32
        %dma_start3A_75 = tpu.memref_slice %arg13[%dma_start3A_73, %dma_start3A_74] : memref<15008x128xf32, #tpu.memory_space<vmem_shared>> -> memref<15008x128xf32, #tpu.memory_space<vmem_shared>>
        tpu.enqueue_indirect_dma source(%arg11 : memref<40x128xf32, #tpu.memory_space<vmem>>) target(%dma_start3A_75 : memref<15008x128xf32, #tpu.memory_space<vmem_shared>>) offsets(%arg9 : memref<40xi32, #tpu.memory_space<vmem>>) semaphore(%run_scoped3A : memref<!tpu.dma_semaphore, #tpu.memory_space<semaphore_mem>>) {add = true}
        %dma_wait3A_76 = arith.constant 0 : i32
        %dma_wait3A_77 = arith.constant 0 : i32
        %dma_wait3A_78 = tpu.memref_slice %arg13[%dma_wait3A_76, %dma_wait3A_77] : memref<15008x128xf32, #tpu.memory_space<vmem_shared>> -> memref<15008x128xf32, #tpu.memory_space<vmem_shared>>
        tpu.wait_indirect_dma semaphore(%run_scoped3A : memref<!tpu.dma_semaphore, #tpu.memory_space<semaphore_mem>>) src(%arg11 : memref<40x128xf32, #tpu.memory_space<vmem>>) dst(%dma_wait3A_78 : memref<15008x128xf32, #tpu.memory_space<vmem_shared>>)
        tpu.yield
      }) : () -> ()
      "tpu.region"() ({
        %run_scoped3A = tpu.sem_alloc : memref<!tpu.dma_semaphore, #tpu.memory_space<semaphore_mem>>
        %dma_start3A_73 = tpu.memref_slice %arg3[%add3A_54] : memref<320000xi32, #tpu.memory_space<hbm>> -> memref<40xi32, #tpu.memory_space<hbm>>
        %dma_start3A_74 = tpu.memref_slice %arg3[%add3A_54] : memref<320000xi32, #tpu.memory_space<hbm>> -> memref<40xi32, #tpu.memory_space<hbm>>
        tpu.enqueue_dma source(%dma_start3A_74 : memref<40xi32, #tpu.memory_space<hbm>>) target(%arg7 : memref<40xi32, #tpu.memory_space<vmem>>) target_semaphore(%run_scoped3A : memref<!tpu.dma_semaphore, #tpu.memory_space<semaphore_mem>>)
        %dma_wait3A_75 = tpu.memref_slice %arg3[%add3A_54] : memref<320000xi32, #tpu.memory_space<hbm>> -> memref<40xi32, #tpu.memory_space<hbm>>
        %dma_wait3A_76 = tpu.memref_slice %arg3[%add3A_54] : memref<320000xi32, #tpu.memory_space<hbm>> -> memref<40xi32, #tpu.memory_space<hbm>>
        tpu.wait_dma2 semaphore(%run_scoped3A : memref<!tpu.dma_semaphore, #tpu.memory_space<semaphore_mem>>) src(%dma_wait3A_76 : memref<40xi32, #tpu.memory_space<hbm>>) dst(%arg7 : memref<40xi32, #tpu.memory_space<vmem>>)
        tpu.yield
      }) : () -> ()
      %mul3A_64 = arith.constant 320000 : i32
      %mul3A_65 = arith.muli %arg0, %mul3A_64 : i32
      %add3A_66 = arith.addi %mul3A_65, %add3A_54 : i32
      "tpu.region"() ({
        %run_scoped3A = tpu.sem_alloc : memref<!tpu.dma_semaphore, #tpu.memory_space<semaphore_mem>>
        %dma_start3A_73 = tpu.memref_slice %arg4[%add3A_66] : memref<640000xi32, #tpu.memory_space<hbm>> -> memref<40xi32, #tpu.memory_space<hbm>>
        %dma_start3A_74 = tpu.memref_slice %arg4[%add3A_66] : memref<640000xi32, #tpu.memory_space<hbm>> -> memref<40xi32, #tpu.memory_space<hbm>>
        tpu.enqueue_dma source(%dma_start3A_74 : memref<40xi32, #tpu.memory_space<hbm>>) target(%arg9 : memref<40xi32, #tpu.memory_space<vmem>>) target_semaphore(%run_scoped3A : memref<!tpu.dma_semaphore, #tpu.memory_space<semaphore_mem>>)
        %dma_wait3A_75 = tpu.memref_slice %arg4[%add3A_66] : memref<640000xi32, #tpu.memory_space<hbm>> -> memref<40xi32, #tpu.memory_space<hbm>>
        %dma_wait3A_76 = tpu.memref_slice %arg4[%add3A_66] : memref<640000xi32, #tpu.memory_space<hbm>> -> memref<40xi32, #tpu.memory_space<hbm>>
        tpu.wait_dma2 semaphore(%run_scoped3A : memref<!tpu.dma_semaphore, #tpu.memory_space<semaphore_mem>>) src(%dma_wait3A_76 : memref<40xi32, #tpu.memory_space<hbm>>) dst(%arg9 : memref<40xi32, #tpu.memory_space<vmem>>)
        tpu.yield
      }) : () -> ()
      %dma_start3A_67 = arith.constant 0 : i32
      %dma_start3A_68 = arith.constant 0 : i32
      %dma_start3A_69 = tpu.memref_slice %arg2[%dma_start3A_67, %dma_start3A_68] : memref<10000x128xf32, #tpu.memory_space<hbm>> -> memref<10000x128xf32, #tpu.memory_space<hbm>>
      tpu.enqueue_indirect_dma source(%dma_start3A_69 : memref<10000x128xf32, #tpu.memory_space<hbm>>) target(%arg11 : memref<40x128xf32, #tpu.memory_space<vmem>>) offsets(%arg7 : memref<40xi32, #tpu.memory_space<vmem>>) semaphore(%arg14 : memref<!tpu.dma_semaphore, #tpu.memory_space<semaphore_mem>>)
      %dma_wait3A_70 = arith.constant 0 : i32
      %dma_wait3A_71 = arith.constant 0 : i32
      %dma_wait3A_72 = tpu.memref_slice %arg2[%dma_wait3A_70, %dma_wait3A_71] : memref<10000x128xf32, #tpu.memory_space<hbm>> -> memref<10000x128xf32, #tpu.memory_space<hbm>>
      tpu.wait_indirect_dma semaphore(%arg15 : memref<!tpu.dma_semaphore, #tpu.memory_space<semaphore_mem>>) src(%dma_wait3A_72 : memref<10000x128xf32, #tpu.memory_space<hbm>>) dst(%arg12 : memref<40x128xf32, #tpu.memory_space<vmem>>)
      "tpu.region"() ({
        %run_scoped3A = tpu.sem_alloc : memref<!tpu.dma_semaphore, #tpu.memory_space<semaphore_mem>>
        %dma_start3A_73 = arith.constant 0 : i32
        %dma_start3A_74 = arith.constant 0 : i32
        %dma_start3A_75 = tpu.memref_slice %arg13[%dma_start3A_73, %dma_start3A_74] : memref<15008x128xf32, #tpu.memory_space<vmem_shared>> -> memref<15008x128xf32, #tpu.memory_space<vmem_shared>>
        tpu.enqueue_indirect_dma source(%arg12 : memref<40x128xf32, #tpu.memory_space<vmem>>) target(%dma_start3A_75 : memref<15008x128xf32, #tpu.memory_space<vmem_shared>>) offsets(%arg10 : memref<40xi32, #tpu.memory_space<vmem>>) semaphore(%run_scoped3A : memref<!tpu.dma_semaphore, #tpu.memory_space<semaphore_mem>>) {add = true}
        %dma_wait3A_76 = arith.constant 0 : i32
        %dma_wait3A_77 = arith.constant 0 : i32
        %dma_wait3A_78 = tpu.memref_slice %arg13[%dma_wait3A_76, %dma_wait3A_77] : memref<15008x128xf32, #tpu.memory_space<vmem_shared>> -> memref<15008x128xf32, #tpu.memory_space<vmem_shared>>
        tpu.wait_indirect_dma semaphore(%run_scoped3A : memref<!tpu.dma_semaphore, #tpu.memory_space<semaphore_mem>>) src(%arg12 : memref<40x128xf32, #tpu.memory_space<vmem>>) dst(%dma_wait3A_78 : memref<15008x128xf32, #tpu.memory_space<vmem_shared>>)
        tpu.yield
      }) : () -> ()
    }
    %scan3A_15 = arith.constant 249 : i32
    %add3A_16 = arith.constant 19960 : i32
    %add3A_17 = arith.addi %mul3A_6, %add3A_16 : i32
    "tpu.region"() ({
      %run_scoped3A = tpu.sem_alloc : memref<!tpu.dma_semaphore, #tpu.memory_space<semaphore_mem>>
      %dma_start3A_40 = tpu.memref_slice %arg3[%add3A_17] : memref<320000xi32, #tpu.memory_space<hbm>> -> memref<40xi32, #tpu.memory_space<hbm>>
      %dma_start3A_41 = tpu.memref_slice %arg3[%add3A_17] : memref<320000xi32, #tpu.memory_space<hbm>> -> memref<40xi32, #tpu.memory_space<hbm>>
      tpu.enqueue_dma source(%dma_start3A_41 : memref<40xi32, #tpu.memory_space<hbm>>) target(%arg8 : memref<40xi32, #tpu.memory_space<vmem>>) target_semaphore(%run_scoped3A : memref<!tpu.dma_semaphore, #tpu.memory_space<semaphore_mem>>)
      %dma_wait3A_42 = tpu.memref_slice %arg3[%add3A_17] : memref<320000xi32, #tpu.memory_space<hbm>> -> memref<40xi32, #tpu.memory_space<hbm>>
      %dma_wait3A_43 = tpu.memref_slice %arg3[%add3A_17] : memref<320000xi32, #tpu.memory_space<hbm>> -> memref<40xi32, #tpu.memory_space<hbm>>
      tpu.wait_dma2 semaphore(%run_scoped3A : memref<!tpu.dma_semaphore, #tpu.memory_space<semaphore_mem>>) src(%dma_wait3A_43 : memref<40xi32, #tpu.memory_space<hbm>>) dst(%arg8 : memref<40xi32, #tpu.memory_space<vmem>>)
      tpu.yield
    }) : () -> ()
    %mul3A_18 = arith.constant 320000 : i32
    %mul3A_19 = arith.muli %arg0, %mul3A_18 : i32
    %add3A_20 = arith.addi %mul3A_19, %add3A_17 : i32
    "tpu.region"() ({
      %run_scoped3A = tpu.sem_alloc : memref<!tpu.dma_semaphore, #tpu.memory_space<semaphore_mem>>
      %dma_start3A_40 = tpu.memref_slice %arg4[%add3A_20] : memref<640000xi32, #tpu.memory_space<hbm>> -> memref<40xi32, #tpu.memory_space<hbm>>
      %dma_start3A_41 = tpu.memref_slice %arg4[%add3A_20] : memref<640000xi32, #tpu.memory_space<hbm>> -> memref<40xi32, #tpu.memory_space<hbm>>
      tpu.enqueue_dma source(%dma_start3A_41 : memref<40xi32, #tpu.memory_space<hbm>>) target(%arg10 : memref<40xi32, #tpu.memory_space<vmem>>) target_semaphore(%run_scoped3A : memref<!tpu.dma_semaphore, #tpu.memory_space<semaphore_mem>>)
      %dma_wait3A_42 = tpu.memref_slice %arg4[%add3A_20] : memref<640000xi32, #tpu.memory_space<hbm>> -> memref<40xi32, #tpu.memory_space<hbm>>
      %dma_wait3A_43 = tpu.memref_slice %arg4[%add3A_20] : memref<640000xi32, #tpu.memory_space<hbm>> -> memref<40xi32, #tpu.memory_space<hbm>>
      tpu.wait_dma2 semaphore(%run_scoped3A : memref<!tpu.dma_semaphore, #tpu.memory_space<semaphore_mem>>) src(%dma_wait3A_43 : memref<40xi32, #tpu.memory_space<hbm>>) dst(%arg10 : memref<40xi32, #tpu.memory_space<vmem>>)
      tpu.yield
    }) : () -> ()
    %dma_start3A_21 = arith.constant 0 : i32
    %dma_start3A_22 = arith.constant 0 : i32
    %dma_start3A_23 = tpu.memref_slice %arg2[%dma_start3A_21, %dma_start3A_22] : memref<10000x128xf32, #tpu.memory_space<hbm>> -> memref<10000x128xf32, #tpu.memory_space<hbm>>
    tpu.enqueue_indirect_dma source(%dma_start3A_23 : memref<10000x128xf32, #tpu.memory_space<hbm>>) target(%arg12 : memref<40x128xf32, #tpu.memory_space<vmem>>) offsets(%arg8 : memref<40xi32, #tpu.memory_space<vmem>>) semaphore(%arg15 : memref<!tpu.dma_semaphore, #tpu.memory_space<semaphore_mem>>)
    %dma_wait3A = arith.constant 0 : i32
    %dma_wait3A_24 = arith.constant 0 : i32
    %dma_wait3A_25 = tpu.memref_slice %arg2[%dma_wait3A, %dma_wait3A_24] : memref<10000x128xf32, #tpu.memory_space<hbm>> -> memref<10000x128xf32, #tpu.memory_space<hbm>>
    tpu.wait_indirect_dma semaphore(%arg14 : memref<!tpu.dma_semaphore, #tpu.memory_space<semaphore_mem>>) src(%dma_wait3A_25 : memref<10000x128xf32, #tpu.memory_space<hbm>>) dst(%arg11 : memref<40x128xf32, #tpu.memory_space<vmem>>)
    "tpu.region"() ({
      %run_scoped3A = tpu.sem_alloc : memref<!tpu.dma_semaphore, #tpu.memory_space<semaphore_mem>>
      %dma_start3A_40 = arith.constant 0 : i32
      %dma_start3A_41 = arith.constant 0 : i32
      %dma_start3A_42 = tpu.memref_slice %arg13[%dma_start3A_40, %dma_start3A_41] : memref<15008x128xf32, #tpu.memory_space<vmem_shared>> -> memref<15008x128xf32, #tpu.memory_space<vmem_shared>>
      tpu.enqueue_indirect_dma source(%arg11 : memref<40x128xf32, #tpu.memory_space<vmem>>) target(%dma_start3A_42 : memref<15008x128xf32, #tpu.memory_space<vmem_shared>>) offsets(%arg9 : memref<40xi32, #tpu.memory_space<vmem>>) semaphore(%run_scoped3A : memref<!tpu.dma_semaphore, #tpu.memory_space<semaphore_mem>>) {add = true}
      %dma_wait3A_43 = arith.constant 0 : i32
      %dma_wait3A_44 = arith.constant 0 : i32
      %dma_wait3A_45 = tpu.memref_slice %arg13[%dma_wait3A_43, %dma_wait3A_44] : memref<15008x128xf32, #tpu.memory_space<vmem_shared>> -> memref<15008x128xf32, #tpu.memory_space<vmem_shared>>
      tpu.wait_indirect_dma semaphore(%run_scoped3A : memref<!tpu.dma_semaphore, #tpu.memory_space<semaphore_mem>>) src(%arg11 : memref<40x128xf32, #tpu.memory_space<vmem>>) dst(%dma_wait3A_45 : memref<15008x128xf32, #tpu.memory_space<vmem_shared>>)
      tpu.yield
    }) : () -> ()
    %dma_wait3A_26 = arith.constant 0 : i32
    %dma_wait3A_27 = arith.constant 0 : i32
    %dma_wait3A_28 = tpu.memref_slice %arg2[%dma_wait3A_26, %dma_wait3A_27] : memref<10000x128xf32, #tpu.memory_space<hbm>> -> memref<10000x128xf32, #tpu.memory_space<hbm>>
    tpu.wait_indirect_dma semaphore(%arg15 : memref<!tpu.dma_semaphore, #tpu.memory_space<semaphore_mem>>) src(%dma_wait3A_28 : memref<10000x128xf32, #tpu.memory_space<hbm>>) dst(%arg12 : memref<40x128xf32, #tpu.memory_space<vmem>>)
    "tpu.region"() ({
      %run_scoped3A = tpu.sem_alloc : memref<!tpu.dma_semaphore, #tpu.memory_space<semaphore_mem>>
      %dma_start3A_40 = arith.constant 0 : i32
      %dma_start3A_41 = arith.constant 0 : i32
      %dma_start3A_42 = tpu.memref_slice %arg13[%dma_start3A_40, %dma_start3A_41] : memref<15008x128xf32, #tpu.memory_space<vmem_shared>> -> memref<15008x128xf32, #tpu.memory_space<vmem_shared>>
      tpu.enqueue_indirect_dma source(%arg12 : memref<40x128xf32, #tpu.memory_space<vmem>>) target(%dma_start3A_42 : memref<15008x128xf32, #tpu.memory_space<vmem_shared>>) offsets(%arg10 : memref<40xi32, #tpu.memory_space<vmem>>) semaphore(%run_scoped3A : memref<!tpu.dma_semaphore, #tpu.memory_space<semaphore_mem>>) {add = true}
      %dma_wait3A_43 = arith.constant 0 : i32
      %dma_wait3A_44 = arith.constant 0 : i32
      %dma_wait3A_45 = tpu.memref_slice %arg13[%dma_wait3A_43, %dma_wait3A_44] : memref<15008x128xf32, #tpu.memory_space<vmem_shared>> -> memref<15008x128xf32, #tpu.memory_space<vmem_shared>>
      tpu.wait_indirect_dma semaphore(%run_scoped3A : memref<!tpu.dma_semaphore, #tpu.memory_space<semaphore_mem>>) src(%arg12 : memref<40x128xf32, #tpu.memory_space<vmem>>) dst(%dma_wait3A_45 : memref<15008x128xf32, #tpu.memory_space<vmem_shared>>)
      tpu.yield
    }) : () -> ()
    %barrier3A_29 = arith.constant 0 : index
    tpu.barrier barrier_id(%barrier3A_29)
    %lt3A_30 = arith.constant 15 : i32
    %lt3A_31 = arith.cmpi slt, %arg1, %lt3A_30 : i32
    %convert_element_type3A_32 = arith.extui %lt3A_31 : i1 to i32
    %cond3A_33 = arith.constant 0 : i32
    %cond3A_34 = arith.cmpi ne, %convert_element_type3A_32, %cond3A_33 : i32
    scf.if %cond3A_34 {
      %mul3A_40 = arith.constant 944 : i32
      %mul3A_41 = arith.muli %arg1, %mul3A_40 : i32
      %mul3A_42 = arith.constant 944 : i32
      %mul3A_43 = arith.muli %arg1, %mul3A_42 : i32
      "tpu.region"() ({
        %run_scoped3A = tpu.sem_alloc : memref<!tpu.dma_semaphore, #tpu.memory_space<semaphore_mem>>
        %dma_start3A_44 = arith.constant 0 : i32
        %dma_start3A_45 = tpu.memref_slice %arg6[%arg0, %mul3A_43, %dma_start3A_44] : memref<2x15008x128xf32, #tpu.memory_space<hbm>> -> memref<1x944x128xf32, #tpu.memory_space<hbm>>
        %dma_start3A_46 = tpu.memref_squeeze %dma_start3A_45 : memref<1x944x128xf32, #tpu.memory_space<hbm>> -> memref<944x128xf32, #tpu.memory_space<hbm>>
        %dma_start3A_47 = arith.constant 0 : i32
        %dma_start3A_48 = tpu.memref_slice %arg13[%mul3A_41, %dma_start3A_47] : memref<15008x128xf32, #tpu.memory_space<vmem_shared>> -> memref<944x128xf32, #tpu.memory_space<vmem_shared>>
        tpu.enqueue_dma source(%dma_start3A_48 : memref<944x128xf32, #tpu.memory_space<vmem_shared>>) target(%dma_start3A_46 : memref<944x128xf32, #tpu.memory_space<hbm>>) target_semaphore(%run_scoped3A : memref<!tpu.dma_semaphore, #tpu.memory_space<semaphore_mem>>)
        %dma_wait3A_49 = arith.constant 0 : i32
        %dma_wait3A_50 = tpu.memref_slice %arg6[%arg0, %mul3A_43, %dma_wait3A_49] : memref<2x15008x128xf32, #tpu.memory_space<hbm>> -> memref<1x944x128xf32, #tpu.memory_space<hbm>>
        %dma_wait3A_51 = tpu.memref_squeeze %dma_wait3A_50 : memref<1x944x128xf32, #tpu.memory_space<hbm>> -> memref<944x128xf32, #tpu.memory_space<hbm>>
        %dma_wait3A_52 = arith.constant 0 : i32
        %dma_wait3A_53 = tpu.memref_slice %arg13[%mul3A_41, %dma_wait3A_52] : memref<15008x128xf32, #tpu.memory_space<vmem_shared>> -> memref<944x128xf32, #tpu.memory_space<vmem_shared>>
        tpu.wait_dma2 semaphore(%run_scoped3A : memref<!tpu.dma_semaphore, #tpu.memory_space<semaphore_mem>>) src(%dma_wait3A_53 : memref<944x128xf32, #tpu.memory_space<vmem_shared>>) dst(%dma_wait3A_51 : memref<944x128xf32, #tpu.memory_space<hbm>>)
        tpu.yield
      }) : () -> ()
    } else {
    }
    %eq3A_35 = arith.constant 15 : i32
    %eq3A_36 = arith.cmpi eq, %arg1, %eq3A_35 : i32
    %convert_element_type3A_37 = arith.extui %eq3A_36 : i1 to i32
    %cond3A_38 = arith.constant 0 : i32
    %cond3A_39 = arith.cmpi ne, %convert_element_type3A_37, %cond3A_38 : i32
    scf.if %cond3A_39 {
      %mul3A_40 = arith.constant 944 : i32
      %mul3A_41 = arith.muli %arg1, %mul3A_40 : i32
      %mul3A_42 = arith.constant 944 : i32
      %mul3A_43 = arith.muli %arg1, %mul3A_42 : i32
      "tpu.region"() ({
        %run_scoped3A = tpu.sem_alloc : memref<!tpu.dma_semaphore, #tpu.memory_space<semaphore_mem>>
        %dma_start3A_44 = arith.constant 0 : i32
        %dma_start3A_45 = tpu.memref_slice %arg6[%arg0, %mul3A_43, %dma_start3A_44] : memref<2x15008x128xf32, #tpu.memory_space<hbm>> -> memref<1x848x128xf32, #tpu.memory_space<hbm>>
        %dma_start3A_46 = tpu.memref_squeeze %dma_start3A_45 : memref<1x848x128xf32, #tpu.memory_space<hbm>> -> memref<848x128xf32, #tpu.memory_space<hbm>>
        %dma_start3A_47 = arith.constant 0 : i32
        %dma_start3A_48 = tpu.memref_slice %arg13[%mul3A_41, %dma_start3A_47] : memref<15008x128xf32, #tpu.memory_space<vmem_shared>> -> memref<848x128xf32, #tpu.memory_space<vmem_shared>>
        tpu.enqueue_dma source(%dma_start3A_48 : memref<848x128xf32, #tpu.memory_space<vmem_shared>>) target(%dma_start3A_46 : memref<848x128xf32, #tpu.memory_space<hbm>>) target_semaphore(%run_scoped3A : memref<!tpu.dma_semaphore, #tpu.memory_space<semaphore_mem>>)
        %dma_wait3A_49 = arith.constant 0 : i32
        %dma_wait3A_50 = tpu.memref_slice %arg6[%arg0, %mul3A_43, %dma_wait3A_49] : memref<2x15008x128xf32, #tpu.memory_space<hbm>> -> memref<1x848x128xf32, #tpu.memory_space<hbm>>
        %dma_wait3A_51 = tpu.memref_squeeze %dma_wait3A_50 : memref<1x848x128xf32, #tpu.memory_space<hbm>> -> memref<848x128xf32, #tpu.memory_space<hbm>>
        %dma_wait3A_52 = arith.constant 0 : i32
        %dma_wait3A_53 = tpu.memref_slice %arg13[%mul3A_41, %dma_wait3A_52] : memref<15008x128xf32, #tpu.memory_space<vmem_shared>> -> memref<848x128xf32, #tpu.memory_space<vmem_shared>>
        tpu.wait_dma2 semaphore(%run_scoped3A : memref<!tpu.dma_semaphore, #tpu.memory_space<semaphore_mem>>) src(%dma_wait3A_53 : memref<848x128xf32, #tpu.memory_space<vmem_shared>>) dst(%dma_wait3A_51 : memref<848x128xf32, #tpu.memory_space<hbm>>)
        tpu.yield
      }) : () -> ()
    } else {
    }
    return
  }
}

#map = affine_map<(d0, d1) -> (0, 0)>
#map1 = affine_map<(d0, d1) -> (0)>
module attributes {stable_mosaic.version = 14 : i64} {
  func.func @_sc_edge_gather(%arg0: i32, %arg1: i32, %arg2: memref<10000x128xf32, #tpu.memory_space<hbm>>, %arg3: memref<10000x128xf32, #tpu.memory_space<hbm>>, %arg4: memref<320000xi32, #tpu.memory_space<hbm>>, %arg5: memref<320000xi32, #tpu.memory_space<hbm>>, %arg6: memref<320000x128xf32, #tpu.memory_space<hbm>>, %arg7: memref<80xi32, #tpu.memory_space<vmem>>, %arg8: memref<80xi32, #tpu.memory_space<vmem>>, %arg9: memref<80xi32, #tpu.memory_space<vmem>>, %arg10: memref<80xi32, #tpu.memory_space<vmem>>, %arg11: memref<80x128xf32, #tpu.memory_space<vmem>>, %arg12: memref<80x128xf32, #tpu.memory_space<vmem>>, %arg13: memref<80x128xf32, #tpu.memory_space<vmem>>, %arg14: memref<80x128xf32, #tpu.memory_space<vmem>>, %arg15: memref<!tpu.dma_semaphore, #tpu.memory_space<semaphore_mem>>, %arg16: memref<!tpu.dma_semaphore, #tpu.memory_space<semaphore_mem>>, %arg17: memref<!tpu.dma_semaphore, #tpu.memory_space<semaphore_mem>>, %arg18: memref<!tpu.dma_semaphore, #tpu.memory_space<semaphore_mem>>) attributes {dimension_semantics = [#tpu.dimension_semantics<core_parallel>, #tpu.dimension_semantics<subcore_parallel>], iteration_bounds = array<i64: 2, 16>, scalar_prefetch = 0 : i64, scratch_operands = 12 : i64, tpu.core_type = #tpu.core_type<sc_vector_subcore>, window_params = [{transform_indices = #map}, {transform_indices = #map}, {transform_indices = #map1}, {transform_indices = #map1}, {transform_indices = #map}]} {
    %mul3A = arith.constant 16 : i32
    %mul3A_0 = arith.muli %arg0, %mul3A : i32
    %add3A = arith.addi %mul3A_0, %arg1 : i32
    %mul3A_1 = arith.constant 10000 : i32
    %mul3A_2 = arith.muli %add3A, %mul3A_1 : i32
    %add3A_3 = arith.constant 0 : i32
    %add3A_4 = arith.addi %mul3A_2, %add3A_3 : i32
    "tpu.region"() ({
      %run_scoped3A = tpu.sem_alloc : memref<!tpu.dma_semaphore, #tpu.memory_space<semaphore_mem>>
      %dma_start3A_28 = tpu.memref_slice %arg4[%add3A_4] : memref<320000xi32, #tpu.memory_space<hbm>> -> memref<80xi32, #tpu.memory_space<hbm>>
      %dma_start3A_29 = tpu.memref_slice %arg4[%add3A_4] : memref<320000xi32, #tpu.memory_space<hbm>> -> memref<80xi32, #tpu.memory_space<hbm>>
      tpu.enqueue_dma source(%dma_start3A_29 : memref<80xi32, #tpu.memory_space<hbm>>) target(%arg7 : memref<80xi32, #tpu.memory_space<vmem>>) target_semaphore(%run_scoped3A : memref<!tpu.dma_semaphore, #tpu.memory_space<semaphore_mem>>)
      %dma_wait3A_30 = tpu.memref_slice %arg4[%add3A_4] : memref<320000xi32, #tpu.memory_space<hbm>> -> memref<80xi32, #tpu.memory_space<hbm>>
      %dma_wait3A_31 = tpu.memref_slice %arg4[%add3A_4] : memref<320000xi32, #tpu.memory_space<hbm>> -> memref<80xi32, #tpu.memory_space<hbm>>
      tpu.wait_dma2 semaphore(%run_scoped3A : memref<!tpu.dma_semaphore, #tpu.memory_space<semaphore_mem>>) src(%dma_wait3A_31 : memref<80xi32, #tpu.memory_space<hbm>>) dst(%arg7 : memref<80xi32, #tpu.memory_space<vmem>>)
      tpu.yield
    }) : () -> ()
    "tpu.region"() ({
      %run_scoped3A = tpu.sem_alloc : memref<!tpu.dma_semaphore, #tpu.memory_space<semaphore_mem>>
      %dma_start3A_28 = tpu.memref_slice %arg5[%add3A_4] : memref<320000xi32, #tpu.memory_space<hbm>> -> memref<80xi32, #tpu.memory_space<hbm>>
      %dma_start3A_29 = tpu.memref_slice %arg5[%add3A_4] : memref<320000xi32, #tpu.memory_space<hbm>> -> memref<80xi32, #tpu.memory_space<hbm>>
      tpu.enqueue_dma source(%dma_start3A_29 : memref<80xi32, #tpu.memory_space<hbm>>) target(%arg8 : memref<80xi32, #tpu.memory_space<vmem>>) target_semaphore(%run_scoped3A : memref<!tpu.dma_semaphore, #tpu.memory_space<semaphore_mem>>)
      %dma_wait3A_30 = tpu.memref_slice %arg5[%add3A_4] : memref<320000xi32, #tpu.memory_space<hbm>> -> memref<80xi32, #tpu.memory_space<hbm>>
      %dma_wait3A_31 = tpu.memref_slice %arg5[%add3A_4] : memref<320000xi32, #tpu.memory_space<hbm>> -> memref<80xi32, #tpu.memory_space<hbm>>
      tpu.wait_dma2 semaphore(%run_scoped3A : memref<!tpu.dma_semaphore, #tpu.memory_space<semaphore_mem>>) src(%dma_wait3A_31 : memref<80xi32, #tpu.memory_space<hbm>>) dst(%arg8 : memref<80xi32, #tpu.memory_space<vmem>>)
      tpu.yield
    }) : () -> ()
    %dma_start3A = arith.constant 0 : i32
    %dma_start3A_5 = arith.constant 0 : i32
    %dma_start3A_6 = tpu.memref_slice %arg2[%dma_start3A, %dma_start3A_5] : memref<10000x128xf32, #tpu.memory_space<hbm>> -> memref<10000x128xf32, #tpu.memory_space<hbm>>
    tpu.enqueue_indirect_dma source(%dma_start3A_6 : memref<10000x128xf32, #tpu.memory_space<hbm>>) target(%arg11 : memref<80x128xf32, #tpu.memory_space<vmem>>) offsets(%arg7 : memref<80xi32, #tpu.memory_space<vmem>>) semaphore(%arg15 : memref<!tpu.dma_semaphore, #tpu.memory_space<semaphore_mem>>)
    %dma_start3A_7 = arith.constant 0 : i32
    %dma_start3A_8 = arith.constant 0 : i32
    %dma_start3A_9 = tpu.memref_slice %arg3[%dma_start3A_7, %dma_start3A_8] : memref<10000x128xf32, #tpu.memory_space<hbm>> -> memref<10000x128xf32, #tpu.memory_space<hbm>>
    tpu.enqueue_indirect_dma source(%dma_start3A_9 : memref<10000x128xf32, #tpu.memory_space<hbm>>) target(%arg12 : memref<80x128xf32, #tpu.memory_space<vmem>>) offsets(%arg8 : memref<80xi32, #tpu.memory_space<vmem>>) semaphore(%arg16 : memref<!tpu.dma_semaphore, #tpu.memory_space<semaphore_mem>>)
    %scan3A = arith.constant 0 : i32
    %scan3A_10 = arith.constant 0 : i32
    %scan3A_11 = arith.constant 62 : i32
    %scan3A_12 = arith.addi %scan3A_10, %scan3A_11 : i32
    %scan3A_13 = arith.constant 1 : i32
    scf.for %scan3A_28 = %scan3A_10 to %scan3A_12 step %scan3A_13  : i32 {
      %mul3A_29 = arith.constant 2 : i32
      %mul3A_30 = arith.muli %mul3A_29, %scan3A_28 : i32
      %add3A_31 = arith.constant 1 : i32
      %add3A_32 = arith.addi %mul3A_30, %add3A_31 : i32
      %mul3A_33 = arith.constant 80 : i32
      %mul3A_34 = arith.muli %add3A_32, %mul3A_33 : i32
      %add3A_35 = arith.addi %mul3A_2, %mul3A_34 : i32
      "tpu.region"() ({
        %run_scoped3A = tpu.sem_alloc : memref<!tpu.dma_semaphore, #tpu.memory_space<semaphore_mem>>
        %dma_start3A_91 = tpu.memref_slice %arg4[%add3A_35] : memref<320000xi32, #tpu.memory_space<hbm>> -> memref<80xi32, #tpu.memory_space<hbm>>
        %dma_start3A_92 = tpu.memref_slice %arg4[%add3A_35] : memref<320000xi32, #tpu.memory_space<hbm>> -> memref<80xi32, #tpu.memory_space<hbm>>
        tpu.enqueue_dma source(%dma_start3A_92 : memref<80xi32, #tpu.memory_space<hbm>>) target(%arg9 : memref<80xi32, #tpu.memory_space<vmem>>) target_semaphore(%run_scoped3A : memref<!tpu.dma_semaphore, #tpu.memory_space<semaphore_mem>>)
        %dma_wait3A_93 = tpu.memref_slice %arg4[%add3A_35] : memref<320000xi32, #tpu.memory_space<hbm>> -> memref<80xi32, #tpu.memory_space<hbm>>
        %dma_wait3A_94 = tpu.memref_slice %arg4[%add3A_35] : memref<320000xi32, #tpu.memory_space<hbm>> -> memref<80xi32, #tpu.memory_space<hbm>>
        tpu.wait_dma2 semaphore(%run_scoped3A : memref<!tpu.dma_semaphore, #tpu.memory_space<semaphore_mem>>) src(%dma_wait3A_94 : memref<80xi32, #tpu.memory_space<hbm>>) dst(%arg9 : memref<80xi32, #tpu.memory_space<vmem>>)
        tpu.yield
      }) : () -> ()
      "tpu.region"() ({
        %run_scoped3A = tpu.sem_alloc : memref<!tpu.dma_semaphore, #tpu.memory_space<semaphore_mem>>
        %dma_start3A_91 = tpu.memref_slice %arg5[%add3A_35] : memref<320000xi32, #tpu.memory_space<hbm>> -> memref<80xi32, #tpu.memory_space<hbm>>
        %dma_start3A_92 = tpu.memref_slice %arg5[%add3A_35] : memref<320000xi32, #tpu.memory_space<hbm>> -> memref<80xi32, #tpu.memory_space<hbm>>
        tpu.enqueue_dma source(%dma_start3A_92 : memref<80xi32, #tpu.memory_space<hbm>>) target(%arg10 : memref<80xi32, #tpu.memory_space<vmem>>) target_semaphore(%run_scoped3A : memref<!tpu.dma_semaphore, #tpu.memory_space<semaphore_mem>>)
        %dma_wait3A_93 = tpu.memref_slice %arg5[%add3A_35] : memref<320000xi32, #tpu.memory_space<hbm>> -> memref<80xi32, #tpu.memory_space<hbm>>
        %dma_wait3A_94 = tpu.memref_slice %arg5[%add3A_35] : memref<320000xi32, #tpu.memory_space<hbm>> -> memref<80xi32, #tpu.memory_space<hbm>>
        tpu.wait_dma2 semaphore(%run_scoped3A : memref<!tpu.dma_semaphore, #tpu.memory_space<semaphore_mem>>) src(%dma_wait3A_94 : memref<80xi32, #tpu.memory_space<hbm>>) dst(%arg10 : memref<80xi32, #tpu.memory_space<vmem>>)
        tpu.yield
      }) : () -> ()
      %dma_start3A_36 = arith.constant 0 : i32
      %dma_start3A_37 = arith.constant 0 : i32
      %dma_start3A_38 = tpu.memref_slice %arg2[%dma_start3A_36, %dma_start3A_37] : memref<10000x128xf32, #tpu.memory_space<hbm>> -> memref<10000x128xf32, #tpu.memory_space<hbm>>
      tpu.enqueue_indirect_dma source(%dma_start3A_38 : memref<10000x128xf32, #tpu.memory_space<hbm>>) target(%arg13 : memref<80x128xf32, #tpu.memory_space<vmem>>) offsets(%arg9 : memref<80xi32, #tpu.memory_space<vmem>>) semaphore(%arg17 : memref<!tpu.dma_semaphore, #tpu.memory_space<semaphore_mem>>)
      %dma_start3A_39 = arith.constant 0 : i32
      %dma_start3A_40 = arith.constant 0 : i32
      %dma_start3A_41 = tpu.memref_slice %arg3[%dma_start3A_39, %dma_start3A_40] : memref<10000x128xf32, #tpu.memory_space<hbm>> -> memref<10000x128xf32, #tpu.memory_space<hbm>>
      tpu.enqueue_indirect_dma source(%dma_start3A_41 : memref<10000x128xf32, #tpu.memory_space<hbm>>) target(%arg14 : memref<80x128xf32, #tpu.memory_space<vmem>>) offsets(%arg10 : memref<80xi32, #tpu.memory_space<vmem>>) semaphore(%arg18 : memref<!tpu.dma_semaphore, #tpu.memory_space<semaphore_mem>>)
      %mul3A_42 = arith.constant 2 : i32
      %mul3A_43 = arith.muli %mul3A_42, %scan3A_28 : i32
      %mul3A_44 = arith.constant 80 : i32
      %mul3A_45 = arith.muli %mul3A_43, %mul3A_44 : i32
      %add3A_46 = arith.addi %mul3A_2, %mul3A_45 : i32
      %dma_wait3A_47 = arith.constant 0 : i32
      %dma_wait3A_48 = arith.constant 0 : i32
      %dma_wait3A_49 = tpu.memref_slice %arg2[%dma_wait3A_47, %dma_wait3A_48] : memref<10000x128xf32, #tpu.memory_space<hbm>> -> memref<10000x128xf32, #tpu.memory_space<hbm>>
      tpu.wait_indirect_dma semaphore(%arg15 : memref<!tpu.dma_semaphore, #tpu.memory_space<semaphore_mem>>) src(%dma_wait3A_49 : memref<10000x128xf32, #tpu.memory_space<hbm>>) dst(%arg11 : memref<80x128xf32, #tpu.memory_space<vmem>>)
      %dma_wait3A_50 = arith.constant 0 : i32
      %dma_wait3A_51 = arith.constant 0 : i32
      %dma_wait3A_52 = tpu.memref_slice %arg3[%dma_wait3A_50, %dma_wait3A_51] : memref<10000x128xf32, #tpu.memory_space<hbm>> -> memref<10000x128xf32, #tpu.memory_space<hbm>>
      tpu.wait_indirect_dma semaphore(%arg16 : memref<!tpu.dma_semaphore, #tpu.memory_space<semaphore_mem>>) src(%dma_wait3A_52 : memref<10000x128xf32, #tpu.memory_space<hbm>>) dst(%arg12 : memref<80x128xf32, #tpu.memory_space<vmem>>)
      %scan3A_53 = arith.constant 0 : i32
      %scan3A_54 = arith.constant 0 : i32
      %scan3A_55 = arith.constant 80 : i32
      %scan3A_56 = arith.addi %scan3A_54, %scan3A_55 : i32
      %scan3A_57 = arith.constant 1 : i32
      scf.for %scan3A_91 = %scan3A_54 to %scan3A_56 step %scan3A_57  : i32 {
        %get3A = arith.index_cast %scan3A_91 : i32 to index
        %get3A_92 = arith.constant 0 : index
        %get3A_93 = tpu.vector_load %arg11[%get3A, %get3A_92] {strides = array<i32>} : memref<80x128xf32, #tpu.memory_space<vmem>>, vector<1x16xf32>,
        %get3A_94 = vector.shape_cast %get3A_93 : vector<1x16xf32> to vector<16xf32>
        %get3A_95 = arith.index_cast %scan3A_91 : i32 to index
        %get3A_96 = arith.constant 0 : index
        %get3A_97 = tpu.vector_load %arg12[%get3A_95, %get3A_96] {strides = array<i32>} : memref<80x128xf32, #tpu.memory_space<vmem>>, vector<1x16xf32>,
        %get3A_98 = vector.shape_cast %get3A_97 : vector<1x16xf32> to vector<16xf32>
        %add3A_99 = arith.addf %get3A_94, %get3A_98 : vector<16xf32>
        %swap3A = arith.index_cast %scan3A_91 : i32 to index
        %swap3A_100 = arith.constant 0 : index
        %swap3A_101 = tpu.vector_load %arg11[%swap3A, %swap3A_100] {strides = array<i32>} : memref<80x128xf32, #tpu.memory_space<vmem>>, vector<1x16xf32>,
        %swap3A_102 = vector.shape_cast %swap3A_101 : vector<1x16xf32> to vector<16xf32>
        %swap3A_103 = vector.shape_cast %add3A_99 : vector<16xf32> to vector<1x16xf32>
        tpu.vector_store %arg11[%swap3A, %swap3A_100], %swap3A_103 {strides = array<i32>} : memref<80x128xf32, #tpu.memory_space<vmem>>, vector<1x16xf32>,
        %get3A_104 = arith.index_cast %scan3A_91 : i32 to index
        %get3A_105 = arith.constant 16 : index
        %get3A_106 = tpu.vector_load %arg11[%get3A_104, %get3A_105] {strides = array<i32>} : memref<80x128xf32, #tpu.memory_space<vmem>>, vector<1x16xf32>,
        %get3A_107 = vector.shape_cast %get3A_106 : vector<1x16xf32> to vector<16xf32>
        %get3A_108 = arith.index_cast %scan3A_91 : i32 to index
        %get3A_109 = arith.constant 16 : index
        %get3A_110 = tpu.vector_load %arg12[%get3A_108, %get3A_109] {strides = array<i32>} : memref<80x128xf32, #tpu.memory_space<vmem>>, vector<1x16xf32>,
        %get3A_111 = vector.shape_cast %get3A_110 : vector<1x16xf32> to vector<16xf32>
        %add3A_112 = arith.addf %get3A_107, %get3A_111 : vector<16xf32>
        %swap3A_113 = arith.index_cast %scan3A_91 : i32 to index
        %swap3A_114 = arith.constant 16 : index
        %swap3A_115 = tpu.vector_load %arg11[%swap3A_113, %swap3A_114] {strides = array<i32>} : memref<80x128xf32, #tpu.memory_space<vmem>>, vector<1x16xf32>,
        %swap3A_116 = vector.shape_cast %swap3A_115 : vector<1x16xf32> to vector<16xf32>
        %swap3A_117 = vector.shape_cast %add3A_112 : vector<16xf32> to vector<1x16xf32>
        tpu.vector_store %arg11[%swap3A_113, %swap3A_114], %swap3A_117 {strides = array<i32>} : memref<80x128xf32, #tpu.memory_space<vmem>>, vector<1x16xf32>,
        %get3A_118 = arith.index_cast %scan3A_91 : i32 to index
        %get3A_119 = arith.constant 32 : index
        %get3A_120 = tpu.vector_load %arg11[%get3A_118, %get3A_119] {strides = array<i32>} : memref<80x128xf32, #tpu.memory_space<vmem>>, vector<1x16xf32>,
        %get3A_121 = vector.shape_cast %get3A_120 : vector<1x16xf32> to vector<16xf32>
        %get3A_122 = arith.index_cast %scan3A_91 : i32 to index
        %get3A_123 = arith.constant 32 : index
        %get3A_124 = tpu.vector_load %arg12[%get3A_122, %get3A_123] {strides = array<i32>} : memref<80x128xf32, #tpu.memory_space<vmem>>, vector<1x16xf32>,
        %get3A_125 = vector.shape_cast %get3A_124 : vector<1x16xf32> to vector<16xf32>
        %add3A_126 = arith.addf %get3A_121, %get3A_125 : vector<16xf32>
        %swap3A_127 = arith.index_cast %scan3A_91 : i32 to index
        %swap3A_128 = arith.constant 32 : index
        %swap3A_129 = tpu.vector_load %arg11[%swap3A_127, %swap3A_128] {strides = array<i32>} : memref<80x128xf32, #tpu.memory_space<vmem>>, vector<1x16xf32>,
        %swap3A_130 = vector.shape_cast %swap3A_129 : vector<1x16xf32> to vector<16xf32>
        %swap3A_131 = vector.shape_cast %add3A_126 : vector<16xf32> to vector<1x16xf32>
        tpu.vector_store %arg11[%swap3A_127, %swap3A_128], %swap3A_131 {strides = array<i32>} : memref<80x128xf32, #tpu.memory_space<vmem>>, vector<1x16xf32>,
        %get3A_132 = arith.index_cast %scan3A_91 : i32 to index
        %get3A_133 = arith.constant 48 : index
        %get3A_134 = tpu.vector_load %arg11[%get3A_132, %get3A_133] {strides = array<i32>} : memref<80x128xf32, #tpu.memory_space<vmem>>, vector<1x16xf32>,
        %get3A_135 = vector.shape_cast %get3A_134 : vector<1x16xf32> to vector<16xf32>
        %get3A_136 = arith.index_cast %scan3A_91 : i32 to index
        %get3A_137 = arith.constant 48 : index
        %get3A_138 = tpu.vector_load %arg12[%get3A_136, %get3A_137] {strides = array<i32>} : memref<80x128xf32, #tpu.memory_space<vmem>>, vector<1x16xf32>,
        %get3A_139 = vector.shape_cast %get3A_138 : vector<1x16xf32> to vector<16xf32>
        %add3A_140 = arith.addf %get3A_135, %get3A_139 : vector<16xf32>
        %swap3A_141 = arith.index_cast %scan3A_91 : i32 to index
        %swap3A_142 = arith.constant 48 : index
        %swap3A_143 = tpu.vector_load %arg11[%swap3A_141, %swap3A_142] {strides = array<i32>} : memref<80x128xf32, #tpu.memory_space<vmem>>, vector<1x16xf32>,
        %swap3A_144 = vector.shape_cast %swap3A_143 : vector<1x16xf32> to vector<16xf32>
        %swap3A_145 = vector.shape_cast %add3A_140 : vector<16xf32> to vector<1x16xf32>
        tpu.vector_store %arg11[%swap3A_141, %swap3A_142], %swap3A_145 {strides = array<i32>} : memref<80x128xf32, #tpu.memory_space<vmem>>, vector<1x16xf32>,
        %get3A_146 = arith.index_cast %scan3A_91 : i32 to index
        %get3A_147 = arith.constant 64 : index
        %get3A_148 = tpu.vector_load %arg11[%get3A_146, %get3A_147] {strides = array<i32>} : memref<80x128xf32, #tpu.memory_space<vmem>>, vector<1x16xf32>,
        %get3A_149 = vector.shape_cast %get3A_148 : vector<1x16xf32> to vector<16xf32>
        %get3A_150 = arith.index_cast %scan3A_91 : i32 to index
        %get3A_151 = arith.constant 64 : index
        %get3A_152 = tpu.vector_load %arg12[%get3A_150, %get3A_151] {strides = array<i32>} : memref<80x128xf32, #tpu.memory_space<vmem>>, vector<1x16xf32>,
        %get3A_153 = vector.shape_cast %get3A_152 : vector<1x16xf32> to vector<16xf32>
        %add3A_154 = arith.addf %get3A_149, %get3A_153 : vector<16xf32>
        %swap3A_155 = arith.index_cast %scan3A_91 : i32 to index
        %swap3A_156 = arith.constant 64 : index
        %swap3A_157 = tpu.vector_load %arg11[%swap3A_155, %swap3A_156] {strides = array<i32>} : memref<80x128xf32, #tpu.memory_space<vmem>>, vector<1x16xf32>,
        %swap3A_158 = vector.shape_cast %swap3A_157 : vector<1x16xf32> to vector<16xf32>
        %swap3A_159 = vector.shape_cast %add3A_154 : vector<16xf32> to vector<1x16xf32>
        tpu.vector_store %arg11[%swap3A_155, %swap3A_156], %swap3A_159 {strides = array<i32>} : memref<80x128xf32, #tpu.memory_space<vmem>>, vector<1x16xf32>,
        %get3A_160 = arith.index_cast %scan3A_91 : i32 to index
        %get3A_161 = arith.constant 80 : index
        %get3A_162 = tpu.vector_load %arg11[%get3A_160, %get3A_161] {strides = array<i32>} : memref<80x128xf32, #tpu.memory_space<vmem>>, vector<1x16xf32>,
        %get3A_163 = vector.shape_cast %get3A_162 : vector<1x16xf32> to vector<16xf32>
        %get3A_164 = arith.index_cast %scan3A_91 : i32 to index
        %get3A_165 = arith.constant 80 : index
        %get3A_166 = tpu.vector_load %arg12[%get3A_164, %get3A_165] {strides = array<i32>} : memref<80x128xf32, #tpu.memory_space<vmem>>, vector<1x16xf32>,
        %get3A_167 = vector.shape_cast %get3A_166 : vector<1x16xf32> to vector<16xf32>
        %add3A_168 = arith.addf %get3A_163, %get3A_167 : vector<16xf32>
        %swap3A_169 = arith.index_cast %scan3A_91 : i32 to index
        %swap3A_170 = arith.constant 80 : index
        %swap3A_171 = tpu.vector_load %arg11[%swap3A_169, %swap3A_170] {strides = array<i32>} : memref<80x128xf32, #tpu.memory_space<vmem>>, vector<1x16xf32>,
        %swap3A_172 = vector.shape_cast %swap3A_171 : vector<1x16xf32> to vector<16xf32>
        %swap3A_173 = vector.shape_cast %add3A_168 : vector<16xf32> to vector<1x16xf32>
        tpu.vector_store %arg11[%swap3A_169, %swap3A_170], %swap3A_173 {strides = array<i32>} : memref<80x128xf32, #tpu.memory_space<vmem>>, vector<1x16xf32>,
        %get3A_174 = arith.index_cast %scan3A_91 : i32 to index
        %get3A_175 = arith.constant 96 : index
        %get3A_176 = tpu.vector_load %arg11[%get3A_174, %get3A_175] {strides = array<i32>} : memref<80x128xf32, #tpu.memory_space<vmem>>, vector<1x16xf32>,
        %get3A_177 = vector.shape_cast %get3A_176 : vector<1x16xf32> to vector<16xf32>
        %get3A_178 = arith.index_cast %scan3A_91 : i32 to index
        %get3A_179 = arith.constant 96 : index
        %get3A_180 = tpu.vector_load %arg12[%get3A_178, %get3A_179] {strides = array<i32>} : memref<80x128xf32, #tpu.memory_space<vmem>>, vector<1x16xf32>,
        %get3A_181 = vector.shape_cast %get3A_180 : vector<1x16xf32> to vector<16xf32>
        %add3A_182 = arith.addf %get3A_177, %get3A_181 : vector<16xf32>
        %swap3A_183 = arith.index_cast %scan3A_91 : i32 to index
        %swap3A_184 = arith.constant 96 : index
        %swap3A_185 = tpu.vector_load %arg11[%swap3A_183, %swap3A_184] {strides = array<i32>} : memref<80x128xf32, #tpu.memory_space<vmem>>, vector<1x16xf32>,
        %swap3A_186 = vector.shape_cast %swap3A_185 : vector<1x16xf32> to vector<16xf32>
        %swap3A_187 = vector.shape_cast %add3A_182 : vector<16xf32> to vector<1x16xf32>
        tpu.vector_store %arg11[%swap3A_183, %swap3A_184], %swap3A_187 {strides = array<i32>} : memref<80x128xf32, #tpu.memory_space<vmem>>, vector<1x16xf32>,
        %get3A_188 = arith.index_cast %scan3A_91 : i32 to index
        %get3A_189 = arith.constant 112 : index
        %get3A_190 = tpu.vector_load %arg11[%get3A_188, %get3A_189] {strides = array<i32>} : memref<80x128xf32, #tpu.memory_space<vmem>>, vector<1x16xf32>,
        %get3A_191 = vector.shape_cast %get3A_190 : vector<1x16xf32> to vector<16xf32>
        %get3A_192 = arith.index_cast %scan3A_91 : i32 to index
        %get3A_193 = arith.constant 112 : index
        %get3A_194 = tpu.vector_load %arg12[%get3A_192, %get3A_193] {strides = array<i32>} : memref<80x128xf32, #tpu.memory_space<vmem>>, vector<1x16xf32>,
        %get3A_195 = vector.shape_cast %get3A_194 : vector<1x16xf32> to vector<16xf32>
        %add3A_196 = arith.addf %get3A_191, %get3A_195 : vector<16xf32>
        %swap3A_197 = arith.index_cast %scan3A_91 : i32 to index
        %swap3A_198 = arith.constant 112 : index
        %swap3A_199 = tpu.vector_load %arg11[%swap3A_197, %swap3A_198] {strides = array<i32>} : memref<80x128xf32, #tpu.memory_space<vmem>>, vector<1x16xf32>,
        %swap3A_200 = vector.shape_cast %swap3A_199 : vector<1x16xf32> to vector<16xf32>
        %swap3A_201 = vector.shape_cast %add3A_196 : vector<16xf32> to vector<1x16xf32>
        tpu.vector_store %arg11[%swap3A_197, %swap3A_198], %swap3A_201 {strides = array<i32>} : memref<80x128xf32, #tpu.memory_space<vmem>>, vector<1x16xf32>,
      }
      %scan3A_58 = arith.constant 80 : i32
      "tpu.region"() ({
        %run_scoped3A = tpu.sem_alloc : memref<!tpu.dma_semaphore, #tpu.memory_space<semaphore_mem>>
        %dma_start3A_91 = arith.constant 0 : i32
        %dma_start3A_92 = tpu.memref_slice %arg6[%add3A_46, %dma_start3A_91] : memref<320000x128xf32, #tpu.memory_space<hbm>> -> memref<80x128xf32, #tpu.memory_space<hbm>>
        %dma_start3A_93 = arith.constant 0 : i32
        %dma_start3A_94 = tpu.memref_slice %arg6[%add3A_46, %dma_start3A_93] : memref<320000x128xf32, #tpu.memory_space<hbm>> -> memref<80x128xf32, #tpu.memory_space<hbm>>
        tpu.enqueue_dma source(%arg11 : memref<80x128xf32, #tpu.memory_space<vmem>>) target(%dma_start3A_94 : memref<80x128xf32, #tpu.memory_space<hbm>>) target_semaphore(%run_scoped3A : memref<!tpu.dma_semaphore, #tpu.memory_space<semaphore_mem>>)
        %dma_wait3A_95 = arith.constant 0 : i32
        %dma_wait3A_96 = tpu.memref_slice %arg6[%add3A_46, %dma_wait3A_95] : memref<320000x128xf32, #tpu.memory_space<hbm>> -> memref<80x128xf32, #tpu.memory_space<hbm>>
        %dma_wait3A_97 = arith.constant 0 : i32
        %dma_wait3A_98 = tpu.memref_slice %arg6[%add3A_46, %dma_wait3A_97] : memref<320000x128xf32, #tpu.memory_space<hbm>> -> memref<80x128xf32, #tpu.memory_space<hbm>>
        tpu.wait_dma2 semaphore(%run_scoped3A : memref<!tpu.dma_semaphore, #tpu.memory_space<semaphore_mem>>) src(%arg11 : memref<80x128xf32, #tpu.memory_space<vmem>>) dst(%dma_wait3A_98 : memref<80x128xf32, #tpu.memory_space<hbm>>)
        tpu.yield
      }) : () -> ()
      %mul3A_59 = arith.constant 2 : i32
      %mul3A_60 = arith.muli %mul3A_59, %scan3A_28 : i32
      %add3A_61 = arith.constant 2 : i32
      %add3A_62 = arith.addi %mul3A_60, %add3A_61 : i32
      %mul3A_63 = arith.constant 80 : i32
      %mul3A_64 = arith.muli %add3A_62, %mul3A_63 : i32
      %add3A_65 = arith.addi %mul3A_2, %mul3A_64 : i32
      "tpu.region"() ({
        %run_scoped3A = tpu.sem_alloc : memref<!tpu.dma_semaphore, #tpu.memory_space<semaphore_mem>>
        %dma_start3A_91 = tpu.memref_slice %arg4[%add3A_65] : memref<320000xi32, #tpu.memory_space<hbm>> -> memref<80xi32, #tpu.memory_space<hbm>>
        %dma_start3A_92 = tpu.memref_slice %arg4[%add3A_65] : memref<320000xi32, #tpu.memory_space<hbm>> -> memref<80xi32, #tpu.memory_space<hbm>>
        tpu.enqueue_dma source(%dma_start3A_92 : memref<80xi32, #tpu.memory_space<hbm>>) target(%arg7 : memref<80xi32, #tpu.memory_space<vmem>>) target_semaphore(%run_scoped3A : memref<!tpu.dma_semaphore, #tpu.memory_space<semaphore_mem>>)
        %dma_wait3A_93 = tpu.memref_slice %arg4[%add3A_65] : memref<320000xi32, #tpu.memory_space<hbm>> -> memref<80xi32, #tpu.memory_space<hbm>>
        %dma_wait3A_94 = tpu.memref_slice %arg4[%add3A_65] : memref<320000xi32, #tpu.memory_space<hbm>> -> memref<80xi32, #tpu.memory_space<hbm>>
        tpu.wait_dma2 semaphore(%run_scoped3A : memref<!tpu.dma_semaphore, #tpu.memory_space<semaphore_mem>>) src(%dma_wait3A_94 : memref<80xi32, #tpu.memory_space<hbm>>) dst(%arg7 : memref<80xi32, #tpu.memory_space<vmem>>)
        tpu.yield
      }) : () -> ()
      "tpu.region"() ({
        %run_scoped3A = tpu.sem_alloc : memref<!tpu.dma_semaphore, #tpu.memory_space<semaphore_mem>>
        %dma_start3A_91 = tpu.memref_slice %arg5[%add3A_65] : memref<320000xi32, #tpu.memory_space<hbm>> -> memref<80xi32, #tpu.memory_space<hbm>>
        %dma_start3A_92 = tpu.memref_slice %arg5[%add3A_65] : memref<320000xi32, #tpu.memory_space<hbm>> -> memref<80xi32, #tpu.memory_space<hbm>>
        tpu.enqueue_dma source(%dma_start3A_92 : memref<80xi32, #tpu.memory_space<hbm>>) target(%arg8 : memref<80xi32, #tpu.memory_space<vmem>>) target_semaphore(%run_scoped3A : memref<!tpu.dma_semaphore, #tpu.memory_space<semaphore_mem>>)
        %dma_wait3A_93 = tpu.memref_slice %arg5[%add3A_65] : memref<320000xi32, #tpu.memory_space<hbm>> -> memref<80xi32, #tpu.memory_space<hbm>>
        %dma_wait3A_94 = tpu.memref_slice %arg5[%add3A_65] : memref<320000xi32, #tpu.memory_space<hbm>> -> memref<80xi32, #tpu.memory_space<hbm>>
        tpu.wait_dma2 semaphore(%run_scoped3A : memref<!tpu.dma_semaphore, #tpu.memory_space<semaphore_mem>>) src(%dma_wait3A_94 : memref<80xi32, #tpu.memory_space<hbm>>) dst(%arg8 : memref<80xi32, #tpu.memory_space<vmem>>)
        tpu.yield
      }) : () -> ()
      %dma_start3A_66 = arith.constant 0 : i32
      %dma_start3A_67 = arith.constant 0 : i32
      %dma_start3A_68 = tpu.memref_slice %arg2[%dma_start3A_66, %dma_start3A_67] : memref<10000x128xf32, #tpu.memory_space<hbm>> -> memref<10000x128xf32, #tpu.memory_space<hbm>>
      tpu.enqueue_indirect_dma source(%dma_start3A_68 : memref<10000x128xf32, #tpu.memory_space<hbm>>) target(%arg11 : memref<80x128xf32, #tpu.memory_space<vmem>>) offsets(%arg7 : memref<80xi32, #tpu.memory_space<vmem>>) semaphore(%arg15 : memref<!tpu.dma_semaphore, #tpu.memory_space<semaphore_mem>>)
      %dma_start3A_69 = arith.constant 0 : i32
      %dma_start3A_70 = arith.constant 0 : i32
      %dma_start3A_71 = tpu.memref_slice %arg3[%dma_start3A_69, %dma_start3A_70] : memref<10000x128xf32, #tpu.memory_space<hbm>> -> memref<10000x128xf32, #tpu.memory_space<hbm>>
      tpu.enqueue_indirect_dma source(%dma_start3A_71 : memref<10000x128xf32, #tpu.memory_space<hbm>>) target(%arg12 : memref<80x128xf32, #tpu.memory_space<vmem>>) offsets(%arg8 : memref<80xi32, #tpu.memory_space<vmem>>) semaphore(%arg16 : memref<!tpu.dma_semaphore, #tpu.memory_space<semaphore_mem>>)
      %mul3A_72 = arith.constant 2 : i32
      %mul3A_73 = arith.muli %mul3A_72, %scan3A_28 : i32
      %add3A_74 = arith.constant 1 : i32
      %add3A_75 = arith.addi %mul3A_73, %add3A_74 : i32
      %mul3A_76 = arith.constant 80 : i32
      %mul3A_77 = arith.muli %add3A_75, %mul3A_76 : i32
      %add3A_78 = arith.addi %mul3A_2, %mul3A_77 : i32
      %dma_wait3A_79 = arith.constant 0 : i32
      %dma_wait3A_80 = arith.constant 0 : i32
      %dma_wait3A_81 = tpu.memref_slice %arg2[%dma_wait3A_79, %dma_wait3A_80] : memref<10000x128xf32, #tpu.memory_space<hbm>> -> memref<10000x128xf32, #tpu.memory_space<hbm>>
      tpu.wait_indirect_dma semaphore(%arg17 : memref<!tpu.dma_semaphore, #tpu.memory_space<semaphore_mem>>) src(%dma_wait3A_81 : memref<10000x128xf32, #tpu.memory_space<hbm>>) dst(%arg13 : memref<80x128xf32, #tpu.memory_space<vmem>>)
      %dma_wait3A_82 = arith.constant 0 : i32
      %dma_wait3A_83 = arith.constant 0 : i32
      %dma_wait3A_84 = tpu.memref_slice %arg3[%dma_wait3A_82, %dma_wait3A_83] : memref<10000x128xf32, #tpu.memory_space<hbm>> -> memref<10000x128xf32, #tpu.memory_space<hbm>>
      tpu.wait_indirect_dma semaphore(%arg18 : memref<!tpu.dma_semaphore, #tpu.memory_space<semaphore_mem>>) src(%dma_wait3A_84 : memref<10000x128xf32, #tpu.memory_space<hbm>>) dst(%arg14 : memref<80x128xf32, #tpu.memory_space<vmem>>)
      %scan3A_85 = arith.constant 0 : i32
      %scan3A_86 = arith.constant 0 : i32
      %scan3A_87 = arith.constant 80 : i32
      %scan3A_88 = arith.addi %scan3A_86, %scan3A_87 : i32
      %scan3A_89 = arith.constant 1 : i32
      scf.for %scan3A_91 = %scan3A_86 to %scan3A_88 step %scan3A_89  : i32 {
        %get3A = arith.index_cast %scan3A_91 : i32 to index
        %get3A_92 = arith.constant 0 : index
        %get3A_93 = tpu.vector_load %arg13[%get3A, %get3A_92] {strides = array<i32>} : memref<80x128xf32, #tpu.memory_space<vmem>>, vector<1x16xf32>,
        %get3A_94 = vector.shape_cast %get3A_93 : vector<1x16xf32> to vector<16xf32>
        %get3A_95 = arith.index_cast %scan3A_91 : i32 to index
        %get3A_96 = arith.constant 0 : index
        %get3A_97 = tpu.vector_load %arg14[%get3A_95, %get3A_96] {strides = array<i32>} : memref<80x128xf32, #tpu.memory_space<vmem>>, vector<1x16xf32>,
        %get3A_98 = vector.shape_cast %get3A_97 : vector<1x16xf32> to vector<16xf32>
        %add3A_99 = arith.addf %get3A_94, %get3A_98 : vector<16xf32>
        %swap3A = arith.index_cast %scan3A_91 : i32 to index
        %swap3A_100 = arith.constant 0 : index
        %swap3A_101 = tpu.vector_load %arg13[%swap3A, %swap3A_100] {strides = array<i32>} : memref<80x128xf32, #tpu.memory_space<vmem>>, vector<1x16xf32>,
        %swap3A_102 = vector.shape_cast %swap3A_101 : vector<1x16xf32> to vector<16xf32>
        %swap3A_103 = vector.shape_cast %add3A_99 : vector<16xf32> to vector<1x16xf32>
        tpu.vector_store %arg13[%swap3A, %swap3A_100], %swap3A_103 {strides = array<i32>} : memref<80x128xf32, #tpu.memory_space<vmem>>, vector<1x16xf32>,
        %get3A_104 = arith.index_cast %scan3A_91 : i32 to index
        %get3A_105 = arith.constant 16 : index
        %get3A_106 = tpu.vector_load %arg13[%get3A_104, %get3A_105] {strides = array<i32>} : memref<80x128xf32, #tpu.memory_space<vmem>>, vector<1x16xf32>,
        %get3A_107 = vector.shape_cast %get3A_106 : vector<1x16xf32> to vector<16xf32>
        %get3A_108 = arith.index_cast %scan3A_91 : i32 to index
        %get3A_109 = arith.constant 16 : index
        %get3A_110 = tpu.vector_load %arg14[%get3A_108, %get3A_109] {strides = array<i32>} : memref<80x128xf32, #tpu.memory_space<vmem>>, vector<1x16xf32>,
        %get3A_111 = vector.shape_cast %get3A_110 : vector<1x16xf32> to vector<16xf32>
        %add3A_112 = arith.addf %get3A_107, %get3A_111 : vector<16xf32>
        %swap3A_113 = arith.index_cast %scan3A_91 : i32 to index
        %swap3A_114 = arith.constant 16 : index
        %swap3A_115 = tpu.vector_load %arg13[%swap3A_113, %swap3A_114] {strides = array<i32>} : memref<80x128xf32, #tpu.memory_space<vmem>>, vector<1x16xf32>,
        %swap3A_116 = vector.shape_cast %swap3A_115 : vector<1x16xf32> to vector<16xf32>
        %swap3A_117 = vector.shape_cast %add3A_112 : vector<16xf32> to vector<1x16xf32>
        tpu.vector_store %arg13[%swap3A_113, %swap3A_114], %swap3A_117 {strides = array<i32>} : memref<80x128xf32, #tpu.memory_space<vmem>>, vector<1x16xf32>,
        %get3A_118 = arith.index_cast %scan3A_91 : i32 to index
        %get3A_119 = arith.constant 32 : index
        %get3A_120 = tpu.vector_load %arg13[%get3A_118, %get3A_119] {strides = array<i32>} : memref<80x128xf32, #tpu.memory_space<vmem>>, vector<1x16xf32>,
        %get3A_121 = vector.shape_cast %get3A_120 : vector<1x16xf32> to vector<16xf32>
        %get3A_122 = arith.index_cast %scan3A_91 : i32 to index
        %get3A_123 = arith.constant 32 : index
        %get3A_124 = tpu.vector_load %arg14[%get3A_122, %get3A_123] {strides = array<i32>} : memref<80x128xf32, #tpu.memory_space<vmem>>, vector<1x16xf32>,
        %get3A_125 = vector.shape_cast %get3A_124 : vector<1x16xf32> to vector<16xf32>
        %add3A_126 = arith.addf %get3A_121, %get3A_125 : vector<16xf32>
        %swap3A_127 = arith.index_cast %scan3A_91 : i32 to index
        %swap3A_128 = arith.constant 32 : index
        %swap3A_129 = tpu.vector_load %arg13[%swap3A_127, %swap3A_128] {strides = array<i32>} : memref<80x128xf32, #tpu.memory_space<vmem>>, vector<1x16xf32>,
        %swap3A_130 = vector.shape_cast %swap3A_129 : vector<1x16xf32> to vector<16xf32>
        %swap3A_131 = vector.shape_cast %add3A_126 : vector<16xf32> to vector<1x16xf32>
        tpu.vector_store %arg13[%swap3A_127, %swap3A_128], %swap3A_131 {strides = array<i32>} : memref<80x128xf32, #tpu.memory_space<vmem>>, vector<1x16xf32>,
        %get3A_132 = arith.index_cast %scan3A_91 : i32 to index
        %get3A_133 = arith.constant 48 : index
        %get3A_134 = tpu.vector_load %arg13[%get3A_132, %get3A_133] {strides = array<i32>} : memref<80x128xf32, #tpu.memory_space<vmem>>, vector<1x16xf32>,
        %get3A_135 = vector.shape_cast %get3A_134 : vector<1x16xf32> to vector<16xf32>
        %get3A_136 = arith.index_cast %scan3A_91 : i32 to index
        %get3A_137 = arith.constant 48 : index
        %get3A_138 = tpu.vector_load %arg14[%get3A_136, %get3A_137] {strides = array<i32>} : memref<80x128xf32, #tpu.memory_space<vmem>>, vector<1x16xf32>,
        %get3A_139 = vector.shape_cast %get3A_138 : vector<1x16xf32> to vector<16xf32>
        %add3A_140 = arith.addf %get3A_135, %get3A_139 : vector<16xf32>
        %swap3A_141 = arith.index_cast %scan3A_91 : i32 to index
        %swap3A_142 = arith.constant 48 : index
        %swap3A_143 = tpu.vector_load %arg13[%swap3A_141, %swap3A_142] {strides = array<i32>} : memref<80x128xf32, #tpu.memory_space<vmem>>, vector<1x16xf32>,
        %swap3A_144 = vector.shape_cast %swap3A_143 : vector<1x16xf32> to vector<16xf32>
        %swap3A_145 = vector.shape_cast %add3A_140 : vector<16xf32> to vector<1x16xf32>
        tpu.vector_store %arg13[%swap3A_141, %swap3A_142], %swap3A_145 {strides = array<i32>} : memref<80x128xf32, #tpu.memory_space<vmem>>, vector<1x16xf32>,
        %get3A_146 = arith.index_cast %scan3A_91 : i32 to index
        %get3A_147 = arith.constant 64 : index
        %get3A_148 = tpu.vector_load %arg13[%get3A_146, %get3A_147] {strides = array<i32>} : memref<80x128xf32, #tpu.memory_space<vmem>>, vector<1x16xf32>,
        %get3A_149 = vector.shape_cast %get3A_148 : vector<1x16xf32> to vector<16xf32>
        %get3A_150 = arith.index_cast %scan3A_91 : i32 to index
        %get3A_151 = arith.constant 64 : index
        %get3A_152 = tpu.vector_load %arg14[%get3A_150, %get3A_151] {strides = array<i32>} : memref<80x128xf32, #tpu.memory_space<vmem>>, vector<1x16xf32>,
        %get3A_153 = vector.shape_cast %get3A_152 : vector<1x16xf32> to vector<16xf32>
        %add3A_154 = arith.addf %get3A_149, %get3A_153 : vector<16xf32>
        %swap3A_155 = arith.index_cast %scan3A_91 : i32 to index
        %swap3A_156 = arith.constant 64 : index
        %swap3A_157 = tpu.vector_load %arg13[%swap3A_155, %swap3A_156] {strides = array<i32>} : memref<80x128xf32, #tpu.memory_space<vmem>>, vector<1x16xf32>,
        %swap3A_158 = vector.shape_cast %swap3A_157 : vector<1x16xf32> to vector<16xf32>
        %swap3A_159 = vector.shape_cast %add3A_154 : vector<16xf32> to vector<1x16xf32>
        tpu.vector_store %arg13[%swap3A_155, %swap3A_156], %swap3A_159 {strides = array<i32>} : memref<80x128xf32, #tpu.memory_space<vmem>>, vector<1x16xf32>,
        %get3A_160 = arith.index_cast %scan3A_91 : i32 to index
        %get3A_161 = arith.constant 80 : index
        %get3A_162 = tpu.vector_load %arg13[%get3A_160, %get3A_161] {strides = array<i32>} : memref<80x128xf32, #tpu.memory_space<vmem>>, vector<1x16xf32>,
        %get3A_163 = vector.shape_cast %get3A_162 : vector<1x16xf32> to vector<16xf32>
        %get3A_164 = arith.index_cast %scan3A_91 : i32 to index
        %get3A_165 = arith.constant 80 : index
        %get3A_166 = tpu.vector_load %arg14[%get3A_164, %get3A_165] {strides = array<i32>} : memref<80x128xf32, #tpu.memory_space<vmem>>, vector<1x16xf32>,
        %get3A_167 = vector.shape_cast %get3A_166 : vector<1x16xf32> to vector<16xf32>
        %add3A_168 = arith.addf %get3A_163, %get3A_167 : vector<16xf32>
        %swap3A_169 = arith.index_cast %scan3A_91 : i32 to index
        %swap3A_170 = arith.constant 80 : index
        %swap3A_171 = tpu.vector_load %arg13[%swap3A_169, %swap3A_170] {strides = array<i32>} : memref<80x128xf32, #tpu.memory_space<vmem>>, vector<1x16xf32>,
        %swap3A_172 = vector.shape_cast %swap3A_171 : vector<1x16xf32> to vector<16xf32>
        %swap3A_173 = vector.shape_cast %add3A_168 : vector<16xf32> to vector<1x16xf32>
        tpu.vector_store %arg13[%swap3A_169, %swap3A_170], %swap3A_173 {strides = array<i32>} : memref<80x128xf32, #tpu.memory_space<vmem>>, vector<1x16xf32>,
        %get3A_174 = arith.index_cast %scan3A_91 : i32 to index
        %get3A_175 = arith.constant 96 : index
        %get3A_176 = tpu.vector_load %arg13[%get3A_174, %get3A_175] {strides = array<i32>} : memref<80x128xf32, #tpu.memory_space<vmem>>, vector<1x16xf32>,
        %get3A_177 = vector.shape_cast %get3A_176 : vector<1x16xf32> to vector<16xf32>
        %get3A_178 = arith.index_cast %scan3A_91 : i32 to index
        %get3A_179 = arith.constant 96 : index
        %get3A_180 = tpu.vector_load %arg14[%get3A_178, %get3A_179] {strides = array<i32>} : memref<80x128xf32, #tpu.memory_space<vmem>>, vector<1x16xf32>,
        %get3A_181 = vector.shape_cast %get3A_180 : vector<1x16xf32> to vector<16xf32>
        %add3A_182 = arith.addf %get3A_177, %get3A_181 : vector<16xf32>
        %swap3A_183 = arith.index_cast %scan3A_91 : i32 to index
        %swap3A_184 = arith.constant 96 : index
        %swap3A_185 = tpu.vector_load %arg13[%swap3A_183, %swap3A_184] {strides = array<i32>} : memref<80x128xf32, #tpu.memory_space<vmem>>, vector<1x16xf32>,
        %swap3A_186 = vector.shape_cast %swap3A_185 : vector<1x16xf32> to vector<16xf32>
        %swap3A_187 = vector.shape_cast %add3A_182 : vector<16xf32> to vector<1x16xf32>
        tpu.vector_store %arg13[%swap3A_183, %swap3A_184], %swap3A_187 {strides = array<i32>} : memref<80x128xf32, #tpu.memory_space<vmem>>, vector<1x16xf32>,
        %get3A_188 = arith.index_cast %scan3A_91 : i32 to index
        %get3A_189 = arith.constant 112 : index
        %get3A_190 = tpu.vector_load %arg13[%get3A_188, %get3A_189] {strides = array<i32>} : memref<80x128xf32, #tpu.memory_space<vmem>>, vector<1x16xf32>,
        %get3A_191 = vector.shape_cast %get3A_190 : vector<1x16xf32> to vector<16xf32>
        %get3A_192 = arith.index_cast %scan3A_91 : i32 to index
        %get3A_193 = arith.constant 112 : index
        %get3A_194 = tpu.vector_load %arg14[%get3A_192, %get3A_193] {strides = array<i32>} : memref<80x128xf32, #tpu.memory_space<vmem>>, vector<1x16xf32>,
        %get3A_195 = vector.shape_cast %get3A_194 : vector<1x16xf32> to vector<16xf32>
        %add3A_196 = arith.addf %get3A_191, %get3A_195 : vector<16xf32>
        %swap3A_197 = arith.index_cast %scan3A_91 : i32 to index
        %swap3A_198 = arith.constant 112 : index
        %swap3A_199 = tpu.vector_load %arg13[%swap3A_197, %swap3A_198] {strides = array<i32>} : memref<80x128xf32, #tpu.memory_space<vmem>>, vector<1x16xf32>,
        %swap3A_200 = vector.shape_cast %swap3A_199 : vector<1x16xf32> to vector<16xf32>
        %swap3A_201 = vector.shape_cast %add3A_196 : vector<16xf32> to vector<1x16xf32>
        tpu.vector_store %arg13[%swap3A_197, %swap3A_198], %swap3A_201 {strides = array<i32>} : memref<80x128xf32, #tpu.memory_space<vmem>>, vector<1x16xf32>,
      }
      %scan3A_90 = arith.constant 80 : i32
      "tpu.region"() ({
        %run_scoped3A = tpu.sem_alloc : memref<!tpu.dma_semaphore, #tpu.memory_space<semaphore_mem>>
        %dma_start3A_91 = arith.constant 0 : i32
        %dma_start3A_92 = tpu.memref_slice %arg6[%add3A_78, %dma_start3A_91] : memref<320000x128xf32, #tpu.memory_space<hbm>> -> memref<80x128xf32, #tpu.memory_space<hbm>>
        %dma_start3A_93 = arith.constant 0 : i32
        %dma_start3A_94 = tpu.memref_slice %arg6[%add3A_78, %dma_start3A_93] : memref<320000x128xf32, #tpu.memory_space<hbm>> -> memref<80x128xf32, #tpu.memory_space<hbm>>
        tpu.enqueue_dma source(%arg13 : memref<80x128xf32, #tpu.memory_space<vmem>>) target(%dma_start3A_94 : memref<80x128xf32, #tpu.memory_space<hbm>>) target_semaphore(%run_scoped3A : memref<!tpu.dma_semaphore, #tpu.memory_space<semaphore_mem>>)
        %dma_wait3A_95 = arith.constant 0 : i32
        %dma_wait3A_96 = tpu.memref_slice %arg6[%add3A_78, %dma_wait3A_95] : memref<320000x128xf32, #tpu.memory_space<hbm>> -> memref<80x128xf32, #tpu.memory_space<hbm>>
        %dma_wait3A_97 = arith.constant 0 : i32
        %dma_wait3A_98 = tpu.memref_slice %arg6[%add3A_78, %dma_wait3A_97] : memref<320000x128xf32, #tpu.memory_space<hbm>> -> memref<80x128xf32, #tpu.memory_space<hbm>>
        tpu.wait_dma2 semaphore(%run_scoped3A : memref<!tpu.dma_semaphore, #tpu.memory_space<semaphore_mem>>) src(%arg13 : memref<80x128xf32, #tpu.memory_space<vmem>>) dst(%dma_wait3A_98 : memref<80x128xf32, #tpu.memory_space<hbm>>)
        tpu.yield
      }) : () -> ()
    }
    %scan3A_14 = arith.constant 62 : i32
    %add3A_15 = arith.constant 9920 : i32
    %add3A_16 = arith.addi %mul3A_2, %add3A_15 : i32
    %dma_wait3A = arith.constant 0 : i32
    %dma_wait3A_17 = arith.constant 0 : i32
    %dma_wait3A_18 = tpu.memref_slice %arg2[%dma_wait3A, %dma_wait3A_17] : memref<10000x128xf32, #tpu.memory_space<hbm>> -> memref<10000x128xf32, #tpu.memory_space<hbm>>
    tpu.wait_indirect_dma semaphore(%arg15 : memref<!tpu.dma_semaphore, #tpu.memory_space<semaphore_mem>>) src(%dma_wait3A_18 : memref<10000x128xf32, #tpu.memory_space<hbm>>) dst(%arg11 : memref<80x128xf32, #tpu.memory_space<vmem>>)
    %dma_wait3A_19 = arith.constant 0 : i32
    %dma_wait3A_20 = arith.constant 0 : i32
    %dma_wait3A_21 = tpu.memref_slice %arg3[%dma_wait3A_19, %dma_wait3A_20] : memref<10000x128xf32, #tpu.memory_space<hbm>> -> memref<10000x128xf32, #tpu.memory_space<hbm>>
    tpu.wait_indirect_dma semaphore(%arg16 : memref<!tpu.dma_semaphore, #tpu.memory_space<semaphore_mem>>) src(%dma_wait3A_21 : memref<10000x128xf32, #tpu.memory_space<hbm>>) dst(%arg12 : memref<80x128xf32, #tpu.memory_space<vmem>>)
    %scan3A_22 = arith.constant 0 : i32
    %scan3A_23 = arith.constant 0 : i32
    %scan3A_24 = arith.constant 80 : i32
    %scan3A_25 = arith.addi %scan3A_23, %scan3A_24 : i32
    %scan3A_26 = arith.constant 1 : i32
    scf.for %scan3A_28 = %scan3A_23 to %scan3A_25 step %scan3A_26  : i32 {
      %get3A = arith.index_cast %scan3A_28 : i32 to index
      %get3A_29 = arith.constant 0 : index
      %get3A_30 = tpu.vector_load %arg11[%get3A, %get3A_29] {strides = array<i32>} : memref<80x128xf32, #tpu.memory_space<vmem>>, vector<1x16xf32>,
      %get3A_31 = vector.shape_cast %get3A_30 : vector<1x16xf32> to vector<16xf32>
      %get3A_32 = arith.index_cast %scan3A_28 : i32 to index
      %get3A_33 = arith.constant 0 : index
      %get3A_34 = tpu.vector_load %arg12[%get3A_32, %get3A_33] {strides = array<i32>} : memref<80x128xf32, #tpu.memory_space<vmem>>, vector<1x16xf32>,
      %get3A_35 = vector.shape_cast %get3A_34 : vector<1x16xf32> to vector<16xf32>
      %add3A_36 = arith.addf %get3A_31, %get3A_35 : vector<16xf32>
      %swap3A = arith.index_cast %scan3A_28 : i32 to index
      %swap3A_37 = arith.constant 0 : index
      %swap3A_38 = tpu.vector_load %arg11[%swap3A, %swap3A_37] {strides = array<i32>} : memref<80x128xf32, #tpu.memory_space<vmem>>, vector<1x16xf32>,
      %swap3A_39 = vector.shape_cast %swap3A_38 : vector<1x16xf32> to vector<16xf32>
      %swap3A_40 = vector.shape_cast %add3A_36 : vector<16xf32> to vector<1x16xf32>
      tpu.vector_store %arg11[%swap3A, %swap3A_37], %swap3A_40 {strides = array<i32>} : memref<80x128xf32, #tpu.memory_space<vmem>>, vector<1x16xf32>,
      %get3A_41 = arith.index_cast %scan3A_28 : i32 to index
      %get3A_42 = arith.constant 16 : index
      %get3A_43 = tpu.vector_load %arg11[%get3A_41, %get3A_42] {strides = array<i32>} : memref<80x128xf32, #tpu.memory_space<vmem>>, vector<1x16xf32>,
      %get3A_44 = vector.shape_cast %get3A_43 : vector<1x16xf32> to vector<16xf32>
      %get3A_45 = arith.index_cast %scan3A_28 : i32 to index
      %get3A_46 = arith.constant 16 : index
      %get3A_47 = tpu.vector_load %arg12[%get3A_45, %get3A_46] {strides = array<i32>} : memref<80x128xf32, #tpu.memory_space<vmem>>, vector<1x16xf32>,
      %get3A_48 = vector.shape_cast %get3A_47 : vector<1x16xf32> to vector<16xf32>
      %add3A_49 = arith.addf %get3A_44, %get3A_48 : vector<16xf32>
      %swap3A_50 = arith.index_cast %scan3A_28 : i32 to index
      %swap3A_51 = arith.constant 16 : index
      %swap3A_52 = tpu.vector_load %arg11[%swap3A_50, %swap3A_51] {strides = array<i32>} : memref<80x128xf32, #tpu.memory_space<vmem>>, vector<1x16xf32>,
      %swap3A_53 = vector.shape_cast %swap3A_52 : vector<1x16xf32> to vector<16xf32>
      %swap3A_54 = vector.shape_cast %add3A_49 : vector<16xf32> to vector<1x16xf32>
      tpu.vector_store %arg11[%swap3A_50, %swap3A_51], %swap3A_54 {strides = array<i32>} : memref<80x128xf32, #tpu.memory_space<vmem>>, vector<1x16xf32>,
      %get3A_55 = arith.index_cast %scan3A_28 : i32 to index
      %get3A_56 = arith.constant 32 : index
      %get3A_57 = tpu.vector_load %arg11[%get3A_55, %get3A_56] {strides = array<i32>} : memref<80x128xf32, #tpu.memory_space<vmem>>, vector<1x16xf32>,
      %get3A_58 = vector.shape_cast %get3A_57 : vector<1x16xf32> to vector<16xf32>
      %get3A_59 = arith.index_cast %scan3A_28 : i32 to index
      %get3A_60 = arith.constant 32 : index
      %get3A_61 = tpu.vector_load %arg12[%get3A_59, %get3A_60] {strides = array<i32>} : memref<80x128xf32, #tpu.memory_space<vmem>>, vector<1x16xf32>,
      %get3A_62 = vector.shape_cast %get3A_61 : vector<1x16xf32> to vector<16xf32>
      %add3A_63 = arith.addf %get3A_58, %get3A_62 : vector<16xf32>
      %swap3A_64 = arith.index_cast %scan3A_28 : i32 to index
      %swap3A_65 = arith.constant 32 : index
      %swap3A_66 = tpu.vector_load %arg11[%swap3A_64, %swap3A_65] {strides = array<i32>} : memref<80x128xf32, #tpu.memory_space<vmem>>, vector<1x16xf32>,
      %swap3A_67 = vector.shape_cast %swap3A_66 : vector<1x16xf32> to vector<16xf32>
      %swap3A_68 = vector.shape_cast %add3A_63 : vector<16xf32> to vector<1x16xf32>
      tpu.vector_store %arg11[%swap3A_64, %swap3A_65], %swap3A_68 {strides = array<i32>} : memref<80x128xf32, #tpu.memory_space<vmem>>, vector<1x16xf32>,
      %get3A_69 = arith.index_cast %scan3A_28 : i32 to index
      %get3A_70 = arith.constant 48 : index
      %get3A_71 = tpu.vector_load %arg11[%get3A_69, %get3A_70] {strides = array<i32>} : memref<80x128xf32, #tpu.memory_space<vmem>>, vector<1x16xf32>,
      %get3A_72 = vector.shape_cast %get3A_71 : vector<1x16xf32> to vector<16xf32>
      %get3A_73 = arith.index_cast %scan3A_28 : i32 to index
      %get3A_74 = arith.constant 48 : index
      %get3A_75 = tpu.vector_load %arg12[%get3A_73, %get3A_74] {strides = array<i32>} : memref<80x128xf32, #tpu.memory_space<vmem>>, vector<1x16xf32>,
      %get3A_76 = vector.shape_cast %get3A_75 : vector<1x16xf32> to vector<16xf32>
      %add3A_77 = arith.addf %get3A_72, %get3A_76 : vector<16xf32>
      %swap3A_78 = arith.index_cast %scan3A_28 : i32 to index
      %swap3A_79 = arith.constant 48 : index
      %swap3A_80 = tpu.vector_load %arg11[%swap3A_78, %swap3A_79] {strides = array<i32>} : memref<80x128xf32, #tpu.memory_space<vmem>>, vector<1x16xf32>,
      %swap3A_81 = vector.shape_cast %swap3A_80 : vector<1x16xf32> to vector<16xf32>
      %swap3A_82 = vector.shape_cast %add3A_77 : vector<16xf32> to vector<1x16xf32>
      tpu.vector_store %arg11[%swap3A_78, %swap3A_79], %swap3A_82 {strides = array<i32>} : memref<80x128xf32, #tpu.memory_space<vmem>>, vector<1x16xf32>,
      %get3A_83 = arith.index_cast %scan3A_28 : i32 to index
      %get3A_84 = arith.constant 64 : index
      %get3A_85 = tpu.vector_load %arg11[%get3A_83, %get3A_84] {strides = array<i32>} : memref<80x128xf32, #tpu.memory_space<vmem>>, vector<1x16xf32>,
      %get3A_86 = vector.shape_cast %get3A_85 : vector<1x16xf32> to vector<16xf32>
      %get3A_87 = arith.index_cast %scan3A_28 : i32 to index
      %get3A_88 = arith.constant 64 : index
      %get3A_89 = tpu.vector_load %arg12[%get3A_87, %get3A_88] {strides = array<i32>} : memref<80x128xf32, #tpu.memory_space<vmem>>, vector<1x16xf32>,
      %get3A_90 = vector.shape_cast %get3A_89 : vector<1x16xf32> to vector<16xf32>
      %add3A_91 = arith.addf %get3A_86, %get3A_90 : vector<16xf32>
      %swap3A_92 = arith.index_cast %scan3A_28 : i32 to index
      %swap3A_93 = arith.constant 64 : index
      %swap3A_94 = tpu.vector_load %arg11[%swap3A_92, %swap3A_93] {strides = array<i32>} : memref<80x128xf32, #tpu.memory_space<vmem>>, vector<1x16xf32>,
      %swap3A_95 = vector.shape_cast %swap3A_94 : vector<1x16xf32> to vector<16xf32>
      %swap3A_96 = vector.shape_cast %add3A_91 : vector<16xf32> to vector<1x16xf32>
      tpu.vector_store %arg11[%swap3A_92, %swap3A_93], %swap3A_96 {strides = array<i32>} : memref<80x128xf32, #tpu.memory_space<vmem>>, vector<1x16xf32>,
      %get3A_97 = arith.index_cast %scan3A_28 : i32 to index
      %get3A_98 = arith.constant 80 : index
      %get3A_99 = tpu.vector_load %arg11[%get3A_97, %get3A_98] {strides = array<i32>} : memref<80x128xf32, #tpu.memory_space<vmem>>, vector<1x16xf32>,
      %get3A_100 = vector.shape_cast %get3A_99 : vector<1x16xf32> to vector<16xf32>
      %get3A_101 = arith.index_cast %scan3A_28 : i32 to index
      %get3A_102 = arith.constant 80 : index
      %get3A_103 = tpu.vector_load %arg12[%get3A_101, %get3A_102] {strides = array<i32>} : memref<80x128xf32, #tpu.memory_space<vmem>>, vector<1x16xf32>,
      %get3A_104 = vector.shape_cast %get3A_103 : vector<1x16xf32> to vector<16xf32>
      %add3A_105 = arith.addf %get3A_100, %get3A_104 : vector<16xf32>
      %swap3A_106 = arith.index_cast %scan3A_28 : i32 to index
      %swap3A_107 = arith.constant 80 : index
      %swap3A_108 = tpu.vector_load %arg11[%swap3A_106, %swap3A_107] {strides = array<i32>} : memref<80x128xf32, #tpu.memory_space<vmem>>, vector<1x16xf32>,
      %swap3A_109 = vector.shape_cast %swap3A_108 : vector<1x16xf32> to vector<16xf32>
      %swap3A_110 = vector.shape_cast %add3A_105 : vector<16xf32> to vector<1x16xf32>
      tpu.vector_store %arg11[%swap3A_106, %swap3A_107], %swap3A_110 {strides = array<i32>} : memref<80x128xf32, #tpu.memory_space<vmem>>, vector<1x16xf32>,
      %get3A_111 = arith.index_cast %scan3A_28 : i32 to index
      %get3A_112 = arith.constant 96 : index
      %get3A_113 = tpu.vector_load %arg11[%get3A_111, %get3A_112] {strides = array<i32>} : memref<80x128xf32, #tpu.memory_space<vmem>>, vector<1x16xf32>,
      %get3A_114 = vector.shape_cast %get3A_113 : vector<1x16xf32> to vector<16xf32>
      %get3A_115 = arith.index_cast %scan3A_28 : i32 to index
      %get3A_116 = arith.constant 96 : index
      %get3A_117 = tpu.vector_load %arg12[%get3A_115, %get3A_116] {strides = array<i32>} : memref<80x128xf32, #tpu.memory_space<vmem>>, vector<1x16xf32>,
      %get3A_118 = vector.shape_cast %get3A_117 : vector<1x16xf32> to vector<16xf32>
      %add3A_119 = arith.addf %get3A_114, %get3A_118 : vector<16xf32>
      %swap3A_120 = arith.index_cast %scan3A_28 : i32 to index
      %swap3A_121 = arith.constant 96 : index
      %swap3A_122 = tpu.vector_load %arg11[%swap3A_120, %swap3A_121] {strides = array<i32>} : memref<80x128xf32, #tpu.memory_space<vmem>>, vector<1x16xf32>,
      %swap3A_123 = vector.shape_cast %swap3A_122 : vector<1x16xf32> to vector<16xf32>
      %swap3A_124 = vector.shape_cast %add3A_119 : vector<16xf32> to vector<1x16xf32>
      tpu.vector_store %arg11[%swap3A_120, %swap3A_121], %swap3A_124 {strides = array<i32>} : memref<80x128xf32, #tpu.memory_space<vmem>>, vector<1x16xf32>,
      %get3A_125 = arith.index_cast %scan3A_28 : i32 to index
      %get3A_126 = arith.constant 112 : index
      %get3A_127 = tpu.vector_load %arg11[%get3A_125, %get3A_126] {strides = array<i32>} : memref<80x128xf32, #tpu.memory_space<vmem>>, vector<1x16xf32>,
      %get3A_128 = vector.shape_cast %get3A_127 : vector<1x16xf32> to vector<16xf32>
      %get3A_129 = arith.index_cast %scan3A_28 : i32 to index
      %get3A_130 = arith.constant 112 : index
      %get3A_131 = tpu.vector_load %arg12[%get3A_129, %get3A_130] {strides = array<i32>} : memref<80x128xf32, #tpu.memory_space<vmem>>, vector<1x16xf32>,
      %get3A_132 = vector.shape_cast %get3A_131 : vector<1x16xf32> to vector<16xf32>
      %add3A_133 = arith.addf %get3A_128, %get3A_132 : vector<16xf32>
      %swap3A_134 = arith.index_cast %scan3A_28 : i32 to index
      %swap3A_135 = arith.constant 112 : index
      %swap3A_136 = tpu.vector_load %arg11[%swap3A_134, %swap3A_135] {strides = array<i32>} : memref<80x128xf32, #tpu.memory_space<vmem>>, vector<1x16xf32>,
      %swap3A_137 = vector.shape_cast %swap3A_136 : vector<1x16xf32> to vector<16xf32>
      %swap3A_138 = vector.shape_cast %add3A_133 : vector<16xf32> to vector<1x16xf32>
      tpu.vector_store %arg11[%swap3A_134, %swap3A_135], %swap3A_138 {strides = array<i32>} : memref<80x128xf32, #tpu.memory_space<vmem>>, vector<1x16xf32>,
    }
    %scan3A_27 = arith.constant 80 : i32
    "tpu.region"() ({
      %run_scoped3A = tpu.sem_alloc : memref<!tpu.dma_semaphore, #tpu.memory_space<semaphore_mem>>
      %dma_start3A_28 = arith.constant 0 : i32
      %dma_start3A_29 = tpu.memref_slice %arg6[%add3A_16, %dma_start3A_28] : memref<320000x128xf32, #tpu.memory_space<hbm>> -> memref<80x128xf32, #tpu.memory_space<hbm>>
      %dma_start3A_30 = arith.constant 0 : i32
      %dma_start3A_31 = tpu.memref_slice %arg6[%add3A_16, %dma_start3A_30] : memref<320000x128xf32, #tpu.memory_space<hbm>> -> memref<80x128xf32, #tpu.memory_space<hbm>>
      tpu.enqueue_dma source(%arg11 : memref<80x128xf32, #tpu.memory_space<vmem>>) target(%dma_start3A_31 : memref<80x128xf32, #tpu.memory_space<hbm>>) target_semaphore(%run_scoped3A : memref<!tpu.dma_semaphore, #tpu.memory_space<semaphore_mem>>)
      %dma_wait3A_32 = arith.constant 0 : i32
      %dma_wait3A_33 = tpu.memref_slice %arg6[%add3A_16, %dma_wait3A_32] : memref<320000x128xf32, #tpu.memory_space<hbm>> -> memref<80x128xf32, #tpu.memory_space<hbm>>
      %dma_wait3A_34 = arith.constant 0 : i32
      %dma_wait3A_35 = tpu.memref_slice %arg6[%add3A_16, %dma_wait3A_34] : memref<320000x128xf32, #tpu.memory_space<hbm>> -> memref<80x128xf32, #tpu.memory_space<hbm>>
      tpu.wait_dma2 semaphore(%run_scoped3A : memref<!tpu.dma_semaphore, #tpu.memory_space<semaphore_mem>>) src(%arg11 : memref<80x128xf32, #tpu.memory_space<vmem>>) dst(%dma_wait3A_35 : memref<80x128xf32, #tpu.memory_space<hbm>>)
      tpu.yield
    }) : () -> ()
    return
  }
}

module attributes {stable_mosaic.version = 14 : i64} {
  func.func @_tc_combine_body(%arg0: i32, %arg1: memref<200x128xf32, #tpu.memory_space<vmem>>, %arg2: memref<1x200x128xf32, #tpu.memory_space<vmem>>, %arg3: memref<1x200x128xf32, #tpu.memory_space<vmem>>, %arg4: memref<1x200x128xf32, #tpu.memory_space<vmem>>, %arg5: memref<1x200x128xf32, #tpu.memory_space<vmem>>, %arg6: memref<1x200x128xf32, #tpu.memory_space<vmem>>, %arg7: memref<1x200x128xf32, #tpu.memory_space<vmem>>, %arg8: memref<3x128x128xf32, #tpu.memory_space<vmem>>, %arg9: memref<128x128xf32, #tpu.memory_space<vmem>>, %arg10: memref<1x128xf32, #tpu.memory_space<vmem>>, %arg11: memref<200x128xf32, #tpu.memory_space<vmem>>) attributes {dimension_semantics = [#tpu.dimension_semantics<arbitrary>], iteration_bounds = array<i64: 50>, scalar_prefetch = 0 : i64, scratch_operands = 0 : i64, tpu.core_type = #tpu.core_type<tc>, window_params = [{transform_indices = @transform_0, window_bounds = array<i64: 200, 128>}, {transform_indices = @transform_1, window_bounds = array<i64: 1, 200, 128>}, {transform_indices = @transform_2, window_bounds = array<i64: 1, 200, 128>}, {transform_indices = @transform_3, window_bounds = array<i64: 1, 200, 128>}, {transform_indices = @transform_4, window_bounds = array<i64: 1, 200, 128>}, {transform_indices = @transform_5, window_bounds = array<i64: 1, 200, 128>}, {transform_indices = @transform_6, window_bounds = array<i64: 1, 200, 128>}, {pipeline_mode = #tpu.pipeline_mode<synchronous>, transform_indices = @transform_7, window_bounds = array<i64: 3, 128, 128>}, {pipeline_mode = #tpu.pipeline_mode<synchronous>, transform_indices = @transform_8, window_bounds = array<i64: 128, 128>}, {pipeline_mode = #tpu.pipeline_mode<synchronous>, transform_indices = @transform_9, window_bounds = array<i64: 1, 128>}, {transform_indices = @transform_10, window_bounds = array<i64: 200, 128>}]} {
    %get3A = arith.constant 0 : index
    %get3A_0 = arith.constant 0 : index
    %get3A_1 = vector.load %arg1[%get3A, %get3A_0] : memref<200x128xf32, #tpu.memory_space<vmem>>, vector<200x128xf32>
    %get3A_2 = arith.constant 0 : index
    %get3A_3 = arith.constant 0 : index
    %get3A_4 = vector.load %arg9[%get3A_2, %get3A_3] : memref<128x128xf32, #tpu.memory_space<vmem>>, vector<128x128xf32>
    %dot_general3A = arith.constant dense<0.000000e+00> : vector<200x128xf32>
    %dot_general3A_5 = tpu.matmul %get3A_1, %get3A_4, %dot_general3A {dimension_numbers = #tpu.dot_dimension_numbers<[1], [0], [0], [1], [0, 0, 1, 1], [], []>, transpose_lhs_hint = false} : vector<200x128xf32>, vector<128x128xf32>, vector<200x128xf32> -> vector<200x128xf32>
    %get3A_6 = arith.constant 0 : index
    %get3A_7 = arith.constant 0 : index
    %get3A_8 = vector.load %arg10[%get3A_6, %get3A_7] : memref<1x128xf32, #tpu.memory_space<vmem>>, vector<1x128xf32>
    %add3A = vector.broadcast %get3A_8 : vector<1x128xf32> to vector<200x128xf32>
    %add3A_9 = arith.addf %dot_general3A_5, %add3A : vector<200x128xf32>
    %get3A_10 = arith.constant 0 : index
    %get3A_11 = arith.constant 0 : index
    %get3A_12 = arith.constant 0 : index
    %get3A_13 = vector.load %arg5[%get3A_10, %get3A_11, %get3A_12] : memref<1x200x128xf32, #tpu.memory_space<vmem>>, vector<1x200x128xf32>
    %get3A_14 = vector.shape_cast %get3A_13 : vector<1x200x128xf32> to vector<200x128xf32>
    %slice3A = vector.extract_strided_slice %get3A_14 {offsets = [0, 0], sizes = [200, 1], strides = [1, 1]} : vector<200x128xf32> to vector<200x1xf32>
    %get3A_15 = arith.constant 0 : index
    %get3A_16 = arith.constant 0 : index
    %get3A_17 = arith.constant 0 : index
    %get3A_18 = vector.load %arg2[%get3A_15, %get3A_16, %get3A_17] : memref<1x200x128xf32, #tpu.memory_space<vmem>>, vector<1x200x128xf32>
    %get3A_19 = vector.shape_cast %get3A_18 : vector<1x200x128xf32> to vector<200x128xf32>
    %max3A = arith.constant 1.000000e+00 : f32
    %max3A_20 = vector.broadcast %max3A : f32 to vector<200x1xf32>
    %max3A_21 = arith.maximumf %slice3A, %max3A_20 : vector<200x1xf32>
    %div3A = vector.broadcast %max3A_21 : vector<200x1xf32> to vector<200x128xf32>
    %div3A_22 = arith.divf %get3A_19, %div3A : vector<200x128xf32>
    %get3A_23 = arith.constant 0 : index
    %get3A_24 = arith.constant 0 : index
    %get3A_25 = arith.constant 0 : index
    %get3A_26 = vector.load %arg8[%get3A_23, %get3A_24, %get3A_25] : memref<3x128x128xf32, #tpu.memory_space<vmem>>, vector<1x128x128xf32>
    %get3A_27 = vector.shape_cast %get3A_26 : vector<1x128x128xf32> to vector<128x128xf32>
    %dot_general3A_28 = arith.constant dense<0.000000e+00> : vector<200x128xf32>
    %dot_general3A_29 = tpu.matmul %div3A_22, %get3A_27, %dot_general3A_28 {dimension_numbers = #tpu.dot_dimension_numbers<[1], [0], [0], [1], [0, 0, 1, 1], [], []>, transpose_lhs_hint = false} : vector<200x128xf32>, vector<128x128xf32>, vector<200x128xf32> -> vector<200x128xf32>
    %add3A_30 = arith.addf %add3A_9, %dot_general3A_29 : vector<200x128xf32>
    %get3A_31 = arith.constant 0 : index
    %get3A_32 = arith.constant 0 : index
    %get3A_33 = arith.constant 0 : index
    %get3A_34 = vector.load %arg6[%get3A_31, %get3A_32, %get3A_33] : memref<1x200x128xf32, #tpu.memory_space<vmem>>, vector<1x200x128xf32>
    %get3A_35 = vector.shape_cast %get3A_34 : vector<1x200x128xf32> to vector<200x128xf32>
    %slice3A_36 = vector.extract_strided_slice %get3A_35 {offsets = [0, 0], sizes = [200, 1], strides = [1, 1]} : vector<200x128xf32> to vector<200x1xf32>
    %get3A_37 = arith.constant 0 : index
    %get3A_38 = arith.constant 0 : index
    %get3A_39 = arith.constant 0 : index
    %get3A_40 = vector.load %arg3[%get3A_37, %get3A_38, %get3A_39] : memref<1x200x128xf32, #tpu.memory_space<vmem>>, vector<1x200x128xf32>
    %get3A_41 = vector.shape_cast %get3A_40 : vector<1x200x128xf32> to vector<200x128xf32>
    %max3A_42 = arith.constant 1.000000e+00 : f32
    %max3A_43 = vector.broadcast %max3A_42 : f32 to vector<200x1xf32>
    %max3A_44 = arith.maximumf %slice3A_36, %max3A_43 : vector<200x1xf32>
    %div3A_45 = vector.broadcast %max3A_44 : vector<200x1xf32> to vector<200x128xf32>
    %div3A_46 = arith.divf %get3A_41, %div3A_45 : vector<200x128xf32>
    %get3A_47 = arith.constant 1 : index
    %get3A_48 = arith.constant 0 : index
    %get3A_49 = arith.constant 0 : index
    %get3A_50 = vector.load %arg8[%get3A_47, %get3A_48, %get3A_49] : memref<3x128x128xf32, #tpu.memory_space<vmem>>, vector<1x128x128xf32>
    %get3A_51 = vector.shape_cast %get3A_50 : vector<1x128x128xf32> to vector<128x128xf32>
    %dot_general3A_52 = arith.constant dense<0.000000e+00> : vector<200x128xf32>
    %dot_general3A_53 = tpu.matmul %div3A_46, %get3A_51, %dot_general3A_52 {dimension_numbers = #tpu.dot_dimension_numbers<[1], [0], [0], [1], [0, 0, 1, 1], [], []>, transpose_lhs_hint = false} : vector<200x128xf32>, vector<128x128xf32>, vector<200x128xf32> -> vector<200x128xf32>
    %add3A_54 = arith.addf %add3A_30, %dot_general3A_53 : vector<200x128xf32>
    %get3A_55 = arith.constant 0 : index
    %get3A_56 = arith.constant 0 : index
    %get3A_57 = arith.constant 0 : index
    %get3A_58 = vector.load %arg7[%get3A_55, %get3A_56, %get3A_57] : memref<1x200x128xf32, #tpu.memory_space<vmem>>, vector<1x200x128xf32>
    %get3A_59 = vector.shape_cast %get3A_58 : vector<1x200x128xf32> to vector<200x128xf32>
    %slice3A_60 = vector.extract_strided_slice %get3A_59 {offsets = [0, 0], sizes = [200, 1], strides = [1, 1]} : vector<200x128xf32> to vector<200x1xf32>
    %get3A_61 = arith.constant 0 : index
    %get3A_62 = arith.constant 0 : index
    %get3A_63 = arith.constant 0 : index
    %get3A_64 = vector.load %arg4[%get3A_61, %get3A_62, %get3A_63] : memref<1x200x128xf32, #tpu.memory_space<vmem>>, vector<1x200x128xf32>
    %get3A_65 = vector.shape_cast %get3A_64 : vector<1x200x128xf32> to vector<200x128xf32>
    %max3A_66 = arith.constant 1.000000e+00 : f32
    %max3A_67 = vector.broadcast %max3A_66 : f32 to vector<200x1xf32>
    %max3A_68 = arith.maximumf %slice3A_60, %max3A_67 : vector<200x1xf32>
    %div3A_69 = vector.broadcast %max3A_68 : vector<200x1xf32> to vector<200x128xf32>
    %div3A_70 = arith.divf %get3A_65, %div3A_69 : vector<200x128xf32>
    %get3A_71 = arith.constant 2 : index
    %get3A_72 = arith.constant 0 : index
    %get3A_73 = arith.constant 0 : index
    %get3A_74 = vector.load %arg8[%get3A_71, %get3A_72, %get3A_73] : memref<3x128x128xf32, #tpu.memory_space<vmem>>, vector<1x128x128xf32>
    %get3A_75 = vector.shape_cast %get3A_74 : vector<1x128x128xf32> to vector<128x128xf32>
    %dot_general3A_76 = arith.constant dense<0.000000e+00> : vector<200x128xf32>
    %dot_general3A_77 = tpu.matmul %div3A_70, %get3A_75, %dot_general3A_76 {dimension_numbers = #tpu.dot_dimension_numbers<[1], [0], [0], [1], [0, 0, 1, 1], [], []>, transpose_lhs_hint = false} : vector<200x128xf32>, vector<128x128xf32>, vector<200x128xf32> -> vector<200x128xf32>
    %add3A_78 = arith.addf %add3A_54, %dot_general3A_77 : vector<200x128xf32>
    %max3A_79 = arith.constant 0.000000e+00 : f32
    %max3A_80 = vector.broadcast %max3A_79 : f32 to vector<200x128xf32>
    %max3A_81 = arith.maximumf %add3A_78, %max3A_80 : vector<200x128xf32>
    %swap3A = arith.constant 0 : index
    %swap3A_82 = arith.constant 0 : index
    %swap3A_83 = vector.load %arg11[%swap3A, %swap3A_82] : memref<200x128xf32, #tpu.memory_space<vmem>>, vector<200x128xf32>
    tpu.vector_store %arg11[%swap3A, %swap3A_82], %max3A_81 {strides = array<i32>} : memref<200x128xf32, #tpu.memory_space<vmem>>, vector<200x128xf32>,
    return
  }
  func.func @transform_0(%arg0: i32) -> (i32, i32) {
    %c0_i32 = arith.constant 0 : i32
    %c0_i32_0 = arith.constant 0 : i32
    return %arg0, %c0_i32 : i32, i32
  }
  func.func @transform_1(%arg0: i32) -> (i32, i32, i32) {
    %jit3A = arith.constant 25 : i32
    %div3A = arith.divsi %arg0, %jit3A : i32
    %sign3A = arith.constant 0 : i32
    %sign3A_0 = arith.cmpi sgt, %arg0, %sign3A : i32
    %sign3A_1 = arith.extui %sign3A_0 : i1 to i32
    %sign3A_2 = arith.constant 0 : i32
    %sign3A_3 = arith.cmpi slt, %arg0, %sign3A_2 : i32
    %sign3A_4 = arith.extui %sign3A_3 : i1 to i32
    %sign3A_5 = arith.subi %sign3A_1, %sign3A_4 : i32
    %sign3A_6 = arith.constant 0 : i32
    %sign3A_7 = arith.cmpi sgt, %jit3A, %sign3A_6 : i32
    %sign3A_8 = arith.extui %sign3A_7 : i1 to i32
    %sign3A_9 = arith.constant 0 : i32
    %sign3A_10 = arith.cmpi slt, %jit3A, %sign3A_9 : i32
    %sign3A_11 = arith.extui %sign3A_10 : i1 to i32
    %sign3A_12 = arith.subi %sign3A_8, %sign3A_11 : i32
    %ne3A = arith.cmpi ne, %sign3A_5, %sign3A_12 : i32
    %rem3A = arith.remsi %arg0, %jit3A : i32
    %ne3A_13 = arith.constant 0 : i32
    %ne3A_14 = arith.cmpi ne, %rem3A, %ne3A_13 : i32
    %and3A = arith.andi %ne3A, %ne3A_14 : i1
    %sub3A = arith.constant 1 : i32
    %sub3A_15 = arith.subi %div3A, %sub3A : i32
    %select_n3A = arith.select %and3A, %sub3A_15, %div3A : i32
    %jit3A_16 = arith.constant 25 : i32
    %eq3A = arith.constant 0 : i32
    %eq3A_17 = arith.cmpi eq, %jit3A_16, %eq3A : i32
    %jit3A_18 = arith.constant 1 : i32
    %select_n3A_19 = arith.select %eq3A_17, %jit3A_18, %jit3A_16 : i32
    %rem3A_20 = arith.remsi %arg0, %select_n3A_19 : i32
    %ne3A_21 = arith.constant 0 : i32
    %ne3A_22 = arith.cmpi ne, %rem3A_20, %ne3A_21 : i32
    %lt3A = arith.constant 0 : i32
    %lt3A_23 = arith.cmpi slt, %rem3A_20, %lt3A : i32
    %lt3A_24 = arith.constant 0 : i32
    %lt3A_25 = arith.cmpi slt, %select_n3A_19, %lt3A_24 : i32
    %ne3A_26 = arith.xori %lt3A_23, %lt3A_25 : i1
    %and3A_27 = arith.andi %ne3A_26, %ne3A_22 : i1
    %add3A = arith.addi %rem3A_20, %select_n3A_19 : i32
    %select_n3A_28 = arith.select %and3A_27, %add3A, %rem3A_20 : i32
    %add3A_29 = arith.constant 0 : i32
    %add3A_30 = arith.addi %add3A_29, %select_n3A_28 : i32
    %c0_i32 = arith.constant 0 : i32
    %c0_i32_31 = arith.constant 0 : i32
    return %select_n3A, %add3A_30, %c0_i32 : i32, i32, i32
  }
  func.func @transform_2(%arg0: i32) -> (i32, i32, i32) {
    %jit3A = arith.constant 25 : i32
    %div3A = arith.divsi %arg0, %jit3A : i32
    %sign3A = arith.constant 0 : i32
    %sign3A_0 = arith.cmpi sgt, %arg0, %sign3A : i32
    %sign3A_1 = arith.extui %sign3A_0 : i1 to i32
    %sign3A_2 = arith.constant 0 : i32
    %sign3A_3 = arith.cmpi slt, %arg0, %sign3A_2 : i32
    %sign3A_4 = arith.extui %sign3A_3 : i1 to i32
    %sign3A_5 = arith.subi %sign3A_1, %sign3A_4 : i32
    %sign3A_6 = arith.constant 0 : i32
    %sign3A_7 = arith.cmpi sgt, %jit3A, %sign3A_6 : i32
    %sign3A_8 = arith.extui %sign3A_7 : i1 to i32
    %sign3A_9 = arith.constant 0 : i32
    %sign3A_10 = arith.cmpi slt, %jit3A, %sign3A_9 : i32
    %sign3A_11 = arith.extui %sign3A_10 : i1 to i32
    %sign3A_12 = arith.subi %sign3A_8, %sign3A_11 : i32
    %ne3A = arith.cmpi ne, %sign3A_5, %sign3A_12 : i32
    %rem3A = arith.remsi %arg0, %jit3A : i32
    %ne3A_13 = arith.constant 0 : i32
    %ne3A_14 = arith.cmpi ne, %rem3A, %ne3A_13 : i32
    %and3A = arith.andi %ne3A, %ne3A_14 : i1
    %sub3A = arith.constant 1 : i32
    %sub3A_15 = arith.subi %div3A, %sub3A : i32
    %select_n3A = arith.select %and3A, %sub3A_15, %div3A : i32
    %jit3A_16 = arith.constant 25 : i32
    %eq3A = arith.constant 0 : i32
    %eq3A_17 = arith.cmpi eq, %jit3A_16, %eq3A : i32
    %jit3A_18 = arith.constant 1 : i32
    %select_n3A_19 = arith.select %eq3A_17, %jit3A_18, %jit3A_16 : i32
    %rem3A_20 = arith.remsi %arg0, %select_n3A_19 : i32
    %ne3A_21 = arith.constant 0 : i32
    %ne3A_22 = arith.cmpi ne, %rem3A_20, %ne3A_21 : i32
    %lt3A = arith.constant 0 : i32
    %lt3A_23 = arith.cmpi slt, %rem3A_20, %lt3A : i32
    %lt3A_24 = arith.constant 0 : i32
    %lt3A_25 = arith.cmpi slt, %select_n3A_19, %lt3A_24 : i32
    %ne3A_26 = arith.xori %lt3A_23, %lt3A_25 : i1
    %and3A_27 = arith.andi %ne3A_26, %ne3A_22 : i1
    %add3A = arith.addi %rem3A_20, %select_n3A_19 : i32
    %select_n3A_28 = arith.select %and3A_27, %add3A, %rem3A_20 : i32
    %add3A_29 = arith.constant 25 : i32
    %add3A_30 = arith.addi %add3A_29, %select_n3A_28 : i32
    %c0_i32 = arith.constant 0 : i32
    %c0_i32_31 = arith.constant 0 : i32
    return %select_n3A, %add3A_30, %c0_i32 : i32, i32, i32
  }
  func.func @transform_3(%arg0: i32) -> (i32, i32, i32) {
    %jit3A = arith.constant 25 : i32
    %div3A = arith.divsi %arg0, %jit3A : i32
    %sign3A = arith.constant 0 : i32
    %sign3A_0 = arith.cmpi sgt, %arg0, %sign3A : i32
    %sign3A_1 = arith.extui %sign3A_0 : i1 to i32
    %sign3A_2 = arith.constant 0 : i32
    %sign3A_3 = arith.cmpi slt, %arg0, %sign3A_2 : i32
    %sign3A_4 = arith.extui %sign3A_3 : i1 to i32
    %sign3A_5 = arith.subi %sign3A_1, %sign3A_4 : i32
    %sign3A_6 = arith.constant 0 : i32
    %sign3A_7 = arith.cmpi sgt, %jit3A, %sign3A_6 : i32
    %sign3A_8 = arith.extui %sign3A_7 : i1 to i32
    %sign3A_9 = arith.constant 0 : i32
    %sign3A_10 = arith.cmpi slt, %jit3A, %sign3A_9 : i32
    %sign3A_11 = arith.extui %sign3A_10 : i1 to i32
    %sign3A_12 = arith.subi %sign3A_8, %sign3A_11 : i32
    %ne3A = arith.cmpi ne, %sign3A_5, %sign3A_12 : i32
    %rem3A = arith.remsi %arg0, %jit3A : i32
    %ne3A_13 = arith.constant 0 : i32
    %ne3A_14 = arith.cmpi ne, %rem3A, %ne3A_13 : i32
    %and3A = arith.andi %ne3A, %ne3A_14 : i1
    %sub3A = arith.constant 1 : i32
    %sub3A_15 = arith.subi %div3A, %sub3A : i32
    %select_n3A = arith.select %and3A, %sub3A_15, %div3A : i32
    %jit3A_16 = arith.constant 25 : i32
    %eq3A = arith.constant 0 : i32
    %eq3A_17 = arith.cmpi eq, %jit3A_16, %eq3A : i32
    %jit3A_18 = arith.constant 1 : i32
    %select_n3A_19 = arith.select %eq3A_17, %jit3A_18, %jit3A_16 : i32
    %rem3A_20 = arith.remsi %arg0, %select_n3A_19 : i32
    %ne3A_21 = arith.constant 0 : i32
    %ne3A_22 = arith.cmpi ne, %rem3A_20, %ne3A_21 : i32
    %lt3A = arith.constant 0 : i32
    %lt3A_23 = arith.cmpi slt, %rem3A_20, %lt3A : i32
    %lt3A_24 = arith.constant 0 : i32
    %lt3A_25 = arith.cmpi slt, %select_n3A_19, %lt3A_24 : i32
    %ne3A_26 = arith.xori %lt3A_23, %lt3A_25 : i1
    %and3A_27 = arith.andi %ne3A_26, %ne3A_22 : i1
    %add3A = arith.addi %rem3A_20, %select_n3A_19 : i32
    %select_n3A_28 = arith.select %and3A_27, %add3A, %rem3A_20 : i32
    %add3A_29 = arith.constant 50 : i32
    %add3A_30 = arith.addi %add3A_29, %select_n3A_28 : i32
    %c0_i32 = arith.constant 0 : i32
    %c0_i32_31 = arith.constant 0 : i32
    return %select_n3A, %add3A_30, %c0_i32 : i32, i32, i32
  }
  func.func @transform_4(%arg0: i32) -> (i32, i32, i32) {
    %jit3A = arith.constant 25 : i32
    %div3A = arith.divsi %arg0, %jit3A : i32
    %sign3A = arith.constant 0 : i32
    %sign3A_0 = arith.cmpi sgt, %arg0, %sign3A : i32
    %sign3A_1 = arith.extui %sign3A_0 : i1 to i32
    %sign3A_2 = arith.constant 0 : i32
    %sign3A_3 = arith.cmpi slt, %arg0, %sign3A_2 : i32
    %sign3A_4 = arith.extui %sign3A_3 : i1 to i32
    %sign3A_5 = arith.subi %sign3A_1, %sign3A_4 : i32
    %sign3A_6 = arith.constant 0 : i32
    %sign3A_7 = arith.cmpi sgt, %jit3A, %sign3A_6 : i32
    %sign3A_8 = arith.extui %sign3A_7 : i1 to i32
    %sign3A_9 = arith.constant 0 : i32
    %sign3A_10 = arith.cmpi slt, %jit3A, %sign3A_9 : i32
    %sign3A_11 = arith.extui %sign3A_10 : i1 to i32
    %sign3A_12 = arith.subi %sign3A_8, %sign3A_11 : i32
    %ne3A = arith.cmpi ne, %sign3A_5, %sign3A_12 : i32
    %rem3A = arith.remsi %arg0, %jit3A : i32
    %ne3A_13 = arith.constant 0 : i32
    %ne3A_14 = arith.cmpi ne, %rem3A, %ne3A_13 : i32
    %and3A = arith.andi %ne3A, %ne3A_14 : i1
    %sub3A = arith.constant 1 : i32
    %sub3A_15 = arith.subi %div3A, %sub3A : i32
    %select_n3A = arith.select %and3A, %sub3A_15, %div3A : i32
    %jit3A_16 = arith.constant 25 : i32
    %eq3A = arith.constant 0 : i32
    %eq3A_17 = arith.cmpi eq, %jit3A_16, %eq3A : i32
    %jit3A_18 = arith.constant 1 : i32
    %select_n3A_19 = arith.select %eq3A_17, %jit3A_18, %jit3A_16 : i32
    %rem3A_20 = arith.remsi %arg0, %select_n3A_19 : i32
    %ne3A_21 = arith.constant 0 : i32
    %ne3A_22 = arith.cmpi ne, %rem3A_20, %ne3A_21 : i32
    %lt3A = arith.constant 0 : i32
    %lt3A_23 = arith.cmpi slt, %rem3A_20, %lt3A : i32
    %lt3A_24 = arith.constant 0 : i32
    %lt3A_25 = arith.cmpi slt, %select_n3A_19, %lt3A_24 : i32
    %ne3A_26 = arith.xori %lt3A_23, %lt3A_25 : i1
    %and3A_27 = arith.andi %ne3A_26, %ne3A_22 : i1
    %add3A = arith.addi %rem3A_20, %select_n3A_19 : i32
    %select_n3A_28 = arith.select %and3A_27, %add3A, %rem3A_20 : i32
    %add3A_29 = arith.constant 0 : i32
    %add3A_30 = arith.addi %add3A_29, %select_n3A_28 : i32
    %c0_i32 = arith.constant 0 : i32
    %c0_i32_31 = arith.constant 0 : i32
    return %select_n3A, %add3A_30, %c0_i32 : i32, i32, i32
  }
  func.func @transform_5(%arg0: i32) -> (i32, i32, i32) {
    %jit3A = arith.constant 25 : i32
    %div3A = arith.divsi %arg0, %jit3A : i32
    %sign3A = arith.constant 0 : i32
    %sign3A_0 = arith.cmpi sgt, %arg0, %sign3A : i32
    %sign3A_1 = arith.extui %sign3A_0 : i1 to i32
    %sign3A_2 = arith.constant 0 : i32
    %sign3A_3 = arith.cmpi slt, %arg0, %sign3A_2 : i32
    %sign3A_4 = arith.extui %sign3A_3 : i1 to i32
    %sign3A_5 = arith.subi %sign3A_1, %sign3A_4 : i32
    %sign3A_6 = arith.constant 0 : i32
    %sign3A_7 = arith.cmpi sgt, %jit3A, %sign3A_6 : i32
    %sign3A_8 = arith.extui %sign3A_7 : i1 to i32
    %sign3A_9 = arith.constant 0 : i32
    %sign3A_10 = arith.cmpi slt, %jit3A, %sign3A_9 : i32
    %sign3A_11 = arith.extui %sign3A_10 : i1 to i32
    %sign3A_12 = arith.subi %sign3A_8, %sign3A_11 : i32
    %ne3A = arith.cmpi ne, %sign3A_5, %sign3A_12 : i32
    %rem3A = arith.remsi %arg0, %jit3A : i32
    %ne3A_13 = arith.constant 0 : i32
    %ne3A_14 = arith.cmpi ne, %rem3A, %ne3A_13 : i32
    %and3A = arith.andi %ne3A, %ne3A_14 : i1
    %sub3A = arith.constant 1 : i32
    %sub3A_15 = arith.subi %div3A, %sub3A : i32
    %select_n3A = arith.select %and3A, %sub3A_15, %div3A : i32
    %jit3A_16 = arith.constant 25 : i32
    %eq3A = arith.constant 0 : i32
    %eq3A_17 = arith.cmpi eq, %jit3A_16, %eq3A : i32
    %jit3A_18 = arith.constant 1 : i32
    %select_n3A_19 = arith.select %eq3A_17, %jit3A_18, %jit3A_16 : i32
    %rem3A_20 = arith.remsi %arg0, %select_n3A_19 : i32
    %ne3A_21 = arith.constant 0 : i32
    %ne3A_22 = arith.cmpi ne, %rem3A_20, %ne3A_21 : i32
    %lt3A = arith.constant 0 : i32
    %lt3A_23 = arith.cmpi slt, %rem3A_20, %lt3A : i32
    %lt3A_24 = arith.constant 0 : i32
    %lt3A_25 = arith.cmpi slt, %select_n3A_19, %lt3A_24 : i32
    %ne3A_26 = arith.xori %lt3A_23, %lt3A_25 : i1
    %and3A_27 = arith.andi %ne3A_26, %ne3A_22 : i1
    %add3A = arith.addi %rem3A_20, %select_n3A_19 : i32
    %select_n3A_28 = arith.select %and3A_27, %add3A, %rem3A_20 : i32
    %add3A_29 = arith.constant 25 : i32
    %add3A_30 = arith.addi %add3A_29, %select_n3A_28 : i32
    %c0_i32 = arith.constant 0 : i32
    %c0_i32_31 = arith.constant 0 : i32
    return %select_n3A, %add3A_30, %c0_i32 : i32, i32, i32
  }
  func.func @transform_6(%arg0: i32) -> (i32, i32, i32) {
    %jit3A = arith.constant 25 : i32
    %div3A = arith.divsi %arg0, %jit3A : i32
    %sign3A = arith.constant 0 : i32
    %sign3A_0 = arith.cmpi sgt, %arg0, %sign3A : i32
    %sign3A_1 = arith.extui %sign3A_0 : i1 to i32
    %sign3A_2 = arith.constant 0 : i32
    %sign3A_3 = arith.cmpi slt, %arg0, %sign3A_2 : i32
    %sign3A_4 = arith.extui %sign3A_3 : i1 to i32
    %sign3A_5 = arith.subi %sign3A_1, %sign3A_4 : i32
    %sign3A_6 = arith.constant 0 : i32
    %sign3A_7 = arith.cmpi sgt, %jit3A, %sign3A_6 : i32
    %sign3A_8 = arith.extui %sign3A_7 : i1 to i32
    %sign3A_9 = arith.constant 0 : i32
    %sign3A_10 = arith.cmpi slt, %jit3A, %sign3A_9 : i32
    %sign3A_11 = arith.extui %sign3A_10 : i1 to i32
    %sign3A_12 = arith.subi %sign3A_8, %sign3A_11 : i32
    %ne3A = arith.cmpi ne, %sign3A_5, %sign3A_12 : i32
    %rem3A = arith.remsi %arg0, %jit3A : i32
    %ne3A_13 = arith.constant 0 : i32
    %ne3A_14 = arith.cmpi ne, %rem3A, %ne3A_13 : i32
    %and3A = arith.andi %ne3A, %ne3A_14 : i1
    %sub3A = arith.constant 1 : i32
    %sub3A_15 = arith.subi %div3A, %sub3A : i32
    %select_n3A = arith.select %and3A, %sub3A_15, %div3A : i32
    %jit3A_16 = arith.constant 25 : i32
    %eq3A = arith.constant 0 : i32
    %eq3A_17 = arith.cmpi eq, %jit3A_16, %eq3A : i32
    %jit3A_18 = arith.constant 1 : i32
    %select_n3A_19 = arith.select %eq3A_17, %jit3A_18, %jit3A_16 : i32
    %rem3A_20 = arith.remsi %arg0, %select_n3A_19 : i32
    %ne3A_21 = arith.constant 0 : i32
    %ne3A_22 = arith.cmpi ne, %rem3A_20, %ne3A_21 : i32
    %lt3A = arith.constant 0 : i32
    %lt3A_23 = arith.cmpi slt, %rem3A_20, %lt3A : i32
    %lt3A_24 = arith.constant 0 : i32
    %lt3A_25 = arith.cmpi slt, %select_n3A_19, %lt3A_24 : i32
    %ne3A_26 = arith.xori %lt3A_23, %lt3A_25 : i1
    %and3A_27 = arith.andi %ne3A_26, %ne3A_22 : i1
    %add3A = arith.addi %rem3A_20, %select_n3A_19 : i32
    %select_n3A_28 = arith.select %and3A_27, %add3A, %rem3A_20 : i32
    %add3A_29 = arith.constant 50 : i32
    %add3A_30 = arith.addi %add3A_29, %select_n3A_28 : i32
    %c0_i32 = arith.constant 0 : i32
    %c0_i32_31 = arith.constant 0 : i32
    return %select_n3A, %add3A_30, %c0_i32 : i32, i32, i32
  }
  func.func @transform_7(%arg0: i32) -> (i32, i32, i32) {
    %c0_i32 = arith.constant 0 : i32
    %c0_i32_0 = arith.constant 0 : i32
    %c0_i32_1 = arith.constant 0 : i32
    %c0_i32_2 = arith.constant 0 : i32
    return %c0_i32, %c0_i32_0, %c0_i32_1 : i32, i32, i32
  }
  func.func @transform_8(%arg0: i32) -> (i32, i32) {
    %c0_i32 = arith.constant 0 : i32
    %c0_i32_0 = arith.constant 0 : i32
    %c0_i32_1 = arith.constant 0 : i32
    return %c0_i32, %c0_i32_0 : i32, i32
  }
  func.func @transform_9(%arg0: i32) -> (i32, i32) {
    %c0_i32 = arith.constant 0 : i32
    %c0_i32_0 = arith.constant 0 : i32
    %c0_i32_1 = arith.constant 0 : i32
    return %c0_i32, %c0_i32_0 : i32, i32
  }
  func.func @transform_10(%arg0: i32) -> (i32, i32) {
    %c0_i32 = arith.constant 0 : i32
    %c0_i32_0 = arith.constant 0 : i32
    return %arg0, %c0_i32 : i32, i32
  }
}

module attributes {stable_mosaic.version = 14 : i64} {
  func.func @_tc_combine3_body(%arg0: i32, %arg1: memref<200x128xf32, #tpu.memory_space<vmem>>, %arg2: memref<1x200x128xf32, #tpu.memory_space<vmem>>, %arg3: memref<1x200x128xf32, #tpu.memory_space<vmem>>, %arg4: memref<1x200x128xf32, #tpu.memory_space<vmem>>, %arg5: memref<1x200x128xf32, #tpu.memory_space<vmem>>, %arg6: memref<1x200x128xf32, #tpu.memory_space<vmem>>, %arg7: memref<1x200x128xf32, #tpu.memory_space<vmem>>, %arg8: memref<3x128x128xf32, #tpu.memory_space<vmem>>, %arg9: memref<128x128xf32, #tpu.memory_space<vmem>>, %arg10: memref<1x128xf32, #tpu.memory_space<vmem>>, %arg11: memref<128x128xf32, #tpu.memory_space<vmem>>, %arg12: memref<128x128xf32, #tpu.memory_space<vmem>>, %arg13: memref<1x128xf32, #tpu.memory_space<vmem>>, %arg14: memref<200x128xf32, #tpu.memory_space<vmem>>, %arg15: memref<200x128xf32, #tpu.memory_space<vmem>>, %arg16: memref<200x128xf32, #tpu.memory_space<vmem>>) attributes {dimension_semantics = [#tpu.dimension_semantics<arbitrary>], iteration_bounds = array<i64: 50>, scalar_prefetch = 0 : i64, scratch_operands = 0 : i64, tpu.core_type = #tpu.core_type<tc>, window_params = [{transform_indices = @transform_0, window_bounds = array<i64: 200, 128>}, {transform_indices = @transform_1, window_bounds = array<i64: 1, 200, 128>}, {transform_indices = @transform_2, window_bounds = array<i64: 1, 200, 128>}, {transform_indices = @transform_3, window_bounds = array<i64: 1, 200, 128>}, {transform_indices = @transform_4, window_bounds = array<i64: 1, 200, 128>}, {transform_indices = @transform_5, window_bounds = array<i64: 1, 200, 128>}, {transform_indices = @transform_6, window_bounds = array<i64: 1, 200, 128>}, {pipeline_mode = #tpu.pipeline_mode<synchronous>, transform_indices = @transform_7, window_bounds = array<i64: 3, 128, 128>}, {pipeline_mode = #tpu.pipeline_mode<synchronous>, transform_indices = @transform_8, window_bounds = array<i64: 128, 128>}, {pipeline_mode = #tpu.pipeline_mode<synchronous>, transform_indices = @transform_9, window_bounds = array<i64: 1, 128>}, {pipeline_mode = #tpu.pipeline_mode<synchronous>, transform_indices = @transform_10, window_bounds = array<i64: 128, 128>}, {pipeline_mode = #tpu.pipeline_mode<synchronous>, transform_indices = @transform_11, window_bounds = array<i64: 128, 128>}, {pipeline_mode = #tpu.pipeline_mode<synchronous>, transform_indices = @transform_12, window_bounds = array<i64: 1, 128>}, {transform_indices = @transform_13, window_bounds = array<i64: 200, 128>}, {transform_indices = @transform_14, window_bounds = array<i64: 200, 128>}, {transform_indices = @transform_15, window_bounds = array<i64: 200, 128>}]} {
    %get3A = arith.constant 0 : index
    %get3A_0 = arith.constant 0 : index
    %get3A_1 = vector.load %arg1[%get3A, %get3A_0] : memref<200x128xf32, #tpu.memory_space<vmem>>, vector<200x128xf32>
    %get3A_2 = arith.constant 0 : index
    %get3A_3 = arith.constant 0 : index
    %get3A_4 = vector.load %arg9[%get3A_2, %get3A_3] : memref<128x128xf32, #tpu.memory_space<vmem>>, vector<128x128xf32>
    %dot_general3A = arith.constant dense<0.000000e+00> : vector<200x128xf32>
    %dot_general3A_5 = tpu.matmul %get3A_1, %get3A_4, %dot_general3A {dimension_numbers = #tpu.dot_dimension_numbers<[1], [0], [0], [1], [0, 0, 1, 1], [], []>, transpose_lhs_hint = false} : vector<200x128xf32>, vector<128x128xf32>, vector<200x128xf32> -> vector<200x128xf32>
    %get3A_6 = arith.constant 0 : index
    %get3A_7 = arith.constant 0 : index
    %get3A_8 = vector.load %arg10[%get3A_6, %get3A_7] : memref<1x128xf32, #tpu.memory_space<vmem>>, vector<1x128xf32>
    %add3A = vector.broadcast %get3A_8 : vector<1x128xf32> to vector<200x128xf32>
    %add3A_9 = arith.addf %dot_general3A_5, %add3A : vector<200x128xf32>
    %get3A_10 = arith.constant 0 : index
    %get3A_11 = arith.constant 0 : index
    %get3A_12 = arith.constant 0 : index
    %get3A_13 = vector.load %arg5[%get3A_10, %get3A_11, %get3A_12] : memref<1x200x128xf32, #tpu.memory_space<vmem>>, vector<1x200x128xf32>
    %get3A_14 = vector.shape_cast %get3A_13 : vector<1x200x128xf32> to vector<200x128xf32>
    %slice3A = vector.extract_strided_slice %get3A_14 {offsets = [0, 0], sizes = [200, 1], strides = [1, 1]} : vector<200x128xf32> to vector<200x1xf32>
    %get3A_15 = arith.constant 0 : index
    %get3A_16 = arith.constant 0 : index
    %get3A_17 = arith.constant 0 : index
    %get3A_18 = vector.load %arg2[%get3A_15, %get3A_16, %get3A_17] : memref<1x200x128xf32, #tpu.memory_space<vmem>>, vector<1x200x128xf32>
    %get3A_19 = vector.shape_cast %get3A_18 : vector<1x200x128xf32> to vector<200x128xf32>
    %max3A = arith.constant 1.000000e+00 : f32
    %max3A_20 = vector.broadcast %max3A : f32 to vector<200x1xf32>
    %max3A_21 = arith.maximumf %slice3A, %max3A_20 : vector<200x1xf32>
    %div3A = vector.broadcast %max3A_21 : vector<200x1xf32> to vector<200x128xf32>
    %div3A_22 = arith.divf %get3A_19, %div3A : vector<200x128xf32>
    %get3A_23 = arith.constant 0 : index
    %get3A_24 = arith.constant 0 : index
    %get3A_25 = arith.constant 0 : index
    %get3A_26 = vector.load %arg8[%get3A_23, %get3A_24, %get3A_25] : memref<3x128x128xf32, #tpu.memory_space<vmem>>, vector<1x128x128xf32>
    %get3A_27 = vector.shape_cast %get3A_26 : vector<1x128x128xf32> to vector<128x128xf32>
    %dot_general3A_28 = arith.constant dense<0.000000e+00> : vector<200x128xf32>
    %dot_general3A_29 = tpu.matmul %div3A_22, %get3A_27, %dot_general3A_28 {dimension_numbers = #tpu.dot_dimension_numbers<[1], [0], [0], [1], [0, 0, 1, 1], [], []>, transpose_lhs_hint = false} : vector<200x128xf32>, vector<128x128xf32>, vector<200x128xf32> -> vector<200x128xf32>
    %add3A_30 = arith.addf %add3A_9, %dot_general3A_29 : vector<200x128xf32>
    %get3A_31 = arith.constant 0 : index
    %get3A_32 = arith.constant 0 : index
    %get3A_33 = arith.constant 0 : index
    %get3A_34 = vector.load %arg6[%get3A_31, %get3A_32, %get3A_33] : memref<1x200x128xf32, #tpu.memory_space<vmem>>, vector<1x200x128xf32>
    %get3A_35 = vector.shape_cast %get3A_34 : vector<1x200x128xf32> to vector<200x128xf32>
    %slice3A_36 = vector.extract_strided_slice %get3A_35 {offsets = [0, 0], sizes = [200, 1], strides = [1, 1]} : vector<200x128xf32> to vector<200x1xf32>
    %get3A_37 = arith.constant 0 : index
    %get3A_38 = arith.constant 0 : index
    %get3A_39 = arith.constant 0 : index
    %get3A_40 = vector.load %arg3[%get3A_37, %get3A_38, %get3A_39] : memref<1x200x128xf32, #tpu.memory_space<vmem>>, vector<1x200x128xf32>
    %get3A_41 = vector.shape_cast %get3A_40 : vector<1x200x128xf32> to vector<200x128xf32>
    %max3A_42 = arith.constant 1.000000e+00 : f32
    %max3A_43 = vector.broadcast %max3A_42 : f32 to vector<200x1xf32>
    %max3A_44 = arith.maximumf %slice3A_36, %max3A_43 : vector<200x1xf32>
    %div3A_45 = vector.broadcast %max3A_44 : vector<200x1xf32> to vector<200x128xf32>
    %div3A_46 = arith.divf %get3A_41, %div3A_45 : vector<200x128xf32>
    %get3A_47 = arith.constant 1 : index
    %get3A_48 = arith.constant 0 : index
    %get3A_49 = arith.constant 0 : index
    %get3A_50 = vector.load %arg8[%get3A_47, %get3A_48, %get3A_49] : memref<3x128x128xf32, #tpu.memory_space<vmem>>, vector<1x128x128xf32>
    %get3A_51 = vector.shape_cast %get3A_50 : vector<1x128x128xf32> to vector<128x128xf32>
    %dot_general3A_52 = arith.constant dense<0.000000e+00> : vector<200x128xf32>
    %dot_general3A_53 = tpu.matmul %div3A_46, %get3A_51, %dot_general3A_52 {dimension_numbers = #tpu.dot_dimension_numbers<[1], [0], [0], [1], [0, 0, 1, 1], [], []>, transpose_lhs_hint = false} : vector<200x128xf32>, vector<128x128xf32>, vector<200x128xf32> -> vector<200x128xf32>
    %add3A_54 = arith.addf %add3A_30, %dot_general3A_53 : vector<200x128xf32>
    %get3A_55 = arith.constant 0 : index
    %get3A_56 = arith.constant 0 : index
    %get3A_57 = arith.constant 0 : index
    %get3A_58 = vector.load %arg7[%get3A_55, %get3A_56, %get3A_57] : memref<1x200x128xf32, #tpu.memory_space<vmem>>, vector<1x200x128xf32>
    %get3A_59 = vector.shape_cast %get3A_58 : vector<1x200x128xf32> to vector<200x128xf32>
    %slice3A_60 = vector.extract_strided_slice %get3A_59 {offsets = [0, 0], sizes = [200, 1], strides = [1, 1]} : vector<200x128xf32> to vector<200x1xf32>
    %get3A_61 = arith.constant 0 : index
    %get3A_62 = arith.constant 0 : index
    %get3A_63 = arith.constant 0 : index
    %get3A_64 = vector.load %arg4[%get3A_61, %get3A_62, %get3A_63] : memref<1x200x128xf32, #tpu.memory_space<vmem>>, vector<1x200x128xf32>
    %get3A_65 = vector.shape_cast %get3A_64 : vector<1x200x128xf32> to vector<200x128xf32>
    %max3A_66 = arith.constant 1.000000e+00 : f32
    %max3A_67 = vector.broadcast %max3A_66 : f32 to vector<200x1xf32>
    %max3A_68 = arith.maximumf %slice3A_60, %max3A_67 : vector<200x1xf32>
    %div3A_69 = vector.broadcast %max3A_68 : vector<200x1xf32> to vector<200x128xf32>
    %div3A_70 = arith.divf %get3A_65, %div3A_69 : vector<200x128xf32>
    %get3A_71 = arith.constant 2 : index
    %get3A_72 = arith.constant 0 : index
    %get3A_73 = arith.constant 0 : index
    %get3A_74 = vector.load %arg8[%get3A_71, %get3A_72, %get3A_73] : memref<3x128x128xf32, #tpu.memory_space<vmem>>, vector<1x128x128xf32>
    %get3A_75 = vector.shape_cast %get3A_74 : vector<1x128x128xf32> to vector<128x128xf32>
    %dot_general3A_76 = arith.constant dense<0.000000e+00> : vector<200x128xf32>
    %dot_general3A_77 = tpu.matmul %div3A_70, %get3A_75, %dot_general3A_76 {dimension_numbers = #tpu.dot_dimension_numbers<[1], [0], [0], [1], [0, 0, 1, 1], [], []>, transpose_lhs_hint = false} : vector<200x128xf32>, vector<128x128xf32>, vector<200x128xf32> -> vector<200x128xf32>
    %add3A_78 = arith.addf %add3A_54, %dot_general3A_77 : vector<200x128xf32>
    %swap3A = arith.constant 0 : index
    %swap3A_79 = arith.constant 0 : index
    %swap3A_80 = vector.load %arg14[%swap3A, %swap3A_79] : memref<200x128xf32, #tpu.memory_space<vmem>>, vector<200x128xf32>
    tpu.vector_store %arg14[%swap3A, %swap3A_79], %add3A_78 {strides = array<i32>} : memref<200x128xf32, #tpu.memory_space<vmem>>, vector<200x128xf32>,
    %get3A_81 = arith.constant 0 : index
    %get3A_82 = arith.constant 0 : index
    %get3A_83 = vector.load %arg11[%get3A_81, %get3A_82] : memref<128x128xf32, #tpu.memory_space<vmem>>, vector<128x128xf32>
    %dot_general3A_84 = arith.constant dense<0.000000e+00> : vector<200x128xf32>
    %dot_general3A_85 = tpu.matmul %add3A_78, %get3A_83, %dot_general3A_84 {dimension_numbers = #tpu.dot_dimension_numbers<[1], [0], [0], [1], [0, 0, 1, 1], [], []>, transpose_lhs_hint = false} : vector<200x128xf32>, vector<128x128xf32>, vector<200x128xf32> -> vector<200x128xf32>
    %get3A_86 = arith.constant 0 : index
    %get3A_87 = arith.constant 0 : index
    %get3A_88 = vector.load %arg13[%get3A_86, %get3A_87] : memref<1x128xf32, #tpu.memory_space<vmem>>, vector<1x128xf32>
    %add3A_89 = vector.broadcast %get3A_88 : vector<1x128xf32> to vector<200x128xf32>
    %add3A_90 = arith.addf %dot_general3A_85, %add3A_89 : vector<200x128xf32>
    %swap3A_91 = arith.constant 0 : index
    %swap3A_92 = arith.constant 0 : index
    %swap3A_93 = vector.load %arg15[%swap3A_91, %swap3A_92] : memref<200x128xf32, #tpu.memory_space<vmem>>, vector<200x128xf32>
    tpu.vector_store %arg15[%swap3A_91, %swap3A_92], %add3A_90 {strides = array<i32>} : memref<200x128xf32, #tpu.memory_space<vmem>>, vector<200x128xf32>,
    %get3A_94 = arith.constant 0 : index
    %get3A_95 = arith.constant 0 : index
    %get3A_96 = vector.load %arg12[%get3A_94, %get3A_95] : memref<128x128xf32, #tpu.memory_space<vmem>>, vector<128x128xf32>
    %dot_general3A_97 = arith.constant dense<0.000000e+00> : vector<200x128xf32>
    %dot_general3A_98 = tpu.matmul %add3A_78, %get3A_96, %dot_general3A_97 {dimension_numbers = #tpu.dot_dimension_numbers<[1], [0], [0], [1], [0, 0, 1, 1], [], []>, transpose_lhs_hint = false} : vector<200x128xf32>, vector<128x128xf32>, vector<200x128xf32> -> vector<200x128xf32>
    %swap3A_99 = arith.constant 0 : index
    %swap3A_100 = arith.constant 0 : index
    %swap3A_101 = vector.load %arg16[%swap3A_99, %swap3A_100] : memref<200x128xf32, #tpu.memory_space<vmem>>, vector<200x128xf32>
    tpu.vector_store %arg16[%swap3A_99, %swap3A_100], %dot_general3A_98 {strides = array<i32>} : memref<200x128xf32, #tpu.memory_space<vmem>>, vector<200x128xf32>,
    return
  }
  func.func @transform_0(%arg0: i32) -> (i32, i32) {
    %c0_i32 = arith.constant 0 : i32
    %c0_i32_0 = arith.constant 0 : i32
    return %arg0, %c0_i32 : i32, i32
  }
  func.func @transform_1(%arg0: i32) -> (i32, i32, i32) {
    %jit3A = arith.constant 25 : i32
    %div3A = arith.divsi %arg0, %jit3A : i32
    %sign3A = arith.constant 0 : i32
    %sign3A_0 = arith.cmpi sgt, %arg0, %sign3A : i32
    %sign3A_1 = arith.extui %sign3A_0 : i1 to i32
    %sign3A_2 = arith.constant 0 : i32
    %sign3A_3 = arith.cmpi slt, %arg0, %sign3A_2 : i32
    %sign3A_4 = arith.extui %sign3A_3 : i1 to i32
    %sign3A_5 = arith.subi %sign3A_1, %sign3A_4 : i32
    %sign3A_6 = arith.constant 0 : i32
    %sign3A_7 = arith.cmpi sgt, %jit3A, %sign3A_6 : i32
    %sign3A_8 = arith.extui %sign3A_7 : i1 to i32
    %sign3A_9 = arith.constant 0 : i32
    %sign3A_10 = arith.cmpi slt, %jit3A, %sign3A_9 : i32
    %sign3A_11 = arith.extui %sign3A_10 : i1 to i32
    %sign3A_12 = arith.subi %sign3A_8, %sign3A_11 : i32
    %ne3A = arith.cmpi ne, %sign3A_5, %sign3A_12 : i32
    %rem3A = arith.remsi %arg0, %jit3A : i32
    %ne3A_13 = arith.constant 0 : i32
    %ne3A_14 = arith.cmpi ne, %rem3A, %ne3A_13 : i32
    %and3A = arith.andi %ne3A, %ne3A_14 : i1
    %sub3A = arith.constant 1 : i32
    %sub3A_15 = arith.subi %div3A, %sub3A : i32
    %select_n3A = arith.select %and3A, %sub3A_15, %div3A : i32
    %jit3A_16 = arith.constant 25 : i32
    %eq3A = arith.constant 0 : i32
    %eq3A_17 = arith.cmpi eq, %jit3A_16, %eq3A : i32
    %jit3A_18 = arith.constant 1 : i32
    %select_n3A_19 = arith.select %eq3A_17, %jit3A_18, %jit3A_16 : i32
    %rem3A_20 = arith.remsi %arg0, %select_n3A_19 : i32
    %ne3A_21 = arith.constant 0 : i32
    %ne3A_22 = arith.cmpi ne, %rem3A_20, %ne3A_21 : i32
    %lt3A = arith.constant 0 : i32
    %lt3A_23 = arith.cmpi slt, %rem3A_20, %lt3A : i32
    %lt3A_24 = arith.constant 0 : i32
    %lt3A_25 = arith.cmpi slt, %select_n3A_19, %lt3A_24 : i32
    %ne3A_26 = arith.xori %lt3A_23, %lt3A_25 : i1
    %and3A_27 = arith.andi %ne3A_26, %ne3A_22 : i1
    %add3A = arith.addi %rem3A_20, %select_n3A_19 : i32
    %select_n3A_28 = arith.select %and3A_27, %add3A, %rem3A_20 : i32
    %add3A_29 = arith.constant 0 : i32
    %add3A_30 = arith.addi %add3A_29, %select_n3A_28 : i32
    %c0_i32 = arith.constant 0 : i32
    %c0_i32_31 = arith.constant 0 : i32
    return %select_n3A, %add3A_30, %c0_i32 : i32, i32, i32
  }
  func.func @transform_2(%arg0: i32) -> (i32, i32, i32) {
    %jit3A = arith.constant 25 : i32
    %div3A = arith.divsi %arg0, %jit3A : i32
    %sign3A = arith.constant 0 : i32
    %sign3A_0 = arith.cmpi sgt, %arg0, %sign3A : i32
    %sign3A_1 = arith.extui %sign3A_0 : i1 to i32
    %sign3A_2 = arith.constant 0 : i32
    %sign3A_3 = arith.cmpi slt, %arg0, %sign3A_2 : i32
    %sign3A_4 = arith.extui %sign3A_3 : i1 to i32
    %sign3A_5 = arith.subi %sign3A_1, %sign3A_4 : i32
    %sign3A_6 = arith.constant 0 : i32
    %sign3A_7 = arith.cmpi sgt, %jit3A, %sign3A_6 : i32
    %sign3A_8 = arith.extui %sign3A_7 : i1 to i32
    %sign3A_9 = arith.constant 0 : i32
    %sign3A_10 = arith.cmpi slt, %jit3A, %sign3A_9 : i32
    %sign3A_11 = arith.extui %sign3A_10 : i1 to i32
    %sign3A_12 = arith.subi %sign3A_8, %sign3A_11 : i32
    %ne3A = arith.cmpi ne, %sign3A_5, %sign3A_12 : i32
    %rem3A = arith.remsi %arg0, %jit3A : i32
    %ne3A_13 = arith.constant 0 : i32
    %ne3A_14 = arith.cmpi ne, %rem3A, %ne3A_13 : i32
    %and3A = arith.andi %ne3A, %ne3A_14 : i1
    %sub3A = arith.constant 1 : i32
    %sub3A_15 = arith.subi %div3A, %sub3A : i32
    %select_n3A = arith.select %and3A, %sub3A_15, %div3A : i32
    %jit3A_16 = arith.constant 25 : i32
    %eq3A = arith.constant 0 : i32
    %eq3A_17 = arith.cmpi eq, %jit3A_16, %eq3A : i32
    %jit3A_18 = arith.constant 1 : i32
    %select_n3A_19 = arith.select %eq3A_17, %jit3A_18, %jit3A_16 : i32
    %rem3A_20 = arith.remsi %arg0, %select_n3A_19 : i32
    %ne3A_21 = arith.constant 0 : i32
    %ne3A_22 = arith.cmpi ne, %rem3A_20, %ne3A_21 : i32
    %lt3A = arith.constant 0 : i32
    %lt3A_23 = arith.cmpi slt, %rem3A_20, %lt3A : i32
    %lt3A_24 = arith.constant 0 : i32
    %lt3A_25 = arith.cmpi slt, %select_n3A_19, %lt3A_24 : i32
    %ne3A_26 = arith.xori %lt3A_23, %lt3A_25 : i1
    %and3A_27 = arith.andi %ne3A_26, %ne3A_22 : i1
    %add3A = arith.addi %rem3A_20, %select_n3A_19 : i32
    %select_n3A_28 = arith.select %and3A_27, %add3A, %rem3A_20 : i32
    %add3A_29 = arith.constant 25 : i32
    %add3A_30 = arith.addi %add3A_29, %select_n3A_28 : i32
    %c0_i32 = arith.constant 0 : i32
    %c0_i32_31 = arith.constant 0 : i32
    return %select_n3A, %add3A_30, %c0_i32 : i32, i32, i32
  }
  func.func @transform_3(%arg0: i32) -> (i32, i32, i32) {
    %jit3A = arith.constant 25 : i32
    %div3A = arith.divsi %arg0, %jit3A : i32
    %sign3A = arith.constant 0 : i32
    %sign3A_0 = arith.cmpi sgt, %arg0, %sign3A : i32
    %sign3A_1 = arith.extui %sign3A_0 : i1 to i32
    %sign3A_2 = arith.constant 0 : i32
    %sign3A_3 = arith.cmpi slt, %arg0, %sign3A_2 : i32
    %sign3A_4 = arith.extui %sign3A_3 : i1 to i32
    %sign3A_5 = arith.subi %sign3A_1, %sign3A_4 : i32
    %sign3A_6 = arith.constant 0 : i32
    %sign3A_7 = arith.cmpi sgt, %jit3A, %sign3A_6 : i32
    %sign3A_8 = arith.extui %sign3A_7 : i1 to i32
    %sign3A_9 = arith.constant 0 : i32
    %sign3A_10 = arith.cmpi slt, %jit3A, %sign3A_9 : i32
    %sign3A_11 = arith.extui %sign3A_10 : i1 to i32
    %sign3A_12 = arith.subi %sign3A_8, %sign3A_11 : i32
    %ne3A = arith.cmpi ne, %sign3A_5, %sign3A_12 : i32
    %rem3A = arith.remsi %arg0, %jit3A : i32
    %ne3A_13 = arith.constant 0 : i32
    %ne3A_14 = arith.cmpi ne, %rem3A, %ne3A_13 : i32
    %and3A = arith.andi %ne3A, %ne3A_14 : i1
    %sub3A = arith.constant 1 : i32
    %sub3A_15 = arith.subi %div3A, %sub3A : i32
    %select_n3A = arith.select %and3A, %sub3A_15, %div3A : i32
    %jit3A_16 = arith.constant 25 : i32
    %eq3A = arith.constant 0 : i32
    %eq3A_17 = arith.cmpi eq, %jit3A_16, %eq3A : i32
    %jit3A_18 = arith.constant 1 : i32
    %select_n3A_19 = arith.select %eq3A_17, %jit3A_18, %jit3A_16 : i32
    %rem3A_20 = arith.remsi %arg0, %select_n3A_19 : i32
    %ne3A_21 = arith.constant 0 : i32
    %ne3A_22 = arith.cmpi ne, %rem3A_20, %ne3A_21 : i32
    %lt3A = arith.constant 0 : i32
    %lt3A_23 = arith.cmpi slt, %rem3A_20, %lt3A : i32
    %lt3A_24 = arith.constant 0 : i32
    %lt3A_25 = arith.cmpi slt, %select_n3A_19, %lt3A_24 : i32
    %ne3A_26 = arith.xori %lt3A_23, %lt3A_25 : i1
    %and3A_27 = arith.andi %ne3A_26, %ne3A_22 : i1
    %add3A = arith.addi %rem3A_20, %select_n3A_19 : i32
    %select_n3A_28 = arith.select %and3A_27, %add3A, %rem3A_20 : i32
    %add3A_29 = arith.constant 50 : i32
    %add3A_30 = arith.addi %add3A_29, %select_n3A_28 : i32
    %c0_i32 = arith.constant 0 : i32
    %c0_i32_31 = arith.constant 0 : i32
    return %select_n3A, %add3A_30, %c0_i32 : i32, i32, i32
  }
  func.func @transform_4(%arg0: i32) -> (i32, i32, i32) {
    %jit3A = arith.constant 25 : i32
    %div3A = arith.divsi %arg0, %jit3A : i32
    %sign3A = arith.constant 0 : i32
    %sign3A_0 = arith.cmpi sgt, %arg0, %sign3A : i32
    %sign3A_1 = arith.extui %sign3A_0 : i1 to i32
    %sign3A_2 = arith.constant 0 : i32
    %sign3A_3 = arith.cmpi slt, %arg0, %sign3A_2 : i32
    %sign3A_4 = arith.extui %sign3A_3 : i1 to i32
    %sign3A_5 = arith.subi %sign3A_1, %sign3A_4 : i32
    %sign3A_6 = arith.constant 0 : i32
    %sign3A_7 = arith.cmpi sgt, %jit3A, %sign3A_6 : i32
    %sign3A_8 = arith.extui %sign3A_7 : i1 to i32
    %sign3A_9 = arith.constant 0 : i32
    %sign3A_10 = arith.cmpi slt, %jit3A, %sign3A_9 : i32
    %sign3A_11 = arith.extui %sign3A_10 : i1 to i32
    %sign3A_12 = arith.subi %sign3A_8, %sign3A_11 : i32
    %ne3A = arith.cmpi ne, %sign3A_5, %sign3A_12 : i32
    %rem3A = arith.remsi %arg0, %jit3A : i32
    %ne3A_13 = arith.constant 0 : i32
    %ne3A_14 = arith.cmpi ne, %rem3A, %ne3A_13 : i32
    %and3A = arith.andi %ne3A, %ne3A_14 : i1
    %sub3A = arith.constant 1 : i32
    %sub3A_15 = arith.subi %div3A, %sub3A : i32
    %select_n3A = arith.select %and3A, %sub3A_15, %div3A : i32
    %jit3A_16 = arith.constant 25 : i32
    %eq3A = arith.constant 0 : i32
    %eq3A_17 = arith.cmpi eq, %jit3A_16, %eq3A : i32
    %jit3A_18 = arith.constant 1 : i32
    %select_n3A_19 = arith.select %eq3A_17, %jit3A_18, %jit3A_16 : i32
    %rem3A_20 = arith.remsi %arg0, %select_n3A_19 : i32
    %ne3A_21 = arith.constant 0 : i32
    %ne3A_22 = arith.cmpi ne, %rem3A_20, %ne3A_21 : i32
    %lt3A = arith.constant 0 : i32
    %lt3A_23 = arith.cmpi slt, %rem3A_20, %lt3A : i32
    %lt3A_24 = arith.constant 0 : i32
    %lt3A_25 = arith.cmpi slt, %select_n3A_19, %lt3A_24 : i32
    %ne3A_26 = arith.xori %lt3A_23, %lt3A_25 : i1
    %and3A_27 = arith.andi %ne3A_26, %ne3A_22 : i1
    %add3A = arith.addi %rem3A_20, %select_n3A_19 : i32
    %select_n3A_28 = arith.select %and3A_27, %add3A, %rem3A_20 : i32
    %add3A_29 = arith.constant 0 : i32
    %add3A_30 = arith.addi %add3A_29, %select_n3A_28 : i32
    %c0_i32 = arith.constant 0 : i32
    %c0_i32_31 = arith.constant 0 : i32
    return %select_n3A, %add3A_30, %c0_i32 : i32, i32, i32
  }
  func.func @transform_5(%arg0: i32) -> (i32, i32, i32) {
    %jit3A = arith.constant 25 : i32
    %div3A = arith.divsi %arg0, %jit3A : i32
    %sign3A = arith.constant 0 : i32
    %sign3A_0 = arith.cmpi sgt, %arg0, %sign3A : i32
    %sign3A_1 = arith.extui %sign3A_0 : i1 to i32
    %sign3A_2 = arith.constant 0 : i32
    %sign3A_3 = arith.cmpi slt, %arg0, %sign3A_2 : i32
    %sign3A_4 = arith.extui %sign3A_3 : i1 to i32
    %sign3A_5 = arith.subi %sign3A_1, %sign3A_4 : i32
    %sign3A_6 = arith.constant 0 : i32
    %sign3A_7 = arith.cmpi sgt, %jit3A, %sign3A_6 : i32
    %sign3A_8 = arith.extui %sign3A_7 : i1 to i32
    %sign3A_9 = arith.constant 0 : i32
    %sign3A_10 = arith.cmpi slt, %jit3A, %sign3A_9 : i32
    %sign3A_11 = arith.extui %sign3A_10 : i1 to i32
    %sign3A_12 = arith.subi %sign3A_8, %sign3A_11 : i32
    %ne3A = arith.cmpi ne, %sign3A_5, %sign3A_12 : i32
    %rem3A = arith.remsi %arg0, %jit3A : i32
    %ne3A_13 = arith.constant 0 : i32
    %ne3A_14 = arith.cmpi ne, %rem3A, %ne3A_13 : i32
    %and3A = arith.andi %ne3A, %ne3A_14 : i1
    %sub3A = arith.constant 1 : i32
    %sub3A_15 = arith.subi %div3A, %sub3A : i32
    %select_n3A = arith.select %and3A, %sub3A_15, %div3A : i32
    %jit3A_16 = arith.constant 25 : i32
    %eq3A = arith.constant 0 : i32
    %eq3A_17 = arith.cmpi eq, %jit3A_16, %eq3A : i32
    %jit3A_18 = arith.constant 1 : i32
    %select_n3A_19 = arith.select %eq3A_17, %jit3A_18, %jit3A_16 : i32
    %rem3A_20 = arith.remsi %arg0, %select_n3A_19 : i32
    %ne3A_21 = arith.constant 0 : i32
    %ne3A_22 = arith.cmpi ne, %rem3A_20, %ne3A_21 : i32
    %lt3A = arith.constant 0 : i32
    %lt3A_23 = arith.cmpi slt, %rem3A_20, %lt3A : i32
    %lt3A_24 = arith.constant 0 : i32
    %lt3A_25 = arith.cmpi slt, %select_n3A_19, %lt3A_24 : i32
    %ne3A_26 = arith.xori %lt3A_23, %lt3A_25 : i1
    %and3A_27 = arith.andi %ne3A_26, %ne3A_22 : i1
    %add3A = arith.addi %rem3A_20, %select_n3A_19 : i32
    %select_n3A_28 = arith.select %and3A_27, %add3A, %rem3A_20 : i32
    %add3A_29 = arith.constant 25 : i32
    %add3A_30 = arith.addi %add3A_29, %select_n3A_28 : i32
    %c0_i32 = arith.constant 0 : i32
    %c0_i32_31 = arith.constant 0 : i32
    return %select_n3A, %add3A_30, %c0_i32 : i32, i32, i32
  }
  func.func @transform_6(%arg0: i32) -> (i32, i32, i32) {
    %jit3A = arith.constant 25 : i32
    %div3A = arith.divsi %arg0, %jit3A : i32
    %sign3A = arith.constant 0 : i32
    %sign3A_0 = arith.cmpi sgt, %arg0, %sign3A : i32
    %sign3A_1 = arith.extui %sign3A_0 : i1 to i32
    %sign3A_2 = arith.constant 0 : i32
    %sign3A_3 = arith.cmpi slt, %arg0, %sign3A_2 : i32
    %sign3A_4 = arith.extui %sign3A_3 : i1 to i32
    %sign3A_5 = arith.subi %sign3A_1, %sign3A_4 : i32
    %sign3A_6 = arith.constant 0 : i32
    %sign3A_7 = arith.cmpi sgt, %jit3A, %sign3A_6 : i32
    %sign3A_8 = arith.extui %sign3A_7 : i1 to i32
    %sign3A_9 = arith.constant 0 : i32
    %sign3A_10 = arith.cmpi slt, %jit3A, %sign3A_9 : i32
    %sign3A_11 = arith.extui %sign3A_10 : i1 to i32
    %sign3A_12 = arith.subi %sign3A_8, %sign3A_11 : i32
    %ne3A = arith.cmpi ne, %sign3A_5, %sign3A_12 : i32
    %rem3A = arith.remsi %arg0, %jit3A : i32
    %ne3A_13 = arith.constant 0 : i32
    %ne3A_14 = arith.cmpi ne, %rem3A, %ne3A_13 : i32
    %and3A = arith.andi %ne3A, %ne3A_14 : i1
    %sub3A = arith.constant 1 : i32
    %sub3A_15 = arith.subi %div3A, %sub3A : i32
    %select_n3A = arith.select %and3A, %sub3A_15, %div3A : i32
    %jit3A_16 = arith.constant 25 : i32
    %eq3A = arith.constant 0 : i32
    %eq3A_17 = arith.cmpi eq, %jit3A_16, %eq3A : i32
    %jit3A_18 = arith.constant 1 : i32
    %select_n3A_19 = arith.select %eq3A_17, %jit3A_18, %jit3A_16 : i32
    %rem3A_20 = arith.remsi %arg0, %select_n3A_19 : i32
    %ne3A_21 = arith.constant 0 : i32
    %ne3A_22 = arith.cmpi ne, %rem3A_20, %ne3A_21 : i32
    %lt3A = arith.constant 0 : i32
    %lt3A_23 = arith.cmpi slt, %rem3A_20, %lt3A : i32
    %lt3A_24 = arith.constant 0 : i32
    %lt3A_25 = arith.cmpi slt, %select_n3A_19, %lt3A_24 : i32
    %ne3A_26 = arith.xori %lt3A_23, %lt3A_25 : i1
    %and3A_27 = arith.andi %ne3A_26, %ne3A_22 : i1
    %add3A = arith.addi %rem3A_20, %select_n3A_19 : i32
    %select_n3A_28 = arith.select %and3A_27, %add3A, %rem3A_20 : i32
    %add3A_29 = arith.constant 50 : i32
    %add3A_30 = arith.addi %add3A_29, %select_n3A_28 : i32
    %c0_i32 = arith.constant 0 : i32
    %c0_i32_31 = arith.constant 0 : i32
    return %select_n3A, %add3A_30, %c0_i32 : i32, i32, i32
  }
  func.func @transform_7(%arg0: i32) -> (i32, i32, i32) {
    %c0_i32 = arith.constant 0 : i32
    %c0_i32_0 = arith.constant 0 : i32
    %c0_i32_1 = arith.constant 0 : i32
    %c0_i32_2 = arith.constant 0 : i32
    return %c0_i32, %c0_i32_0, %c0_i32_1 : i32, i32, i32
  }
  func.func @transform_8(%arg0: i32) -> (i32, i32) {
    %c0_i32 = arith.constant 0 : i32
    %c0_i32_0 = arith.constant 0 : i32
    %c0_i32_1 = arith.constant 0 : i32
    return %c0_i32, %c0_i32_0 : i32, i32
  }
  func.func @transform_9(%arg0: i32) -> (i32, i32) {
    %c0_i32 = arith.constant 0 : i32
    %c0_i32_0 = arith.constant 0 : i32
    %c0_i32_1 = arith.constant 0 : i32
    return %c0_i32, %c0_i32_0 : i32, i32
  }
  func.func @transform_10(%arg0: i32) -> (i32, i32) {
    %c0_i32 = arith.constant 0 : i32
    %c0_i32_0 = arith.constant 0 : i32
    %c0_i32_1 = arith.constant 0 : i32
    return %c0_i32, %c0_i32_0 : i32, i32
  }
  func.func @transform_11(%arg0: i32) -> (i32, i32) {
    %c0_i32 = arith.constant 0 : i32
    %c0_i32_0 = arith.constant 0 : i32
    %c0_i32_1 = arith.constant 0 : i32
    return %c0_i32, %c0_i32_0 : i32, i32
  }
  func.func @transform_12(%arg0: i32) -> (i32, i32) {
    %c0_i32 = arith.constant 0 : i32
    %c0_i32_0 = arith.constant 0 : i32
    %c0_i32_1 = arith.constant 0 : i32
    return %c0_i32, %c0_i32_0 : i32, i32
  }
  func.func @transform_13(%arg0: i32) -> (i32, i32) {
    %c0_i32 = arith.constant 0 : i32
    %c0_i32_0 = arith.constant 0 : i32
    return %arg0, %c0_i32 : i32, i32
  }
  func.func @transform_14(%arg0: i32) -> (i32, i32) {
    %c0_i32 = arith.constant 0 : i32
    %c0_i32_0 = arith.constant 0 : i32
    return %arg0, %c0_i32 : i32, i32
  }
  func.func @transform_15(%arg0: i32) -> (i32, i32) {
    %c0_i32 = arith.constant 0 : i32
    %c0_i32_0 = arith.constant 0 : i32
    return %arg0, %c0_i32 : i32, i32
  }
}

module attributes {stable_mosaic.version = 14 : i64} {
  func.func @_tc_node_body(%arg0: i32, %arg1: memref<200x128xf32, #tpu.memory_space<vmem>>, %arg2: memref<128x64xf32, #tpu.memory_space<vmem>>, %arg3: memref<1x64xf32, #tpu.memory_space<vmem>>, %arg4: memref<64x8xf32, #tpu.memory_space<vmem>>, %arg5: memref<1x8xf32, #tpu.memory_space<vmem>>, %arg6: memref<200x8xf32, #tpu.memory_space<vmem>>) attributes {dimension_semantics = [#tpu.dimension_semantics<arbitrary>], iteration_bounds = array<i64: 50>, scalar_prefetch = 0 : i64, scratch_operands = 0 : i64, tpu.core_type = #tpu.core_type<tc>, window_params = [{transform_indices = @transform_0, window_bounds = array<i64: 200, 128>}, {pipeline_mode = #tpu.pipeline_mode<synchronous>, transform_indices = @transform_1, window_bounds = array<i64: 128, 64>}, {pipeline_mode = #tpu.pipeline_mode<synchronous>, transform_indices = @transform_2, window_bounds = array<i64: 1, 64>}, {pipeline_mode = #tpu.pipeline_mode<synchronous>, transform_indices = @transform_3, window_bounds = array<i64: 64, 8>}, {pipeline_mode = #tpu.pipeline_mode<synchronous>, transform_indices = @transform_4, window_bounds = array<i64: 1, 8>}, {transform_indices = @transform_5, window_bounds = array<i64: 200, 8>}]} {
    %get3A = arith.constant 0 : index
    %get3A_0 = arith.constant 0 : index
    %get3A_1 = vector.load %arg1[%get3A, %get3A_0] : memref<200x128xf32, #tpu.memory_space<vmem>>, vector<200x128xf32>
    %get3A_2 = arith.constant 0 : index
    %get3A_3 = arith.constant 0 : index
    %get3A_4 = vector.load %arg2[%get3A_2, %get3A_3] : memref<128x64xf32, #tpu.memory_space<vmem>>, vector<128x64xf32>
    %dot_general3A = arith.constant dense<0.000000e+00> : vector<200x64xf32>
    %dot_general3A_5 = tpu.matmul %get3A_1, %get3A_4, %dot_general3A {dimension_numbers = #tpu.dot_dimension_numbers<[1], [0], [0], [1], [0, 0, 1, 1], [], []>, transpose_lhs_hint = false} : vector<200x128xf32>, vector<128x64xf32>, vector<200x64xf32> -> vector<200x64xf32>
    %get3A_6 = arith.constant 0 : index
    %get3A_7 = arith.constant 0 : index
    %get3A_8 = vector.load %arg3[%get3A_6, %get3A_7] : memref<1x64xf32, #tpu.memory_space<vmem>>, vector<1x64xf32>
    %add3A = vector.broadcast %get3A_8 : vector<1x64xf32> to vector<200x64xf32>
    %add3A_9 = arith.addf %dot_general3A_5, %add3A : vector<200x64xf32>
    %max3A = arith.constant 0.000000e+00 : f32
    %max3A_10 = vector.broadcast %max3A : f32 to vector<200x64xf32>
    %max3A_11 = arith.maximumf %add3A_9, %max3A_10 : vector<200x64xf32>
    %get3A_12 = arith.constant 0 : index
    %get3A_13 = arith.constant 0 : index
    %get3A_14 = vector.load %arg4[%get3A_12, %get3A_13] : memref<64x8xf32, #tpu.memory_space<vmem>>, vector<64x8xf32>
    %dot_general3A_15 = arith.constant dense<0.000000e+00> : vector<200x8xf32>
    %dot_general3A_16 = tpu.matmul %max3A_11, %get3A_14, %dot_general3A_15 {dimension_numbers = #tpu.dot_dimension_numbers<[1], [0], [0], [1], [0, 0, 1, 1], [], []>, transpose_lhs_hint = false} : vector<200x64xf32>, vector<64x8xf32>, vector<200x8xf32> -> vector<200x8xf32>
    %get3A_17 = arith.constant 0 : index
    %get3A_18 = arith.constant 0 : index
    %get3A_19 = vector.load %arg5[%get3A_17, %get3A_18] : memref<1x8xf32, #tpu.memory_space<vmem>>, vector<1x8xf32>
    %add3A_20 = vector.broadcast %get3A_19 : vector<1x8xf32> to vector<200x8xf32>
    %add3A_21 = arith.addf %dot_general3A_16, %add3A_20 : vector<200x8xf32>
    %swap3A = arith.constant 0 : index
    %swap3A_22 = arith.constant 0 : index
    %swap3A_23 = vector.load %arg6[%swap3A, %swap3A_22] : memref<200x8xf32, #tpu.memory_space<vmem>>, vector<200x8xf32>
    tpu.vector_store %arg6[%swap3A, %swap3A_22], %add3A_21 {strides = array<i32>} : memref<200x8xf32, #tpu.memory_space<vmem>>, vector<200x8xf32>,
    return
  }
  func.func @transform_0(%arg0: i32) -> (i32, i32) {
    %c0_i32 = arith.constant 0 : i32
    %c0_i32_0 = arith.constant 0 : i32
    return %arg0, %c0_i32 : i32, i32
  }
  func.func @transform_1(%arg0: i32) -> (i32, i32) {
    %c0_i32 = arith.constant 0 : i32
    %c0_i32_0 = arith.constant 0 : i32
    %c0_i32_1 = arith.constant 0 : i32
    return %c0_i32, %c0_i32_0 : i32, i32
  }
  func.func @transform_2(%arg0: i32) -> (i32, i32) {
    %c0_i32 = arith.constant 0 : i32
    %c0_i32_0 = arith.constant 0 : i32
    %c0_i32_1 = arith.constant 0 : i32
    return %c0_i32, %c0_i32_0 : i32, i32
  }
  func.func @transform_3(%arg0: i32) -> (i32, i32) {
    %c0_i32 = arith.constant 0 : i32
    %c0_i32_0 = arith.constant 0 : i32
    %c0_i32_1 = arith.constant 0 : i32
    return %c0_i32, %c0_i32_0 : i32, i32
  }
  func.func @transform_4(%arg0: i32) -> (i32, i32) {
    %c0_i32 = arith.constant 0 : i32
    %c0_i32_0 = arith.constant 0 : i32
    %c0_i32_1 = arith.constant 0 : i32
    return %c0_i32, %c0_i32_0 : i32, i32
  }
  func.func @transform_5(%arg0: i32) -> (i32, i32) {
    %c0_i32 = arith.constant 0 : i32
    %c0_i32_0 = arith.constant 0 : i32
    return %arg0, %c0_i32 : i32, i32
  }
}

module attributes {stable_mosaic.version = 14 : i64} {
  func.func @_tc_edge_body(%arg0: i32, %arg1: memref<512x128xf32, #tpu.memory_space<vmem>>, %arg2: memref<128x8xf32, #tpu.memory_space<vmem>>, %arg3: memref<1x8xf32, #tpu.memory_space<vmem>>, %arg4: memref<512x8xf32, #tpu.memory_space<vmem>>) attributes {dimension_semantics = [#tpu.dimension_semantics<arbitrary>], iteration_bounds = array<i64: 625>, scalar_prefetch = 0 : i64, scratch_operands = 0 : i64, tpu.core_type = #tpu.core_type<tc>, window_params = [{transform_indices = @transform_0, window_bounds = array<i64: 512, 128>}, {pipeline_mode = #tpu.pipeline_mode<synchronous>, transform_indices = @transform_1, window_bounds = array<i64: 128, 8>}, {pipeline_mode = #tpu.pipeline_mode<synchronous>, transform_indices = @transform_2, window_bounds = array<i64: 1, 8>}, {transform_indices = @transform_3, window_bounds = array<i64: 512, 8>}]} {
    %get3A = arith.constant 0 : index
    %get3A_0 = arith.constant 0 : index
    %get3A_1 = vector.load %arg1[%get3A, %get3A_0] : memref<512x128xf32, #tpu.memory_space<vmem>>, vector<512x128xf32>
    %max3A = arith.constant 0.000000e+00 : f32
    %max3A_2 = vector.broadcast %max3A : f32 to vector<512x128xf32>
    %max3A_3 = arith.maximumf %get3A_1, %max3A_2 : vector<512x128xf32>
    %get3A_4 = arith.constant 0 : index
    %get3A_5 = arith.constant 0 : index
    %get3A_6 = vector.load %arg2[%get3A_4, %get3A_5] : memref<128x8xf32, #tpu.memory_space<vmem>>, vector<128x8xf32>
    %dot_general3A = arith.constant dense<0.000000e+00> : vector<512x8xf32>
    %dot_general3A_7 = tpu.matmul %max3A_3, %get3A_6, %dot_general3A {dimension_numbers = #tpu.dot_dimension_numbers<[1], [0], [0], [1], [0, 0, 1, 1], [], []>, transpose_lhs_hint = false} : vector<512x128xf32>, vector<128x8xf32>, vector<512x8xf32> -> vector<512x8xf32>
    %get3A_8 = arith.constant 0 : index
    %get3A_9 = arith.constant 0 : index
    %get3A_10 = vector.load %arg3[%get3A_8, %get3A_9] : memref<1x8xf32, #tpu.memory_space<vmem>>, vector<1x8xf32>
    %add3A = vector.broadcast %get3A_10 : vector<1x8xf32> to vector<512x8xf32>
    %add3A_11 = arith.addf %dot_general3A_7, %add3A : vector<512x8xf32>
    %swap3A = arith.constant 0 : index
    %swap3A_12 = arith.constant 0 : index
    %swap3A_13 = vector.load %arg4[%swap3A, %swap3A_12] : memref<512x8xf32, #tpu.memory_space<vmem>>, vector<512x8xf32>
    tpu.vector_store %arg4[%swap3A, %swap3A_12], %add3A_11 {strides = array<i32>} : memref<512x8xf32, #tpu.memory_space<vmem>>, vector<512x8xf32>,
    return
  }
  func.func @transform_0(%arg0: i32) -> (i32, i32) {
    %c0_i32 = arith.constant 0 : i32
    %c0_i32_0 = arith.constant 0 : i32
    return %arg0, %c0_i32 : i32, i32
  }
  func.func @transform_1(%arg0: i32) -> (i32, i32) {
    %c0_i32 = arith.constant 0 : i32
    %c0_i32_0 = arith.constant 0 : i32
    %c0_i32_1 = arith.constant 0 : i32
    return %c0_i32, %c0_i32_0 : i32, i32
  }
  func.func @transform_2(%arg0: i32) -> (i32, i32) {
    %c0_i32 = arith.constant 0 : i32
    %c0_i32_0 = arith.constant 0 : i32
    %c0_i32_1 = arith.constant 0 : i32
    return %c0_i32, %c0_i32_0 : i32, i32
  }
  func.func @transform_3(%arg0: i32) -> (i32, i32) {
    %c0_i32 = arith.constant 0 : i32
    %c0_i32_0 = arith.constant 0 : i32
    return %arg0, %c0_i32 : i32, i32
  }
}

</mosaic_0001>

<sc_bundles>
// kernel: kernel.12.cloned.1.call-start
scs
__scs_entry_jumppad:
0x0: {  	(pc) =	sbr.rel $0x88, $3  }
0x1: {  	(tag) =	ssettag $0x0;
	lr =	simm.s32 $0x1  }
0x2: {  	[smem:$0x3F8D] =	sst lr;
	_ =	strace $0xD0000000  }
0x3: {  	_ = 	snop  }
0x4: {  	_ = 	snop  }
0x5: {  	_ = 	snop  }
0x6: {  	_ = 	snop  }
0x7: {  	_ = 	snop  }
__scs_overlays_trampoline_lowered:
0x8: {  	[smem:$0x3F9C] =	sst s0  }
0x9: {  	[smem:$0x3F9D] =	sst s1  }
0xa: {  	[smem:$0x3F9E] =	sst s2  }
0xb: {  	[smem:$0x3F9F] =	sst s3  }
0xc: {  	[smem:$0x3FA0] =	sst s4  }
0xd: {  	[smem:$0x3FA1] =	sst s5  }
0xe: {  	[smem:$0x3FA2] =	sst s6  }
0xf: {  	[smem:$0x3FA3] =	sst s7  }
0x10: {  	[smem:$0x3FA4] =	sst s8  }
0x11: {  	[smem:$0x3FA5] =	sst s9;
	s0 =	simm.s32 @!p0 $0x0  }
0x12: {  	s1 =	sld [smem:$0x3F8B];
	s0 =	simm.s32 @p0 $0x1  }
0x13: {  	[smem:$0x3FA6] =	sst s0;
	s0 =	simm.s32 @!p1 $0x0  }
0x14: {  	s2 =	sld [smem:$0x3F8A];
	s0 =	simm.s32 @p1 $0x1  }
0x15: {  	[smem:$0x3FA7] =	sst s0;
	s0 =	simm.s32 @!p2 $0x0  }
0x16: {  	s3 =	sld [smem:$0x3FDB];
	s0 =	simm.s32 @p2 $0x1  }
0x17: {  	s4 =	simm.s32 $0x1BF5;
	[smem:$0x3FA9] =	sst s0  }
0x18: {  	s0 =	sld [smem:$0x3F8C];
	_ =	swait.ge [sflag:s4], $0x0  }
0x19: {  	s7 =	sld [smem:$0x3F8D]  }
0x1a: {  	s8 =	sadd.s32 $0xFFFFE003, lr  }
0x1b: {  	s9 =	sadd.s32 $0xFFFFFEF7, lr;
	s5 =	simm.s32 $0xFFFFFFFF;
	p2 =	slt.u32 s8, $0xFFFFF086  }
0x1c: {  	p1 =	slt.u32 s9, $0xF7A;
	s5 =	simm.s32 @!p2 $0x0  }
0x1d: {  	s5 =	simm.s32 @p1 $0x1;
	p0 =	seq.s32 s7, s2  }
0x1e: {  	s7 =	smul.u32 @!p0 $0xF7A, s2;
	p2 =	seq.s32 @!p0 s5, $0x0  }
0x1f: {  	s9 =	smul.u32 $0xF7A, s1;
	s8 =	simm.s32 @!p0 $0x1BF5;
	p2 =	por !p2, p0  }
0x20: {  	[sflag:s8] =	ssyncset.s32 @!p0 $0xFFFFF086;
	s6 =	sadd.s32 @!p0 s3, s7;
	s7 =	simm.s32 @!p0 $0x108  }
0x21: {  	s3 =	sadd.s32 s3, s9;
	s6 =	sadd.s32 @!p0 $0x88, s6;
	s7 =	simm.s32 @p2 $0x1082  }
0x22: {  	[simem:s7], [sflag:s8] =	dma.local @!p0 [hbm:s6], $0xF7A  }
0x23: {  	s9 =	sor.u32 $0xD0000000, s2;
	s6 =	simm.s32 $0x108;
	_ =	swait.ge @!p0 [sflag:s8], $0x0  }
0x24: {  	s3 =	sadd.s32 $0x88, s3;
	s6 =	simm.s32 @!p1 $0x1082;
	[sflag:s4] =	ssyncset.s32 $0xFFFFF086  }
0x25: {  	[simem:s6], [sflag:s4] =	dma.local [hbm:s3], $0xF7A  }
0x26: {  	[smem:$0x3F8D] =	sst s1;
	(tag) =	ssettag s2;
	_ =	strace s9  }
0x27: {  	s1 =	sld [smem:$0x3F9D]  }
0x28: {  	s2 =	sld [smem:$0x3F9E]  }
0x29: {  	s4 =	sld [smem:$0x3FA0]  }
0x2a: {  	p0 =	seq.s32 s5, $0x0;
	s5 =	sld [smem:$0x3FA1]  }
0x2b: {  	s6 =	sld [smem:$0x3FA2]  }
0x2c: {  	s7 =	sld [smem:$0x3FA3]  }
0x2d: {  	s3 =	simm.s32 $0x108;
	s8 =	sld [smem:$0x3FA4]  }
0x2e: {  	s3 =	simm.s32 @!p0 $0x1082;
	s9 =	sld [smem:$0x3FA5]  }
0x2f: {  	lr =	sadd.s32 s0, s3;
	s0 =	sld [smem:$0x3F9C]  }
0x30: {  	s3 =	sld [smem:$0x3F9F]  }
0x31: {  	[smem:$0x3FA8] =	sst s10  }
0x32: {  	s10 =	sld [smem:$0x3FA6];
	_ =	sdelay $0x3  }
0x33: {  	p0 =	seq.s32 s10, $0x1;
	s10 =	sld [smem:$0x3FA8];
	_ =	sdelay $0x3  }
0x34: {  	[smem:$0x3FA8] =	sst s10  }
0x35: {  	s10 =	sld [smem:$0x3FA7];
	_ =	sdelay $0x3  }
0x36: {  	p1 =	seq.s32 s10, $0x1;
	s10 =	sld [smem:$0x3FA8];
	_ =	sdelay $0x3  }
0x37: {  	[smem:$0x3FA8] =	sst s10  }
0x38: {  	s10 =	sld [smem:$0x3FA9]  }
0x39: {  	_ = 	snop;
	(pc) =	sbr.ind lr, $3  }
0x3a: {  	_ = 	snop  }
0x3b: {  	_ = 	snop  }
0x3c: {  	p2 =	seq.s32 s10, $0x1;
	s10 =	sld [smem:$0x3FA8]  }
0x3d: {  	_ =	shalt  }
0x3e: {  	_ =	shalt  }
0x3f: {  	_ =	shalt  }
0x40: {  	_ =	shalt  }
0x41: {  	_ =	shalt  }
0x42: {  	_ =	shalt  }
0x43: {  	_ =	shalt  }
0x44: {  	_ =	shalt  }
0x45: {  	_ =	shalt  }
0x46: {  	_ =	shalt  }
0x47: {  	_ =	shalt  }
0x48: {  	_ =	shalt  }
0x49: {  	_ =	shalt  }
0x4a: {  	_ =	shalt  }
0x4b: {  	_ =	shalt  }
0x4c: {  	_ =	shalt  }
0x4d: {  	_ =	shalt  }
0x4e: {  	_ =	shalt  }
0x4f: {  	_ =	shalt  }
0x50: {  	_ =	shalt  }
0x51: {  	_ =	shalt  }
0x52: {  	_ =	shalt  }
0x53: {  	_ =	shalt  }
0x54: {  	_ =	shalt  }
0x55: {  	_ =	shalt  }
0x56: {  	_ =	shalt  }
0x57: {  	_ =	shalt  }
0x58: {  	_ =	shalt  }
0x59: {  	_ =	shalt  }
0x5a: {  	_ =	shalt  }
0x5b: {  	_ =	shalt  }
0x5c: {  	_ =	shalt  }
0x5d: {  	_ =	shalt  }
0x5e: {  	_ =	shalt  }
0x5f: {  	_ =	shalt  }
0x60: {  	_ =	shalt  }
0x61: {  	_ =	shalt  }
0x62: {  	_ =	shalt  }
0x63: {  	_ =	shalt  }
0x64: {  	_ =	shalt  }
0x65: {  	_ =	shalt  }
0x66: {  	_ =	shalt  }
0x67: {  	_ =	shalt  }
0x68: {  	_ =	shalt  }
0x69: {  	_ =	shalt  }
0x6a: {  	_ =	shalt  }
0x6b: {  	_ =	shalt  }
0x6c: {  	_ =	shalt  }
0x6d: {  	_ =	shalt  }
0x6e: {  	_ =	shalt  }
0x6f: {  	_ =	shalt  }
0x70: {  	_ =	shalt  }
0x71: {  	_ =	shalt  }
0x72: {  	_ =	shalt  }
0x73: {  	_ =	shalt  }
0x74: {  	_ =	shalt  }
0x75: {  	_ =	shalt  }
0x76: {  	_ =	shalt  }
0x77: {  	_ =	shalt  }
0x78: {  	_ =	shalt  }
0x79: {  	_ =	shalt  }
0x7a: {  	_ =	shalt  }
0x7b: {  	_ =	shalt  }
0x7c: {  	_ =	shalt  }
0x7d: {  	_ =	shalt  }
0x7e: {  	_ =	shalt  }
0x7f: {  	_ =	shalt  }
0x80: {  	_ =	shalt  }
0x81: {  	_ =	shalt  }
0x82: {  	_ =	shalt  }
0x83: {  	_ =	shalt  }
0x84: {  	_ =	shalt  }
0x85: {  	_ =	shalt  }
0x86: {  	_ =	shalt  }
0x87: {  	_ =	shalt  }
.Lfunc_end0:
.L_simem_size_0:
called_computation_lowered:
.L_overlay_start_0:
0x88: {  	s2 =	sld [smem:$0x3FD9]  }
0x89: {  	s3 =	sld [smem:$0x3FFE];
	_ =	sdelay $0x1  }
0x8a: {  	s1 =	srdreg.scid  }
0x8b: {  	s0 =	sand.u32 $0x1, s1  }
0x8c: {  	s14 =	sshll.u32 s0, $0xA;
	s2 =	sadd.s32 s3, s2  }
0x8d: {  	s2 =	sadd.s32 s2, s14  }
0x8e: {  	[smem:$0x3FB4] =	sst s2  }
0x8f: {  	_ = 	snop  }
0x90: {  	s2 =	sld [smem:$0x3FD0];
	_ =	sdelay $0x2  }
0x91: {  	s4 =	simm.s32 $0xA;
	s5 =	simm.s32 $0x10;
	s15 =	sld [smem:$0x3FC7]  }
0x92: {  	[smem:s5], [sflag:s4] =	dma.local [hbm:s2], $0x1  }
0x93: {  	_ =	swait.eq [sflag:s4], $0x1  }
0x94: {  	[sflag:s4] =	ssyncset.done $0x0  }
0x95: {  	[sflag:s4] =	ssyncadd.s32 $0xFFFFFFFF  }
0x96: {  	s16 =	sld [smem:$0x11];
	(tm) =	ssettm $0x1  }
0x97: {  	s17 =	sld [smem:$0x3FFB];
	_ =	sdelay $0x3  }
0x98: {  	_ =	strace s17  }
0x99: {  	s4 =	sld [smem:$0x3FFC];
	_ =	sdelay $0x3  }
0x9a: {  	_ =	strace s4  }
0x9b: {  	s4 =	sld [smem:$0x3FFD];
	_ =	sdelay $0x3  }
0x9c: {  	_ =	strace s4  }
0x9d: {  	_ =	strace $0x8FFFFFFF  }
0x9e: {  	s18 =	sld [smem:$0x3FDB];
	_ =	sdelay $0x1  }
0x9f: {  	s19 =	simm.s32 $_scs_section_size  }
0xa0: {  	s6 =	simm.s32 $_size__tile_overlayer_lowered;
	s7 =	simm.s32 $_tile_overlayer_lowered  }
0xa1: {  	s22 =	simm.s32 $0x1BFF;
	s21 =	sshll.u32 s7, $0x1;
	s4 =	sadd.s32 s19, s18  }
0xa2: {  	s8 =	simm.s32 $0x0;
	s20 =	sshll.u32 s6, $0x1;
	s6 =	sadd.s32 s21, s4  }
0xa3: {  	[timem:s8], [sflag:s22] =	dma.local [hbm:s6], s20  }
0xa4: {  	_ =	swait.ge [sflag:s22], s20  }
0xa5: {  	s5 =	ssub.s32 $0x0, s20;
	[sflag:s22] =	ssyncset.done $0x0  }
0xa6: {  	[sflag:s22] =	ssyncadd.s32 s5;
	_ =	sdelay $0x1  }
0xa7: {  	s23 =	simm.s32 $0x1B8B  }
0xa8: {  	_ =	swait.ge [sflag:s23], $0x1  }
0xa9: {  	[sflag:s23] =	ssyncset.done $0x0  }
0xaa: {  	s25 =	simm.s32 $0x1B8E;
	s24 =	sld [smem:$0x3FFE];
	[sflag:s23] =	ssyncadd.s32 $0xFFFFFFFF  }
0xab: {  	s26 =	simm.s32 $execute0_lowered;
	[smem:$0x3FD2] =	sst s25  }
0xac: {  	s6 =	sshll.u32 s26, $0x1;
	_ =	strace $0x80000046;
	[dreg:$0x1] =	wrdreg $0xFFFFFFFF  }
0xad: {  	s28 =	simm.s32 $_size_execute0_lowered;
	s4 =	sadd.s32 s4, s6;
	[dreg:$0x0] =	wrdreg $0x0  }
0xae: {  	s6 =	sshll.u32 s28, $0x1;
	[dreg:$0x2] =	wrdreg s4  }
0xaf: {  	[dreg:$0x3] =	wrdreg s6  }
0xb0: {  	[dreg:$0x4] =	wrdreg $0xC0  }
0xb1: {  	_ =	task [dreg:s8], $0x5FFFF  }
0xb2: {  	[dreg:$0x1] =	wrdreg $0xFFFFFFFF  }
0xb3: {  	[dreg:$0x0] =	wrdreg $0x60  }
0xb4: {  	[dreg:$0x2] =	wrdreg s24  }
0xb5: {  	[dreg:$0x3] =	wrdreg s15  }
0xb6: {  	[dreg:$0x4] =	wrdreg s16  }
0xb7: {  	[dreg:$0x5] =	wrdreg $0x2A000  }
0xb8: {  	[dreg:$0x6] =	wrdreg $0x9  }
0xb9: {  	_ =	task.clear_ibuf [dreg:s8], $0x7FFFF;
	_ =	strace $0x90000046  }
0xba: {  	s29 =	simm.s32 $0x9;
	_ =	strace $0x80000048  }
0xbb: {  	_ =	swait.ge [sflag:s29], $0x1  }
0xbc: {  	[sflag:s29] =	ssyncadd.s32 $0xFFFFFFFF  }
0xbd: {  	_ =	strace $0x90000048  }
0xbe: {  	_ =	sfence  }
0xbf: {  	s30 =	sld [smem:$0x0];
	_ =	sdelay $0x2  }
0xc0: {  	s31 =	sshll.u32 s1, $0xD;
	s1 =	sshrl.u32 s1, $0x2  }
0xc1: {  	s3 =	sand.u32 $0x4000, s31;
	s1 =	sadd.s32 s1, s30  }
0xc2: {  	s0 =	sor.u32 s3, s0;
	s1 =	sshll.u32 s1, $0x11  }
0xc3: {  	s0 =	sor.u32 s1, s0  }
0xc4: {  	s0 =	sadd.s32 $0x8F2B, s0  }
0xc5: {  	[sflag:s0] =	ssyncadd.remote.s32 $0x1  }
0xc6: {  	_ =	sfence.sel $0xFFFF  }
0xc7: {  	[dreg:$0x0] =	wrdreg $0xFFFFFFFF;
	(pc) =	sbr.abs _section_cstart, $3  }
0xc8: {  	[dreg:$0x1] =	wrdreg $0xFFFFFFFF  }
0xc9: {  	_ =	task.clear_ibuf [dreg:s8], $0x2FFFF;
	_ =	strace $0x9FFFFFFF  }
0xca: {  	(tm) =	ssettm $0x7FFFFFFF  }
0xcb: {  	_ =	shalt  }
tec
execute0_lowered:
.L_overlay_start_1:
0x0: {  	(tag) =	ssettag $0x1  }
0x1: {  	s0 =	rddreg [dreg:$0x0]  }
0x2: {  	s1 =	rddreg [dreg:$0x1]  }
0x3: {  	s2 =	rddreg [dreg:$0x3];
	s3 =	simm.s32 $0x0  }
0x4: {  	s6 =	srdreg.scid;
	s22 =	stileid.u32;
	s28 =	simm.s32 $0x180  }
0x5: {  	s29 =	simm.s32 $0x1;
	s30 =	simm.s32 $0x2;
	s31 =	simm.s32 $0x0  }
0x6: {  	[smem:$0x7FF] =	sst s3;
	s4 =	sadd.s32 $0x4200, s0;
	s8 =	smul.u32 $0x76000, s22  }
0x7: {  	s5 =	sadd.s32 $0x17E00, s0;
	s7 =	sand.u32 $0x1, s6;
	s11 =	smul.u32 $0x4E20, s22  }
0x8: {  	s6 =	sadd.s32 $0x1BA00, s0;
	s0 =	sadd.s32 $0x2F400, s0;
	s15 =	smul.u32 $0x1D800, s22  }
0x9: {  	s16 =	sadd.s32 $0x1BA800, s2;
	s25 =	smul.u32 $0x9C4, s22;
	p0 =	seq.s32 s22, $0xF  }
0xa: {  	s22 =	simm.s32 $0x200;
	_ =	strace $0x80000047;
	s9 =	ssub.s32 $0x2, s7  }
0xb: {  	[dreg:$0x6] =	wrdreg s16;
	s12 =	smul.u32 $0x4E200, s7;
	s8 =	sshrl.u32 s8, $0x2  }
0xc: {  	s10 =	sshrl.u32 s9, $0x1;
	s17 =	sshrl.u32 s11, $0x3;
	s8 =	sadd.s32 s8, s2  }
0xd: {  	s9 =	ssub.s32 s9, s10;
	s13 =	sadd.s32 s4, s17;
	[dreg:$0x5] =	wrdreg s8  }
0xe: {  	s10 =	sadd.s32 s1, s17;
	s20 =	sadd.s32 s11, s12;
	[dreg:$0x7] =	wrdreg s13  }
0xf: {  	s11 =	sadd.s32 $0x4DD0, s11;
	s8 =	smul.u32 $0x1388, s7;
	[dreg:$0x8] =	wrdreg s10  }
0x10: {  	s7 =	smul.u32 $0x1D5000, s7;
	s18 =	sshrl.u32 s20, $0x3;
	s14 =	sshrl.u32 s11, $0x3  }
0x11: {  	s11 =	sadd.s32 s12, s11;
	s17 =	smax.u32 s9, $0x1;
	s26 =	sadd.s32 $0x50, s20  }
0x12: {  	s9 =	sadd.s32 $0xA0, s20;
	s13 =	sadd.s32 s6, s18;
	s19 =	sadd.s32 s4, s14  }
0x13: {  	s21 =	sadd.s32 s1, s14;
	s11 =	sshrl.u32 s11, $0x3;
	[dreg:$0x9] =	wrdreg s13  }
0x14: {  	s18 =	sadd.s32 s25, s1;
	s10 =	sadd.s32 $0x1388, s8;
	[dreg:$0xa] =	wrdreg s19  }
0x15: {  	[dreg:$0xb] =	wrdreg s21;
	s23 =	sadd.s32 s15, s7;
	s14 =	sadd.s32 s6, s11  }
0x16: {  	s7 =	sshrl.u32 s7, $0x3;
	s19 =	sadd.s32 s25, s4;
	s24 =	sshrl.u32 s23, $0x3  }
0x17: {  	s25 =	simm.s32 $0x100;
	s15 =	sadd.s32 s0, s24;
	s0 =	sadd.s32 s0, s7  }
0x18: {  	s23 =	simm.s32 $0x3;
	s16 =	sadd.s32 $0x37500, s0;
	s0 =	sshrl.u32 s26, $0x3  }
0x19: {  	v0 =	vmov s8;
	v1 =	vmov s10;
	s24 =	simm.s32 $0x80;
	s26 =	simm.s32 $0x50;
	s21 =	sadd.s32 s0, s6  }
.LBB2_1:
0x1a: {  	s0 =	rddreg [dreg:$0x6]  }
0x1b: {  	s1 =	simm.s32 @p0 $0x1FC3;
	s0 =	sshrl.u32 @p0 s0, $0x3  }
0x1c: {  	[spmem:s0], [sflag:s1] =	dma.local @p0 [hbm:s5], $0x3500  }
0x1d: {  	s1 =	simm.s32 @p0 $0x3  }
0x1e: {  	s4 =	stileid.u32;
	_ =	swait.ge @p0 [sflag:s1], $0x3500  }
0x1f: {  	s4 =	sshll.u32 @!p0 s4, $0x6;
	[sflag:s1] =	ssyncset.done @p0 $0x0  }
0x20: {  	[sflag:s1] =	ssyncadd.s32 @p0 $0xFFFFCB00;
	s1 =	sor.u32 @!p0 $0x1C03, s4;
	s4 =	rddreg [dreg:$0x5]  }
0x21: {  	s7 =	simm.s32 @!p0 $0x3;
	s4 =	sshrl.u32 @!p0 s4, $0x3  }
0x22: {  	[spmem:s4], [sflag:s1] =	dma.local @!p0 [hbm:s5], $0x3B00  }
0x23: {  	_ =	swait.ge @!p0 [sflag:s7], $0x3B00  }
0x24: {  	[sflag:s7] =	ssyncset.done @!p0 $0x0  }
0x25: {  	[sflag:s7] =	ssyncadd.s32 @!p0 $0xFFFFC500  }
0x26: {  	s7 =	rddreg [dreg:$0x2]  }
0x27: {  	[tilespmem:s22], [sflag:$0x3] =	stream.linear.gather [hbm4b:s7+s3], $0x2800, $0x38;
	[tilespmem:$0x1FF00] =	vst v63  }
0x28: {  	_ =	swait.ge [sflag:s23], $0x2800  }
0x29: {  	[sflag:s23] =	ssyncset.done $0x0  }
0x2a: {  	[sflag:s23] =	ssyncadd.s32 $0xFFFFD800  }
0x2b: {  	[bflag:$0x0] =	sbarrier.arrive $0xFFFF  }
0x2c: {  	s20 =	rddreg [dreg:$0x7]  }
0x2d: {  	[tilespmem:s3], [sflag:$0x3] =	stream.linear.gather [hbm4b:s20+s3], $0x50, $0x38;
	[tilespmem:$0x1FF00] =	vst v63  }
0x2e: {  	_ =	swait.ge [sflag:s23], $0x50  }
0x2f: {  	[sflag:s23] =	ssyncset.done $0x0  }
0x30: {  	s8 =	rddreg [dreg:$0x8];
	[sflag:s23] =	ssyncadd.s32 $0xFFFFFFB0  }
0x31: {  	[tilespmem:s24], [sflag:$0x3] =	stream.linear.gather [hbm4b:s8+s3], $0x50, $0x38;
	[tilespmem:$0x1FF00] =	vst v63  }
0x32: {  	_ =	swait.ge [sflag:s23], $0x50  }
0x33: {  	[sflag:s23] =	ssyncset.done $0x0  }
0x34: {  	[sflag:s23] =	ssyncadd.s32 $0xFFFFFFB0  }
0x35: {  	v2 =	vld [tilespmem:$0x0]  }
0x36: {  	v3 =	vld [tilespmem:$0x80]  }
0x37: {  	v4 =	vld [tilespmem:$0x10]  }
0x38: {  	v5 =	vld [tilespmem:$0x90]  }
0x39: {  	v6 =	vld [tilespmem:$0xA0]  }
0x3a: {  	v7 =	vld [tilespmem:$0x20]  }
0x3b: {  	v8 =	vld [tilespmem:$0x30]  }
0x3c: {  	v10 =	vld [tilespmem:$0x40];
	v3 =	vmul.u32 $0x1388, v3  }
0x3d: {  	vm0 =	vge.s32 v2, v0;
	vm1 =	vlt.s32 v2, v1;
	v2 =	vsub.s32 v2, v0  }
0x3e: {  	vm9 =	vge.s32 v4, v0;
	vm2 =	vlt.s32 v4, v1;
	v2 =	vadd.s32 v3, v2;
	v3 =	vld [tilespmem:$0xB0]  }
0x3f: {  	v5 =	vmul.u32 $0x1388, v5;
	v4 =	vsub.s32 v4, v0;
	v6 =	vmul.u32 $0x1388, v6  }
0x40: {  	v9 =	vld [tilespmem:$0xC0];
	vm11 =	vge.s32 v7, v0;
	vm12 =	vlt.s32 v7, v1;
	v7 =	vsub.s32 v7, v0  }
0x41: {  	vm13 =	vge.s32 v8, v0;
	vm14 =	vlt.s32 v8, v1;
	vm15 =	vge.s32 v10, v0  }
0x42: {  	vm4 =	vlt.s32 v10, v1;
	vm0 =	vmand vm0, vm1;
	vm10 =	vmand vm9, vm2  }
0x43: {  	vm1 =	vmand vm11, vm12;
	v4 =	vadd.s32 v5, v4;
	v3 =	vmul.u32 $0x1388, v3  }
0x44: {  	v5 =	vadd.s32 v6, v7;
	v6 =	vsub.s32 v8, v0;
	v2 =	vnsel vm0, $0x3A98, v2  }
0x45: {  	v4 =	vnsel vm10, $0x3A98, v4;
	[tilespmem:$0x100] =	vst v2;
	v2 =	vadd.s32 v3, v6;
	v3 =	vmul.u32 $0x1388, v9  }
0x46: {  	v5 =	vnsel vm1, $0x3A98, v5;
	vm0 =	vmand vm13, vm14;
	[tilespmem:$0x110] =	vst v4;
	v4 =	vsub.s32 v10, v0  }
0x47: {  	vm5 =	vmand vm15, vm4;
	[tilespmem:$0x120] =	vst v5;
	v2 =	vnsel vm0, $0x3A98, v2;
	v3 =	vadd.s32 v3, v4  }
0x48: {  	[tilespmem:$0x130] =	vst v2;
	v2 =	vnsel vm5, $0x3A98, v3  }
0x49: {  	s10 =	rddreg [dreg:$0x9];
	[tilespmem:$0x140] =	vst v2  }
0x4a: {  	[hbm4b:s10+s3] =	stream.linear.scatter [tilespmem:s25], [sflag:$0x3], $0x50, $0x38;
	[tilespmem:$0x1FF00] =	vst v63  }
0x4b: {  	_ =	swait.ge [sflag:s23], $0x50  }
0x4c: {  	[sflag:s23] =	ssyncset.done $0x0  }
0x4d: {  	s11 =	sadd.s32 $0x0, s19;
	[sflag:s23] =	ssyncadd.s32 $0xFFFFFFB0  }
0x4e: {  	[spmem:s2] =	stream.indirect.scatter.add.f32 [tilespmem:s22], [sflag:$0x1], $0x80, s25, s26, $0xb8;
	[tilespmem:$0x1FF00] =	vst v63  }
0x4f: {  	s8 =	sadd.s32 $0xA, s11  }
0x50: {  	[tilespmem:s3], [sflag:$0x3] =	stream.linear.gather [hbm4b:s8+s3], $0x50, $0x38;
	[tilespmem:$0x1FF00] =	vst v63  }
0x51: {  	_ =	swait.ge [sflag:s23], $0x50  }
0x52: {  	s12 =	sadd.s32 $0x0, s18;
	[sflag:s23] =	ssyncset.done $0x0  }
0x53: {  	s10 =	sadd.s32 $0xA, s12;
	[sflag:s23] =	ssyncadd.s32 $0xFFFFFFB0  }
0x54: {  	[tilespmem:s24], [sflag:$0x3] =	stream.linear.gather [hbm4b:s10+s3], $0x50, $0x38;
	[tilespmem:$0x1FF00] =	vst v63  }
0x55: {  	_ =	swait.ge [sflag:s23], $0x50  }
0x56: {  	[sflag:s23] =	ssyncset.done $0x0  }
0x57: {  	[sflag:s23] =	ssyncadd.s32 $0xFFFFFFB0  }
0x58: {  	v2 =	vld [tilespmem:$0x30]  }
0x59: {  	v3 =	vld [tilespmem:$0x10]  }
0x5a: {  	v4 =	vld [tilespmem:$0x40]  }
0x5b: {  	v5 =	vld [tilespmem:$0xA0]  }
0x5c: {  	v6 =	vld [tilespmem:$0x90]  }
0x5d: {  	v7 =	vld [tilespmem:$0x20]  }
0x5e: {  	v61 =	vld [tilespmem:$0xC0]  }
0x5f: {  	v62 =	vld [tilespmem:$0x0];
	vm6 =	vge.s32 v2, v0  }
0x60: {  	vm7 =	vlt.s32 v2, v1;
	vm8 =	vge.s32 v3, v0;
	vm9 =	vlt.s32 v3, v1  }
0x61: {  	vm3 =	vge.s32 v4, v0;
	vm4 =	vlt.s32 v4, v1;
	v3 =	vsub.s32 v3, v0  }
0x62: {  	v63 =	vld [tilespmem:$0xB0];
	v4 =	vsub.s32 v4, v0;
	v6 =	vmul.u32 $0x1388, v6;
	v5 =	vmul.u32 $0x1388, v5  }
0x63: {  	v11 =	vld [tilespmem:$0x80];
	v2 =	vsub.s32 v2, v0;
	vm11 =	vge.s32 v7, v0;
	v12 =	vsub.s32 v7, v0  }
0x64: {  	v8 =	vmul.u32 $0x1388, v61;
	vm12 =	vlt.s32 v7, v1;
	vm5 =	vlt.s32 v62, v1  }
0x65: {  	vm14 =	vge.s32 v62, v0;
	v7 =	vsub.s32 v62, v0;
	vm1 =	vmand vm8, vm9  }
0x66: {  	vm10 =	vmand vm3, vm4;
	vm13 =	vmand vm11, vm12;
	v3 =	vadd.s32 v6, v3  }
0x67: {  	v5 =	vadd.s32 v5, v12;
	v6 =	vmul.u32 $0x1388, v63;
	v3 =	vnsel vm1, $0x3A98, v3  }
0x68: {  	v4 =	vadd.s32 v8, v4;
	[tilespmem:$0x190] =	vst v3;
	v3 =	vnsel vm13, $0x3A98, v5;
	v5 =	vmul.u32 $0x1388, v11  }
0x69: {  	vm0 =	vmand vm6, vm7;
	v2 =	vadd.s32 v6, v2;
	[tilespmem:$0x1A0] =	vst v3;
	v3 =	vnsel vm10, $0x3A98, v4  }
0x6a: {  	vm15 =	vmand vm14, vm5;
	v2 =	vnsel vm0, $0x3A98, v2;
	[tilespmem:$0x1C0] =	vst v3;
	v3 =	vadd.s32 v5, v7  }
0x6b: {  	[tilespmem:$0x1B0] =	vst v2;
	v3 =	vnsel vm15, $0x3A98, v3  }
0x6c: {  	s13 =	sadd.s32 $0x0, s21;
	[tilespmem:$0x180] =	vst v3  }
0x6d: {  	[hbm4b:s13+s3] =	stream.linear.scatter [tilespmem:s28], [sflag:$0x3], $0x50, $0x38;
	[tilespmem:$0x1FF00] =	vst v63  }
0x6e: {  	_ =	swait.ge [sflag:s23], $0x50  }
0x6f: {  	[sflag:s23] =	ssyncset.done $0x0  }
0x70: {  	[sflag:s23] =	ssyncadd.s32 $0xFFFFFFB0  }
0x71: {  	[spmem:s2] =	stream.indirect.scatter.add.f32 [tilespmem:s22], [sflag:$0x2], $0x80, s28, s26, $0xb8;
	[tilespmem:$0x1FF00] =	vst v63  }
0x72: {  	_ =	swait.ge [sflag:s29], $0x2800  }
0x73: {  	[sflag:s29] =	ssyncset.done $0x0  }
0x74: {  	s7 =	sadd.s32 $0x14, s11;
	[sflag:s29] =	ssyncadd.s32 $0xFFFFD800  }
0x75: {  	[tilespmem:s3], [sflag:$0x3] =	stream.linear.gather [hbm4b:s7+s3], $0x50, $0x38;
	[tilespmem:$0x1FF00] =	vst v63  }
0x76: {  	_ =	swait.ge [sflag:s23], $0x50  }
0x77: {  	[sflag:s23] =	ssyncset.done $0x0  }
0x78: {  	s20 =	sadd.s32 $0x14, s12;
	[sflag:s23] =	ssyncadd.s32 $0xFFFFFFB0  }
0x79: {  	[tilespmem:s24], [sflag:$0x3] =	stream.linear.gather [hbm4b:s20+s3], $0x50, $0x38;
	[tilespmem:$0x1FF00] =	vst v63  }
0x7a: {  	_ =	swait.ge [sflag:s23], $0x50  }
0x7b: {  	[sflag:s23] =	ssyncset.done $0x0  }
0x7c: {  	[sflag:s23] =	ssyncadd.s32 $0xFFFFFFB0  }
0x7d: {  	v3 =	vld [tilespmem:$0x0]  }
0x7e: {  	v4 =	vld [tilespmem:$0x20]  }
0x7f: {  	v2 =	vld [tilespmem:$0x30]  }
0x80: {  	s8 =	simm.s32 $0x14;
	s7 =	sshrl.u32 s9, $0x3;
	s20 =	smov.u32 s9;
	v5 =	vld [tilespmem:$0xB0]  }
.LBB2_2:
0x81: {  	p1 =	sne.s32 s8, $0x99C  }
0x82: {  	v6 =	vld [tilespmem:$0xA0];
	s20 =	sadd.s32 $0xA0, s20;
	s10 =	smov.u32 s8;
	s8 =	sadd.s32 $0x14, s8  }
0x83: {  	s11 =	sshrl.u32 s20, $0x3;
	v7 =	vld [tilespmem:$0x80];
	vm0 =	vge.s32 v3, v0;
	vm1 =	vlt.s32 v3, v1  }
0x84: {  	vm0 =	vmand vm0, vm1;
	v8 =	vld [tilespmem:$0x90];
	vm1 =	vge.s32 v4, v0;
	vm2 =	vlt.s32 v4, v1  }
0x85: {  	v9 =	vld [tilespmem:$0x10];
	vm1 =	vmand vm1, vm2  }
0x86: {  	v3 =	vsub.s32 v3, v0;
	v4 =	vsub.s32 v4, v0;
	v5 =	vmul.u32 $0x1388, v5;
	v10 =	vld [tilespmem:$0xC0]  }
0x87: {  	vm2 =	vge.s32 v2, v0;
	vm3 =	vlt.s32 v2, v1;
	v6 =	vmul.u32 $0x1388, v6;
	v11 =	vld [tilespmem:$0x40]  }
0x88: {  	v2 =	vsub.s32 v2, v0;
	vm2 =	vmand vm2, vm3;
	v7 =	vmul.u32 $0x1388, v7  }
0x89: {  	v2 =	vadd.s32 v5, v2;
	v8 =	vmul.u32 $0x1388, v8;
	v4 =	vadd.s32 v6, v4  }
0x8a: {  	v2 =	vnsel vm2, $0x3A98, v2;
	v3 =	vadd.s32 v7, v3;
	v4 =	vnsel vm1, $0x3A98, v4  }
0x8b: {  	v5 =	vsub.s32 v9, v0;
	v3 =	vnsel vm0, $0x3A98, v3;
	[tilespmem:$0x130] =	vst v2;
	v2 =	vmul.u32 $0x1388, v10  }
0x8c: {  	vm0 =	vlt.s32 v9, v1;
	[tilespmem:$0x100] =	vst v3;
	v3 =	vadd.s32 v8, v5;
	vm1 =	vlt.s32 v11, v1  }
0x8d: {  	vm2 =	vge.s32 v9, v0;
	vm3 =	vge.s32 v11, v0;
	[tilespmem:$0x120] =	vst v4;
	v4 =	vsub.s32 v11, v0  }
0x8e: {  	vm0 =	vmand vm2, vm0;
	vm1 =	vmand vm3, vm1;
	v2 =	vadd.s32 v2, v4  }
0x8f: {  	v3 =	vnsel vm0, $0x3A98, v3;
	v2 =	vnsel vm1, $0x3A98, v2  }
0x90: {  	[tilespmem:$0x140] =	vst v2  }
0x91: {  	s12 =	sadd.s32 s6, s7;
	s7 =	smov.u32 s11;
	[tilespmem:$0x110] =	vst v3  }
0x92: {  	[hbm4b:s12+s3] =	stream.linear.scatter [tilespmem:s25], [sflag:$0x3], $0x50, $0x38;
	[tilespmem:$0x1FF00] =	vst v63  }
0x93: {  	_ =	swait.ge [sflag:s23], $0x50  }
0x94: {  	[sflag:s23] =	ssyncset.done $0x0  }
0x95: {  	s11 =	sadd.s32 s10, s19;
	[sflag:s23] =	ssyncadd.s32 $0xFFFFFFB0  }
0x96: {  	[spmem:s2] =	stream.indirect.scatter.add.f32 [tilespmem:s22], [sflag:$0x1], $0x80, s25, s26, $0xb8;
	[tilespmem:$0x1FF00] =	vst v63  }
0x97: {  	s12 =	sadd.s32 $0xA, s11;
	_ =	swait.ge [sflag:s30], $0x2800  }
0x98: {  	[sflag:s30] =	ssyncset.done $0x0  }
0x99: {  	[sflag:s30] =	ssyncadd.s32 $0xFFFFD800  }
0x9a: {  	[tilespmem:s3], [sflag:$0x3] =	stream.linear.gather [hbm4b:s12+s3], $0x50, $0x38;
	[tilespmem:$0x1FF00] =	vst v63  }
0x9b: {  	_ =	swait.ge [sflag:s23], $0x50  }
0x9c: {  	s12 =	sadd.s32 s10, s18;
	[sflag:s23] =	ssyncset.done $0x0  }
0x9d: {  	s13 =	sadd.s32 $0xA, s12;
	[sflag:s23] =	ssyncadd.s32 $0xFFFFFFB0  }
0x9e: {  	[tilespmem:s24], [sflag:$0x3] =	stream.linear.gather [hbm4b:s13+s3], $0x50, $0x38;
	[tilespmem:$0x1FF00] =	vst v63  }
0x9f: {  	_ =	swait.ge [sflag:s23], $0x50  }
0xa0: {  	[sflag:s23] =	ssyncset.done $0x0  }
0xa1: {  	[sflag:s23] =	ssyncadd.s32 $0xFFFFFFB0  }
0xa2: {  	v2 =	vld [tilespmem:$0x30]  }
0xa3: {  	v3 =	vld [tilespmem:$0x20]  }
0xa4: {  	v4 =	vld [tilespmem:$0x10]  }
0xa5: {  	v5 =	vld [tilespmem:$0x40]  }
0xa6: {  	v6 =	vld [tilespmem:$0xA0]  }
0xa7: {  	v7 =	vld [tilespmem:$0x90];
	vm0 =	vge.s32 v2, v0;
	vm1 =	vlt.s32 v2, v1  }
0xa8: {  	vm0 =	vmand vm0, vm1;
	v8 =	vld [tilespmem:$0xC0]  }
0xa9: {  	vm1 =	vge.s32 v4, v0;
	vm2 =	vlt.s32 v4, v1;
	v9 =	vld [tilespmem:$0xB0]  }
0xaa: {  	v4 =	vsub.s32 v4, v0;
	v10 =	vld [tilespmem:$0x0];
	vm3 =	vge.s32 v5, v0;
	vm4 =	vlt.s32 v5, v1  }
0xab: {  	vm1 =	vmand vm1, vm2;
	v5 =	vsub.s32 v5, v0;
	v11 =	vld [tilespmem:$0x80];
	vm2 =	vmand vm3, vm4  }
0xac: {  	v2 =	vsub.s32 v2, v0;
	v6 =	vmul.u32 $0x1388, v6;
	v7 =	vmul.u32 $0x1388, v7  }
0xad: {  	v12 =	vsub.s32 v3, v0;
	vm3 =	vge.s32 v3, v0;
	v8 =	vmul.u32 $0x1388, v8  }
0xae: {  	vm4 =	vlt.s32 v3, v1;
	v3 =	vadd.s32 v6, v12;
	v4 =	vadd.s32 v7, v4  }
0xaf: {  	vm5 =	vlt.s32 v10, v1;
	v4 =	vnsel vm1, $0x3A98, v4;
	vm1 =	vmand vm3, vm4  }
0xb0: {  	vm3 =	vge.s32 v10, v0;
	[tilespmem:$0x190] =	vst v4;
	v3 =	vnsel vm1, $0x3A98, v3;
	v4 =	vadd.s32 v8, v5  }
0xb1: {  	vm1 =	vmand vm3, vm5;
	v5 =	vsub.s32 v10, v0;
	[tilespmem:$0x1A0] =	vst v3;
	v3 =	vmul.u32 $0x1388, v9  }
0xb2: {  	v6 =	vmul.u32 $0x1388, v11;
	v4 =	vnsel vm2, $0x3A98, v4  }
0xb3: {  	v2 =	vadd.s32 v3, v2;
	[tilespmem:$0x1C0] =	vst v4  }
0xb4: {  	v3 =	vadd.s32 v6, v5;
	v2 =	vnsel vm0, $0x3A98, v2  }
0xb5: {  	v3 =	vnsel vm1, $0x3A98, v3;
	[tilespmem:$0x1B0] =	vst v2  }
0xb6: {  	s10 =	sadd.s32 s10, s21;
	[tilespmem:$0x180] =	vst v3  }
0xb7: {  	[hbm4b:s10+s3] =	stream.linear.scatter [tilespmem:s28], [sflag:$0x3], $0x50, $0x38;
	[tilespmem:$0x1FF00] =	vst v63  }
0xb8: {  	_ =	swait.ge [sflag:s23], $0x50  }
0xb9: {  	[sflag:s23] =	ssyncset.done $0x0  }
0xba: {  	[sflag:s23] =	ssyncadd.s32 $0xFFFFFFB0  }
0xbb: {  	[spmem:s2] =	stream.indirect.scatter.add.f32 [tilespmem:s22], [sflag:$0x2], $0x80, s28, s26, $0xb8;
	[tilespmem:$0x1FF00] =	vst v63  }
0xbc: {  	_ =	swait.ge [sflag:s29], $0x2800  }
0xbd: {  	[sflag:s29] =	ssyncset.done $0x0  }
0xbe: {  	s10 =	sadd.s32 $0x14, s11;
	[sflag:s29] =	ssyncadd.s32 $0xFFFFD800  }
0xbf: {  	[tilespmem:s3], [sflag:$0x3] =	stream.linear.gather [hbm4b:s10+s3], $0x50, $0x38;
	[tilespmem:$0x1FF00] =	vst v63  }
0xc0: {  	_ =	swait.ge [sflag:s23], $0x50  }
0xc1: {  	[sflag:s23] =	ssyncset.done $0x0  }
0xc2: {  	s10 =	sadd.s32 $0x14, s12;
	[sflag:s23] =	ssyncadd.s32 $0xFFFFFFB0  }
0xc3: {  	[tilespmem:s24], [sflag:$0x3] =	stream.linear.gather [hbm4b:s10+s3], $0x50, $0x38;
	[tilespmem:$0x1FF00] =	vst v63  }
0xc4: {  	_ =	swait.ge [sflag:s23], $0x50  }
0xc5: {  	[sflag:s23] =	ssyncset.done $0x0  }
.Ltmp0:
0xc6: {  	[sflag:s23] =	ssyncadd.s32 $0xFFFFFFB0;
	(pc) =	sbr.rel @p1 .LBB2_2-.Ltmp0, $4  }
0xc7: {  	v3 =	vld [tilespmem:$0x0]  }
0xc8: {  	v4 =	vld [tilespmem:$0x20]  }
0xc9: {  	v2 =	vld [tilespmem:$0x30]  }
0xca: {  	v5 =	vld [tilespmem:$0xB0]  }
0xcb: {  	v6 =	vld [tilespmem:$0xA0]  }
0xcc: {  	v7 =	vld [tilespmem:$0x80]  }
0xcd: {  	v8 =	vld [tilespmem:$0x90]  }
0xce: {  	v9 =	vld [tilespmem:$0x10];
	vm0 =	vge.s32 v3, v0  }
0xcf: {  	v10 =	vld [tilespmem:$0xC0];
	vm1 =	vlt.s32 v3, v1;
	v3 =	vsub.s32 v3, v0;
	vm2 =	vge.s32 v4, v0  }
0xd0: {  	v11 =	vld [tilespmem:$0x40];
	vm3 =	vlt.s32 v4, v1;
	vm0 =	vmand vm0, vm1;
	v51 =	vsub.s32 v4, v0  }
0xd1: {  	vm9 =	vmand vm2, vm3;
	vm10 =	vge.s32 v2, v0;
	vm11 =	vlt.s32 v2, v1  }
0xd2: {  	v2 =	vsub.s32 v2, v0;
	v5 =	vmul.u32 $0x1388, v5;
	vm2 =	vmand vm10, vm11  }
0xd3: {  	v6 =	vmul.u32 $0x1388, v6;
	v7 =	vmul.u32 $0x1388, v7;
	v8 =	vmul.u32 $0x1388, v8  }
0xd4: {  	v52 =	vsub.s32 v9, v0;
	v53 =	vmul.u32 $0x1388, v10;
	vm12 =	vlt.s32 v9, v1  }
0xd5: {  	vm13 =	vlt.s32 v11, v1;
	vm14 =	vge.s32 v11, v0;
	v2 =	vadd.s32 v5, v2  }
0xd6: {  	vm15 =	vge.s32 v9, v0;
	v3 =	vadd.s32 v7, v3;
	v2 =	vnsel vm2, $0x3A98, v2  }
0xd7: {  	v4 =	vadd.s32 v6, v51;
	v3 =	vnsel vm0, $0x3A98, v3;
	[tilespmem:$0x130] =	vst v2;
	v2 =	vsub.s32 v11, v0  }
0xd8: {  	vm1 =	vmand vm14, vm13;
	v4 =	vnsel vm9, $0x3A98, v4;
	[tilespmem:$0x100] =	vst v3;
	v2 =	vadd.s32 v53, v2  }
0xd9: {  	vm0 =	vmand vm15, vm12;
	v3 =	vadd.s32 v8, v52;
	[tilespmem:$0x120] =	vst v4;
	v2 =	vnsel vm1, $0x3A98, v2  }
0xda: {  	v3 =	vnsel vm0, $0x3A98, v3;
	[tilespmem:$0x140] =	vst v2  }
0xdb: {  	s7 =	sadd.s32 s6, s7;
	[tilespmem:$0x110] =	vst v3  }
0xdc: {  	[hbm4b:s7+s3] =	stream.linear.scatter [tilespmem:s25], [sflag:$0x3], $0x50, $0x38;
	[tilespmem:$0x1FF00] =	vst v63  }
0xdd: {  	_ =	swait.ge [sflag:s23], $0x50  }
0xde: {  	[sflag:s23] =	ssyncset.done $0x0  }
0xdf: {  	[sflag:s23] =	ssyncadd.s32 $0xFFFFFFB0  }
0xe0: {  	[spmem:s2] =	stream.indirect.scatter.add.f32 [tilespmem:s22], [sflag:$0x1], $0x80, s25, s26, $0xb8;
	[tilespmem:$0x1FF00] =	vst v63  }
0xe1: {  	_ =	swait.ge [sflag:s30], $0x2800  }
0xe2: {  	[sflag:s30] =	ssyncset.done $0x0  }
0xe3: {  	s13 =	rddreg [dreg:$0xa];
	[sflag:s30] =	ssyncadd.s32 $0xFFFFD800  }
0xe4: {  	[tilespmem:s3], [sflag:$0x3] =	stream.linear.gather [hbm4b:s13+s3], $0x50, $0x38;
	[tilespmem:$0x1FF00] =	vst v63  }
0xe5: {  	_ =	swait.ge [sflag:s23], $0x50  }
0xe6: {  	[sflag:s23] =	ssyncset.done $0x0  }
0xe7: {  	s20 =	rddreg [dreg:$0xb];
	[sflag:s23] =	ssyncadd.s32 $0xFFFFFFB0  }
0xe8: {  	[tilespmem:s24], [sflag:$0x3] =	stream.linear.gather [hbm4b:s20+s3], $0x50, $0x38;
	[tilespmem:$0x1FF00] =	vst v63  }
0xe9: {  	_ =	swait.ge [sflag:s23], $0x50  }
0xea: {  	[sflag:s23] =	ssyncset.done $0x0  }
0xeb: {  	[sflag:s23] =	ssyncadd.s32 $0xFFFFFFB0  }
0xec: {  	v2 =	vld [tilespmem:$0x0]  }
0xed: {  	v3 =	vld [tilespmem:$0x80]  }
0xee: {  	v54 =	vld [tilespmem:$0x10]  }
0xef: {  	v55 =	vld [tilespmem:$0x90]  }
0xf0: {  	v56 =	vld [tilespmem:$0xA0]  }
0xf1: {  	v57 =	vld [tilespmem:$0x20]  }
0xf2: {  	v58 =	vld [tilespmem:$0x30];
	v3 =	vmul.u32 $0x1388, v3  }
0xf3: {  	v60 =	vld [tilespmem:$0x40];
	vm4 =	vge.s32 v2, v0;
	vm5 =	vlt.s32 v2, v1;
	v2 =	vsub.s32 v2, v0  }
0xf4: {  	vm6 =	vge.s32 v54, v0;
	vm7 =	vlt.s32 v54, v1;
	v2 =	vadd.s32 v3, v2;
	v3 =	vld [tilespmem:$0xB0]  }
0xf5: {  	v5 =	vmul.u32 $0x1388, v55;
	v4 =	vsub.s32 v54, v0;
	v6 =	vmul.u32 $0x1388, v56  }
0xf6: {  	v59 =	vld [tilespmem:$0xC0];
	vm9 =	vge.s32 v57, v0;
	vm10 =	vlt.s32 v57, v1;
	v7 =	vsub.s32 v57, v0  }
0xf7: {  	vm11 =	vge.s32 v58, v0;
	vm12 =	vlt.s32 v58, v1;
	v62 =	vsub.s32 v58, v0  }
0xf8: {  	vm13 =	vge.s32 v60, v0;
	vm14 =	vlt.s32 v60, v1;
	vm0 =	vmand vm4, vm5  }
0xf9: {  	vm8 =	vmand vm6, vm7;
	vm1 =	vmand vm9, vm10;
	v3 =	vmul.u32 $0x1388, v3  }
0xfa: {  	v4 =	vadd.s32 v5, v4;
	v61 =	vadd.s32 v6, v7;
	v2 =	vnsel vm0, $0x3A98, v2  }
0xfb: {  	v4 =	vnsel vm8, $0x3A98, v4;
	[tilespmem:$0x180] =	vst v2;
	v2 =	vadd.s32 v3, v62;
	v3 =	vmul.u32 $0x1388, v59  }
0xfc: {  	v63 =	vsub.s32 v60, v0;
	v5 =	vnsel vm1, $0x3A98, v61;
	vm0 =	vmand vm11, vm12;
	[tilespmem:$0x190] =	vst v4  }
0xfd: {  	vm15 =	vmand vm13, vm14;
	[tilespmem:$0x1A0] =	vst v5;
	v2 =	vnsel vm0, $0x3A98, v2;
	v3 =	vadd.s32 v3, v63  }
0xfe: {  	[tilespmem:$0x1B0] =	vst v2;
	v2 =	vnsel vm15, $0x3A98, v3  }
0xff: {  	[tilespmem:$0x1C0] =	vst v2  }
0x100: {  	[hbm4b:s14+s3] =	stream.linear.scatter [tilespmem:s28], [sflag:$0x3], $0x50, $0x38;
	[tilespmem:$0x1FF00] =	vst v63  }
0x101: {  	_ =	swait.ge [sflag:s23], $0x50  }
0x102: {  	[sflag:s23] =	ssyncset.done $0x0  }
0x103: {  	[sflag:s23] =	ssyncadd.s32 $0xFFFFFFB0  }
0x104: {  	[spmem:s2] =	stream.indirect.scatter.add.f32 [tilespmem:s22], [sflag:$0x2], $0x80, s28, s26, $0xb8;
	[tilespmem:$0x1FF00] =	vst v63  }
0x105: {  	_ =	swait.ge [sflag:s29], $0x2800  }
0x106: {  	[sflag:s29] =	ssyncset.done $0x0  }
0x107: {  	[sflag:s29] =	ssyncadd.s32 $0xFFFFD800  }
0x108: {  	_ =	swait.ge [sflag:s30], $0x2800  }
0x109: {  	[sflag:s30] =	ssyncset.done $0x0  }
0x10a: {  	[sflag:s30] =	ssyncadd.s32 $0xFFFFD800  }
0x10b: {  	s7 =	simm.s32 @p0 $0x1FC3;
	[bflag:$0x0] =	sbarrier.arrive $0xFFFF  }
0x10c: {  	[hbm:s16], [sflag:s7] =	dma.local @p0 [spmem:s0], $0x3500  }
0x10d: {  	s0 =	simm.s32 @p0 $0x3  }
0x10e: {  	s31 =	sadd.s32 $0x1, s31;
	_ =	swait.ge @p0 [sflag:s0], $0x3500  }
0x10f: {  	p1 =	sne.s32 s31, s17;
	[sflag:s0] =	ssyncset.done @p0 $0x0  }
.Ltmp1:
0x110: {  	[sflag:s0] =	ssyncadd.s32 @p0 $0xFFFFCB00;
	s0 =	simm.s32 @!p0 $0x3;
	(pc) =	sbr.rel @p1 .LBB2_1-.Ltmp1, $4  }
0x111: {  	[hbm:s15], [sflag:s1] =	dma.local @!p0 [spmem:s4], $0x3B00  }
0x112: {  	_ =	swait.ge @!p0 [sflag:s0], $0x3B00  }
0x113: {  	[sflag:s0] =	ssyncset.done @!p0 $0x0  }
0x114: {  	[sflag:s0] =	ssyncadd.s32 @!p0 $0xFFFFC500  }
0x115: {  	_ =	sfence.sel $0x180000  }
0x116: {  	[bflag:$0x0] =	sbarrier.arrive $0xFFFF  }
0x117: {  	_ =	strace $0x90000047  }
0x118: {  	s0 =	stileid.u32;
	[bflag:$0x2] =	sbarrier.arrive $0xFFFF  }
0x119: {  	p0 =	sne.s32 s0, $0x0;
	s0 =	rddreg [dreg:$0x4]  }
0x11a: {  	s0 =	sadd.s32 @!p0 $0x100000, s0  }
0x11b: {  	[sflag:s0] =	ssyncadd.tile.s32 @!p0 $0x1;
	_ =	shalt  }
.Lfunc_end2:
_tile_overlayer_lowered:
.L_overlay_start_2:
0x11c: {  	(tag) =	ssettag $0x2  }
0x11d: {  	s0 =	rddreg [dreg:$0x0];
	s2 =	stileid.u32  }
0x11e: {  	s1 =	rddreg [dreg:$0x1];
	p0 =	sne.s32 s2, $0x0  }
0x11f: {  	s3 =	rddreg [dreg:$0x2];
	[bflag:$0x3] =	sbarrier.arrive $0xFFFF;
	s2 =	simm.s32 @!p0 $0x1C03  }
0x120: {  	[timem:s3], [sflag:s2] =	dma.local @!p0 [hbm:s0], s1  }
0x121: {  	s0 =	simm.s32 @!p0 $0x3  }
0x122: {  	_ =	swait.ge @!p0 [sflag:s0], s1  }
0x123: {  	s1 =	ssub.s32 @!p0 $0x0, s1;
	[sflag:s0] =	ssyncset.done @!p0 $0x0  }
0x124: {  	[sflag:s0] =	ssyncadd.s32 @!p0 s1  }
0x125: {  	[bflag:$0x3] =	sbarrier.arrive $0xFFFF  }
0x126: {  	_ =	shalt  }

// kernel: kernel.15.cloned.1.call-start
scs
__scs_entry_jumppad:
0x0: {  	(pc) =	sbr.rel $0x88, $3  }
0x1: {  	(tag) =	ssettag $0x0;
	lr =	simm.s32 $0x1  }
0x2: {  	[smem:$0x3F8D] =	sst lr;
	_ =	strace $0xD0000000  }
0x3: {  	_ = 	snop  }
0x4: {  	_ = 	snop  }
0x5: {  	_ = 	snop  }
0x6: {  	_ = 	snop  }
0x7: {  	_ = 	snop  }
__scs_overlays_trampoline_lowered:
0x8: {  	[smem:$0x3F9C] =	sst s0  }
0x9: {  	[smem:$0x3F9D] =	sst s1  }
0xa: {  	[smem:$0x3F9E] =	sst s2  }
0xb: {  	[smem:$0x3F9F] =	sst s3  }
0xc: {  	[smem:$0x3FA0] =	sst s4  }
0xd: {  	[smem:$0x3FA1] =	sst s5  }
0xe: {  	[smem:$0x3FA2] =	sst s6  }
0xf: {  	[smem:$0x3FA3] =	sst s7  }
0x10: {  	[smem:$0x3FA4] =	sst s8  }
0x11: {  	[smem:$0x3FA5] =	sst s9;
	s0 =	simm.s32 @!p0 $0x0  }
0x12: {  	s1 =	sld [smem:$0x3F8B];
	s0 =	simm.s32 @p0 $0x1  }
0x13: {  	[smem:$0x3FA6] =	sst s0;
	s0 =	simm.s32 @!p1 $0x0  }
0x14: {  	s2 =	sld [smem:$0x3F8A];
	s0 =	simm.s32 @p1 $0x1  }
0x15: {  	[smem:$0x3FA7] =	sst s0;
	s0 =	simm.s32 @!p2 $0x0  }
0x16: {  	s3 =	sld [smem:$0x3FDB];
	s0 =	simm.s32 @p2 $0x1  }
0x17: {  	s4 =	simm.s32 $0x1BF5;
	[smem:$0x3FA9] =	sst s0  }
0x18: {  	s0 =	sld [smem:$0x3F8C];
	_ =	swait.ge [sflag:s4], $0x0  }
0x19: {  	s7 =	sld [smem:$0x3F8D]  }
0x1a: {  	s8 =	sadd.s32 $0xFFFFE003, lr  }
0x1b: {  	s9 =	sadd.s32 $0xFFFFFEF7, lr;
	s5 =	simm.s32 $0xFFFFFFFF;
	p2 =	slt.u32 s8, $0xFFFFF086  }
0x1c: {  	p1 =	slt.u32 s9, $0xF7A;
	s5 =	simm.s32 @!p2 $0x0  }
0x1d: {  	s5 =	simm.s32 @p1 $0x1;
	p0 =	seq.s32 s7, s2  }
0x1e: {  	s7 =	smul.u32 @!p0 $0xF7A, s2;
	p2 =	seq.s32 @!p0 s5, $0x0  }
0x1f: {  	s9 =	smul.u32 $0xF7A, s1;
	s8 =	simm.s32 @!p0 $0x1BF5;
	p2 =	por !p2, p0  }
0x20: {  	[sflag:s8] =	ssyncset.s32 @!p0 $0xFFFFF086;
	s6 =	sadd.s32 @!p0 s3, s7;
	s7 =	simm.s32 @!p0 $0x108  }
0x21: {  	s3 =	sadd.s32 s3, s9;
	s6 =	sadd.s32 @!p0 $0x88, s6;
	s7 =	simm.s32 @p2 $0x1082  }
0x22: {  	[simem:s7], [sflag:s8] =	dma.local @!p0 [hbm:s6], $0xF7A  }
0x23: {  	s9 =	sor.u32 $0xD0000000, s2;
	s6 =	simm.s32 $0x108;
	_ =	swait.ge @!p0 [sflag:s8], $0x0  }
0x24: {  	s3 =	sadd.s32 $0x88, s3;
	s6 =	simm.s32 @!p1 $0x1082;
	[sflag:s4] =	ssyncset.s32 $0xFFFFF086  }
0x25: {  	[simem:s6], [sflag:s4] =	dma.local [hbm:s3], $0xF7A  }
0x26: {  	[smem:$0x3F8D] =	sst s1;
	(tag) =	ssettag s2;
	_ =	strace s9  }
0x27: {  	s1 =	sld [smem:$0x3F9D]  }
0x28: {  	s2 =	sld [smem:$0x3F9E]  }
0x29: {  	s4 =	sld [smem:$0x3FA0]  }
0x2a: {  	p0 =	seq.s32 s5, $0x0;
	s5 =	sld [smem:$0x3FA1]  }
0x2b: {  	s6 =	sld [smem:$0x3FA2]  }
0x2c: {  	s7 =	sld [smem:$0x3FA3]  }
0x2d: {  	s3 =	simm.s32 $0x108;
	s8 =	sld [smem:$0x3FA4]  }
0x2e: {  	s3 =	simm.s32 @!p0 $0x1082;
	s9 =	sld [smem:$0x3FA5]  }
0x2f: {  	lr =	sadd.s32 s0, s3;
	s0 =	sld [smem:$0x3F9C]  }
0x30: {  	s3 =	sld [smem:$0x3F9F]  }
0x31: {  	[smem:$0x3FA8] =	sst s10  }
0x32: {  	s10 =	sld [smem:$0x3FA6];
	_ =	sdelay $0x3  }
0x33: {  	p0 =	seq.s32 s10, $0x1;
	s10 =	sld [smem:$0x3FA8];
	_ =	sdelay $0x3  }
0x34: {  	[smem:$0x3FA8] =	sst s10  }
0x35: {  	s10 =	sld [smem:$0x3FA7];
	_ =	sdelay $0x3  }
0x36: {  	p1 =	seq.s32 s10, $0x1;
	s10 =	sld [smem:$0x3FA8];
	_ =	sdelay $0x3  }
0x37: {  	[smem:$0x3FA8] =	sst s10  }
0x38: {  	s10 =	sld [smem:$0x3FA9]  }
0x39: {  	_ = 	snop;
	(pc) =	sbr.ind lr, $3  }
0x3a: {  	_ = 	snop  }
0x3b: {  	_ = 	snop  }
0x3c: {  	p2 =	seq.s32 s10, $0x1;
	s10 =	sld [smem:$0x3FA8]  }
0x3d: {  	_ =	shalt  }
0x3e: {  	_ =	shalt  }
0x3f: {  	_ =	shalt  }
0x40: {  	_ =	shalt  }
0x41: {  	_ =	shalt  }
0x42: {  	_ =	shalt  }
0x43: {  	_ =	shalt  }
0x44: {  	_ =	shalt  }
0x45: {  	_ =	shalt  }
0x46: {  	_ =	shalt  }
0x47: {  	_ =	shalt  }
0x48: {  	_ =	shalt  }
0x49: {  	_ =	shalt  }
0x4a: {  	_ =	shalt  }
0x4b: {  	_ =	shalt  }
0x4c: {  	_ =	shalt  }
0x4d: {  	_ =	shalt  }
0x4e: {  	_ =	shalt  }
0x4f: {  	_ =	shalt  }
0x50: {  	_ =	shalt  }
0x51: {  	_ =	shalt  }
0x52: {  	_ =	shalt  }
0x53: {  	_ =	shalt  }
0x54: {  	_ =	shalt  }
0x55: {  	_ =	shalt  }
0x56: {  	_ =	shalt  }
0x57: {  	_ =	shalt  }
0x58: {  	_ =	shalt  }
0x59: {  	_ =	shalt  }
0x5a: {  	_ =	shalt  }
0x5b: {  	_ =	shalt  }
0x5c: {  	_ =	shalt  }
0x5d: {  	_ =	shalt  }
0x5e: {  	_ =	shalt  }
0x5f: {  	_ =	shalt  }
0x60: {  	_ =	shalt  }
0x61: {  	_ =	shalt  }
0x62: {  	_ =	shalt  }
0x63: {  	_ =	shalt  }
0x64: {  	_ =	shalt  }
0x65: {  	_ =	shalt  }
0x66: {  	_ =	shalt  }
0x67: {  	_ =	shalt  }
0x68: {  	_ =	shalt  }
0x69: {  	_ =	shalt  }
0x6a: {  	_ =	shalt  }
0x6b: {  	_ =	shalt  }
0x6c: {  	_ =	shalt  }
0x6d: {  	_ =	shalt  }
0x6e: {  	_ =	shalt  }
0x6f: {  	_ =	shalt  }
0x70: {  	_ =	shalt  }
0x71: {  	_ =	shalt  }
0x72: {  	_ =	shalt  }
0x73: {  	_ =	shalt  }
0x74: {  	_ =	shalt  }
0x75: {  	_ =	shalt  }
0x76: {  	_ =	shalt  }
0x77: {  	_ =	shalt  }
0x78: {  	_ =	shalt  }
0x79: {  	_ =	shalt  }
0x7a: {  	_ =	shalt  }
0x7b: {  	_ =	shalt  }
0x7c: {  	_ =	shalt  }
0x7d: {  	_ =	shalt  }
0x7e: {  	_ =	shalt  }
0x7f: {  	_ =	shalt  }
0x80: {  	_ =	shalt  }
0x81: {  	_ =	shalt  }
0x82: {  	_ =	shalt  }
0x83: {  	_ =	shalt  }
0x84: {  	_ =	shalt  }
0x85: {  	_ =	shalt  }
0x86: {  	_ =	shalt  }
0x87: {  	_ =	shalt  }
.Lfunc_end0:
.L_simem_size_0:
called_computation.1_lowered:
.L_overlay_start_0:
0x88: {  	s2 =	sld [smem:$0x3FD9]  }
0x89: {  	s3 =	sld [smem:$0x3FFE];
	_ =	sdelay $0x1  }
0x8a: {  	s1 =	srdreg.scid  }
0x8b: {  	s0 =	sand.u32 $0x1, s1  }
0x8c: {  	s17 =	sshll.u32 s0, $0xA;
	s2 =	sadd.s32 s3, s2  }
0x8d: {  	s2 =	sadd.s32 s2, s17  }
0x8e: {  	[smem:$0x3FB4] =	sst s2  }
0x8f: {  	_ = 	snop  }
0x90: {  	s2 =	sld [smem:$0x3FC9];
	(tm) =	ssettm $0x1  }
0x91: {  	s18 =	sld [smem:$0x3FFB];
	_ =	sdelay $0x3  }
0x92: {  	_ =	strace s18  }
0x93: {  	s3 =	sld [smem:$0x3FFC];
	_ =	sdelay $0x3  }
0x94: {  	_ =	strace s3  }
0x95: {  	s3 =	sld [smem:$0x3FFD];
	_ =	sdelay $0x3  }
0x96: {  	_ =	strace s3  }
0x97: {  	_ =	strace $0x8FFFFFFF  }
0x98: {  	s19 =	sld [smem:$0x3FDB];
	_ =	sdelay $0x1  }
0x99: {  	s4 =	simm.s32 $_scs_section_size  }
0x9a: {  	s5 =	simm.s32 $_size__tile_overlayer_lowered;
	s6 =	simm.s32 $_tile_overlayer_lowered  }
0x9b: {  	s22 =	simm.s32 $0x1BFF;
	s21 =	sshll.u32 s6, $0x1;
	s3 =	sadd.s32 s4, s19  }
0x9c: {  	s7 =	simm.s32 $0x0;
	s20 =	sshll.u32 s5, $0x1;
	s5 =	sadd.s32 s21, s3  }
0x9d: {  	[timem:s7], [sflag:s22] =	dma.local [hbm:s5], s20  }
0x9e: {  	_ =	swait.ge [sflag:s22], s20  }
0x9f: {  	s4 =	ssub.s32 $0x0, s20;
	[sflag:s22] =	ssyncset.done $0x0  }
0xa0: {  	[sflag:s22] =	ssyncadd.s32 s4;
	_ =	sdelay $0x1  }
0xa1: {  	s23 =	simm.s32 $0x1B8B  }
0xa2: {  	_ =	swait.ge [sflag:s23], $0x1  }
0xa3: {  	[sflag:s23] =	ssyncset.done $0x0  }
0xa4: {  	s25 =	simm.s32 $0x1B8E;
	s24 =	sld [smem:$0x3FFE];
	[sflag:s23] =	ssyncadd.s32 $0xFFFFFFFF  }
0xa5: {  	s26 =	simm.s32 $execute0_lowered;
	[smem:$0x3FD2] =	sst s25  }
0xa6: {  	s5 =	sshll.u32 s26, $0x1;
	_ =	strace $0x80000049;
	[dreg:$0x1] =	wrdreg $0xFFFFFFFF  }
0xa7: {  	s28 =	simm.s32 $_size_execute0_lowered;
	s3 =	sadd.s32 s3, s5;
	[dreg:$0x0] =	wrdreg $0x0  }
0xa8: {  	s5 =	sshll.u32 s28, $0x1;
	[dreg:$0x2] =	wrdreg s3  }
0xa9: {  	[dreg:$0x3] =	wrdreg s5  }
0xaa: {  	[dreg:$0x4] =	wrdreg $0xC0  }
0xab: {  	_ =	task [dreg:s7], $0x5FFFF  }
0xac: {  	[dreg:$0x1] =	wrdreg $0xFFFFFFFF  }
0xad: {  	[dreg:$0x0] =	wrdreg $0x60  }
0xae: {  	[dreg:$0x2] =	wrdreg s2  }
0xaf: {  	[dreg:$0x3] =	wrdreg s24  }
0xb0: {  	[dreg:$0x4] =	wrdreg $0x2A000  }
0xb1: {  	[dreg:$0x5] =	wrdreg $0x9  }
0xb2: {  	_ =	task.clear_ibuf [dreg:s7], $0x6FFFF;
	_ =	strace $0x90000049  }
0xb3: {  	s29 =	simm.s32 $0x9;
	_ =	strace $0x8000004B  }
0xb4: {  	_ =	swait.ge [sflag:s29], $0x1  }
0xb5: {  	[sflag:s29] =	ssyncadd.s32 $0xFFFFFFFF  }
0xb6: {  	_ =	strace $0x9000004B  }
0xb7: {  	_ =	sfence  }
0xb8: {  	s30 =	sld [smem:$0x0];
	_ =	sdelay $0x2  }
0xb9: {  	s31 =	sshll.u32 s1, $0xD;
	s1 =	sshrl.u32 s1, $0x2  }
0xba: {  	s3 =	sand.u32 $0x4000, s31;
	s1 =	sadd.s32 s1, s30  }
0xbb: {  	s0 =	sor.u32 s3, s0;
	s1 =	sshll.u32 s1, $0x11  }
0xbc: {  	s0 =	sor.u32 s1, s0  }
0xbd: {  	s0 =	sadd.s32 $0x8F2B, s0  }
0xbe: {  	[sflag:s0] =	ssyncadd.remote.s32 $0x1  }
0xbf: {  	_ =	sfence.sel $0xFFFF  }
0xc0: {  	[dreg:$0x0] =	wrdreg $0xFFFFFFFF;
	(pc) =	sbr.abs _section_cstart, $3  }
0xc1: {  	[dreg:$0x1] =	wrdreg $0xFFFFFFFF  }
0xc2: {  	_ =	task.clear_ibuf [dreg:s7], $0x2FFFF;
	_ =	strace $0x9FFFFFFF  }
0xc3: {  	(tm) =	ssettm $0x7FFFFFFF  }
tec
execute0_lowered:
.L_overlay_start_1:
0x0: {  	(tag) =	ssettag $0x1  }
0x1: {  	s1 =	rddreg [dreg:$0x0]  }
0x2: {  	s0 =	rddreg [dreg:$0x1]  }
0x3: {  	s2 =	rddreg [dreg:$0x2];
	s3 =	simm.s32 $0x0  }
0x4: {  	s6 =	srdreg.scid;
	s18 =	stileid.u32;
	s28 =	simm.s32 $0x1  }
0x5: {  	s29 =	simm.s32 $0x2;
	s30 =	simm.s32 $0x0;
	s9 =	smul.u32 $0x76000, s18  }
0x6: {  	[smem:$0x7FF] =	sst s3;
	s4 =	sadd.s32 $0xE000, s0;
	s11 =	smul.u32 $0x4E20, s18  }
0x7: {  	s5 =	sadd.s32 $0x1BA00, s0;
	s7 =	sand.u32 $0x1, s6;
	s13 =	smul.u32 $0x1D800, s18  }
0x8: {  	s6 =	sadd.s32 $0x17E00, s0;
	s0 =	sadd.s32 $0xA4800, s0;
	s26 =	smul.u32 $0x9C4, s18  }
0x9: {  	p0 =	seq.s32 s18, $0xF;
	s8 =	ssub.s32 $0x2, s7;
	s20 =	smul.u32 $0x4E200, s7  }
0xa: {  	_ =	strace $0x8000004A;
	s7 =	smul.u32 $0x1D5000, s7;
	s10 =	sshrl.u32 s8, $0x1  }
0xb: {  	s9 =	sshrl.u32 s9, $0x2;
	s12 =	sshrl.u32 s11, $0x3;
	s15 =	sadd.s32 s26, s4  }
0xc: {  	s26 =	simm.s32 $0x1600;
	s8 =	ssub.s32 s8, s10;
	s9 =	sadd.s32 s9, s2  }
0xd: {  	s12 =	sadd.s32 s4, s12;
	s17 =	sadd.s32 s11, s20;
	s11 =	sadd.s32 $0x4DF8, s11  }
0xe: {  	s24 =	sadd.s32 s13, s7;
	s7 =	sshrl.u32 s7, $0x3;
	[dreg:$0x4] =	wrdreg s9  }
0xf: {  	s9 =	sadd.s32 $0x1BA800, s2;
	[dreg:$0x5] =	wrdreg s12;
	s21 =	sshrl.u32 s17, $0x3  }
0x10: {  	s22 =	sshrl.u32 s11, $0x3;
	s11 =	sadd.s32 s20, s11;
	s14 =	smax.u32 s8, $0x1  }
0x11: {  	s31 =	sadd.s32 $0x28, s17;
	s17 =	sadd.s32 $0x50, s17;
	s20 =	simm.s32 $0x3  }
0x12: {  	s12 =	sadd.s32 s5, s21;
	s23 =	sadd.s32 s4, s22;
	s11 =	sshrl.u32 s11, $0x3  }
0x13: {  	s21 =	simm.s32 $0x100;
	s22 =	simm.s32 $0x28;
	[dreg:$0x6] =	wrdreg s12  }
0x14: {  	[dreg:$0x7] =	wrdreg s23;
	s25 =	sadd.s32 s5, s11;
	s12 =	sshrl.u32 s24, $0x3  }
0x15: {  	s23 =	simm.s32 $0x200;
	s12 =	sadd.s32 s0, s12;
	s0 =	sadd.s32 s0, s7  }
0x16: {  	s24 =	simm.s32 $0x80;
	s13 =	sadd.s32 $0x37500, s0;
	s0 =	sshrl.u32 s31, $0x3  }
0x17: {  	[dreg:$0x8] =	wrdreg s25;
	s16 =	sadd.s32 s0, s5;
	s0 =	sshll.u32 @!p0 s18, $0x6  }
0x18: {  	s25 =	simm.s32 $0x180;
	s18 =	sshrl.u32 @p0 s9, $0x3;
	s19 =	sor.u32 @!p0 $0x1C03, s0  }
.LBB2_1:
0x19: {  	s0 =	simm.s32 @p0 $0x1FC3  }
0x1a: {  	[spmem:s18], [sflag:s0] =	dma.local @p0 [hbm:s6], $0x3500  }
0x1b: {  	s0 =	simm.s32 @p0 $0x3  }
0x1c: {  	_ =	swait.ge @p0 [sflag:s0], $0x3500  }
0x1d: {  	[sflag:s0] =	ssyncset.done @p0 $0x0  }
0x1e: {  	[sflag:s0] =	ssyncadd.s32 @p0 $0xFFFFCB00;
	s0 =	rddreg [dreg:$0x4]  }
0x1f: {  	s31 =	sshrl.u32 @!p0 s0, $0x3;
	s0 =	simm.s32 @!p0 $0x3  }
0x20: {  	[spmem:s31], [sflag:s19] =	dma.local @!p0 [hbm:s6], $0x3B00  }
0x21: {  	_ =	swait.ge @!p0 [sflag:s0], $0x3B00  }
0x22: {  	[sflag:s0] =	ssyncset.done @!p0 $0x0  }
0x23: {  	[sflag:s0] =	ssyncadd.s32 @!p0 $0xFFFFC500  }
0x24: {  	[bflag:$0x0] =	sbarrier.arrive $0xFFFF  }
0x25: {  	s7 =	rddreg [dreg:$0x5]  }
0x26: {  	[tilespmem:s3], [sflag:$0x3] =	stream.linear.gather [hbm4b:s7+s3], $0x28, $0x38;
	[tilespmem:$0x1FF00] =	vst v63  }
0x27: {  	_ =	swait.ge [sflag:s20], $0x28  }
0x28: {  	[sflag:s20] =	ssyncset.done $0x0  }
0x29: {  	s8 =	rddreg [dreg:$0x6];
	[sflag:s20] =	ssyncadd.s32 $0xFFFFFFD8  }
0x2a: {  	[tilespmem:s21], [sflag:$0x3] =	stream.linear.gather [hbm4b:s8+s3], $0x28, $0x38;
	[tilespmem:$0x1FF00] =	vst v63  }
0x2b: {  	_ =	swait.ge [sflag:s20], $0x28  }
0x2c: {  	[sflag:s20] =	ssyncset.done $0x0  }
0x2d: {  	s9 =	sadd.s32 $0x0, s15;
	[sflag:s20] =	ssyncadd.s32 $0xFFFFFFD8  }
0x2e: {  	[tilespmem:s23], [sflag:$0x1] =	stream.indirect.gather [hbm4b:s1+s22], $0x80, s3, s22, $0xb8;
	[tilespmem:$0x1FF00] =	vst v63  }
0x2f: {  	s4 =	sadd.s32 $0x5, s9  }
0x30: {  	[tilespmem:s24], [sflag:$0x3] =	stream.linear.gather [hbm4b:s4+s3], $0x28, $0x38;
	[tilespmem:$0x1FF00] =	vst v63  }
0x31: {  	_ =	swait.ge [sflag:s20], $0x28  }
0x32: {  	[sflag:s20] =	ssyncset.done $0x0  }
0x33: {  	s10 =	sadd.s32 $0x0, s16;
	[sflag:s20] =	ssyncadd.s32 $0xFFFFFFD8  }
0x34: {  	[tilespmem:s25], [sflag:$0x3] =	stream.linear.gather [hbm4b:s10+s3], $0x28, $0x38;
	[tilespmem:$0x1FF00] =	vst v63  }
0x35: {  	_ =	swait.ge [sflag:s20], $0x28  }
0x36: {  	[sflag:s20] =	ssyncset.done $0x0  }
0x37: {  	[sflag:s20] =	ssyncadd.s32 $0xFFFFFFD8  }
0x38: {  	[tilespmem:s26], [sflag:$0x2] =	stream.indirect.gather [hbm4b:s1+s22], $0x80, s24, s22, $0xb8;
	[tilespmem:$0x1FF00] =	vst v63  }
0x39: {  	_ =	swait.ge [sflag:s28], $0x1400  }
0x3a: {  	[sflag:s28] =	ssyncset.done $0x0  }
0x3b: {  	[sflag:s28] =	ssyncadd.s32 $0xFFFFEC00  }
0x3c: {  	[spmem:s2] =	stream.indirect.scatter.add.f32 [tilespmem:s23], [sflag:$0x3], $0x80, s21, s22, $0xb8;
	[tilespmem:$0x1FF00] =	vst v63  }
0x3d: {  	_ =	swait.ge [sflag:s20], $0x1400  }
0x3e: {  	[sflag:s20] =	ssyncset.done $0x0  }
0x3f: {  	s0 =	sadd.s32 $0xA, s9;
	[sflag:s20] =	ssyncadd.s32 $0xFFFFEC00  }
0x40: {  	[tilespmem:s3], [sflag:$0x3] =	stream.linear.gather [hbm4b:s0+s3], $0x28, $0x38;
	[tilespmem:$0x1FF00] =	vst v63  }
0x41: {  	_ =	swait.ge [sflag:s20], $0x28  }
0x42: {  	s11 =	sshrl.u32 s17, $0x3;
	[sflag:s20] =	ssyncset.done $0x0  }
0x43: {  	s0 =	sadd.s32 s5, s11;
	[sflag:s20] =	ssyncadd.s32 $0xFFFFFFD8  }
0x44: {  	[tilespmem:s21], [sflag:$0x3] =	stream.linear.gather [hbm4b:s0+s3], $0x28, $0x38;
	[tilespmem:$0x1FF00] =	vst v63  }
0x45: {  	_ =	swait.ge [sflag:s20], $0x28  }
0x46: {  	[sflag:s20] =	ssyncset.done $0x0  }
0x47: {  	[sflag:s20] =	ssyncadd.s32 $0xFFFFFFD8  }
0x48: {  	[tilespmem:s23], [sflag:$0x1] =	stream.indirect.gather [hbm4b:s1+s22], $0x80, s3, s22, $0xb8;
	[tilespmem:$0x1FF00] =	vst v63  }
0x49: {  	_ =	swait.ge [sflag:s29], $0x1400  }
0x4a: {  	[sflag:s29] =	ssyncset.done $0x0  }
0x4b: {  	[sflag:s29] =	ssyncadd.s32 $0xFFFFEC00  }
0x4c: {  	[spmem:s2] =	stream.indirect.scatter.add.f32 [tilespmem:s26], [sflag:$0x3], $0x80, s25, s22, $0xb8;
	[tilespmem:$0x1FF00] =	vst v63  }
0x4d: {  	s7 =	simm.s32 $0x14;
	s8 =	sadd.s32 $0xA, s15;
	_ =	swait.ge [sflag:s20], $0x1400  }
0x4e: {  	s4 =	simm.s32 $0xA;
	s0 =	sadd.s32 $0x50, s17;
	[sflag:s20] =	ssyncset.done $0x0  }
.LBB2_2:
0x4f: {  	s10 =	sadd.s32 $0x5, s8  }
0x50: {  	[sflag:s20] =	ssyncadd.s32 $0xFFFFEC00;
	s11 =	smov.u32 s7;
	s9 =	sadd.s32 $0xA, s7  }
0x51: {  	[tilespmem:s24], [sflag:$0x3] =	stream.linear.gather [hbm4b:s10+s3], $0x28, $0x38;
	[tilespmem:$0x1FF00] =	vst v63  }
0x52: {  	p1 =	sne.s32 s7, $0x9B0;
	_ =	swait.ge [sflag:s20], $0x28  }
0x53: {  	[sflag:s20] =	ssyncset.done $0x0  }
0x54: {  	s7 =	sadd.s32 s4, s16;
	s4 =	smov.u32 s11;
	[sflag:s20] =	ssyncadd.s32 $0xFFFFFFD8  }
0x55: {  	[tilespmem:s25], [sflag:$0x3] =	stream.linear.gather [hbm4b:s7+s3], $0x28, $0x38;
	[tilespmem:$0x1FF00] =	vst v63  }
0x56: {  	_ =	swait.ge [sflag:s20], $0x28  }
0x57: {  	[sflag:s20] =	ssyncset.done $0x0  }
0x58: {  	[sflag:s20] =	ssyncadd.s32 $0xFFFFFFD8  }
0x59: {  	[tilespmem:s26], [sflag:$0x2] =	stream.indirect.gather [hbm4b:s1+s22], $0x80, s24, s22, $0xb8;
	[tilespmem:$0x1FF00] =	vst v63  }
0x5a: {  	_ =	swait.ge [sflag:s28], $0x1400  }
0x5b: {  	[sflag:s28] =	ssyncset.done $0x0  }
0x5c: {  	[sflag:s28] =	ssyncadd.s32 $0xFFFFEC00  }
0x5d: {  	[spmem:s2] =	stream.indirect.scatter.add.f32 [tilespmem:s23], [sflag:$0x3], $0x80, s21, s22, $0xb8;
	[tilespmem:$0x1FF00] =	vst v63  }
0x5e: {  	_ =	swait.ge [sflag:s20], $0x1400  }
0x5f: {  	[sflag:s20] =	ssyncset.done $0x0  }
0x60: {  	s7 =	sadd.s32 $0xA, s8;
	[sflag:s20] =	ssyncadd.s32 $0xFFFFEC00  }
0x61: {  	[tilespmem:s3], [sflag:$0x3] =	stream.linear.gather [hbm4b:s7+s3], $0x28, $0x38;
	[tilespmem:$0x1FF00] =	vst v63  }
0x62: {  	_ =	swait.ge [sflag:s20], $0x28  }
0x63: {  	s7 =	sshrl.u32 s0, $0x3;
	[sflag:s20] =	ssyncset.done $0x0  }
0x64: {  	s7 =	sadd.s32 s5, s7;
	[sflag:s20] =	ssyncadd.s32 $0xFFFFFFD8  }
0x65: {  	[tilespmem:s21], [sflag:$0x3] =	stream.linear.gather [hbm4b:s7+s3], $0x28, $0x38;
	[tilespmem:$0x1FF00] =	vst v63  }
0x66: {  	_ =	swait.ge [sflag:s20], $0x28  }
0x67: {  	[sflag:s20] =	ssyncset.done $0x0  }
0x68: {  	[sflag:s20] =	ssyncadd.s32 $0xFFFFFFD8  }
0x69: {  	[tilespmem:s23], [sflag:$0x1] =	stream.indirect.gather [hbm4b:s1+s22], $0x80, s3, s22, $0xb8;
	[tilespmem:$0x1FF00] =	vst v63  }
0x6a: {  	_ =	swait.ge [sflag:s29], $0x1400  }
.Ltmp0:
0x6b: {  	[sflag:s29] =	ssyncset.done $0x0;
	(pc) =	sbr.rel @p1 .LBB2_2-.Ltmp0, $4  }
0x6c: {  	[sflag:s29] =	ssyncadd.s32 $0xFFFFEC00  }
0x6d: {  	[spmem:s2] =	stream.indirect.scatter.add.f32 [tilespmem:s26], [sflag:$0x3], $0x80, s25, s22, $0xb8;
	[tilespmem:$0x1FF00] =	vst v63  }
0x6e: {  	s8 =	sadd.s32 s4, s15;
	_ =	swait.ge [sflag:s20], $0x1400  }
0x6f: {  	s0 =	sadd.s32 $0x50, s0;
	s7 =	smov.u32 s9;
	[sflag:s20] =	ssyncset.done $0x0  }
0x70: {  	s7 =	sadd.s32 $0x5, s8;
	[sflag:s20] =	ssyncadd.s32 $0xFFFFEC00  }
0x71: {  	[tilespmem:s24], [sflag:$0x3] =	stream.linear.gather [hbm4b:s7+s3], $0x28, $0x38;
	[tilespmem:$0x1FF00] =	vst v63  }
0x72: {  	_ =	swait.ge [sflag:s20], $0x28  }
0x73: {  	[sflag:s20] =	ssyncset.done $0x0  }
0x74: {  	s4 =	sadd.s32 s4, s16;
	[sflag:s20] =	ssyncadd.s32 $0xFFFFFFD8  }
0x75: {  	[tilespmem:s25], [sflag:$0x3] =	stream.linear.gather [hbm4b:s4+s3], $0x28, $0x38;
	[tilespmem:$0x1FF00] =	vst v63  }
0x76: {  	_ =	swait.ge [sflag:s20], $0x28  }
0x77: {  	[sflag:s20] =	ssyncset.done $0x0  }
0x78: {  	[sflag:s20] =	ssyncadd.s32 $0xFFFFFFD8  }
0x79: {  	[tilespmem:s26], [sflag:$0x2] =	stream.indirect.gather [hbm4b:s1+s22], $0x80, s24, s22, $0xb8;
	[tilespmem:$0x1FF00] =	vst v63  }
0x7a: {  	_ =	swait.ge [sflag:s28], $0x1400  }
0x7b: {  	[sflag:s28] =	ssyncset.done $0x0  }
0x7c: {  	[sflag:s28] =	ssyncadd.s32 $0xFFFFEC00  }
0x7d: {  	[spmem:s2] =	stream.indirect.scatter.add.f32 [tilespmem:s23], [sflag:$0x3], $0x80, s21, s22, $0xb8;
	[tilespmem:$0x1FF00] =	vst v63  }
0x7e: {  	_ =	swait.ge [sflag:s20], $0x1400  }
0x7f: {  	[sflag:s20] =	ssyncset.done $0x0  }
0x80: {  	s9 =	sadd.s32 $0xA, s8;
	[sflag:s20] =	ssyncadd.s32 $0xFFFFEC00  }
0x81: {  	[tilespmem:s3], [sflag:$0x3] =	stream.linear.gather [hbm4b:s9+s3], $0x28, $0x38;
	[tilespmem:$0x1FF00] =	vst v63  }
0x82: {  	_ =	swait.ge [sflag:s20], $0x28  }
0x83: {  	s0 =	sshrl.u32 s0, $0x3;
	[sflag:s20] =	ssyncset.done $0x0  }
0x84: {  	s0 =	sadd.s32 s5, s0;
	[sflag:s20] =	ssyncadd.s32 $0xFFFFFFD8  }
0x85: {  	[tilespmem:s21], [sflag:$0x3] =	stream.linear.gather [hbm4b:s0+s3], $0x28, $0x38;
	[tilespmem:$0x1FF00] =	vst v63  }
0x86: {  	_ =	swait.ge [sflag:s20], $0x28  }
0x87: {  	[sflag:s20] =	ssyncset.done $0x0  }
0x88: {  	[sflag:s20] =	ssyncadd.s32 $0xFFFFFFD8  }
0x89: {  	[tilespmem:s23], [sflag:$0x1] =	stream.indirect.gather [hbm4b:s1+s22], $0x80, s3, s22, $0xb8;
	[tilespmem:$0x1FF00] =	vst v63  }
0x8a: {  	_ =	swait.ge [sflag:s29], $0x1400  }
0x8b: {  	[sflag:s29] =	ssyncset.done $0x0  }
0x8c: {  	[sflag:s29] =	ssyncadd.s32 $0xFFFFEC00  }
0x8d: {  	[spmem:s2] =	stream.indirect.scatter.add.f32 [tilespmem:s26], [sflag:$0x3], $0x80, s25, s22, $0xb8;
	[tilespmem:$0x1FF00] =	vst v63  }
0x8e: {  	_ =	swait.ge [sflag:s20], $0x1400  }
0x8f: {  	[sflag:s20] =	ssyncset.done $0x0  }
0x90: {  	s10 =	rddreg [dreg:$0x7];
	[sflag:s20] =	ssyncadd.s32 $0xFFFFEC00  }
0x91: {  	[tilespmem:s24], [sflag:$0x3] =	stream.linear.gather [hbm4b:s10+s3], $0x28, $0x38;
	[tilespmem:$0x1FF00] =	vst v63  }
0x92: {  	_ =	swait.ge [sflag:s20], $0x28  }
0x93: {  	[sflag:s20] =	ssyncset.done $0x0  }
0x94: {  	s11 =	rddreg [dreg:$0x8];
	[sflag:s20] =	ssyncadd.s32 $0xFFFFFFD8  }
0x95: {  	[tilespmem:s25], [sflag:$0x3] =	stream.linear.gather [hbm4b:s11+s3], $0x28, $0x38;
	[tilespmem:$0x1FF00] =	vst v63  }
0x96: {  	_ =	swait.ge [sflag:s20], $0x28  }
0x97: {  	[sflag:s20] =	ssyncset.done $0x0  }
0x98: {  	[sflag:s20] =	ssyncadd.s32 $0xFFFFFFD8  }
0x99: {  	[tilespmem:s26], [sflag:$0x2] =	stream.indirect.gather [hbm4b:s1+s22], $0x80, s24, s22, $0xb8;
	[tilespmem:$0x1FF00] =	vst v63  }
0x9a: {  	_ =	swait.ge [sflag:s28], $0x1400  }
0x9b: {  	[sflag:s28] =	ssyncset.done $0x0  }
0x9c: {  	[sflag:s28] =	ssyncadd.s32 $0xFFFFEC00  }
0x9d: {  	[spmem:s2] =	stream.indirect.scatter.add.f32 [tilespmem:s23], [sflag:$0x3], $0x80, s21, s22, $0xb8;
	[tilespmem:$0x1FF00] =	vst v63  }
0x9e: {  	_ =	swait.ge [sflag:s20], $0x1400  }
0x9f: {  	[sflag:s20] =	ssyncset.done $0x0  }
0xa0: {  	[sflag:s20] =	ssyncadd.s32 $0xFFFFEC00  }
0xa1: {  	_ =	swait.ge [sflag:s29], $0x1400  }
0xa2: {  	[sflag:s29] =	ssyncset.done $0x0  }
0xa3: {  	[sflag:s29] =	ssyncadd.s32 $0xFFFFEC00  }
0xa4: {  	[spmem:s2] =	stream.indirect.scatter.add.f32 [tilespmem:s26], [sflag:$0x3], $0x80, s25, s22, $0xb8;
	[tilespmem:$0x1FF00] =	vst v63  }
0xa5: {  	_ =	swait.ge [sflag:s20], $0x1400  }
0xa6: {  	[sflag:s20] =	ssyncset.done $0x0  }
0xa7: {  	[sflag:s20] =	ssyncadd.s32 $0xFFFFEC00  }
0xa8: {  	s0 =	simm.s32 @p0 $0x1FC3;
	[bflag:$0x0] =	sbarrier.arrive $0xFFFF  }
0xa9: {  	[hbm:s13], [sflag:s0] =	dma.local @p0 [spmem:s18], $0x3500  }
0xaa: {  	s0 =	simm.s32 @p0 $0x3  }
0xab: {  	s30 =	sadd.s32 $0x1, s30;
	_ =	swait.ge @p0 [sflag:s0], $0x3500  }
0xac: {  	p1 =	sne.s32 s30, s14;
	[sflag:s0] =	ssyncset.done @p0 $0x0  }
.Ltmp1:
0xad: {  	[sflag:s0] =	ssyncadd.s32 @p0 $0xFFFFCB00;
	s0 =	simm.s32 @!p0 $0x3;
	(pc) =	sbr.rel @p1 .LBB2_1-.Ltmp1, $4  }
0xae: {  	[hbm:s12], [sflag:s19] =	dma.local @!p0 [spmem:s31], $0x3B00  }
0xaf: {  	_ =	swait.ge @!p0 [sflag:s0], $0x3B00  }
0xb0: {  	[sflag:s0] =	ssyncset.done @!p0 $0x0  }
0xb1: {  	[sflag:s0] =	ssyncadd.s32 @!p0 $0xFFFFC500  }
0xb2: {  	_ =	sfence.sel $0x180000  }
0xb3: {  	[bflag:$0x0] =	sbarrier.arrive $0xFFFF  }
0xb4: {  	_ =	strace $0x9000004A  }
0xb5: {  	s0 =	stileid.u32;
	[bflag:$0x2] =	sbarrier.arrive $0xFFFF  }
0xb6: {  	p0 =	sne.s32 s0, $0x0;
	s0 =	rddreg [dreg:$0x3]  }
0xb7: {  	s0 =	sadd.s32 @!p0 $0x100000, s0  }
0xb8: {  	[sflag:s0] =	ssyncadd.tile.s32 @!p0 $0x1;
	_ =	shalt  }
.Lfunc_end2:
_tile_overlayer_lowered:
.L_overlay_start_2:
0xb9: {  	(tag) =	ssettag $0x2  }
0xba: {  	s0 =	rddreg [dreg:$0x0];
	s2 =	stileid.u32  }
0xbb: {  	s1 =	rddreg [dreg:$0x1];
	p0 =	sne.s32 s2, $0x0  }
0xbc: {  	s3 =	rddreg [dreg:$0x2];
	[bflag:$0x3] =	sbarrier.arrive $0xFFFF;
	s2 =	simm.s32 @!p0 $0x1C03  }
0xbd: {  	[timem:s3], [sflag:s2] =	dma.local @!p0 [hbm:s0], s1  }
0xbe: {  	s0 =	simm.s32 @!p0 $0x3  }
0xbf: {  	_ =	swait.ge @!p0 [sflag:s0], s1  }
0xc0: {  	s1 =	ssub.s32 @!p0 $0x0, s1;
	[sflag:s0] =	ssyncset.done @!p0 $0x0  }
0xc1: {  	[sflag:s0] =	ssyncadd.s32 @!p0 s1  }
0xc2: {  	[bflag:$0x3] =	sbarrier.arrive $0xFFFF  }
0xc3: {  	_ =	shalt  }

// kernel: kernel.18.cloned.1.call-start
scs
__scs_entry_jumppad:
0x0: {  	(pc) =	sbr.rel $0x88, $3  }
0x1: {  	(tag) =	ssettag $0x0;
	lr =	simm.s32 $0x1  }
0x2: {  	[smem:$0x3F8D] =	sst lr;
	_ =	strace $0xD0000000  }
0x3: {  	_ = 	snop  }
0x4: {  	_ = 	snop  }
0x5: {  	_ = 	snop  }
0x6: {  	_ = 	snop  }
0x7: {  	_ = 	snop  }
__scs_overlays_trampoline_lowered:
0x8: {  	[smem:$0x3F9C] =	sst s0  }
0x9: {  	[smem:$0x3F9D] =	sst s1  }
0xa: {  	[smem:$0x3F9E] =	sst s2  }
0xb: {  	[smem:$0x3F9F] =	sst s3  }
0xc: {  	[smem:$0x3FA0] =	sst s4  }
0xd: {  	[smem:$0x3FA1] =	sst s5  }
0xe: {  	[smem:$0x3FA2] =	sst s6  }
0xf: {  	[smem:$0x3FA3] =	sst s7  }
0x10: {  	[smem:$0x3FA4] =	sst s8  }
0x11: {  	[smem:$0x3FA5] =	sst s9;
	s0 =	simm.s32 @!p0 $0x0  }
0x12: {  	s1 =	sld [smem:$0x3F8B];
	s0 =	simm.s32 @p0 $0x1  }
0x13: {  	[smem:$0x3FA6] =	sst s0;
	s0 =	simm.s32 @!p1 $0x0  }
0x14: {  	s2 =	sld [smem:$0x3F8A];
	s0 =	simm.s32 @p1 $0x1  }
0x15: {  	[smem:$0x3FA7] =	sst s0;
	s0 =	simm.s32 @!p2 $0x0  }
0x16: {  	s3 =	sld [smem:$0x3FDB];
	s0 =	simm.s32 @p2 $0x1  }
0x17: {  	s4 =	simm.s32 $0x1BF5;
	[smem:$0x3FA9] =	sst s0  }
0x18: {  	s0 =	sld [smem:$0x3F8C];
	_ =	swait.ge [sflag:s4], $0x0  }
0x19: {  	s7 =	sld [smem:$0x3F8D]  }
0x1a: {  	s8 =	sadd.s32 $0xFFFFE003, lr  }
0x1b: {  	s9 =	sadd.s32 $0xFFFFFEF7, lr;
	s5 =	simm.s32 $0xFFFFFFFF;
	p2 =	slt.u32 s8, $0xFFFFF086  }
0x1c: {  	p1 =	slt.u32 s9, $0xF7A;
	s5 =	simm.s32 @!p2 $0x0  }
0x1d: {  	s5 =	simm.s32 @p1 $0x1;
	p0 =	seq.s32 s7, s2  }
0x1e: {  	s7 =	smul.u32 @!p0 $0xF7A, s2;
	p2 =	seq.s32 @!p0 s5, $0x0  }
0x1f: {  	s9 =	smul.u32 $0xF7A, s1;
	s8 =	simm.s32 @!p0 $0x1BF5;
	p2 =	por !p2, p0  }
0x20: {  	[sflag:s8] =	ssyncset.s32 @!p0 $0xFFFFF086;
	s6 =	sadd.s32 @!p0 s3, s7;
	s7 =	simm.s32 @!p0 $0x108  }
0x21: {  	s3 =	sadd.s32 s3, s9;
	s6 =	sadd.s32 @!p0 $0x88, s6;
	s7 =	simm.s32 @p2 $0x1082  }
0x22: {  	[simem:s7], [sflag:s8] =	dma.local @!p0 [hbm:s6], $0xF7A  }
0x23: {  	s9 =	sor.u32 $0xD0000000, s2;
	s6 =	simm.s32 $0x108;
	_ =	swait.ge @!p0 [sflag:s8], $0x0  }
0x24: {  	s3 =	sadd.s32 $0x88, s3;
	s6 =	simm.s32 @!p1 $0x1082;
	[sflag:s4] =	ssyncset.s32 $0xFFFFF086  }
0x25: {  	[simem:s6], [sflag:s4] =	dma.local [hbm:s3], $0xF7A  }
0x26: {  	[smem:$0x3F8D] =	sst s1;
	(tag) =	ssettag s2;
	_ =	strace s9  }
0x27: {  	s1 =	sld [smem:$0x3F9D]  }
0x28: {  	s2 =	sld [smem:$0x3F9E]  }
0x29: {  	s4 =	sld [smem:$0x3FA0]  }
0x2a: {  	p0 =	seq.s32 s5, $0x0;
	s5 =	sld [smem:$0x3FA1]  }
0x2b: {  	s6 =	sld [smem:$0x3FA2]  }
0x2c: {  	s7 =	sld [smem:$0x3FA3]  }
0x2d: {  	s3 =	simm.s32 $0x108;
	s8 =	sld [smem:$0x3FA4]  }
0x2e: {  	s3 =	simm.s32 @!p0 $0x1082;
	s9 =	sld [smem:$0x3FA5]  }
0x2f: {  	lr =	sadd.s32 s0, s3;
	s0 =	sld [smem:$0x3F9C]  }
0x30: {  	s3 =	sld [smem:$0x3F9F]  }
0x31: {  	[smem:$0x3FA8] =	sst s10  }
0x32: {  	s10 =	sld [smem:$0x3FA6];
	_ =	sdelay $0x3  }
0x33: {  	p0 =	seq.s32 s10, $0x1;
	s10 =	sld [smem:$0x3FA8];
	_ =	sdelay $0x3  }
0x34: {  	[smem:$0x3FA8] =	sst s10  }
0x35: {  	s10 =	sld [smem:$0x3FA7];
	_ =	sdelay $0x3  }
0x36: {  	p1 =	seq.s32 s10, $0x1;
	s10 =	sld [smem:$0x3FA8];
	_ =	sdelay $0x3  }
0x37: {  	[smem:$0x3FA8] =	sst s10  }
0x38: {  	s10 =	sld [smem:$0x3FA9]  }
0x39: {  	_ = 	snop;
	(pc) =	sbr.ind lr, $3  }
0x3a: {  	_ = 	snop  }
0x3b: {  	_ = 	snop  }
0x3c: {  	p2 =	seq.s32 s10, $0x1;
	s10 =	sld [smem:$0x3FA8]  }
0x3d: {  	_ =	shalt  }
0x3e: {  	_ =	shalt  }
0x3f: {  	_ =	shalt  }
0x40: {  	_ =	shalt  }
0x41: {  	_ =	shalt  }
0x42: {  	_ =	shalt  }
0x43: {  	_ =	shalt  }
0x44: {  	_ =	shalt  }
0x45: {  	_ =	shalt  }
0x46: {  	_ =	shalt  }
0x47: {  	_ =	shalt  }
0x48: {  	_ =	shalt  }
0x49: {  	_ =	shalt  }
0x4a: {  	_ =	shalt  }
0x4b: {  	_ =	shalt  }
0x4c: {  	_ =	shalt  }
0x4d: {  	_ =	shalt  }
0x4e: {  	_ =	shalt  }
0x4f: {  	_ =	shalt  }
0x50: {  	_ =	shalt  }
0x51: {  	_ =	shalt  }
0x52: {  	_ =	shalt  }
0x53: {  	_ =	shalt  }
0x54: {  	_ =	shalt  }
0x55: {  	_ =	shalt  }
0x56: {  	_ =	shalt  }
0x57: {  	_ =	shalt  }
0x58: {  	_ =	shalt  }
0x59: {  	_ =	shalt  }
0x5a: {  	_ =	shalt  }
0x5b: {  	_ =	shalt  }
0x5c: {  	_ =	shalt  }
0x5d: {  	_ =	shalt  }
0x5e: {  	_ =	shalt  }
0x5f: {  	_ =	shalt  }
0x60: {  	_ =	shalt  }
0x61: {  	_ =	shalt  }
0x62: {  	_ =	shalt  }
0x63: {  	_ =	shalt  }
0x64: {  	_ =	shalt  }
0x65: {  	_ =	shalt  }
0x66: {  	_ =	shalt  }
0x67: {  	_ =	shalt  }
0x68: {  	_ =	shalt  }
0x69: {  	_ =	shalt  }
0x6a: {  	_ =	shalt  }
0x6b: {  	_ =	shalt  }
0x6c: {  	_ =	shalt  }
0x6d: {  	_ =	shalt  }
0x6e: {  	_ =	shalt  }
0x6f: {  	_ =	shalt  }
0x70: {  	_ =	shalt  }
0x71: {  	_ =	shalt  }
0x72: {  	_ =	shalt  }
0x73: {  	_ =	shalt  }
0x74: {  	_ =	shalt  }
0x75: {  	_ =	shalt  }
0x76: {  	_ =	shalt  }
0x77: {  	_ =	shalt  }
0x78: {  	_ =	shalt  }
0x79: {  	_ =	shalt  }
0x7a: {  	_ =	shalt  }
0x7b: {  	_ =	shalt  }
0x7c: {  	_ =	shalt  }
0x7d: {  	_ =	shalt  }
0x7e: {  	_ =	shalt  }
0x7f: {  	_ =	shalt  }
0x80: {  	_ =	shalt  }
0x81: {  	_ =	shalt  }
0x82: {  	_ =	shalt  }
0x83: {  	_ =	shalt  }
0x84: {  	_ =	shalt  }
0x85: {  	_ =	shalt  }
0x86: {  	_ =	shalt  }
0x87: {  	_ =	shalt  }
.Lfunc_end0:
.L_simem_size_0:
called_computation.2_lowered:
.L_overlay_start_0:
0x88: {  	s2 =	sld [smem:$0x3FD9]  }
0x89: {  	s3 =	sld [smem:$0x3FFE];
	_ =	sdelay $0x1  }
0x8a: {  	s1 =	srdreg.scid  }
0x8b: {  	s0 =	sand.u32 $0x1, s1  }
0x8c: {  	s14 =	sshll.u32 s0, $0xA;
	s2 =	sadd.s32 s3, s2  }
0x8d: {  	s2 =	sadd.s32 s2, s14  }
0x8e: {  	[smem:$0x3FB4] =	sst s2  }
0x8f: {  	_ = 	snop  }
0x90: {  	s2 =	sld [smem:$0x3FD0];
	_ =	sdelay $0x2  }
0x91: {  	s15 =	simm.s32 $0xA;
	s4 =	simm.s32 $0x10  }
0x92: {  	[smem:s4], [sflag:s15] =	dma.local [hbm:s2], $0x1  }
0x93: {  	_ =	swait.eq [sflag:s15], $0x1  }
0x94: {  	[sflag:s15] =	ssyncset.done $0x0  }
0x95: {  	[sflag:s15] =	ssyncadd.s32 $0xFFFFFFFF  }
0x96: {  	s16 =	sld [smem:$0x10];
	(tm) =	ssettm $0x1  }
0x97: {  	s17 =	sld [smem:$0x3FFB];
	_ =	sdelay $0x3  }
0x98: {  	_ =	strace s17  }
0x99: {  	s3 =	sld [smem:$0x3FFC];
	_ =	sdelay $0x3  }
0x9a: {  	_ =	strace s3  }
0x9b: {  	s3 =	sld [smem:$0x3FFD];
	_ =	sdelay $0x3  }
0x9c: {  	_ =	strace s3  }
0x9d: {  	_ =	strace $0x8FFFFFFF  }
0x9e: {  	s18 =	sld [smem:$0x3FDB];
	_ =	sdelay $0x1  }
0x9f: {  	s19 =	simm.s32 $_scs_section_size  }
0xa0: {  	s5 =	simm.s32 $_size__tile_overlayer_lowered;
	s6 =	simm.s32 $_tile_overlayer_lowered  }
0xa1: {  	s22 =	simm.s32 $0x1BFF;
	s21 =	sshll.u32 s6, $0x1;
	s3 =	sadd.s32 s19, s18  }
0xa2: {  	s7 =	simm.s32 $0x0;
	s20 =	sshll.u32 s5, $0x1;
	s5 =	sadd.s32 s21, s3  }
0xa3: {  	[timem:s7], [sflag:s22] =	dma.local [hbm:s5], s20  }
0xa4: {  	_ =	swait.ge [sflag:s22], s20  }
0xa5: {  	s4 =	ssub.s32 $0x0, s20;
	[sflag:s22] =	ssyncset.done $0x0  }
0xa6: {  	[sflag:s22] =	ssyncadd.s32 s4;
	_ =	sdelay $0x1  }
0xa7: {  	s23 =	simm.s32 $0x1B8B  }
0xa8: {  	_ =	swait.ge [sflag:s23], $0x1  }
0xa9: {  	[sflag:s23] =	ssyncset.done $0x0  }
0xaa: {  	s25 =	simm.s32 $0x1B8E;
	s24 =	sld [smem:$0x3FFE];
	[sflag:s23] =	ssyncadd.s32 $0xFFFFFFFF  }
0xab: {  	s26 =	simm.s32 $execute0_lowered;
	[smem:$0x3FD2] =	sst s25  }
0xac: {  	s5 =	sshll.u32 s26, $0x1;
	_ =	strace $0x8000004C;
	[dreg:$0x1] =	wrdreg $0xFFFFFFFF  }
0xad: {  	s28 =	simm.s32 $_size_execute0_lowered;
	s3 =	sadd.s32 s3, s5;
	[dreg:$0x0] =	wrdreg $0x0  }
0xae: {  	s5 =	sshll.u32 s28, $0x1;
	[dreg:$0x2] =	wrdreg s3  }
0xaf: {  	[dreg:$0x3] =	wrdreg s5  }
0xb0: {  	[dreg:$0x4] =	wrdreg $0xC0  }
0xb1: {  	_ =	task [dreg:s7], $0x5FFFF  }
0xb2: {  	[dreg:$0x1] =	wrdreg $0xFFFFFFFF  }
0xb3: {  	[dreg:$0x0] =	wrdreg $0x60  }
0xb4: {  	[dreg:$0x2] =	wrdreg s16  }
0xb5: {  	[dreg:$0x3] =	wrdreg s24  }
0xb6: {  	[dreg:$0x4] =	wrdreg $0x2A000  }
0xb7: {  	[dreg:$0x5] =	wrdreg $0x9  }
0xb8: {  	_ =	task.clear_ibuf [dreg:s7], $0x6FFFF;
	_ =	strace $0x9000004C  }
0xb9: {  	s29 =	simm.s32 $0x9;
	_ =	strace $0x8000004E  }
0xba: {  	_ =	swait.ge [sflag:s29], $0x1  }
0xbb: {  	[sflag:s29] =	ssyncadd.s32 $0xFFFFFFFF  }
0xbc: {  	_ =	strace $0x9000004E  }
0xbd: {  	_ =	sfence  }
0xbe: {  	s30 =	sld [smem:$0x0];
	_ =	sdelay $0x2  }
0xbf: {  	s31 =	sshll.u32 s1, $0xD;
	s1 =	sshrl.u32 s1, $0x2  }
0xc0: {  	s3 =	sand.u32 $0x4000, s31;
	s1 =	sadd.s32 s1, s30  }
0xc1: {  	s0 =	sor.u32 s3, s0;
	s1 =	sshll.u32 s1, $0x11  }
0xc2: {  	s0 =	sor.u32 s1, s0  }
0xc3: {  	s0 =	sadd.s32 $0x8F2B, s0  }
0xc4: {  	[sflag:s0] =	ssyncadd.remote.s32 $0x1  }
0xc5: {  	_ =	sfence.sel $0xFFFF  }
0xc6: {  	[dreg:$0x0] =	wrdreg $0xFFFFFFFF;
	(pc) =	sbr.abs _section_cstart, $3  }
0xc7: {  	[dreg:$0x1] =	wrdreg $0xFFFFFFFF  }
0xc8: {  	_ =	task.clear_ibuf [dreg:s7], $0x2FFFF;
	_ =	strace $0x9FFFFFFF  }
0xc9: {  	(tm) =	ssettm $0x7FFFFFFF  }
tec
execute0_lowered:
.L_overlay_start_1:
0x0: {  	(tag) =	ssettag $0x1  }
0x1: {  	s1 =	rddreg [dreg:$0x0]  }
0x2: {  	s0 =	rddreg [dreg:$0x1]  }
0x3: {  	s2 =	rddreg [dreg:$0x2];
	s3 =	simm.s32 $0x0  }
0x4: {  	s6 =	srdreg.scid;
	s18 =	stileid.u32;
	s28 =	simm.s32 $0x1  }
0x5: {  	s29 =	simm.s32 $0x2;
	s30 =	simm.s32 $0x0;
	s9 =	smul.u32 $0x76000, s18  }
0x6: {  	[smem:$0x7FF] =	sst s3;
	s4 =	sadd.s32 $0xE000, s0;
	s11 =	smul.u32 $0x4E20, s18  }
0x7: {  	s5 =	sadd.s32 $0x1BA00, s0;
	s7 =	sand.u32 $0x1, s6;
	s13 =	smul.u32 $0x1D800, s18  }
0x8: {  	s6 =	sadd.s32 $0x17E00, s0;
	s0 =	sadd.s32 $0xA4800, s0;
	s26 =	smul.u32 $0x9C4, s18  }
0x9: {  	p0 =	seq.s32 s18, $0xF;
	s8 =	ssub.s32 $0x2, s7;
	s20 =	smul.u32 $0x4E200, s7  }
0xa: {  	_ =	strace $0x8000004D;
	s7 =	smul.u32 $0x1D5000, s7;
	s10 =	sshrl.u32 s8, $0x1  }
0xb: {  	s9 =	sshrl.u32 s9, $0x2;
	s12 =	sshrl.u32 s11, $0x3;
	s15 =	sadd.s32 s26, s4  }
0xc: {  	s26 =	simm.s32 $0x1600;
	s8 =	ssub.s32 s8, s10;
	s9 =	sadd.s32 s9, s2  }
0xd: {  	s12 =	sadd.s32 s4, s12;
	s17 =	sadd.s32 s11, s20;
	s11 =	sadd.s32 $0x4DF8, s11  }
0xe: {  	s24 =	sadd.s32 s13, s7;
	s7 =	sshrl.u32 s7, $0x3;
	[dreg:$0x4] =	wrdreg s9  }
0xf: {  	s9 =	sadd.s32 $0x1BA800, s2;
	[dreg:$0x5] =	wrdreg s12;
	s21 =	sshrl.u32 s17, $0x3  }
0x10: {  	s22 =	sshrl.u32 s11, $0x3;
	s11 =	sadd.s32 s20, s11;
	s14 =	smax.u32 s8, $0x1  }
0x11: {  	s31 =	sadd.s32 $0x28, s17;
	s17 =	sadd.s32 $0x50, s17;
	s20 =	simm.s32 $0x3  }
0x12: {  	s12 =	sadd.s32 s5, s21;
	s23 =	sadd.s32 s4, s22;
	s11 =	sshrl.u32 s11, $0x3  }
0x13: {  	s21 =	simm.s32 $0x100;
	s22 =	simm.s32 $0x28;
	[dreg:$0x6] =	wrdreg s12  }
0x14: {  	[dreg:$0x7] =	wrdreg s23;
	s25 =	sadd.s32 s5, s11;
	s12 =	sshrl.u32 s24, $0x3  }
0x15: {  	s23 =	simm.s32 $0x200;
	s12 =	sadd.s32 s0, s12;
	s0 =	sadd.s32 s0, s7  }
0x16: {  	s24 =	simm.s32 $0x80;
	s13 =	sadd.s32 $0x37500, s0;
	s0 =	sshrl.u32 s31, $0x3  }
0x17: {  	[dreg:$0x8] =	wrdreg s25;
	s16 =	sadd.s32 s0, s5;
	s0 =	sshll.u32 @!p0 s18, $0x6  }
0x18: {  	s25 =	simm.s32 $0x180;
	s18 =	sshrl.u32 @p0 s9, $0x3;
	s19 =	sor.u32 @!p0 $0x1C03, s0  }
.LBB2_1:
0x19: {  	s0 =	simm.s32 @p0 $0x1FC3  }
0x1a: {  	[spmem:s18], [sflag:s0] =	dma.local @p0 [hbm:s6], $0x3500  }
0x1b: {  	s0 =	simm.s32 @p0 $0x3  }
0x1c: {  	_ =	swait.ge @p0 [sflag:s0], $0x3500  }
0x1d: {  	[sflag:s0] =	ssyncset.done @p0 $0x0  }
0x1e: {  	[sflag:s0] =	ssyncadd.s32 @p0 $0xFFFFCB00;
	s0 =	rddreg [dreg:$0x4]  }
0x1f: {  	s31 =	sshrl.u32 @!p0 s0, $0x3;
	s0 =	simm.s32 @!p0 $0x3  }
0x20: {  	[spmem:s31], [sflag:s19] =	dma.local @!p0 [hbm:s6], $0x3B00  }
0x21: {  	_ =	swait.ge @!p0 [sflag:s0], $0x3B00  }
0x22: {  	[sflag:s0] =	ssyncset.done @!p0 $0x0  }
0x23: {  	[sflag:s0] =	ssyncadd.s32 @!p0 $0xFFFFC500  }
0x24: {  	[bflag:$0x0] =	sbarrier.arrive $0xFFFF  }
0x25: {  	s7 =	rddreg [dreg:$0x5]  }
0x26: {  	[tilespmem:s3], [sflag:$0x3] =	stream.linear.gather [hbm4b:s7+s3], $0x28, $0x38;
	[tilespmem:$0x1FF00] =	vst v63  }
0x27: {  	_ =	swait.ge [sflag:s20], $0x28  }
0x28: {  	[sflag:s20] =	ssyncset.done $0x0  }
0x29: {  	s8 =	rddreg [dreg:$0x6];
	[sflag:s20] =	ssyncadd.s32 $0xFFFFFFD8  }
0x2a: {  	[tilespmem:s21], [sflag:$0x3] =	stream.linear.gather [hbm4b:s8+s3], $0x28, $0x38;
	[tilespmem:$0x1FF00] =	vst v63  }
0x2b: {  	_ =	swait.ge [sflag:s20], $0x28  }
0x2c: {  	[sflag:s20] =	ssyncset.done $0x0  }
0x2d: {  	s9 =	sadd.s32 $0x0, s15;
	[sflag:s20] =	ssyncadd.s32 $0xFFFFFFD8  }
0x2e: {  	[tilespmem:s23], [sflag:$0x1] =	stream.indirect.gather [hbm4b:s1+s22], $0x80, s3, s22, $0xb8;
	[tilespmem:$0x1FF00] =	vst v63  }
0x2f: {  	s4 =	sadd.s32 $0x5, s9  }
0x30: {  	[tilespmem:s24], [sflag:$0x3] =	stream.linear.gather [hbm4b:s4+s3], $0x28, $0x38;
	[tilespmem:$0x1FF00] =	vst v63  }
0x31: {  	_ =	swait.ge [sflag:s20], $0x28  }
0x32: {  	[sflag:s20] =	ssyncset.done $0x0  }
0x33: {  	s10 =	sadd.s32 $0x0, s16;
	[sflag:s20] =	ssyncadd.s32 $0xFFFFFFD8  }
0x34: {  	[tilespmem:s25], [sflag:$0x3] =	stream.linear.gather [hbm4b:s10+s3], $0x28, $0x38;
	[tilespmem:$0x1FF00] =	vst v63  }
0x35: {  	_ =	swait.ge [sflag:s20], $0x28  }
0x36: {  	[sflag:s20] =	ssyncset.done $0x0  }
0x37: {  	[sflag:s20] =	ssyncadd.s32 $0xFFFFFFD8  }
0x38: {  	[tilespmem:s26], [sflag:$0x2] =	stream.indirect.gather [hbm4b:s1+s22], $0x80, s24, s22, $0xb8;
	[tilespmem:$0x1FF00] =	vst v63  }
0x39: {  	_ =	swait.ge [sflag:s28], $0x1400  }
0x3a: {  	[sflag:s28] =	ssyncset.done $0x0  }
0x3b: {  	[sflag:s28] =	ssyncadd.s32 $0xFFFFEC00  }
0x3c: {  	[spmem:s2] =	stream.indirect.scatter.add.f32 [tilespmem:s23], [sflag:$0x3], $0x80, s21, s22, $0xb8;
	[tilespmem:$0x1FF00] =	vst v63  }
0x3d: {  	_ =	swait.ge [sflag:s20], $0x1400  }
0x3e: {  	[sflag:s20] =	ssyncset.done $0x0  }
0x3f: {  	s0 =	sadd.s32 $0xA, s9;
	[sflag:s20] =	ssyncadd.s32 $0xFFFFEC00  }
0x40: {  	[tilespmem:s3], [sflag:$0x3] =	stream.linear.gather [hbm4b:s0+s3], $0x28, $0x38;
	[tilespmem:$0x1FF00] =	vst v63  }
0x41: {  	_ =	swait.ge [sflag:s20], $0x28  }
0x42: {  	s11 =	sshrl.u32 s17, $0x3;
	[sflag:s20] =	ssyncset.done $0x0  }
0x43: {  	s0 =	sadd.s32 s5, s11;
	[sflag:s20] =	ssyncadd.s32 $0xFFFFFFD8  }
0x44: {  	[tilespmem:s21], [sflag:$0x3] =	stream.linear.gather [hbm4b:s0+s3], $0x28, $0x38;
	[tilespmem:$0x1FF00] =	vst v63  }
0x45: {  	_ =	swait.ge [sflag:s20], $0x28  }
0x46: {  	[sflag:s20] =	ssyncset.done $0x0  }
0x47: {  	[sflag:s20] =	ssyncadd.s32 $0xFFFFFFD8  }
0x48: {  	[tilespmem:s23], [sflag:$0x1] =	stream.indirect.gather [hbm4b:s1+s22], $0x80, s3, s22, $0xb8;
	[tilespmem:$0x1FF00] =	vst v63  }
0x49: {  	_ =	swait.ge [sflag:s29], $0x1400  }
0x4a: {  	[sflag:s29] =	ssyncset.done $0x0  }
0x4b: {  	[sflag:s29] =	ssyncadd.s32 $0xFFFFEC00  }
0x4c: {  	[spmem:s2] =	stream.indirect.scatter.add.f32 [tilespmem:s26], [sflag:$0x3], $0x80, s25, s22, $0xb8;
	[tilespmem:$0x1FF00] =	vst v63  }
0x4d: {  	s7 =	simm.s32 $0x14;
	s8 =	sadd.s32 $0xA, s15;
	_ =	swait.ge [sflag:s20], $0x1400  }
0x4e: {  	s4 =	simm.s32 $0xA;
	s0 =	sadd.s32 $0x50, s17;
	[sflag:s20] =	ssyncset.done $0x0  }
.LBB2_2:
0x4f: {  	s10 =	sadd.s32 $0x5, s8  }
0x50: {  	[sflag:s20] =	ssyncadd.s32 $0xFFFFEC00;
	s11 =	smov.u32 s7;
	s9 =	sadd.s32 $0xA, s7  }
0x51: {  	[tilespmem:s24], [sflag:$0x3] =	stream.linear.gather [hbm4b:s10+s3], $0x28, $0x38;
	[tilespmem:$0x1FF00] =	vst v63  }
0x52: {  	p1 =	sne.s32 s7, $0x9B0;
	_ =	swait.ge [sflag:s20], $0x28  }
0x53: {  	[sflag:s20] =	ssyncset.done $0x0  }
0x54: {  	s7 =	sadd.s32 s4, s16;
	s4 =	smov.u32 s11;
	[sflag:s20] =	ssyncadd.s32 $0xFFFFFFD8  }
0x55: {  	[tilespmem:s25], [sflag:$0x3] =	stream.linear.gather [hbm4b:s7+s3], $0x28, $0x38;
	[tilespmem:$0x1FF00] =	vst v63  }
0x56: {  	_ =	swait.ge [sflag:s20], $0x28  }
0x57: {  	[sflag:s20] =	ssyncset.done $0x0  }
0x58: {  	[sflag:s20] =	ssyncadd.s32 $0xFFFFFFD8  }
0x59: {  	[tilespmem:s26], [sflag:$0x2] =	stream.indirect.gather [hbm4b:s1+s22], $0x80, s24, s22, $0xb8;
	[tilespmem:$0x1FF00] =	vst v63  }
0x5a: {  	_ =	swait.ge [sflag:s28], $0x1400  }
0x5b: {  	[sflag:s28] =	ssyncset.done $0x0  }
0x5c: {  	[sflag:s28] =	ssyncadd.s32 $0xFFFFEC00  }
0x5d: {  	[spmem:s2] =	stream.indirect.scatter.add.f32 [tilespmem:s23], [sflag:$0x3], $0x80, s21, s22, $0xb8;
	[tilespmem:$0x1FF00] =	vst v63  }
0x5e: {  	_ =	swait.ge [sflag:s20], $0x1400  }
0x5f: {  	[sflag:s20] =	ssyncset.done $0x0  }
0x60: {  	s7 =	sadd.s32 $0xA, s8;
	[sflag:s20] =	ssyncadd.s32 $0xFFFFEC00  }
0x61: {  	[tilespmem:s3], [sflag:$0x3] =	stream.linear.gather [hbm4b:s7+s3], $0x28, $0x38;
	[tilespmem:$0x1FF00] =	vst v63  }
0x62: {  	_ =	swait.ge [sflag:s20], $0x28  }
0x63: {  	s7 =	sshrl.u32 s0, $0x3;
	[sflag:s20] =	ssyncset.done $0x0  }
0x64: {  	s7 =	sadd.s32 s5, s7;
	[sflag:s20] =	ssyncadd.s32 $0xFFFFFFD8  }
0x65: {  	[tilespmem:s21], [sflag:$0x3] =	stream.linear.gather [hbm4b:s7+s3], $0x28, $0x38;
	[tilespmem:$0x1FF00] =	vst v63  }
0x66: {  	_ =	swait.ge [sflag:s20], $0x28  }
0x67: {  	[sflag:s20] =	ssyncset.done $0x0  }
0x68: {  	[sflag:s20] =	ssyncadd.s32 $0xFFFFFFD8  }
0x69: {  	[tilespmem:s23], [sflag:$0x1] =	stream.indirect.gather [hbm4b:s1+s22], $0x80, s3, s22, $0xb8;
	[tilespmem:$0x1FF00] =	vst v63  }
0x6a: {  	_ =	swait.ge [sflag:s29], $0x1400  }
.Ltmp0:
0x6b: {  	[sflag:s29] =	ssyncset.done $0x0;
	(pc) =	sbr.rel @p1 .LBB2_2-.Ltmp0, $4  }
0x6c: {  	[sflag:s29] =	ssyncadd.s32 $0xFFFFEC00  }
0x6d: {  	[spmem:s2] =	stream.indirect.scatter.add.f32 [tilespmem:s26], [sflag:$0x3], $0x80, s25, s22, $0xb8;
	[tilespmem:$0x1FF00] =	vst v63  }
0x6e: {  	s8 =	sadd.s32 s4, s15;
	_ =	swait.ge [sflag:s20], $0x1400  }
0x6f: {  	s0 =	sadd.s32 $0x50, s0;
	s7 =	smov.u32 s9;
	[sflag:s20] =	ssyncset.done $0x0  }
0x70: {  	s7 =	sadd.s32 $0x5, s8;
	[sflag:s20] =	ssyncadd.s32 $0xFFFFEC00  }
0x71: {  	[tilespmem:s24], [sflag:$0x3] =	stream.linear.gather [hbm4b:s7+s3], $0x28, $0x38;
	[tilespmem:$0x1FF00] =	vst v63  }
0x72: {  	_ =	swait.ge [sflag:s20], $0x28  }
0x73: {  	[sflag:s20] =	ssyncset.done $0x0  }
0x74: {  	s4 =	sadd.s32 s4, s16;
	[sflag:s20] =	ssyncadd.s32 $0xFFFFFFD8  }
0x75: {  	[tilespmem:s25], [sflag:$0x3] =	stream.linear.gather [hbm4b:s4+s3], $0x28, $0x38;
	[tilespmem:$0x1FF00] =	vst v63  }
0x76: {  	_ =	swait.ge [sflag:s20], $0x28  }
0x77: {  	[sflag:s20] =	ssyncset.done $0x0  }
0x78: {  	[sflag:s20] =	ssyncadd.s32 $0xFFFFFFD8  }
0x79: {  	[tilespmem:s26], [sflag:$0x2] =	stream.indirect.gather [hbm4b:s1+s22], $0x80, s24, s22, $0xb8;
	[tilespmem:$0x1FF00] =	vst v63  }
0x7a: {  	_ =	swait.ge [sflag:s28], $0x1400  }
0x7b: {  	[sflag:s28] =	ssyncset.done $0x0  }
0x7c: {  	[sflag:s28] =	ssyncadd.s32 $0xFFFFEC00  }
0x7d: {  	[spmem:s2] =	stream.indirect.scatter.add.f32 [tilespmem:s23], [sflag:$0x3], $0x80, s21, s22, $0xb8;
	[tilespmem:$0x1FF00] =	vst v63  }
0x7e: {  	_ =	swait.ge [sflag:s20], $0x1400  }
0x7f: {  	[sflag:s20] =	ssyncset.done $0x0  }
0x80: {  	s9 =	sadd.s32 $0xA, s8;
	[sflag:s20] =	ssyncadd.s32 $0xFFFFEC00  }
0x81: {  	[tilespmem:s3], [sflag:$0x3] =	stream.linear.gather [hbm4b:s9+s3], $0x28, $0x38;
	[tilespmem:$0x1FF00] =	vst v63  }
0x82: {  	_ =	swait.ge [sflag:s20], $0x28  }
0x83: {  	s0 =	sshrl.u32 s0, $0x3;
	[sflag:s20] =	ssyncset.done $0x0  }
0x84: {  	s0 =	sadd.s32 s5, s0;
	[sflag:s20] =	ssyncadd.s32 $0xFFFFFFD8  }
0x85: {  	[tilespmem:s21], [sflag:$0x3] =	stream.linear.gather [hbm4b:s0+s3], $0x28, $0x38;
	[tilespmem:$0x1FF00] =	vst v63  }
0x86: {  	_ =	swait.ge [sflag:s20], $0x28  }
0x87: {  	[sflag:s20] =	ssyncset.done $0x0  }
0x88: {  	[sflag:s20] =	ssyncadd.s32 $0xFFFFFFD8  }
0x89: {  	[tilespmem:s23], [sflag:$0x1] =	stream.indirect.gather [hbm4b:s1+s22], $0x80, s3, s22, $0xb8;
	[tilespmem:$0x1FF00] =	vst v63  }
0x8a: {  	_ =	swait.ge [sflag:s29], $0x1400  }
0x8b: {  	[sflag:s29] =	ssyncset.done $0x0  }
0x8c: {  	[sflag:s29] =	ssyncadd.s32 $0xFFFFEC00  }
0x8d: {  	[spmem:s2] =	stream.indirect.scatter.add.f32 [tilespmem:s26], [sflag:$0x3], $0x80, s25, s22, $0xb8;
	[tilespmem:$0x1FF00] =	vst v63  }
0x8e: {  	_ =	swait.ge [sflag:s20], $0x1400  }
0x8f: {  	[sflag:s20] =	ssyncset.done $0x0  }
0x90: {  	s10 =	rddreg [dreg:$0x7];
	[sflag:s20] =	ssyncadd.s32 $0xFFFFEC00  }
0x91: {  	[tilespmem:s24], [sflag:$0x3] =	stream.linear.gather [hbm4b:s10+s3], $0x28, $0x38;
	[tilespmem:$0x1FF00] =	vst v63  }
0x92: {  	_ =	swait.ge [sflag:s20], $0x28  }
0x93: {  	[sflag:s20] =	ssyncset.done $0x0  }
0x94: {  	s11 =	rddreg [dreg:$0x8];
	[sflag:s20] =	ssyncadd.s32 $0xFFFFFFD8  }
0x95: {  	[tilespmem:s25], [sflag:$0x3] =	stream.linear.gather [hbm4b:s11+s3], $0x28, $0x38;
	[tilespmem:$0x1FF00] =	vst v63  }
0x96: {  	_ =	swait.ge [sflag:s20], $0x28  }
0x97: {  	[sflag:s20] =	ssyncset.done $0x0  }
0x98: {  	[sflag:s20] =	ssyncadd.s32 $0xFFFFFFD8  }
0x99: {  	[tilespmem:s26], [sflag:$0x2] =	stream.indirect.gather [hbm4b:s1+s22], $0x80, s24, s22, $0xb8;
	[tilespmem:$0x1FF00] =	vst v63  }
0x9a: {  	_ =	swait.ge [sflag:s28], $0x1400  }
0x9b: {  	[sflag:s28] =	ssyncset.done $0x0  }
0x9c: {  	[sflag:s28] =	ssyncadd.s32 $0xFFFFEC00  }
0x9d: {  	[spmem:s2] =	stream.indirect.scatter.add.f32 [tilespmem:s23], [sflag:$0x3], $0x80, s21, s22, $0xb8;
	[tilespmem:$0x1FF00] =	vst v63  }
0x9e: {  	_ =	swait.ge [sflag:s20], $0x1400  }
0x9f: {  	[sflag:s20] =	ssyncset.done $0x0  }
0xa0: {  	[sflag:s20] =	ssyncadd.s32 $0xFFFFEC00  }
0xa1: {  	_ =	swait.ge [sflag:s29], $0x1400  }
0xa2: {  	[sflag:s29] =	ssyncset.done $0x0  }
0xa3: {  	[sflag:s29] =	ssyncadd.s32 $0xFFFFEC00  }
0xa4: {  	[spmem:s2] =	stream.indirect.scatter.add.f32 [tilespmem:s26], [sflag:$0x3], $0x80, s25, s22, $0xb8;
	[tilespmem:$0x1FF00] =	vst v63  }
0xa5: {  	_ =	swait.ge [sflag:s20], $0x1400  }
0xa6: {  	[sflag:s20] =	ssyncset.done $0x0  }
0xa7: {  	[sflag:s20] =	ssyncadd.s32 $0xFFFFEC00  }
0xa8: {  	s0 =	simm.s32 @p0 $0x1FC3;
	[bflag:$0x0] =	sbarrier.arrive $0xFFFF  }
0xa9: {  	[hbm:s13], [sflag:s0] =	dma.local @p0 [spmem:s18], $0x3500  }
0xaa: {  	s0 =	simm.s32 @p0 $0x3  }
0xab: {  	s30 =	sadd.s32 $0x1, s30;
	_ =	swait.ge @p0 [sflag:s0], $0x3500  }
0xac: {  	p1 =	sne.s32 s30, s14;
	[sflag:s0] =	ssyncset.done @p0 $0x0  }
.Ltmp1:
0xad: {  	[sflag:s0] =	ssyncadd.s32 @p0 $0xFFFFCB00;
	s0 =	simm.s32 @!p0 $0x3;
	(pc) =	sbr.rel @p1 .LBB2_1-.Ltmp1, $4  }
0xae: {  	[hbm:s12], [sflag:s19] =	dma.local @!p0 [spmem:s31], $0x3B00  }
0xaf: {  	_ =	swait.ge @!p0 [sflag:s0], $0x3B00  }
0xb0: {  	[sflag:s0] =	ssyncset.done @!p0 $0x0  }
0xb1: {  	[sflag:s0] =	ssyncadd.s32 @!p0 $0xFFFFC500  }
0xb2: {  	_ =	sfence.sel $0x180000  }
0xb3: {  	[bflag:$0x0] =	sbarrier.arrive $0xFFFF  }
0xb4: {  	_ =	strace $0x9000004D  }
0xb5: {  	s0 =	stileid.u32;
	[bflag:$0x2] =	sbarrier.arrive $0xFFFF  }
0xb6: {  	p0 =	sne.s32 s0, $0x0;
	s0 =	rddreg [dreg:$0x3]  }
0xb7: {  	s0 =	sadd.s32 @!p0 $0x100000, s0  }
0xb8: {  	[sflag:s0] =	ssyncadd.tile.s32 @!p0 $0x1;
	_ =	shalt  }
.Lfunc_end2:
_tile_overlayer_lowered:
.L_overlay_start_2:
0xb9: {  	(tag) =	ssettag $0x2  }
0xba: {  	s0 =	rddreg [dreg:$0x0];
	s2 =	stileid.u32  }
0xbb: {  	s1 =	rddreg [dreg:$0x1];
	p0 =	sne.s32 s2, $0x0  }
0xbc: {  	s3 =	rddreg [dreg:$0x2];
	[bflag:$0x3] =	sbarrier.arrive $0xFFFF;
	s2 =	simm.s32 @!p0 $0x1C03  }
0xbd: {  	[timem:s3], [sflag:s2] =	dma.local @!p0 [hbm:s0], s1  }
0xbe: {  	s0 =	simm.s32 @!p0 $0x3  }
0xbf: {  	_ =	swait.ge @!p0 [sflag:s0], s1  }
0xc0: {  	s1 =	ssub.s32 @!p0 $0x0, s1;
	[sflag:s0] =	ssyncset.done @!p0 $0x0  }
0xc1: {  	[sflag:s0] =	ssyncadd.s32 @!p0 s1  }
0xc2: {  	[bflag:$0x3] =	sbarrier.arrive $0xFFFF  }
0xc3: {  	_ =	shalt  }

// kernel: kernel.21.cloned.1.call-start
scs
__scs_entry_jumppad:
0x0: {  	(pc) =	sbr.rel $0x88, $3  }
0x1: {  	(tag) =	ssettag $0x0;
	lr =	simm.s32 $0x1  }
0x2: {  	[smem:$0x3F8D] =	sst lr;
	_ =	strace $0xD0000000  }
0x3: {  	_ = 	snop  }
0x4: {  	_ = 	snop  }
0x5: {  	_ = 	snop  }
0x6: {  	_ = 	snop  }
0x7: {  	_ = 	snop  }
__scs_overlays_trampoline_lowered:
0x8: {  	[smem:$0x3F9C] =	sst s0  }
0x9: {  	[smem:$0x3F9D] =	sst s1  }
0xa: {  	[smem:$0x3F9E] =	sst s2  }
0xb: {  	[smem:$0x3F9F] =	sst s3  }
0xc: {  	[smem:$0x3FA0] =	sst s4  }
0xd: {  	[smem:$0x3FA1] =	sst s5  }
0xe: {  	[smem:$0x3FA2] =	sst s6  }
0xf: {  	[smem:$0x3FA3] =	sst s7  }
0x10: {  	[smem:$0x3FA4] =	sst s8  }
0x11: {  	[smem:$0x3FA5] =	sst s9;
	s0 =	simm.s32 @!p0 $0x0  }
0x12: {  	s1 =	sld [smem:$0x3F8B];
	s0 =	simm.s32 @p0 $0x1  }
0x13: {  	[smem:$0x3FA6] =	sst s0;
	s0 =	simm.s32 @!p1 $0x0  }
0x14: {  	s2 =	sld [smem:$0x3F8A];
	s0 =	simm.s32 @p1 $0x1  }
0x15: {  	[smem:$0x3FA7] =	sst s0;
	s0 =	simm.s32 @!p2 $0x0  }
0x16: {  	s3 =	sld [smem:$0x3FDB];
	s0 =	simm.s32 @p2 $0x1  }
0x17: {  	s4 =	simm.s32 $0x1BF5;
	[smem:$0x3FA9] =	sst s0  }
0x18: {  	s0 =	sld [smem:$0x3F8C];
	_ =	swait.ge [sflag:s4], $0x0  }
0x19: {  	s7 =	sld [smem:$0x3F8D]  }
0x1a: {  	s8 =	sadd.s32 $0xFFFFE003, lr  }
0x1b: {  	s9 =	sadd.s32 $0xFFFFFEF7, lr;
	s5 =	simm.s32 $0xFFFFFFFF;
	p2 =	slt.u32 s8, $0xFFFFF086  }
0x1c: {  	p1 =	slt.u32 s9, $0xF7A;
	s5 =	simm.s32 @!p2 $0x0  }
0x1d: {  	s5 =	simm.s32 @p1 $0x1;
	p0 =	seq.s32 s7, s2  }
0x1e: {  	s7 =	smul.u32 @!p0 $0xF7A, s2;
	p2 =	seq.s32 @!p0 s5, $0x0  }
0x1f: {  	s9 =	smul.u32 $0xF7A, s1;
	s8 =	simm.s32 @!p0 $0x1BF5;
	p2 =	por !p2, p0  }
0x20: {  	[sflag:s8] =	ssyncset.s32 @!p0 $0xFFFFF086;
	s6 =	sadd.s32 @!p0 s3, s7;
	s7 =	simm.s32 @!p0 $0x108  }
0x21: {  	s3 =	sadd.s32 s3, s9;
	s6 =	sadd.s32 @!p0 $0x88, s6;
	s7 =	simm.s32 @p2 $0x1082  }
0x22: {  	[simem:s7], [sflag:s8] =	dma.local @!p0 [hbm:s6], $0xF7A  }
0x23: {  	s9 =	sor.u32 $0xD0000000, s2;
	s6 =	simm.s32 $0x108;
	_ =	swait.ge @!p0 [sflag:s8], $0x0  }
0x24: {  	s3 =	sadd.s32 $0x88, s3;
	s6 =	simm.s32 @!p1 $0x1082;
	[sflag:s4] =	ssyncset.s32 $0xFFFFF086  }
0x25: {  	[simem:s6], [sflag:s4] =	dma.local [hbm:s3], $0xF7A  }
0x26: {  	[smem:$0x3F8D] =	sst s1;
	(tag) =	ssettag s2;
	_ =	strace s9  }
0x27: {  	s1 =	sld [smem:$0x3F9D]  }
0x28: {  	s2 =	sld [smem:$0x3F9E]  }
0x29: {  	s4 =	sld [smem:$0x3FA0]  }
0x2a: {  	p0 =	seq.s32 s5, $0x0;
	s5 =	sld [smem:$0x3FA1]  }
0x2b: {  	s6 =	sld [smem:$0x3FA2]  }
0x2c: {  	s7 =	sld [smem:$0x3FA3]  }
0x2d: {  	s3 =	simm.s32 $0x108;
	s8 =	sld [smem:$0x3FA4]  }
0x2e: {  	s3 =	simm.s32 @!p0 $0x1082;
	s9 =	sld [smem:$0x3FA5]  }
0x2f: {  	lr =	sadd.s32 s0, s3;
	s0 =	sld [smem:$0x3F9C]  }
0x30: {  	s3 =	sld [smem:$0x3F9F]  }
0x31: {  	[smem:$0x3FA8] =	sst s10  }
0x32: {  	s10 =	sld [smem:$0x3FA6];
	_ =	sdelay $0x3  }
0x33: {  	p0 =	seq.s32 s10, $0x1;
	s10 =	sld [smem:$0x3FA8];
	_ =	sdelay $0x3  }
0x34: {  	[smem:$0x3FA8] =	sst s10  }
0x35: {  	s10 =	sld [smem:$0x3FA7];
	_ =	sdelay $0x3  }
0x36: {  	p1 =	seq.s32 s10, $0x1;
	s10 =	sld [smem:$0x3FA8];
	_ =	sdelay $0x3  }
0x37: {  	[smem:$0x3FA8] =	sst s10  }
0x38: {  	s10 =	sld [smem:$0x3FA9]  }
0x39: {  	_ = 	snop;
	(pc) =	sbr.ind lr, $3  }
0x3a: {  	_ = 	snop  }
0x3b: {  	_ = 	snop  }
0x3c: {  	p2 =	seq.s32 s10, $0x1;
	s10 =	sld [smem:$0x3FA8]  }
0x3d: {  	_ =	shalt  }
0x3e: {  	_ =	shalt  }
0x3f: {  	_ =	shalt  }
0x40: {  	_ =	shalt  }
0x41: {  	_ =	shalt  }
0x42: {  	_ =	shalt  }
0x43: {  	_ =	shalt  }
0x44: {  	_ =	shalt  }
0x45: {  	_ =	shalt  }
0x46: {  	_ =	shalt  }
0x47: {  	_ =	shalt  }
0x48: {  	_ =	shalt  }
0x49: {  	_ =	shalt  }
0x4a: {  	_ =	shalt  }
0x4b: {  	_ =	shalt  }
0x4c: {  	_ =	shalt  }
0x4d: {  	_ =	shalt  }
0x4e: {  	_ =	shalt  }
0x4f: {  	_ =	shalt  }
0x50: {  	_ =	shalt  }
0x51: {  	_ =	shalt  }
0x52: {  	_ =	shalt  }
0x53: {  	_ =	shalt  }
0x54: {  	_ =	shalt  }
0x55: {  	_ =	shalt  }
0x56: {  	_ =	shalt  }
0x57: {  	_ =	shalt  }
0x58: {  	_ =	shalt  }
0x59: {  	_ =	shalt  }
0x5a: {  	_ =	shalt  }
0x5b: {  	_ =	shalt  }
0x5c: {  	_ =	shalt  }
0x5d: {  	_ =	shalt  }
0x5e: {  	_ =	shalt  }
0x5f: {  	_ =	shalt  }
0x60: {  	_ =	shalt  }
0x61: {  	_ =	shalt  }
0x62: {  	_ =	shalt  }
0x63: {  	_ =	shalt  }
0x64: {  	_ =	shalt  }
0x65: {  	_ =	shalt  }
0x66: {  	_ =	shalt  }
0x67: {  	_ =	shalt  }
0x68: {  	_ =	shalt  }
0x69: {  	_ =	shalt  }
0x6a: {  	_ =	shalt  }
0x6b: {  	_ =	shalt  }
0x6c: {  	_ =	shalt  }
0x6d: {  	_ =	shalt  }
0x6e: {  	_ =	shalt  }
0x6f: {  	_ =	shalt  }
0x70: {  	_ =	shalt  }
0x71: {  	_ =	shalt  }
0x72: {  	_ =	shalt  }
0x73: {  	_ =	shalt  }
0x74: {  	_ =	shalt  }
0x75: {  	_ =	shalt  }
0x76: {  	_ =	shalt  }
0x77: {  	_ =	shalt  }
0x78: {  	_ =	shalt  }
0x79: {  	_ =	shalt  }
0x7a: {  	_ =	shalt  }
0x7b: {  	_ =	shalt  }
0x7c: {  	_ =	shalt  }
0x7d: {  	_ =	shalt  }
0x7e: {  	_ =	shalt  }
0x7f: {  	_ =	shalt  }
0x80: {  	_ =	shalt  }
0x81: {  	_ =	shalt  }
0x82: {  	_ =	shalt  }
0x83: {  	_ =	shalt  }
0x84: {  	_ =	shalt  }
0x85: {  	_ =	shalt  }
0x86: {  	_ =	shalt  }
0x87: {  	_ =	shalt  }
.Lfunc_end0:
.L_simem_size_0:
called_computation.3_lowered:
.L_overlay_start_0:
0x88: {  	s2 =	sld [smem:$0x3FD9]  }
0x89: {  	s3 =	sld [smem:$0x3FFE];
	_ =	sdelay $0x1  }
0x8a: {  	s1 =	srdreg.scid  }
0x8b: {  	s0 =	sand.u32 $0x1, s1  }
0x8c: {  	s14 =	sshll.u32 s0, $0xA;
	s2 =	sadd.s32 s3, s2  }
0x8d: {  	s2 =	sadd.s32 s2, s14  }
0x8e: {  	[smem:$0x3FB4] =	sst s2  }
0x8f: {  	_ = 	snop  }
0x90: {  	s2 =	sld [smem:$0x3FD0];
	_ =	sdelay $0x2  }
0x91: {  	s15 =	simm.s32 $0xA;
	s4 =	simm.s32 $0x10  }
0x92: {  	[smem:s4], [sflag:s15] =	dma.local [hbm:s2], $0x1  }
0x93: {  	_ =	swait.eq [sflag:s15], $0x1  }
0x94: {  	[sflag:s15] =	ssyncset.done $0x0  }
0x95: {  	[sflag:s15] =	ssyncadd.s32 $0xFFFFFFFF  }
0x96: {  	s16 =	sld [smem:$0x10];
	(tm) =	ssettm $0x1  }
0x97: {  	s17 =	sld [smem:$0x3FFB];
	_ =	sdelay $0x3  }
0x98: {  	_ =	strace s17  }
0x99: {  	s3 =	sld [smem:$0x3FFC];
	_ =	sdelay $0x3  }
0x9a: {  	_ =	strace s3  }
0x9b: {  	s3 =	sld [smem:$0x3FFD];
	_ =	sdelay $0x3  }
0x9c: {  	_ =	strace s3  }
0x9d: {  	_ =	strace $0x8FFFFFFF  }
0x9e: {  	s18 =	sld [smem:$0x3FDB];
	_ =	sdelay $0x1  }
0x9f: {  	s19 =	simm.s32 $_scs_section_size  }
0xa0: {  	s5 =	simm.s32 $_size__tile_overlayer_lowered;
	s6 =	simm.s32 $_tile_overlayer_lowered  }
0xa1: {  	s22 =	simm.s32 $0x1BFF;
	s21 =	sshll.u32 s6, $0x1;
	s3 =	sadd.s32 s19, s18  }
0xa2: {  	s7 =	simm.s32 $0x0;
	s20 =	sshll.u32 s5, $0x1;
	s5 =	sadd.s32 s21, s3  }
0xa3: {  	[timem:s7], [sflag:s22] =	dma.local [hbm:s5], s20  }
0xa4: {  	_ =	swait.ge [sflag:s22], s20  }
0xa5: {  	s4 =	ssub.s32 $0x0, s20;
	[sflag:s22] =	ssyncset.done $0x0  }
0xa6: {  	[sflag:s22] =	ssyncadd.s32 s4;
	_ =	sdelay $0x1  }
0xa7: {  	s23 =	simm.s32 $0x1B8B  }
0xa8: {  	_ =	swait.ge [sflag:s23], $0x1  }
0xa9: {  	[sflag:s23] =	ssyncset.done $0x0  }
0xaa: {  	s25 =	simm.s32 $0x1B8E;
	s24 =	sld [smem:$0x3FFE];
	[sflag:s23] =	ssyncadd.s32 $0xFFFFFFFF  }
0xab: {  	s26 =	simm.s32 $execute0_lowered;
	[smem:$0x3FD2] =	sst s25  }
0xac: {  	s5 =	sshll.u32 s26, $0x1;
	_ =	strace $0x8000004F;
	[dreg:$0x1] =	wrdreg $0xFFFFFFFF  }
0xad: {  	s28 =	simm.s32 $_size_execute0_lowered;
	s3 =	sadd.s32 s3, s5;
	[dreg:$0x0] =	wrdreg $0x0  }
0xae: {  	s5 =	sshll.u32 s28, $0x1;
	[dreg:$0x2] =	wrdreg s3  }
0xaf: {  	[dreg:$0x3] =	wrdreg s5  }
0xb0: {  	[dreg:$0x4] =	wrdreg $0xC0  }
0xb1: {  	_ =	task [dreg:s7], $0x5FFFF  }
0xb2: {  	[dreg:$0x1] =	wrdreg $0xFFFFFFFF  }
0xb3: {  	[dreg:$0x0] =	wrdreg $0x60  }
0xb4: {  	[dreg:$0x2] =	wrdreg s16  }
0xb5: {  	[dreg:$0x3] =	wrdreg s24  }
0xb6: {  	[dreg:$0x4] =	wrdreg $0x2A000  }
0xb7: {  	[dreg:$0x5] =	wrdreg $0x9  }
0xb8: {  	_ =	task.clear_ibuf [dreg:s7], $0x6FFFF;
	_ =	strace $0x9000004F  }
0xb9: {  	s29 =	simm.s32 $0x9;
	_ =	strace $0x80000051  }
0xba: {  	_ =	swait.ge [sflag:s29], $0x1  }
0xbb: {  	[sflag:s29] =	ssyncadd.s32 $0xFFFFFFFF  }
0xbc: {  	_ =	strace $0x90000051  }
0xbd: {  	_ =	sfence  }
0xbe: {  	s30 =	sld [smem:$0x0];
	_ =	sdelay $0x2  }
0xbf: {  	s31 =	sshll.u32 s1, $0xD;
	s1 =	sshrl.u32 s1, $0x2  }
0xc0: {  	s3 =	sand.u32 $0x4000, s31;
	s1 =	sadd.s32 s1, s30  }
0xc1: {  	s0 =	sor.u32 s3, s0;
	s1 =	sshll.u32 s1, $0x11  }
0xc2: {  	s0 =	sor.u32 s1, s0  }
0xc3: {  	s0 =	sadd.s32 $0x8F2B, s0  }
0xc4: {  	[sflag:s0] =	ssyncadd.remote.s32 $0x1  }
0xc5: {  	_ =	sfence.sel $0xFFFF  }
0xc6: {  	[dreg:$0x0] =	wrdreg $0xFFFFFFFF;
	(pc) =	sbr.abs _section_cstart, $3  }
0xc7: {  	[dreg:$0x1] =	wrdreg $0xFFFFFFFF  }
0xc8: {  	_ =	task.clear_ibuf [dreg:s7], $0x2FFFF;
	_ =	strace $0x9FFFFFFF  }
0xc9: {  	(tm) =	ssettm $0x7FFFFFFF  }
tec
execute0_lowered:
.L_overlay_start_1:
0x0: {  	(tag) =	ssettag $0x1  }
0x1: {  	s1 =	rddreg [dreg:$0x0]  }
0x2: {  	s0 =	rddreg [dreg:$0x1]  }
0x3: {  	s2 =	rddreg [dreg:$0x2];
	s3 =	simm.s32 $0x0  }
0x4: {  	s6 =	srdreg.scid;
	s18 =	stileid.u32;
	s28 =	simm.s32 $0x1  }
0x5: {  	s29 =	simm.s32 $0x2;
	s30 =	simm.s32 $0x0;
	s9 =	smul.u32 $0x76000, s18  }
0x6: {  	[smem:$0x7FF] =	sst s3;
	s4 =	sadd.s32 $0xE000, s0;
	s11 =	smul.u32 $0x4E20, s18  }
0x7: {  	s5 =	sadd.s32 $0x1BA00, s0;
	s7 =	sand.u32 $0x1, s6;
	s13 =	smul.u32 $0x1D800, s18  }
0x8: {  	s6 =	sadd.s32 $0x17E00, s0;
	s0 =	sadd.s32 $0xA4800, s0;
	s26 =	smul.u32 $0x9C4, s18  }
0x9: {  	p0 =	seq.s32 s18, $0xF;
	s8 =	ssub.s32 $0x2, s7;
	s20 =	smul.u32 $0x4E200, s7  }
0xa: {  	_ =	strace $0x80000050;
	s7 =	smul.u32 $0x1D5000, s7;
	s10 =	sshrl.u32 s8, $0x1  }
0xb: {  	s9 =	sshrl.u32 s9, $0x2;
	s12 =	sshrl.u32 s11, $0x3;
	s15 =	sadd.s32 s26, s4  }
0xc: {  	s26 =	simm.s32 $0x1600;
	s8 =	ssub.s32 s8, s10;
	s9 =	sadd.s32 s9, s2  }
0xd: {  	s12 =	sadd.s32 s4, s12;
	s17 =	sadd.s32 s11, s20;
	s11 =	sadd.s32 $0x4DF8, s11  }
0xe: {  	s24 =	sadd.s32 s13, s7;
	s7 =	sshrl.u32 s7, $0x3;
	[dreg:$0x4] =	wrdreg s9  }
0xf: {  	s9 =	sadd.s32 $0x1BA800, s2;
	[dreg:$0x5] =	wrdreg s12;
	s21 =	sshrl.u32 s17, $0x3  }
0x10: {  	s22 =	sshrl.u32 s11, $0x3;
	s11 =	sadd.s32 s20, s11;
	s14 =	smax.u32 s8, $0x1  }
0x11: {  	s31 =	sadd.s32 $0x28, s17;
	s17 =	sadd.s32 $0x50, s17;
	s20 =	simm.s32 $0x3  }
0x12: {  	s12 =	sadd.s32 s5, s21;
	s23 =	sadd.s32 s4, s22;
	s11 =	sshrl.u32 s11, $0x3  }
0x13: {  	s21 =	simm.s32 $0x100;
	s22 =	simm.s32 $0x28;
	[dreg:$0x6] =	wrdreg s12  }
0x14: {  	[dreg:$0x7] =	wrdreg s23;
	s25 =	sadd.s32 s5, s11;
	s12 =	sshrl.u32 s24, $0x3  }
0x15: {  	s23 =	simm.s32 $0x200;
	s12 =	sadd.s32 s0, s12;
	s0 =	sadd.s32 s0, s7  }
0x16: {  	s24 =	simm.s32 $0x80;
	s13 =	sadd.s32 $0x37500, s0;
	s0 =	sshrl.u32 s31, $0x3  }
0x17: {  	[dreg:$0x8] =	wrdreg s25;
	s16 =	sadd.s32 s0, s5;
	s0 =	sshll.u32 @!p0 s18, $0x6  }
0x18: {  	s25 =	simm.s32 $0x180;
	s18 =	sshrl.u32 @p0 s9, $0x3;
	s19 =	sor.u32 @!p0 $0x1C03, s0  }
.LBB2_1:
0x19: {  	s0 =	simm.s32 @p0 $0x1FC3  }
0x1a: {  	[spmem:s18], [sflag:s0] =	dma.local @p0 [hbm:s6], $0x3500  }
0x1b: {  	s0 =	simm.s32 @p0 $0x3  }
0x1c: {  	_ =	swait.ge @p0 [sflag:s0], $0x3500  }
0x1d: {  	[sflag:s0] =	ssyncset.done @p0 $0x0  }
0x1e: {  	[sflag:s0] =	ssyncadd.s32 @p0 $0xFFFFCB00;
	s0 =	rddreg [dreg:$0x4]  }
0x1f: {  	s31 =	sshrl.u32 @!p0 s0, $0x3;
	s0 =	simm.s32 @!p0 $0x3  }
0x20: {  	[spmem:s31], [sflag:s19] =	dma.local @!p0 [hbm:s6], $0x3B00  }
0x21: {  	_ =	swait.ge @!p0 [sflag:s0], $0x3B00  }
0x22: {  	[sflag:s0] =	ssyncset.done @!p0 $0x0  }
0x23: {  	[sflag:s0] =	ssyncadd.s32 @!p0 $0xFFFFC500  }
0x24: {  	[bflag:$0x0] =	sbarrier.arrive $0xFFFF  }
0x25: {  	s7 =	rddreg [dreg:$0x5]  }
0x26: {  	[tilespmem:s3], [sflag:$0x3] =	stream.linear.gather [hbm4b:s7+s3], $0x28, $0x38;
	[tilespmem:$0x1FF00] =	vst v63  }
0x27: {  	_ =	swait.ge [sflag:s20], $0x28  }
0x28: {  	[sflag:s20] =	ssyncset.done $0x0  }
0x29: {  	s8 =	rddreg [dreg:$0x6];
	[sflag:s20] =	ssyncadd.s32 $0xFFFFFFD8  }
0x2a: {  	[tilespmem:s21], [sflag:$0x3] =	stream.linear.gather [hbm4b:s8+s3], $0x28, $0x38;
	[tilespmem:$0x1FF00] =	vst v63  }
0x2b: {  	_ =	swait.ge [sflag:s20], $0x28  }
0x2c: {  	[sflag:s20] =	ssyncset.done $0x0  }
0x2d: {  	s9 =	sadd.s32 $0x0, s15;
	[sflag:s20] =	ssyncadd.s32 $0xFFFFFFD8  }
0x2e: {  	[tilespmem:s23], [sflag:$0x1] =	stream.indirect.gather [hbm4b:s1+s22], $0x80, s3, s22, $0xb8;
	[tilespmem:$0x1FF00] =	vst v63  }
0x2f: {  	s4 =	sadd.s32 $0x5, s9  }
0x30: {  	[tilespmem:s24], [sflag:$0x3] =	stream.linear.gather [hbm4b:s4+s3], $0x28, $0x38;
	[tilespmem:$0x1FF00] =	vst v63  }
0x31: {  	_ =	swait.ge [sflag:s20], $0x28  }
0x32: {  	[sflag:s20] =	ssyncset.done $0x0  }
0x33: {  	s10 =	sadd.s32 $0x0, s16;
	[sflag:s20] =	ssyncadd.s32 $0xFFFFFFD8  }
0x34: {  	[tilespmem:s25], [sflag:$0x3] =	stream.linear.gather [hbm4b:s10+s3], $0x28, $0x38;
	[tilespmem:$0x1FF00] =	vst v63  }
0x35: {  	_ =	swait.ge [sflag:s20], $0x28  }
0x36: {  	[sflag:s20] =	ssyncset.done $0x0  }
0x37: {  	[sflag:s20] =	ssyncadd.s32 $0xFFFFFFD8  }
0x38: {  	[tilespmem:s26], [sflag:$0x2] =	stream.indirect.gather [hbm4b:s1+s22], $0x80, s24, s22, $0xb8;
	[tilespmem:$0x1FF00] =	vst v63  }
0x39: {  	_ =	swait.ge [sflag:s28], $0x1400  }
0x3a: {  	[sflag:s28] =	ssyncset.done $0x0  }
0x3b: {  	[sflag:s28] =	ssyncadd.s32 $0xFFFFEC00  }
0x3c: {  	[spmem:s2] =	stream.indirect.scatter.add.f32 [tilespmem:s23], [sflag:$0x3], $0x80, s21, s22, $0xb8;
	[tilespmem:$0x1FF00] =	vst v63  }
0x3d: {  	_ =	swait.ge [sflag:s20], $0x1400  }
0x3e: {  	[sflag:s20] =	ssyncset.done $0x0  }
0x3f: {  	s0 =	sadd.s32 $0xA, s9;
	[sflag:s20] =	ssyncadd.s32 $0xFFFFEC00  }
0x40: {  	[tilespmem:s3], [sflag:$0x3] =	stream.linear.gather [hbm4b:s0+s3], $0x28, $0x38;
	[tilespmem:$0x1FF00] =	vst v63  }
0x41: {  	_ =	swait.ge [sflag:s20], $0x28  }
0x42: {  	s11 =	sshrl.u32 s17, $0x3;
	[sflag:s20] =	ssyncset.done $0x0  }
0x43: {  	s0 =	sadd.s32 s5, s11;
	[sflag:s20] =	ssyncadd.s32 $0xFFFFFFD8  }
0x44: {  	[tilespmem:s21], [sflag:$0x3] =	stream.linear.gather [hbm4b:s0+s3], $0x28, $0x38;
	[tilespmem:$0x1FF00] =	vst v63  }
0x45: {  	_ =	swait.ge [sflag:s20], $0x28  }
0x46: {  	[sflag:s20] =	ssyncset.done $0x0  }
0x47: {  	[sflag:s20] =	ssyncadd.s32 $0xFFFFFFD8  }
0x48: {  	[tilespmem:s23], [sflag:$0x1] =	stream.indirect.gather [hbm4b:s1+s22], $0x80, s3, s22, $0xb8;
	[tilespmem:$0x1FF00] =	vst v63  }
0x49: {  	_ =	swait.ge [sflag:s29], $0x1400  }
0x4a: {  	[sflag:s29] =	ssyncset.done $0x0  }
0x4b: {  	[sflag:s29] =	ssyncadd.s32 $0xFFFFEC00  }
0x4c: {  	[spmem:s2] =	stream.indirect.scatter.add.f32 [tilespmem:s26], [sflag:$0x3], $0x80, s25, s22, $0xb8;
	[tilespmem:$0x1FF00] =	vst v63  }
0x4d: {  	s7 =	simm.s32 $0x14;
	s8 =	sadd.s32 $0xA, s15;
	_ =	swait.ge [sflag:s20], $0x1400  }
0x4e: {  	s4 =	simm.s32 $0xA;
	s0 =	sadd.s32 $0x50, s17;
	[sflag:s20] =	ssyncset.done $0x0  }
.LBB2_2:
0x4f: {  	s10 =	sadd.s32 $0x5, s8  }
0x50: {  	[sflag:s20] =	ssyncadd.s32 $0xFFFFEC00;
	s11 =	smov.u32 s7;
	s9 =	sadd.s32 $0xA, s7  }
0x51: {  	[tilespmem:s24], [sflag:$0x3] =	stream.linear.gather [hbm4b:s10+s3], $0x28, $0x38;
	[tilespmem:$0x1FF00] =	vst v63  }
0x52: {  	p1 =	sne.s32 s7, $0x9B0;
	_ =	swait.ge [sflag:s20], $0x28  }
0x53: {  	[sflag:s20] =	ssyncset.done $0x0  }
0x54: {  	s7 =	sadd.s32 s4, s16;
	s4 =	smov.u32 s11;
	[sflag:s20] =	ssyncadd.s32 $0xFFFFFFD8  }
0x55: {  	[tilespmem:s25], [sflag:$0x3] =	stream.linear.gather [hbm4b:s7+s3], $0x28, $0x38;
	[tilespmem:$0x1FF00] =	vst v63  }
0x56: {  	_ =	swait.ge [sflag:s20], $0x28  }
0x57: {  	[sflag:s20] =	ssyncset.done $0x0  }
0x58: {  	[sflag:s20] =	ssyncadd.s32 $0xFFFFFFD8  }
0x59: {  	[tilespmem:s26], [sflag:$0x2] =	stream.indirect.gather [hbm4b:s1+s22], $0x80, s24, s22, $0xb8;
	[tilespmem:$0x1FF00] =	vst v63  }
0x5a: {  	_ =	swait.ge [sflag:s28], $0x1400  }
0x5b: {  	[sflag:s28] =	ssyncset.done $0x0  }
0x5c: {  	[sflag:s28] =	ssyncadd.s32 $0xFFFFEC00  }
0x5d: {  	[spmem:s2] =	stream.indirect.scatter.add.f32 [tilespmem:s23], [sflag:$0x3], $0x80, s21, s22, $0xb8;
	[tilespmem:$0x1FF00] =	vst v63  }
0x5e: {  	_ =	swait.ge [sflag:s20], $0x1400  }
0x5f: {  	[sflag:s20] =	ssyncset.done $0x0  }
0x60: {  	s7 =	sadd.s32 $0xA, s8;
	[sflag:s20] =	ssyncadd.s32 $0xFFFFEC00  }
0x61: {  	[tilespmem:s3], [sflag:$0x3] =	stream.linear.gather [hbm4b:s7+s3], $0x28, $0x38;
	[tilespmem:$0x1FF00] =	vst v63  }
0x62: {  	_ =	swait.ge [sflag:s20], $0x28  }
0x63: {  	s7 =	sshrl.u32 s0, $0x3;
	[sflag:s20] =	ssyncset.done $0x0  }
0x64: {  	s7 =	sadd.s32 s5, s7;
	[sflag:s20] =	ssyncadd.s32 $0xFFFFFFD8  }
0x65: {  	[tilespmem:s21], [sflag:$0x3] =	stream.linear.gather [hbm4b:s7+s3], $0x28, $0x38;
	[tilespmem:$0x1FF00] =	vst v63  }
0x66: {  	_ =	swait.ge [sflag:s20], $0x28  }
0x67: {  	[sflag:s20] =	ssyncset.done $0x0  }
0x68: {  	[sflag:s20] =	ssyncadd.s32 $0xFFFFFFD8  }
0x69: {  	[tilespmem:s23], [sflag:$0x1] =	stream.indirect.gather [hbm4b:s1+s22], $0x80, s3, s22, $0xb8;
	[tilespmem:$0x1FF00] =	vst v63  }
0x6a: {  	_ =	swait.ge [sflag:s29], $0x1400  }
.Ltmp0:
0x6b: {  	[sflag:s29] =	ssyncset.done $0x0;
	(pc) =	sbr.rel @p1 .LBB2_2-.Ltmp0, $4  }
0x6c: {  	[sflag:s29] =	ssyncadd.s32 $0xFFFFEC00  }
0x6d: {  	[spmem:s2] =	stream.indirect.scatter.add.f32 [tilespmem:s26], [sflag:$0x3], $0x80, s25, s22, $0xb8;
	[tilespmem:$0x1FF00] =	vst v63  }
0x6e: {  	s8 =	sadd.s32 s4, s15;
	_ =	swait.ge [sflag:s20], $0x1400  }
0x6f: {  	s0 =	sadd.s32 $0x50, s0;
	s7 =	smov.u32 s9;
	[sflag:s20] =	ssyncset.done $0x0  }
0x70: {  	s7 =	sadd.s32 $0x5, s8;
	[sflag:s20] =	ssyncadd.s32 $0xFFFFEC00  }
0x71: {  	[tilespmem:s24], [sflag:$0x3] =	stream.linear.gather [hbm4b:s7+s3], $0x28, $0x38;
	[tilespmem:$0x1FF00] =	vst v63  }
0x72: {  	_ =	swait.ge [sflag:s20], $0x28  }
0x73: {  	[sflag:s20] =	ssyncset.done $0x0  }
0x74: {  	s4 =	sadd.s32 s4, s16;
	[sflag:s20] =	ssyncadd.s32 $0xFFFFFFD8  }
0x75: {  	[tilespmem:s25], [sflag:$0x3] =	stream.linear.gather [hbm4b:s4+s3], $0x28, $0x38;
	[tilespmem:$0x1FF00] =	vst v63  }
0x76: {  	_ =	swait.ge [sflag:s20], $0x28  }
0x77: {  	[sflag:s20] =	ssyncset.done $0x0  }
0x78: {  	[sflag:s20] =	ssyncadd.s32 $0xFFFFFFD8  }
0x79: {  	[tilespmem:s26], [sflag:$0x2] =	stream.indirect.gather [hbm4b:s1+s22], $0x80, s24, s22, $0xb8;
	[tilespmem:$0x1FF00] =	vst v63  }
0x7a: {  	_ =	swait.ge [sflag:s28], $0x1400  }
0x7b: {  	[sflag:s28] =	ssyncset.done $0x0  }
0x7c: {  	[sflag:s28] =	ssyncadd.s32 $0xFFFFEC00  }
0x7d: {  	[spmem:s2] =	stream.indirect.scatter.add.f32 [tilespmem:s23], [sflag:$0x3], $0x80, s21, s22, $0xb8;
	[tilespmem:$0x1FF00] =	vst v63  }
0x7e: {  	_ =	swait.ge [sflag:s20], $0x1400  }
0x7f: {  	[sflag:s20] =	ssyncset.done $0x0  }
0x80: {  	s9 =	sadd.s32 $0xA, s8;
	[sflag:s20] =	ssyncadd.s32 $0xFFFFEC00  }
0x81: {  	[tilespmem:s3], [sflag:$0x3] =	stream.linear.gather [hbm4b:s9+s3], $0x28, $0x38;
	[tilespmem:$0x1FF00] =	vst v63  }
0x82: {  	_ =	swait.ge [sflag:s20], $0x28  }
0x83: {  	s0 =	sshrl.u32 s0, $0x3;
	[sflag:s20] =	ssyncset.done $0x0  }
0x84: {  	s0 =	sadd.s32 s5, s0;
	[sflag:s20] =	ssyncadd.s32 $0xFFFFFFD8  }
0x85: {  	[tilespmem:s21], [sflag:$0x3] =	stream.linear.gather [hbm4b:s0+s3], $0x28, $0x38;
	[tilespmem:$0x1FF00] =	vst v63  }
0x86: {  	_ =	swait.ge [sflag:s20], $0x28  }
0x87: {  	[sflag:s20] =	ssyncset.done $0x0  }
0x88: {  	[sflag:s20] =	ssyncadd.s32 $0xFFFFFFD8  }
0x89: {  	[tilespmem:s23], [sflag:$0x1] =	stream.indirect.gather [hbm4b:s1+s22], $0x80, s3, s22, $0xb8;
	[tilespmem:$0x1FF00] =	vst v63  }
0x8a: {  	_ =	swait.ge [sflag:s29], $0x1400  }
0x8b: {  	[sflag:s29] =	ssyncset.done $0x0  }
0x8c: {  	[sflag:s29] =	ssyncadd.s32 $0xFFFFEC00  }
0x8d: {  	[spmem:s2] =	stream.indirect.scatter.add.f32 [tilespmem:s26], [sflag:$0x3], $0x80, s25, s22, $0xb8;
	[tilespmem:$0x1FF00] =	vst v63  }
0x8e: {  	_ =	swait.ge [sflag:s20], $0x1400  }
0x8f: {  	[sflag:s20] =	ssyncset.done $0x0  }
0x90: {  	s10 =	rddreg [dreg:$0x7];
	[sflag:s20] =	ssyncadd.s32 $0xFFFFEC00  }
0x91: {  	[tilespmem:s24], [sflag:$0x3] =	stream.linear.gather [hbm4b:s10+s3], $0x28, $0x38;
	[tilespmem:$0x1FF00] =	vst v63  }
0x92: {  	_ =	swait.ge [sflag:s20], $0x28  }
0x93: {  	[sflag:s20] =	ssyncset.done $0x0  }
0x94: {  	s11 =	rddreg [dreg:$0x8];
	[sflag:s20] =	ssyncadd.s32 $0xFFFFFFD8  }
0x95: {  	[tilespmem:s25], [sflag:$0x3] =	stream.linear.gather [hbm4b:s11+s3], $0x28, $0x38;
	[tilespmem:$0x1FF00] =	vst v63  }
0x96: {  	_ =	swait.ge [sflag:s20], $0x28  }
0x97: {  	[sflag:s20] =	ssyncset.done $0x0  }
0x98: {  	[sflag:s20] =	ssyncadd.s32 $0xFFFFFFD8  }
0x99: {  	[tilespmem:s26], [sflag:$0x2] =	stream.indirect.gather [hbm4b:s1+s22], $0x80, s24, s22, $0xb8;
	[tilespmem:$0x1FF00] =	vst v63  }
0x9a: {  	_ =	swait.ge [sflag:s28], $0x1400  }
0x9b: {  	[sflag:s28] =	ssyncset.done $0x0  }
0x9c: {  	[sflag:s28] =	ssyncadd.s32 $0xFFFFEC00  }
0x9d: {  	[spmem:s2] =	stream.indirect.scatter.add.f32 [tilespmem:s23], [sflag:$0x3], $0x80, s21, s22, $0xb8;
	[tilespmem:$0x1FF00] =	vst v63  }
0x9e: {  	_ =	swait.ge [sflag:s20], $0x1400  }
0x9f: {  	[sflag:s20] =	ssyncset.done $0x0  }
0xa0: {  	[sflag:s20] =	ssyncadd.s32 $0xFFFFEC00  }
0xa1: {  	_ =	swait.ge [sflag:s29], $0x1400  }
0xa2: {  	[sflag:s29] =	ssyncset.done $0x0  }
0xa3: {  	[sflag:s29] =	ssyncadd.s32 $0xFFFFEC00  }
0xa4: {  	[spmem:s2] =	stream.indirect.scatter.add.f32 [tilespmem:s26], [sflag:$0x3], $0x80, s25, s22, $0xb8;
	[tilespmem:$0x1FF00] =	vst v63  }
0xa5: {  	_ =	swait.ge [sflag:s20], $0x1400  }
0xa6: {  	[sflag:s20] =	ssyncset.done $0x0  }
0xa7: {  	[sflag:s20] =	ssyncadd.s32 $0xFFFFEC00  }
0xa8: {  	s0 =	simm.s32 @p0 $0x1FC3;
	[bflag:$0x0] =	sbarrier.arrive $0xFFFF  }
0xa9: {  	[hbm:s13], [sflag:s0] =	dma.local @p0 [spmem:s18], $0x3500  }
0xaa: {  	s0 =	simm.s32 @p0 $0x3  }
0xab: {  	s30 =	sadd.s32 $0x1, s30;
	_ =	swait.ge @p0 [sflag:s0], $0x3500  }
0xac: {  	p1 =	sne.s32 s30, s14;
	[sflag:s0] =	ssyncset.done @p0 $0x0  }
.Ltmp1:
0xad: {  	[sflag:s0] =	ssyncadd.s32 @p0 $0xFFFFCB00;
	s0 =	simm.s32 @!p0 $0x3;
	(pc) =	sbr.rel @p1 .LBB2_1-.Ltmp1, $4  }
0xae: {  	[hbm:s12], [sflag:s19] =	dma.local @!p0 [spmem:s31], $0x3B00  }
0xaf: {  	_ =	swait.ge @!p0 [sflag:s0], $0x3B00  }
0xb0: {  	[sflag:s0] =	ssyncset.done @!p0 $0x0  }
0xb1: {  	[sflag:s0] =	ssyncadd.s32 @!p0 $0xFFFFC500  }
0xb2: {  	_ =	sfence.sel $0x180000  }
0xb3: {  	[bflag:$0x0] =	sbarrier.arrive $0xFFFF  }
0xb4: {  	_ =	strace $0x90000050  }
0xb5: {  	s0 =	stileid.u32;
	[bflag:$0x2] =	sbarrier.arrive $0xFFFF  }
0xb6: {  	p0 =	sne.s32 s0, $0x0;
	s0 =	rddreg [dreg:$0x3]  }
0xb7: {  	s0 =	sadd.s32 @!p0 $0x100000, s0  }
0xb8: {  	[sflag:s0] =	ssyncadd.tile.s32 @!p0 $0x1;
	_ =	shalt  }
.Lfunc_end2:
_tile_overlayer_lowered:
.L_overlay_start_2:
0xb9: {  	(tag) =	ssettag $0x2  }
0xba: {  	s0 =	rddreg [dreg:$0x0];
	s2 =	stileid.u32  }
0xbb: {  	s1 =	rddreg [dreg:$0x1];
	p0 =	sne.s32 s2, $0x0  }
0xbc: {  	s3 =	rddreg [dreg:$0x2];
	[bflag:$0x3] =	sbarrier.arrive $0xFFFF;
	s2 =	simm.s32 @!p0 $0x1C03  }
0xbd: {  	[timem:s3], [sflag:s2] =	dma.local @!p0 [hbm:s0], s1  }
0xbe: {  	s0 =	simm.s32 @!p0 $0x3  }
0xbf: {  	_ =	swait.ge @!p0 [sflag:s0], s1  }
0xc0: {  	s1 =	ssub.s32 @!p0 $0x0, s1;
	[sflag:s0] =	ssyncset.done @!p0 $0x0  }
0xc1: {  	[sflag:s0] =	ssyncadd.s32 @!p0 s1  }
0xc2: {  	[bflag:$0x3] =	sbarrier.arrive $0xFFFF  }
0xc3: {  	_ =	shalt  }

// kernel: kernel.24.cloned.1.call-start
scs
__scs_entry_jumppad:
0x0: {  	(pc) =	sbr.rel $0x88, $3  }
0x1: {  	(tag) =	ssettag $0x0;
	lr =	simm.s32 $0x1  }
0x2: {  	[smem:$0x3F8D] =	sst lr;
	_ =	strace $0xD0000000  }
0x3: {  	_ = 	snop  }
0x4: {  	_ = 	snop  }
0x5: {  	_ = 	snop  }
0x6: {  	_ = 	snop  }
0x7: {  	_ = 	snop  }
__scs_overlays_trampoline_lowered:
0x8: {  	[smem:$0x3F9C] =	sst s0  }
0x9: {  	[smem:$0x3F9D] =	sst s1  }
0xa: {  	[smem:$0x3F9E] =	sst s2  }
0xb: {  	[smem:$0x3F9F] =	sst s3  }
0xc: {  	[smem:$0x3FA0] =	sst s4  }
0xd: {  	[smem:$0x3FA1] =	sst s5  }
0xe: {  	[smem:$0x3FA2] =	sst s6  }
0xf: {  	[smem:$0x3FA3] =	sst s7  }
0x10: {  	[smem:$0x3FA4] =	sst s8  }
0x11: {  	[smem:$0x3FA5] =	sst s9;
	s0 =	simm.s32 @!p0 $0x0  }
0x12: {  	s1 =	sld [smem:$0x3F8B];
	s0 =	simm.s32 @p0 $0x1  }
0x13: {  	[smem:$0x3FA6] =	sst s0;
	s0 =	simm.s32 @!p1 $0x0  }
0x14: {  	s2 =	sld [smem:$0x3F8A];
	s0 =	simm.s32 @p1 $0x1  }
0x15: {  	[smem:$0x3FA7] =	sst s0;
	s0 =	simm.s32 @!p2 $0x0  }
0x16: {  	s3 =	sld [smem:$0x3FDB];
	s0 =	simm.s32 @p2 $0x1  }
0x17: {  	s4 =	simm.s32 $0x1BF5;
	[smem:$0x3FA9] =	sst s0  }
0x18: {  	s0 =	sld [smem:$0x3F8C];
	_ =	swait.ge [sflag:s4], $0x0  }
0x19: {  	s7 =	sld [smem:$0x3F8D]  }
0x1a: {  	s8 =	sadd.s32 $0xFFFFE003, lr  }
0x1b: {  	s9 =	sadd.s32 $0xFFFFFEF7, lr;
	s5 =	simm.s32 $0xFFFFFFFF;
	p2 =	slt.u32 s8, $0xFFFFF086  }
0x1c: {  	p1 =	slt.u32 s9, $0xF7A;
	s5 =	simm.s32 @!p2 $0x0  }
0x1d: {  	s5 =	simm.s32 @p1 $0x1;
	p0 =	seq.s32 s7, s2  }
0x1e: {  	s7 =	smul.u32 @!p0 $0xF7A, s2;
	p2 =	seq.s32 @!p0 s5, $0x0  }
0x1f: {  	s9 =	smul.u32 $0xF7A, s1;
	s8 =	simm.s32 @!p0 $0x1BF5;
	p2 =	por !p2, p0  }
0x20: {  	[sflag:s8] =	ssyncset.s32 @!p0 $0xFFFFF086;
	s6 =	sadd.s32 @!p0 s3, s7;
	s7 =	simm.s32 @!p0 $0x108  }
0x21: {  	s3 =	sadd.s32 s3, s9;
	s6 =	sadd.s32 @!p0 $0x88, s6;
	s7 =	simm.s32 @p2 $0x1082  }
0x22: {  	[simem:s7], [sflag:s8] =	dma.local @!p0 [hbm:s6], $0xF7A  }
0x23: {  	s9 =	sor.u32 $0xD0000000, s2;
	s6 =	simm.s32 $0x108;
	_ =	swait.ge @!p0 [sflag:s8], $0x0  }
0x24: {  	s3 =	sadd.s32 $0x88, s3;
	s6 =	simm.s32 @!p1 $0x1082;
	[sflag:s4] =	ssyncset.s32 $0xFFFFF086  }
0x25: {  	[simem:s6], [sflag:s4] =	dma.local [hbm:s3], $0xF7A  }
0x26: {  	[smem:$0x3F8D] =	sst s1;
	(tag) =	ssettag s2;
	_ =	strace s9  }
0x27: {  	s1 =	sld [smem:$0x3F9D]  }
0x28: {  	s2 =	sld [smem:$0x3F9E]  }
0x29: {  	s4 =	sld [smem:$0x3FA0]  }
0x2a: {  	p0 =	seq.s32 s5, $0x0;
	s5 =	sld [smem:$0x3FA1]  }
0x2b: {  	s6 =	sld [smem:$0x3FA2]  }
0x2c: {  	s7 =	sld [smem:$0x3FA3]  }
0x2d: {  	s3 =	simm.s32 $0x108;
	s8 =	sld [smem:$0x3FA4]  }
0x2e: {  	s3 =	simm.s32 @!p0 $0x1082;
	s9 =	sld [smem:$0x3FA5]  }
0x2f: {  	lr =	sadd.s32 s0, s3;
	s0 =	sld [smem:$0x3F9C]  }
0x30: {  	s3 =	sld [smem:$0x3F9F]  }
0x31: {  	[smem:$0x3FA8] =	sst s10  }
0x32: {  	s10 =	sld [smem:$0x3FA6];
	_ =	sdelay $0x3  }
0x33: {  	p0 =	seq.s32 s10, $0x1;
	s10 =	sld [smem:$0x3FA8];
	_ =	sdelay $0x3  }
0x34: {  	[smem:$0x3FA8] =	sst s10  }
0x35: {  	s10 =	sld [smem:$0x3FA7];
	_ =	sdelay $0x3  }
0x36: {  	p1 =	seq.s32 s10, $0x1;
	s10 =	sld [smem:$0x3FA8];
	_ =	sdelay $0x3  }
0x37: {  	[smem:$0x3FA8] =	sst s10  }
0x38: {  	s10 =	sld [smem:$0x3FA9]  }
0x39: {  	_ = 	snop;
	(pc) =	sbr.ind lr, $3  }
0x3a: {  	_ = 	snop  }
0x3b: {  	_ = 	snop  }
0x3c: {  	p2 =	seq.s32 s10, $0x1;
	s10 =	sld [smem:$0x3FA8]  }
0x3d: {  	_ =	shalt  }
0x3e: {  	_ =	shalt  }
0x3f: {  	_ =	shalt  }
0x40: {  	_ =	shalt  }
0x41: {  	_ =	shalt  }
0x42: {  	_ =	shalt  }
0x43: {  	_ =	shalt  }
0x44: {  	_ =	shalt  }
0x45: {  	_ =	shalt  }
0x46: {  	_ =	shalt  }
0x47: {  	_ =	shalt  }
0x48: {  	_ =	shalt  }
0x49: {  	_ =	shalt  }
0x4a: {  	_ =	shalt  }
0x4b: {  	_ =	shalt  }
0x4c: {  	_ =	shalt  }
0x4d: {  	_ =	shalt  }
0x4e: {  	_ =	shalt  }
0x4f: {  	_ =	shalt  }
0x50: {  	_ =	shalt  }
0x51: {  	_ =	shalt  }
0x52: {  	_ =	shalt  }
0x53: {  	_ =	shalt  }
0x54: {  	_ =	shalt  }
0x55: {  	_ =	shalt  }
0x56: {  	_ =	shalt  }
0x57: {  	_ =	shalt  }
0x58: {  	_ =	shalt  }
0x59: {  	_ =	shalt  }
0x5a: {  	_ =	shalt  }
0x5b: {  	_ =	shalt  }
0x5c: {  	_ =	shalt  }
0x5d: {  	_ =	shalt  }
0x5e: {  	_ =	shalt  }
0x5f: {  	_ =	shalt  }
0x60: {  	_ =	shalt  }
0x61: {  	_ =	shalt  }
0x62: {  	_ =	shalt  }
0x63: {  	_ =	shalt  }
0x64: {  	_ =	shalt  }
0x65: {  	_ =	shalt  }
0x66: {  	_ =	shalt  }
0x67: {  	_ =	shalt  }
0x68: {  	_ =	shalt  }
0x69: {  	_ =	shalt  }
0x6a: {  	_ =	shalt  }
0x6b: {  	_ =	shalt  }
0x6c: {  	_ =	shalt  }
0x6d: {  	_ =	shalt  }
0x6e: {  	_ =	shalt  }
0x6f: {  	_ =	shalt  }
0x70: {  	_ =	shalt  }
0x71: {  	_ =	shalt  }
0x72: {  	_ =	shalt  }
0x73: {  	_ =	shalt  }
0x74: {  	_ =	shalt  }
0x75: {  	_ =	shalt  }
0x76: {  	_ =	shalt  }
0x77: {  	_ =	shalt  }
0x78: {  	_ =	shalt  }
0x79: {  	_ =	shalt  }
0x7a: {  	_ =	shalt  }
0x7b: {  	_ =	shalt  }
0x7c: {  	_ =	shalt  }
0x7d: {  	_ =	shalt  }
0x7e: {  	_ =	shalt  }
0x7f: {  	_ =	shalt  }
0x80: {  	_ =	shalt  }
0x81: {  	_ =	shalt  }
0x82: {  	_ =	shalt  }
0x83: {  	_ =	shalt  }
0x84: {  	_ =	shalt  }
0x85: {  	_ =	shalt  }
0x86: {  	_ =	shalt  }
0x87: {  	_ =	shalt  }
.Lfunc_end0:
.L_simem_size_0:
called_computation.4_lowered:
.L_overlay_start_0:
0x88: {  	s2 =	sld [smem:$0x3FD9]  }
0x89: {  	s3 =	sld [smem:$0x3FFE];
	_ =	sdelay $0x1  }
0x8a: {  	s1 =	srdreg.scid  }
0x8b: {  	s0 =	sand.u32 $0x1, s1  }
0x8c: {  	s14 =	sshll.u32 s0, $0xA;
	s2 =	sadd.s32 s3, s2  }
0x8d: {  	s2 =	sadd.s32 s2, s14  }
0x8e: {  	[smem:$0x3FB4] =	sst s2  }
0x8f: {  	_ = 	snop  }
0x90: {  	s2 =	sld [smem:$0x3FD0];
	_ =	sdelay $0x2  }
0x91: {  	s15 =	simm.s32 $0xA;
	s4 =	simm.s32 $0x10  }
0x92: {  	[smem:s4], [sflag:s15] =	dma.local [hbm:s2], $0x1  }
0x93: {  	_ =	swait.eq [sflag:s15], $0x1  }
0x94: {  	[sflag:s15] =	ssyncset.done $0x0  }
0x95: {  	[sflag:s15] =	ssyncadd.s32 $0xFFFFFFFF  }
0x96: {  	s16 =	sld [smem:$0x10];
	(tm) =	ssettm $0x1  }
0x97: {  	s17 =	sld [smem:$0x3FFB];
	_ =	sdelay $0x3  }
0x98: {  	_ =	strace s17  }
0x99: {  	s3 =	sld [smem:$0x3FFC];
	_ =	sdelay $0x3  }
0x9a: {  	_ =	strace s3  }
0x9b: {  	s3 =	sld [smem:$0x3FFD];
	_ =	sdelay $0x3  }
0x9c: {  	_ =	strace s3  }
0x9d: {  	_ =	strace $0x8FFFFFFF  }
0x9e: {  	s18 =	sld [smem:$0x3FDB];
	_ =	sdelay $0x1  }
0x9f: {  	s19 =	simm.s32 $_scs_section_size  }
0xa0: {  	s5 =	simm.s32 $_size__tile_overlayer_lowered;
	s6 =	simm.s32 $_tile_overlayer_lowered  }
0xa1: {  	s22 =	simm.s32 $0x1BFF;
	s21 =	sshll.u32 s6, $0x1;
	s3 =	sadd.s32 s19, s18  }
0xa2: {  	s7 =	simm.s32 $0x0;
	s20 =	sshll.u32 s5, $0x1;
	s5 =	sadd.s32 s21, s3  }
0xa3: {  	[timem:s7], [sflag:s22] =	dma.local [hbm:s5], s20  }
0xa4: {  	_ =	swait.ge [sflag:s22], s20  }
0xa5: {  	s4 =	ssub.s32 $0x0, s20;
	[sflag:s22] =	ssyncset.done $0x0  }
0xa6: {  	[sflag:s22] =	ssyncadd.s32 s4;
	_ =	sdelay $0x1  }
0xa7: {  	s23 =	simm.s32 $0x1B8B  }
0xa8: {  	_ =	swait.ge [sflag:s23], $0x1  }
0xa9: {  	[sflag:s23] =	ssyncset.done $0x0  }
0xaa: {  	s25 =	simm.s32 $0x1B8E;
	s24 =	sld [smem:$0x3FFE];
	[sflag:s23] =	ssyncadd.s32 $0xFFFFFFFF  }
0xab: {  	s26 =	simm.s32 $execute0_lowered;
	[smem:$0x3FD2] =	sst s25  }
0xac: {  	s5 =	sshll.u32 s26, $0x1;
	_ =	strace $0x80000052;
	[dreg:$0x1] =	wrdreg $0xFFFFFFFF  }
0xad: {  	s28 =	simm.s32 $_size_execute0_lowered;
	s3 =	sadd.s32 s3, s5;
	[dreg:$0x0] =	wrdreg $0x0  }
0xae: {  	s5 =	sshll.u32 s28, $0x1;
	[dreg:$0x2] =	wrdreg s3  }
0xaf: {  	[dreg:$0x3] =	wrdreg s5  }
0xb0: {  	[dreg:$0x4] =	wrdreg $0xC0  }
0xb1: {  	_ =	task [dreg:s7], $0x5FFFF  }
0xb2: {  	[dreg:$0x1] =	wrdreg $0xFFFFFFFF  }
0xb3: {  	[dreg:$0x0] =	wrdreg $0x60  }
0xb4: {  	[dreg:$0x2] =	wrdreg s16  }
0xb5: {  	[dreg:$0x3] =	wrdreg s24  }
0xb6: {  	[dreg:$0x4] =	wrdreg $0x9  }
0xb7: {  	_ =	task.clear_ibuf [dreg:s7], $0x5FFFF;
	_ =	strace $0x90000052  }
0xb8: {  	s29 =	simm.s32 $0x9;
	_ =	strace $0x80000054  }
0xb9: {  	_ =	swait.ge [sflag:s29], $0x1  }
0xba: {  	[sflag:s29] =	ssyncadd.s32 $0xFFFFFFFF  }
0xbb: {  	_ =	strace $0x90000054  }
0xbc: {  	_ =	sfence  }
0xbd: {  	s30 =	sld [smem:$0x0];
	_ =	sdelay $0x2  }
0xbe: {  	s31 =	sshll.u32 s1, $0xD;
	s1 =	sshrl.u32 s1, $0x2  }
0xbf: {  	s3 =	sand.u32 $0x4000, s31;
	s1 =	sadd.s32 s1, s30  }
0xc0: {  	s0 =	sor.u32 s3, s0;
	s1 =	sshll.u32 s1, $0x11  }
0xc1: {  	s0 =	sor.u32 s1, s0  }
0xc2: {  	s0 =	sadd.s32 $0x8F2B, s0  }
0xc3: {  	[sflag:s0] =	ssyncadd.remote.s32 $0x1  }
0xc4: {  	_ =	sfence.sel $0xFFFF  }
0xc5: {  	[dreg:$0x0] =	wrdreg $0xFFFFFFFF;
	(pc) =	sbr.abs _section_cstart, $3  }
0xc6: {  	[dreg:$0x1] =	wrdreg $0xFFFFFFFF  }
0xc7: {  	_ =	task.clear_ibuf [dreg:s7], $0x2FFFF;
	_ =	strace $0x9FFFFFFF  }
0xc8: {  	(tm) =	ssettm $0x7FFFFFFF  }
0xc9: {  	_ =	shalt  }
tec
execute0_lowered:
.L_overlay_start_1:
0x0: {  	(tag) =	ssettag $0x1  }
0x1: {  	s1 =	rddreg [dreg:$0x0]  }
0x2: {  	s0 =	rddreg [dreg:$0x1]  }
0x3: {  	s2 =	srdreg.scid;
	s3 =	simm.s32 $0x0;
	s5 =	stileid.u32  }
0x4: {  	s15 =	simm.s32 $0x5;
	s16 =	simm.s32 $0x80;
	s17 =	simm.s32 $0x50  }
0x5: {  	s18 =	simm.s32 $0x200;
	s19 =	simm.s32 $0x2A00;
	s20 =	simm.s32 $0x100  }
0x6: {  	s21 =	simm.s32 $0x180;
	s22 =	simm.s32 $0x5200;
	s23 =	simm.s32 $0x7A00  }
0x7: {  	s24 =	simm.s32 $0x1;
	s25 =	simm.s32 $0x2;
	s28 =	simm.s32 $0x4  }
0x8: {  	s29 =	simm.s32 $0x0;
	s2 =	sand.u32 $0x1, s2;
	[smem:$0x7FF] =	sst s3  }
0x9: {  	s6 =	sadd.s32 $0xE000, s0;
	s8 =	sadd.s32 $0x66200, s0;
	s4 =	sshll.u32 s2, $0x4  }
0xa: {  	_ =	strace $0x80000053;
	s2 =	ssub.s32 $0x2, s2;
	s7 =	sor.u32 s5, s4  }
0xb: {  	s4 =	sadd.s32 $0x17E00, s0;
	s26 =	sshrl.u32 s2, $0x1;
	s5 =	smul.u32 $0x2710, s7  }
0xc: {  	s9 =	smul.u32 $0x138800, s7;
	s7 =	sadd.s32 $0x4200, s0;
	s0 =	ssub.s32 s2, s26  }
0xd: {  	s26 =	simm.s32 $0x3;
	s14 =	smax.u32 s0, $0x1;
	s30 =	sshrl.u32 s5, $0x3  }
0xe: {  	s9 =	sshrl.u32 s9, $0x3;
	s11 =	sadd.s32 $0x50, s5;
	s10 =	sadd.s32 s6, s30  }
0xf: {  	s2 =	sadd.s32 s7, s30;
	s31 =	sadd.s32 s8, s9;
	[dreg:$0x3] =	wrdreg s10  }
0x10: {  	s12 =	sadd.s32 $0xA0, s5;
	[dreg:$0x4] =	wrdreg s2;
	s13 =	sadd.s32 $0x26C00, s31  }
.LBB2_1:
0x11: {  	s0 =	rddreg [dreg:$0x3]  }
0x12: {  	[tilespmem:s3], [sflag:$0x5] =	stream.linear.gather [hbm4b:s0+s3], $0x50, $0x38;
	[tilespmem:$0xA200] =	vst v63  }
0x13: {  	_ =	swait.ge [sflag:s15], $0x50  }
0x14: {  	[sflag:s15] =	ssyncset.done $0x0  }
0x15: {  	s31 =	rddreg [dreg:$0x4];
	[sflag:s15] =	ssyncadd.s32 $0xFFFFFFB0  }
0x16: {  	[tilespmem:s16], [sflag:$0x5] =	stream.linear.gather [hbm4b:s31+s3], $0x50, $0x38;
	[tilespmem:$0xA200] =	vst v63  }
0x17: {  	_ =	swait.ge [sflag:s15], $0x50  }
0x18: {  	[sflag:s15] =	ssyncset.done $0x0  }
0x19: {  	[sflag:s15] =	ssyncadd.s32 $0xFFFFFFB0  }
0x1a: {  	[tilespmem:s18], [sflag:$0x1] =	stream.indirect.gather [hbm4b:s1+s17], $0x80, s3, s17, $0xb8;
	[tilespmem:$0xA200] =	vst v63  }
0x1b: {  	s30 =	simm.s32 $0x0  }
0x1c: {  	[tilespmem:s19], [sflag:$0x2] =	stream.indirect.gather [hbm4b:s4+s17], $0x80, s16, s17, $0xb8;
	[tilespmem:$0xA200] =	vst v63  }
.LBB2_2:
0x1d: {  	s0 =	smul.u32 $0xA0, s30;
	_ =	sdelay $0x1  }
0x1e: {  	s31 =	sadd.s32 s0, s11  }
0x1f: {  	s2 =	sshrl.u32 s31, $0x3  }
0x20: {  	s10 =	simm.s32 $0x0;
	s9 =	sadd.s32 s6, s2  }
0x21: {  	[tilespmem:s20], [sflag:$0x5] =	stream.linear.gather [hbm4b:s9+s10], $0x50, $0x38;
	[tilespmem:$0xA200] =	vst v63  }
0x22: {  	_ =	swait.ge [sflag:s15], $0x50  }
0x23: {  	[sflag:s15] =	ssyncset.done $0x0  }
0x24: {  	s2 =	sadd.s32 s7, s2;
	[sflag:s15] =	ssyncadd.s32 $0xFFFFFFB0  }
0x25: {  	[tilespmem:s21], [sflag:$0x5] =	stream.linear.gather [hbm4b:s2+s10], $0x50, $0x38;
	[tilespmem:$0xA200] =	vst v63  }
0x26: {  	_ =	swait.ge [sflag:s15], $0x50  }
0x27: {  	[sflag:s15] =	ssyncset.done $0x0  }
0x28: {  	[sflag:s15] =	ssyncadd.s32 $0xFFFFFFB0  }
0x29: {  	[tilespmem:s22], [sflag:$0x3] =	stream.indirect.gather [hbm4b:s1+s17], $0x80, s20, s17, $0xb8;
	[tilespmem:$0xA200] =	vst v63  }
0x2a: {  	_ = 	snop  }
0x2b: {  	[tilespmem:s23], [sflag:$0x4] =	stream.indirect.gather [hbm4b:s4+s17], $0x80, s21, s17, $0xb8;
	[tilespmem:$0xA200] =	vst v63  }
0x2c: {  	_ =	swait.ge [sflag:s24], $0x2800  }
0x2d: {  	[sflag:s24] =	ssyncset.done $0x0  }
0x2e: {  	[sflag:s24] =	ssyncadd.s32 $0xFFFFD800  }
0x2f: {  	_ =	swait.ge [sflag:s25], $0x2800  }
0x30: {  	[sflag:s25] =	ssyncset.done $0x0  }
0x31: {  	s2 =	simm.s32 $0x0;
	[sflag:s25] =	ssyncadd.s32 $0xFFFFD800  }
0x32: {  	v7 =	vld [tilespmem:s2+$0x2A00]  }
0x33: {  	v11 =	vld [tilespmem:s2+$0x2A10]  }
0x34: {  	v5 =	vld [tilespmem:s2+$0x2A20]  }
0x35: {  	v4 =	vld [tilespmem:s2+$0x2A30]  }
0x36: {  	v3 =	vld [tilespmem:s2+$0x2A40]  }
0x37: {  	v2 =	vld [tilespmem:s2+$0x2A50]  }
0x38: {  	v1 =	vld [tilespmem:s2+$0x2A60]  }
0x39: {  	v0 =	vld [tilespmem:s2+$0x2A70]  }
0x3a: {  	v12 =	vld [tilespmem:s2+$0x200]  }
0x3b: {  	v13 =	vld [tilespmem:s2+$0x210]  }
0x3c: {  	v10 =	vld [tilespmem:s2+$0x220]  }
0x3d: {  	v9 =	vld [tilespmem:s2+$0x230]  }
0x3e: {  	v8 =	vld [tilespmem:s2+$0x240]  }
0x3f: {  	v6 =	vld [tilespmem:s2+$0x250];
	v12 =	vadd.f32 v7, v12  }
0x40: {  	s9 =	simm.s32 $0x200;
	v11 =	vadd.f32 v11, v13;
	v7 =	vld [tilespmem:s2+$0x260]  }
.LBB2_3:
0x41: {  	s10 =	sshra.s32 s9, $0x2;
	p0 =	sne.s32 s9, $0x9E00;
	[tilespmem:s2+$0x200] =	vst v12;
	v5 =	vadd.f32 v5, v10;
	v10 =	vld [tilespmem:s2+$0x270]  }
0x42: {  	v12 =	vld [tilespmem:s10+$0x2A00];
	[tilespmem:s2+$0x210] =	vst v11;
	v4 =	vadd.f32 v4, v9  }
0x43: {  	v11 =	vld [tilespmem:s10+$0x2A10];
	[tilespmem:s2+$0x220] =	vst v5;
	v3 =	vadd.f32 v3, v8  }
0x44: {  	v5 =	vld [tilespmem:s10+$0x2A20];
	[tilespmem:s2+$0x230] =	vst v4;
	v2 =	vadd.f32 v2, v6  }
0x45: {  	v4 =	vld [tilespmem:s10+$0x2A30];
	[tilespmem:s2+$0x240] =	vst v3;
	v1 =	vadd.f32 v1, v7  }
0x46: {  	v3 =	vld [tilespmem:s10+$0x2A40];
	[tilespmem:s2+$0x250] =	vst v2;
	v0 =	vadd.f32 v0, v10  }
0x47: {  	v2 =	vld [tilespmem:s10+$0x2A50];
	[tilespmem:s2+$0x260] =	vst v1  }
0x48: {  	v1 =	vld [tilespmem:s10+$0x2A60];
	[tilespmem:s2+$0x270] =	vst v0;
	s2 =	smov.u32 s10  }
0x49: {  	v0 =	vld [tilespmem:s2+$0x2A70]  }
0x4a: {  	v6 =	vld [tilespmem:s2+$0x200]  }
0x4b: {  	v7 =	vld [tilespmem:s2+$0x210]  }
.Ltmp0:
0x4c: {  	v10 =	vld [tilespmem:s2+$0x220];
	(pc) =	sbr.rel @p0 .LBB2_3-.Ltmp0, $4  }
0x4d: {  	v9 =	vld [tilespmem:s2+$0x230]  }
0x4e: {  	v8 =	vld [tilespmem:s2+$0x240]  }
0x4f: {  	v12 =	vadd.f32 v12, v6;
	v6 =	vld [tilespmem:s2+$0x250]  }
0x50: {  	s9 =	sadd.s32 $0x200, s9;
	v11 =	vadd.f32 v11, v7;
	v7 =	vld [tilespmem:s2+$0x260]  }
0x51: {  	[tilespmem:s2+$0x200] =	vst v12;
	v5 =	vadd.f32 v5, v10;
	v10 =	vld [tilespmem:s2+$0x270]  }
0x52: {  	[tilespmem:s2+$0x210] =	vst v11;
	v4 =	vadd.f32 v4, v9  }
0x53: {  	[tilespmem:s2+$0x220] =	vst v5;
	v3 =	vadd.f32 v3, v8  }
0x54: {  	[tilespmem:s2+$0x230] =	vst v4;
	v2 =	vadd.f32 v2, v6  }
0x55: {  	[tilespmem:s2+$0x240] =	vst v3;
	v1 =	vadd.f32 v1, v7  }
0x56: {  	s9 =	sadd.s32 s5, s0;
	[tilespmem:s2+$0x250] =	vst v2;
	v0 =	vadd.f32 v0, v10  }
0x57: {  	s9 =	sshll.u32 s9, $0x4;
	[tilespmem:s2+$0x260] =	vst v1  }
0x58: {  	s10 =	sadd.s32 s8, s9;
	s9 =	simm.s32 $0x0;
	[tilespmem:s2+$0x270] =	vst v0  }
0x59: {  	[hbm4b:s10+s9] =	stream.linear.scatter [tilespmem:s18], [sflag:$0x5], $0x2800, $0x38;
	[tilespmem:$0xA200] =	vst v63  }
0x5a: {  	s2 =	sadd.s32 s0, s12;
	_ =	swait.ge [sflag:s15], $0x2800  }
0x5b: {  	s0 =	sshrl.u32 s2, $0x3;
	[sflag:s15] =	ssyncset.done $0x0  }
0x5c: {  	s10 =	sadd.s32 s6, s0;
	[sflag:s15] =	ssyncadd.s32 $0xFFFFD800  }
0x5d: {  	[tilespmem:s9], [sflag:$0x5] =	stream.linear.gather [hbm4b:s10+s9], $0x50, $0x38;
	[tilespmem:$0xA200] =	vst v63  }
0x5e: {  	_ =	swait.ge [sflag:s15], $0x50  }
0x5f: {  	[sflag:s15] =	ssyncset.done $0x0  }
0x60: {  	s0 =	sadd.s32 s7, s0;
	[sflag:s15] =	ssyncadd.s32 $0xFFFFFFB0  }
0x61: {  	[tilespmem:s16], [sflag:$0x5] =	stream.linear.gather [hbm4b:s0+s9], $0x50, $0x38;
	[tilespmem:$0xA200] =	vst v63  }
0x62: {  	_ =	swait.ge [sflag:s15], $0x50  }
0x63: {  	[sflag:s15] =	ssyncset.done $0x0  }
0x64: {  	[sflag:s15] =	ssyncadd.s32 $0xFFFFFFB0  }
0x65: {  	[tilespmem:s18], [sflag:$0x1] =	stream.indirect.gather [hbm4b:s1+s17], $0x80, s9, s17, $0xb8;
	[tilespmem:$0xA200] =	vst v63  }
0x66: {  	_ = 	snop  }
0x67: {  	[tilespmem:s19], [sflag:$0x2] =	stream.indirect.gather [hbm4b:s4+s17], $0x80, s16, s17, $0xb8;
	[tilespmem:$0xA200] =	vst v63  }
0x68: {  	_ =	swait.ge [sflag:s26], $0x2800  }
0x69: {  	[sflag:s26] =	ssyncset.done $0x0  }
0x6a: {  	[sflag:s26] =	ssyncadd.s32 $0xFFFFD800  }
0x6b: {  	_ =	swait.ge [sflag:s28], $0x2800  }
0x6c: {  	[sflag:s28] =	ssyncset.done $0x0  }
0x6d: {  	s0 =	simm.s32 $0x0;
	[sflag:s28] =	ssyncadd.s32 $0xFFFFD800  }
0x6e: {  	v7 =	vld [tilespmem:s0+$0x7A00]  }
0x6f: {  	v11 =	vld [tilespmem:s0+$0x7A10]  }
0x70: {  	v5 =	vld [tilespmem:s0+$0x7A20]  }
0x71: {  	v4 =	vld [tilespmem:s0+$0x7A30]  }
0x72: {  	v3 =	vld [tilespmem:s0+$0x7A40]  }
0x73: {  	v2 =	vld [tilespmem:s0+$0x7A50]  }
0x74: {  	v1 =	vld [tilespmem:s0+$0x7A60]  }
0x75: {  	v0 =	vld [tilespmem:s0+$0x7A70]  }
0x76: {  	v12 =	vld [tilespmem:s0+$0x5200]  }
0x77: {  	v13 =	vld [tilespmem:s0+$0x5210]  }
0x78: {  	v10 =	vld [tilespmem:s0+$0x5220]  }
0x79: {  	v9 =	vld [tilespmem:s0+$0x5230]  }
0x7a: {  	v8 =	vld [tilespmem:s0+$0x5240]  }
0x7b: {  	v6 =	vld [tilespmem:s0+$0x5250];
	v12 =	vadd.f32 v7, v12  }
0x7c: {  	s2 =	simm.s32 $0x200;
	v11 =	vadd.f32 v11, v13;
	v7 =	vld [tilespmem:s0+$0x5260]  }
.LBB2_5:
0x7d: {  	s9 =	sshra.s32 s2, $0x2;
	p0 =	sne.s32 s2, $0x9E00;
	[tilespmem:s0+$0x5200] =	vst v12;
	v5 =	vadd.f32 v5, v10;
	v10 =	vld [tilespmem:s0+$0x5270]  }
0x7e: {  	v12 =	vld [tilespmem:s9+$0x7A00];
	[tilespmem:s0+$0x5210] =	vst v11;
	v4 =	vadd.f32 v4, v9  }
0x7f: {  	v11 =	vld [tilespmem:s9+$0x7A10];
	[tilespmem:s0+$0x5220] =	vst v5;
	v3 =	vadd.f32 v3, v8  }
0x80: {  	v5 =	vld [tilespmem:s9+$0x7A20];
	[tilespmem:s0+$0x5230] =	vst v4;
	v2 =	vadd.f32 v2, v6  }
0x81: {  	v4 =	vld [tilespmem:s9+$0x7A30];
	[tilespmem:s0+$0x5240] =	vst v3;
	v1 =	vadd.f32 v1, v7  }
0x82: {  	v3 =	vld [tilespmem:s9+$0x7A40];
	[tilespmem:s0+$0x5250] =	vst v2;
	v0 =	vadd.f32 v0, v10  }
0x83: {  	v2 =	vld [tilespmem:s9+$0x7A50];
	[tilespmem:s0+$0x5260] =	vst v1  }
0x84: {  	v1 =	vld [tilespmem:s9+$0x7A60];
	[tilespmem:s0+$0x5270] =	vst v0;
	s0 =	smov.u32 s9  }
0x85: {  	v0 =	vld [tilespmem:s0+$0x7A70]  }
0x86: {  	v6 =	vld [tilespmem:s0+$0x5200]  }
0x87: {  	v7 =	vld [tilespmem:s0+$0x5210]  }
.Ltmp1:
0x88: {  	v10 =	vld [tilespmem:s0+$0x5220];
	(pc) =	sbr.rel @p0 .LBB2_5-.Ltmp1, $4  }
0x89: {  	v9 =	vld [tilespmem:s0+$0x5230]  }
0x8a: {  	v8 =	vld [tilespmem:s0+$0x5240]  }
0x8b: {  	v12 =	vadd.f32 v12, v6;
	v6 =	vld [tilespmem:s0+$0x5250]  }
0x8c: {  	s2 =	sadd.s32 $0x200, s2;
	v11 =	vadd.f32 v11, v7;
	v7 =	vld [tilespmem:s0+$0x5260]  }
0x8d: {  	[tilespmem:s0+$0x5200] =	vst v12;
	v5 =	vadd.f32 v5, v10;
	v63 =	vld [tilespmem:s0+$0x5270]  }
0x8e: {  	[tilespmem:s0+$0x5210] =	vst v11;
	v4 =	vadd.f32 v4, v9  }
0x8f: {  	[tilespmem:s0+$0x5220] =	vst v5;
	v3 =	vadd.f32 v3, v8  }
0x90: {  	[tilespmem:s0+$0x5230] =	vst v4;
	v2 =	vadd.f32 v2, v6  }
0x91: {  	[tilespmem:s0+$0x5240] =	vst v3;
	v1 =	vadd.f32 v1, v7  }
0x92: {  	s30 =	sadd.s32 $0x1, s30;
	[tilespmem:s0+$0x5250] =	vst v2;
	v0 =	vadd.f32 v0, v63  }
0x93: {  	s2 =	sshll.u32 s31, $0x4;
	p0 =	sne.s32 s30, $0x3E;
	[tilespmem:s0+$0x5260] =	vst v1  }
.Ltmp2:
0x94: {  	s31 =	sadd.s32 s8, s2;
	[tilespmem:s0+$0x5270] =	vst v0;
	(pc) =	sbr.rel @p0 .LBB2_2-.Ltmp2, $4  }
0x95: {  	[hbm4b:s31+s3] =	stream.linear.scatter [tilespmem:s22], [sflag:$0x5], $0x2800, $0x38;
	[tilespmem:$0xA200] =	vst v63  }
0x96: {  	_ =	swait.ge [sflag:s15], $0x2800  }
0x97: {  	[sflag:s15] =	ssyncset.done $0x0  }
0x98: {  	[sflag:s15] =	ssyncadd.s32 $0xFFFFD800  }
0x99: {  	_ =	swait.ge [sflag:s24], $0x2800  }
0x9a: {  	[sflag:s24] =	ssyncset.done $0x0  }
0x9b: {  	[sflag:s24] =	ssyncadd.s32 $0xFFFFD800  }
0x9c: {  	_ =	swait.ge [sflag:s25], $0x2800  }
0x9d: {  	[sflag:s25] =	ssyncset.done $0x0  }
0x9e: {  	s0 =	simm.s32 $0x0;
	[sflag:s25] =	ssyncadd.s32 $0xFFFFD800  }
0x9f: {  	v7 =	vld [tilespmem:s0+$0x2A00]  }
0xa0: {  	v11 =	vld [tilespmem:s0+$0x2A10]  }
0xa1: {  	v5 =	vld [tilespmem:s0+$0x2A20]  }
0xa2: {  	v4 =	vld [tilespmem:s0+$0x2A30]  }
0xa3: {  	v3 =	vld [tilespmem:s0+$0x2A40]  }
0xa4: {  	v2 =	vld [tilespmem:s0+$0x2A50]  }
0xa5: {  	v1 =	vld [tilespmem:s0+$0x2A60]  }
0xa6: {  	v0 =	vld [tilespmem:s0+$0x2A70]  }
0xa7: {  	v12 =	vld [tilespmem:s0+$0x200]  }
0xa8: {  	v13 =	vld [tilespmem:s0+$0x210]  }
0xa9: {  	v10 =	vld [tilespmem:s0+$0x220]  }
0xaa: {  	v9 =	vld [tilespmem:s0+$0x230]  }
0xab: {  	v8 =	vld [tilespmem:s0+$0x240]  }
0xac: {  	v6 =	vld [tilespmem:s0+$0x250];
	v12 =	vadd.f32 v7, v12  }
0xad: {  	s2 =	simm.s32 $0x200;
	v11 =	vadd.f32 v11, v13;
	v7 =	vld [tilespmem:s0+$0x260]  }
.LBB2_8:
0xae: {  	s9 =	sshra.s32 s2, $0x2;
	p0 =	sne.s32 s2, $0x9E00;
	[tilespmem:s0+$0x200] =	vst v12;
	v5 =	vadd.f32 v5, v10;
	v10 =	vld [tilespmem:s0+$0x270]  }
0xaf: {  	v12 =	vld [tilespmem:s9+$0x2A00];
	[tilespmem:s0+$0x210] =	vst v11;
	v4 =	vadd.f32 v4, v9  }
0xb0: {  	v11 =	vld [tilespmem:s9+$0x2A10];
	[tilespmem:s0+$0x220] =	vst v5;
	v3 =	vadd.f32 v3, v8  }
0xb1: {  	v5 =	vld [tilespmem:s9+$0x2A20];
	[tilespmem:s0+$0x230] =	vst v4;
	v2 =	vadd.f32 v2, v6  }
0xb2: {  	v4 =	vld [tilespmem:s9+$0x2A30];
	[tilespmem:s0+$0x240] =	vst v3;
	v1 =	vadd.f32 v1, v7  }
0xb3: {  	v3 =	vld [tilespmem:s9+$0x2A40];
	[tilespmem:s0+$0x250] =	vst v2;
	v0 =	vadd.f32 v0, v10  }
0xb4: {  	v2 =	vld [tilespmem:s9+$0x2A50];
	[tilespmem:s0+$0x260] =	vst v1  }
0xb5: {  	v1 =	vld [tilespmem:s9+$0x2A60];
	[tilespmem:s0+$0x270] =	vst v0;
	s0 =	smov.u32 s9  }
0xb6: {  	v0 =	vld [tilespmem:s0+$0x2A70]  }
0xb7: {  	v6 =	vld [tilespmem:s0+$0x200]  }
0xb8: {  	v7 =	vld [tilespmem:s0+$0x210]  }
.Ltmp3:
0xb9: {  	v10 =	vld [tilespmem:s0+$0x220];
	(pc) =	sbr.rel @p0 .LBB2_8-.Ltmp3, $4  }
0xba: {  	v9 =	vld [tilespmem:s0+$0x230]  }
0xbb: {  	v8 =	vld [tilespmem:s0+$0x240]  }
0xbc: {  	v12 =	vadd.f32 v12, v6;
	v6 =	vld [tilespmem:s0+$0x250]  }
0xbd: {  	s2 =	sadd.s32 $0x200, s2;
	v11 =	vadd.f32 v11, v7;
	v7 =	vld [tilespmem:s0+$0x260]  }
0xbe: {  	[tilespmem:s0+$0x200] =	vst v12;
	v5 =	vadd.f32 v5, v10;
	v63 =	vld [tilespmem:s0+$0x270]  }
0xbf: {  	[tilespmem:s0+$0x210] =	vst v11;
	v4 =	vadd.f32 v4, v9  }
0xc0: {  	[tilespmem:s0+$0x220] =	vst v5;
	v3 =	vadd.f32 v3, v8  }
0xc1: {  	[tilespmem:s0+$0x230] =	vst v4;
	v2 =	vadd.f32 v2, v6  }
0xc2: {  	[tilespmem:s0+$0x240] =	vst v3;
	v1 =	vadd.f32 v1, v7  }
0xc3: {  	s29 =	sadd.s32 $0x1, s29;
	[tilespmem:s0+$0x250] =	vst v2;
	v0 =	vadd.f32 v0, v63  }
0xc4: {  	p0 =	sne.s32 s29, s14;
	[tilespmem:s0+$0x260] =	vst v1  }
.Ltmp4:
0xc5: {  	[tilespmem:s0+$0x270] =	vst v0;
	(pc) =	sbr.rel @p0 .LBB2_1-.Ltmp4, $4  }
0xc6: {  	[hbm4b:s13+s3] =	stream.linear.scatter [tilespmem:s18], [sflag:$0x5], $0x2800, $0x38;
	[tilespmem:$0xA200] =	vst v63  }
0xc7: {  	_ =	swait.ge [sflag:s15], $0x2800  }
0xc8: {  	[sflag:s15] =	ssyncset.done $0x0  }
0xc9: {  	[sflag:s15] =	ssyncadd.s32 $0xFFFFD800  }
0xca: {  	_ =	sfence.sel $0x180000  }
0xcb: {  	[bflag:$0x0] =	sbarrier.arrive $0xFFFF  }
0xcc: {  	_ =	strace $0x90000053  }
0xcd: {  	s0 =	stileid.u32;
	[bflag:$0x2] =	sbarrier.arrive $0xFFFF  }
0xce: {  	p0 =	sne.s32 s0, $0x0;
	s0 =	rddreg [dreg:$0x2]  }
0xcf: {  	s0 =	sadd.s32 @!p0 $0x100000, s0  }
0xd0: {  	[sflag:s0] =	ssyncadd.tile.s32 @!p0 $0x1;
	_ =	shalt  }
.Lfunc_end2:
_tile_overlayer_lowered:
.L_overlay_start_2:
0xd1: {  	(tag) =	ssettag $0x2  }
0xd2: {  	s0 =	rddreg [dreg:$0x0];
	s2 =	stileid.u32  }
0xd3: {  	s1 =	rddreg [dreg:$0x1];
	p0 =	sne.s32 s2, $0x0  }
0xd4: {  	s3 =	rddreg [dreg:$0x2];
	[bflag:$0x3] =	sbarrier.arrive $0xFFFF;
	s2 =	simm.s32 @!p0 $0x1C05  }
0xd5: {  	[timem:s3], [sflag:s2] =	dma.local @!p0 [hbm:s0], s1  }
0xd6: {  	s0 =	simm.s32 @!p0 $0x5  }
0xd7: {  	_ =	swait.ge @!p0 [sflag:s0], s1  }
0xd8: {  	s1 =	ssub.s32 @!p0 $0x0, s1;
	[sflag:s0] =	ssyncset.done @!p0 $0x0  }
0xd9: {  	[sflag:s0] =	ssyncadd.s32 @!p0 s1  }
0xda: {  	[bflag:$0x3] =	sbarrier.arrive $0xFFFF  }
0xdb: {  	_ =	shalt  }

</sc_bundles>
